<compile_context>
chip_gen: v7x
topology: tpu7x:2x2x1
jax: 0.10.2.dev20260603
libtpu: 0.0.44.dev20260713+nightly
codegen_flags: <defaults>
</compile_context>

<pallas_src>
import functools

import numpy as np
import jax
import jax.numpy as jnp
from jax import lax
from jax.experimental import pallas as pl
from jax.experimental.pallas import tpu as pltpu
from jax.experimental.pallas import tpu_sc as plsc

SEQ = 200
DIM = 64
LANES = 16
NC = 2
NS = 16
NW = NC * NS

CHUNK = 400
NBUF = 3
SUBS = [(o, min(128, CHUNK - o)) for o in range(0, CHUNK, 128)]


def _pos_table_np() -> np.ndarray:
    pos = np.arange(SEQ, dtype=np.float64)[:, None]
    emb = np.arange(DIM, dtype=np.float64)[None, :]
    tmp = pos / (10000.0 ** (2.0 * emb / DIM))
    even_len = DIM // 2 + DIM % 2
    odd_len = DIM // 2
    out = np.zeros((SEQ, DIM), dtype=np.float64)
    out[:, 0::2] = np.sin(tmp)[:, :even_len]
    out[:, 1::2] = np.cos(tmp)[:, :odd_len]
    return out.astype(np.float32)


_POS = _pos_table_np()


@functools.partial(jax.jit, static_argnames=("total_rows",))
def _lookup(table, idx, pos, *, total_rows):
    assert total_rows % (NW * CHUNK) == 0
    bpw = total_rows // NW
    nchunk = bpw // CHUNK
    assert (nchunk - 4) % 6 == 0

    mesh = plsc.VectorSubcoreMesh(core_axis_name="c", subcore_axis_name="s")

    @functools.partial(
        pl.kernel,
        mesh=mesh,
        out_type=jax.ShapeDtypeStruct((total_rows // SEQ, SEQ, 2 * DIM),
                                      jnp.float32),
        compiler_params=pltpu.CompilerParams(
            use_tc_tiling_on_sc=False, skip_device_barrier=True),
        scratch_types=[
            pltpu.VMEM((CHUNK,), jnp.int32),
            pltpu.VMEM((CHUNK,), jnp.int32),
            pltpu.VMEM((SEQ, DIM), jnp.float32),
            pltpu.VMEM((CHUNK // SEQ, SEQ, DIM), jnp.float32),
            pltpu.VMEM((CHUNK // SEQ, SEQ, DIM), jnp.float32),
            pltpu.VMEM((CHUNK // SEQ, SEQ, DIM), jnp.float32),
            pltpu.SemaphoreType.DMA,
            pltpu.SemaphoreType.DMA,
            pltpu.SemaphoreType.DMA,
        ],
    )
    def body(table_hbm, idx_hbm, pos_hbm, out_hbm,
             idx_v0, idx_v1, pos_v, r0, r1, r2,
             sem_g, sem_ix, sem_s):
        wid = lax.axis_index("s") * NC + lax.axis_index("c")
        base = wid * bpw
        idx_b = (idx_v0, idx_v1)
        rows_b = (r0, r1, r2)

        def idx_copy(m, ib):
            return pltpu.make_async_copy(
                idx_hbm.at[pl.ds(base + m * CHUNK, CHUNK)], idx_b[ib], sem_ix)

        def gather_copies(ib, rb):
            cps = []
            for h in range(CHUNK // SEQ):
                for (o, n) in ((0, 128), (128, SEQ - 128)):
                    cps.append(pltpu.make_async_copy(
                        table_hbm.at[idx_b[ib].at[pl.ds(h * SEQ + o, n)]],
                        rows_b[rb].at[h, pl.ds(o, n)], sem_g))
            return cps

        nbat = CHUNK // SEQ
        bbase = wid * (bpw // SEQ)

        def scatter_copy(m, rb):
            return pltpu.make_async_copy(
                rows_b[rb],
                out_hbm.at[pl.ds(bbase + m * nbat, nbat), :, pl.ds(0, DIM)],
                sem_s)

        def add_pos(rb):
            rows = rows_b[rb]

            @plsc.parallel_loop(0, SEQ, step=1, unroll=4)
            def _pbody(p):
                for j in range(DIM // LANES):
                    pv = pos_v[p, pl.ds(j * LANES, LANES)]
                    for c in range(CHUNK // SEQ):
                        plsc.addupdate(
                            rows.at[c, p, pl.ds(j * LANES, LANES)], pv)

        def one(i, rb, ib, wait_s, next_g, next_ix):
            for cp in gather_copies(ib, rb):
                cp.wait()
            if wait_s:
                scatter_copy(i, (rb + 1) % NBUF).wait()
            if next_g:
                idx_copy(i + 1, ib ^ 1).wait()
                for cp in gather_copies(ib ^ 1, (rb + 1) % NBUF):
                    cp.start()
            if next_ix:
                idx_copy(i + 2, ib).start()
            add_pos(rb)
            scatter_copy(i, rb).start()

        pltpu.sync_copy(pos_hbm, pos_v)
        pltpu.sync_copy(idx_hbm.at[pl.ds(base, CHUNK)], idx_v0)
        for cp in gather_copies(0, 0):
            cp.start()
        idx_copy(1, 1).start()

        one(0, 0, 0, False, True, True)
        one(1, 1, 1, False, True, True)

        def mid(g, carry):
            i0 = 2 + 6 * g
            for k in range(6):
                one(i0 + k, (2 + k) % 3, k % 2, True, True, True)
            return carry
        lax.fori_loop(0, (nchunk - 4) // 6, mid, 0)

        one(nchunk - 2, (nchunk - 2) % 3, (nchunk - 2) % 2, True, True, False)
        one(nchunk - 1, (nchunk - 1) % 3, (nchunk - 1) % 2, True, False, False)

        scatter_copy(nchunk - 2, (nchunk - 2) % 3).wait()
        scatter_copy(nchunk - 1, (nchunk - 1) % 3).wait()

    return body(table, idx, pos)


def kernel(x, embeddings):
    b, s = x.shape
    idx = x.reshape(-1).astype(jnp.int32)
    pos = jnp.asarray(_POS)
    out128 = _lookup(embeddings, idx, pos, total_rows=b * s)
    return out128[:, :, :DIM]

# --- scband reference (transcript-rebuilt; emitter-appended) ---
"""Pipeline reference for scband-embedding-layer-56014963475061 (READ-ONLY COPY).

The authoritative reference and input builder live on the scoring server;
editing this copy changes nothing except your own understanding.
"""

import jax, jax.numpy as jnp
import numpy as np

NUM_EMBEDDINGS = 1000000
SEQ_LEN = 200
LATENT_DIM = 64
BATCH = 4096


def _pos_embeddings(seq_len, d):
    pos = jnp.arange(seq_len, dtype=jnp.float32)[:, None]
    emb = jnp.arange(d, dtype=jnp.float32)[None, :]
    tmp = pos / (10000.0 ** (2.0 * emb / d))
    even_len = d // 2 + d % 2
    odd_len = d // 2
    even = jnp.sin(tmp)[:, :even_len]
    odd = jnp.cos(tmp)[:, :odd_len]
    out = jnp.zeros((seq_len, d), dtype=jnp.float32)
    out = out.at[:, jnp.arange(even_len) * 2].set(even)
    out = out.at[:, jnp.arange(odd_len) * 2 + 1].set(odd)
    return out


def setup_inputs(seed: int = 0) -> dict:
    key = jax.random.key(seed)
    k1, k2 = jax.random.split(key)
    x = jax.random.randint(k1, (BATCH, SEQ_LEN), 0, NUM_EMBEDDINGS)
    # xavier_uniform init for the embedding table
    bound = (6.0 / (NUM_EMBEDDINGS + LATENT_DIM)) ** 0.5
    embeddings = jax.random.uniform(k2, (NUM_EMBEDDINGS, LATENT_DIM), minval=-bound, maxval=bound, dtype=jnp.float32)
    return {"x": x, "embeddings": embeddings}


def reference(x, embeddings):
    # gather rows from the embedding table, then add (non-learned) sinusoidal
    # positional embeddings, broadcast over the batch dimension
    pos = _pos_embeddings(SEQ_LEN, LATENT_DIM)
    out = jnp.take(embeddings, x, axis=0)
    out = out + pos
    return out

if __name__ == "__main__":
    import jax
    _d = setup_inputs()
    print(jax.jit(kernel)(*tuple(_d.values())))

</pallas_src>

<mosaic_0001>
#map = affine_map<(d0, d1) -> (0, 0)>
#map1 = affine_map<(d0, d1) -> (0)>
#map2 = affine_map<(d0, d1) -> (0, 0, 0)>
module attributes {stable_mosaic.version = 14 : i64} {
  func.func @body(%arg0: i32, %arg1: i32, %arg2: memref<1000000x64xf32, #tpu.memory_space<hbm>>, %arg3: memref<819200xi32, #tpu.memory_space<hbm>>, %arg4: memref<200x64xf32, #tpu.memory_space<hbm>>, %arg5: memref<4096x200x128xf32, #tpu.memory_space<hbm>>, %arg6: memref<400xi32, #tpu.memory_space<vmem>>, %arg7: memref<400xi32, #tpu.memory_space<vmem>>, %arg8: memref<200x64xf32, #tpu.memory_space<vmem>>, %arg9: memref<2x200x64xf32, #tpu.memory_space<vmem>>, %arg10: memref<2x200x64xf32, #tpu.memory_space<vmem>>, %arg11: memref<2x200x64xf32, #tpu.memory_space<vmem>>, %arg12: memref<!tpu.dma_semaphore, #tpu.memory_space<semaphore_mem>>, %arg13: memref<!tpu.dma_semaphore, #tpu.memory_space<semaphore_mem>>, %arg14: memref<!tpu.dma_semaphore, #tpu.memory_space<semaphore_mem>>) attributes {dimension_semantics = [#tpu.dimension_semantics<core_parallel>, #tpu.dimension_semantics<subcore_parallel>], iteration_bounds = array<i64: 2, 16>, scalar_prefetch = 0 : i64, scratch_operands = 9 : i64, tpu.core_type = #tpu.core_type<sc_vector_subcore>, window_params = [{transform_indices = #map}, {transform_indices = #map1}, {transform_indices = #map}, {transform_indices = #map2}]} {
    %mul3A = arith.constant 2 : i32
    %mul3A_0 = arith.muli %arg1, %mul3A : i32
    %add3A = arith.addi %mul3A_0, %arg0 : i32
    %mul3A_1 = arith.constant 25600 : i32
    %mul3A_2 = arith.muli %add3A, %mul3A_1 : i32
    %mul3A_3 = arith.constant 128 : i32
    %mul3A_4 = arith.muli %add3A, %mul3A_3 : i32
    "tpu.region"() ({
      %run_scoped3A = tpu.sem_alloc : memref<!tpu.dma_semaphore, #tpu.memory_space<semaphore_mem>>
      tpu.enqueue_dma source(%arg4 : memref<200x64xf32, #tpu.memory_space<hbm>>) target(%arg8 : memref<200x64xf32, #tpu.memory_space<vmem>>) target_semaphore(%run_scoped3A : memref<!tpu.dma_semaphore, #tpu.memory_space<semaphore_mem>>)
      tpu.wait_dma2 semaphore(%run_scoped3A : memref<!tpu.dma_semaphore, #tpu.memory_space<semaphore_mem>>) src(%arg4 : memref<200x64xf32, #tpu.memory_space<hbm>>) dst(%arg8 : memref<200x64xf32, #tpu.memory_space<vmem>>)
      tpu.yield
    }) : () -> ()
    "tpu.region"() ({
      %run_scoped3A = tpu.sem_alloc : memref<!tpu.dma_semaphore, #tpu.memory_space<semaphore_mem>>
      %dma_start3A_427 = tpu.memref_slice %arg3[%mul3A_2] : memref<819200xi32, #tpu.memory_space<hbm>> -> memref<400xi32, #tpu.memory_space<hbm>>
      %dma_start3A_428 = tpu.memref_slice %arg3[%mul3A_2] : memref<819200xi32, #tpu.memory_space<hbm>> -> memref<400xi32, #tpu.memory_space<hbm>>
      tpu.enqueue_dma source(%dma_start3A_428 : memref<400xi32, #tpu.memory_space<hbm>>) target(%arg6 : memref<400xi32, #tpu.memory_space<vmem>>) target_semaphore(%run_scoped3A : memref<!tpu.dma_semaphore, #tpu.memory_space<semaphore_mem>>)
      %dma_wait3A_429 = tpu.memref_slice %arg3[%mul3A_2] : memref<819200xi32, #tpu.memory_space<hbm>> -> memref<400xi32, #tpu.memory_space<hbm>>
      %dma_wait3A_430 = tpu.memref_slice %arg3[%mul3A_2] : memref<819200xi32, #tpu.memory_space<hbm>> -> memref<400xi32, #tpu.memory_space<hbm>>
      tpu.wait_dma2 semaphore(%run_scoped3A : memref<!tpu.dma_semaphore, #tpu.memory_space<semaphore_mem>>) src(%dma_wait3A_430 : memref<400xi32, #tpu.memory_space<hbm>>) dst(%arg6 : memref<400xi32, #tpu.memory_space<vmem>>)
      tpu.yield
    }) : () -> ()
    %dma_start3A = arith.constant 0 : i32
    %dma_start3A_5 = arith.constant 0 : i32
    %dma_start3A_6 = arith.constant 0 : i32
    %dma_start3A_7 = tpu.memref_slice %arg9[%dma_start3A, %dma_start3A_5, %dma_start3A_6] : memref<2x200x64xf32, #tpu.memory_space<vmem>> -> memref<1x128x64xf32, #tpu.memory_space<vmem>>
    %dma_start3A_8 = tpu.memref_squeeze %dma_start3A_7 : memref<1x128x64xf32, #tpu.memory_space<vmem>> -> memref<128x64xf32, #tpu.memory_space<vmem>>
    %dma_start3A_9 = arith.constant 0 : i32
    %dma_start3A_10 = tpu.memref_slice %arg6[%dma_start3A_9] : memref<400xi32, #tpu.memory_space<vmem>> -> memref<128xi32, #tpu.memory_space<vmem>>
    %dma_start3A_11 = arith.constant 0 : i32
    %dma_start3A_12 = arith.constant 0 : i32
    %dma_start3A_13 = tpu.memref_slice %arg2[%dma_start3A_11, %dma_start3A_12] : memref<1000000x64xf32, #tpu.memory_space<hbm>> -> memref<1000000x64xf32, #tpu.memory_space<hbm>>
    tpu.enqueue_indirect_dma source(%dma_start3A_13 : memref<1000000x64xf32, #tpu.memory_space<hbm>>) target(%dma_start3A_8 : memref<128x64xf32, #tpu.memory_space<vmem>>) offsets(%dma_start3A_10 : memref<128xi32, #tpu.memory_space<vmem>>) semaphore(%arg12 : memref<!tpu.dma_semaphore, #tpu.memory_space<semaphore_mem>>)
    %dma_start3A_14 = arith.constant 0 : i32
    %dma_start3A_15 = arith.constant 128 : i32
    %dma_start3A_16 = arith.constant 0 : i32
    %dma_start3A_17 = tpu.memref_slice %arg9[%dma_start3A_14, %dma_start3A_15, %dma_start3A_16] : memref<2x200x64xf32, #tpu.memory_space<vmem>> -> memref<1x72x64xf32, #tpu.memory_space<vmem>>
    %dma_start3A_18 = tpu.memref_squeeze %dma_start3A_17 : memref<1x72x64xf32, #tpu.memory_space<vmem>> -> memref<72x64xf32, #tpu.memory_space<vmem>>
    %dma_start3A_19 = arith.constant 128 : i32
    %dma_start3A_20 = tpu.memref_slice %arg6[%dma_start3A_19] : memref<400xi32, #tpu.memory_space<vmem>> -> memref<72xi32, #tpu.memory_space<vmem>>
    %dma_start3A_21 = arith.constant 0 : i32
    %dma_start3A_22 = arith.constant 0 : i32
    %dma_start3A_23 = tpu.memref_slice %arg2[%dma_start3A_21, %dma_start3A_22] : memref<1000000x64xf32, #tpu.memory_space<hbm>> -> memref<1000000x64xf32, #tpu.memory_space<hbm>>
    tpu.enqueue_indirect_dma source(%dma_start3A_23 : memref<1000000x64xf32, #tpu.memory_space<hbm>>) target(%dma_start3A_18 : memref<72x64xf32, #tpu.memory_space<vmem>>) offsets(%dma_start3A_20 : memref<72xi32, #tpu.memory_space<vmem>>) semaphore(%arg12 : memref<!tpu.dma_semaphore, #tpu.memory_space<semaphore_mem>>)
    %dma_start3A_24 = arith.constant 1 : i32
    %dma_start3A_25 = arith.constant 0 : i32
    %dma_start3A_26 = arith.constant 0 : i32
    %dma_start3A_27 = tpu.memref_slice %arg9[%dma_start3A_24, %dma_start3A_25, %dma_start3A_26] : memref<2x200x64xf32, #tpu.memory_space<vmem>> -> memref<1x128x64xf32, #tpu.memory_space<vmem>>
    %dma_start3A_28 = tpu.memref_squeeze %dma_start3A_27 : memref<1x128x64xf32, #tpu.memory_space<vmem>> -> memref<128x64xf32, #tpu.memory_space<vmem>>
    %dma_start3A_29 = arith.constant 200 : i32
    %dma_start3A_30 = tpu.memref_slice %arg6[%dma_start3A_29] : memref<400xi32, #tpu.memory_space<vmem>> -> memref<128xi32, #tpu.memory_space<vmem>>
    %dma_start3A_31 = arith.constant 0 : i32
    %dma_start3A_32 = arith.constant 0 : i32
    %dma_start3A_33 = tpu.memref_slice %arg2[%dma_start3A_31, %dma_start3A_32] : memref<1000000x64xf32, #tpu.memory_space<hbm>> -> memref<1000000x64xf32, #tpu.memory_space<hbm>>
    tpu.enqueue_indirect_dma source(%dma_start3A_33 : memref<1000000x64xf32, #tpu.memory_space<hbm>>) target(%dma_start3A_28 : memref<128x64xf32, #tpu.memory_space<vmem>>) offsets(%dma_start3A_30 : memref<128xi32, #tpu.memory_space<vmem>>) semaphore(%arg12 : memref<!tpu.dma_semaphore, #tpu.memory_space<semaphore_mem>>)
    %dma_start3A_34 = arith.constant 1 : i32
    %dma_start3A_35 = arith.constant 128 : i32
    %dma_start3A_36 = arith.constant 0 : i32
    %dma_start3A_37 = tpu.memref_slice %arg9[%dma_start3A_34, %dma_start3A_35, %dma_start3A_36] : memref<2x200x64xf32, #tpu.memory_space<vmem>> -> memref<1x72x64xf32, #tpu.memory_space<vmem>>
    %dma_start3A_38 = tpu.memref_squeeze %dma_start3A_37 : memref<1x72x64xf32, #tpu.memory_space<vmem>> -> memref<72x64xf32, #tpu.memory_space<vmem>>
    %dma_start3A_39 = arith.constant 328 : i32
    %dma_start3A_40 = tpu.memref_slice %arg6[%dma_start3A_39] : memref<400xi32, #tpu.memory_space<vmem>> -> memref<72xi32, #tpu.memory_space<vmem>>
    %dma_start3A_41 = arith.constant 0 : i32
    %dma_start3A_42 = arith.constant 0 : i32
    %dma_start3A_43 = tpu.memref_slice %arg2[%dma_start3A_41, %dma_start3A_42] : memref<1000000x64xf32, #tpu.memory_space<hbm>> -> memref<1000000x64xf32, #tpu.memory_space<hbm>>
    tpu.enqueue_indirect_dma source(%dma_start3A_43 : memref<1000000x64xf32, #tpu.memory_space<hbm>>) target(%dma_start3A_38 : memref<72x64xf32, #tpu.memory_space<vmem>>) offsets(%dma_start3A_40 : memref<72xi32, #tpu.memory_space<vmem>>) semaphore(%arg12 : memref<!tpu.dma_semaphore, #tpu.memory_space<semaphore_mem>>)
    %add3A_44 = arith.constant 400 : i32
    %add3A_45 = arith.addi %mul3A_2, %add3A_44 : i32
    %dma_start3A_46 = tpu.memref_slice %arg3[%add3A_45] : memref<819200xi32, #tpu.memory_space<hbm>> -> memref<400xi32, #tpu.memory_space<hbm>>
    %dma_start3A_47 = tpu.memref_slice %arg3[%add3A_45] : memref<819200xi32, #tpu.memory_space<hbm>> -> memref<400xi32, #tpu.memory_space<hbm>>
    tpu.enqueue_dma source(%dma_start3A_47 : memref<400xi32, #tpu.memory_space<hbm>>) target(%arg7 : memref<400xi32, #tpu.memory_space<vmem>>) target_semaphore(%arg13 : memref<!tpu.dma_semaphore, #tpu.memory_space<semaphore_mem>>)
    %dma_wait3A = arith.constant 0 : i32
    %dma_wait3A_48 = arith.constant 0 : i32
    %dma_wait3A_49 = arith.constant 0 : i32
    %dma_wait3A_50 = tpu.memref_slice %arg9[%dma_wait3A, %dma_wait3A_48, %dma_wait3A_49] : memref<2x200x64xf32, #tpu.memory_space<vmem>> -> memref<1x128x64xf32, #tpu.memory_space<vmem>>
    %dma_wait3A_51 = tpu.memref_squeeze %dma_wait3A_50 : memref<1x128x64xf32, #tpu.memory_space<vmem>> -> memref<128x64xf32, #tpu.memory_space<vmem>>
    %dma_wait3A_52 = arith.constant 0 : i32
    %dma_wait3A_53 = tpu.memref_slice %arg6[%dma_wait3A_52] : memref<400xi32, #tpu.memory_space<vmem>> -> memref<128xi32, #tpu.memory_space<vmem>>
    %dma_wait3A_54 = arith.constant 0 : i32
    %dma_wait3A_55 = arith.constant 0 : i32
    %dma_wait3A_56 = tpu.memref_slice %arg2[%dma_wait3A_54, %dma_wait3A_55] : memref<1000000x64xf32, #tpu.memory_space<hbm>> -> memref<1000000x64xf32, #tpu.memory_space<hbm>>
    tpu.wait_indirect_dma semaphore(%arg12 : memref<!tpu.dma_semaphore, #tpu.memory_space<semaphore_mem>>) src(%dma_wait3A_56 : memref<1000000x64xf32, #tpu.memory_space<hbm>>) dst(%dma_wait3A_51 : memref<128x64xf32, #tpu.memory_space<vmem>>)
    %dma_wait3A_57 = arith.constant 0 : i32
    %dma_wait3A_58 = arith.constant 128 : i32
    %dma_wait3A_59 = arith.constant 0 : i32
    %dma_wait3A_60 = tpu.memref_slice %arg9[%dma_wait3A_57, %dma_wait3A_58, %dma_wait3A_59] : memref<2x200x64xf32, #tpu.memory_space<vmem>> -> memref<1x72x64xf32, #tpu.memory_space<vmem>>
    %dma_wait3A_61 = tpu.memref_squeeze %dma_wait3A_60 : memref<1x72x64xf32, #tpu.memory_space<vmem>> -> memref<72x64xf32, #tpu.memory_space<vmem>>
    %dma_wait3A_62 = arith.constant 128 : i32
    %dma_wait3A_63 = tpu.memref_slice %arg6[%dma_wait3A_62] : memref<400xi32, #tpu.memory_space<vmem>> -> memref<72xi32, #tpu.memory_space<vmem>>
    %dma_wait3A_64 = arith.constant 0 : i32
    %dma_wait3A_65 = arith.constant 0 : i32
    %dma_wait3A_66 = tpu.memref_slice %arg2[%dma_wait3A_64, %dma_wait3A_65] : memref<1000000x64xf32, #tpu.memory_space<hbm>> -> memref<1000000x64xf32, #tpu.memory_space<hbm>>
    tpu.wait_indirect_dma semaphore(%arg12 : memref<!tpu.dma_semaphore, #tpu.memory_space<semaphore_mem>>) src(%dma_wait3A_66 : memref<1000000x64xf32, #tpu.memory_space<hbm>>) dst(%dma_wait3A_61 : memref<72x64xf32, #tpu.memory_space<vmem>>)
    %dma_wait3A_67 = arith.constant 1 : i32
    %dma_wait3A_68 = arith.constant 0 : i32
    %dma_wait3A_69 = arith.constant 0 : i32
    %dma_wait3A_70 = tpu.memref_slice %arg9[%dma_wait3A_67, %dma_wait3A_68, %dma_wait3A_69] : memref<2x200x64xf32, #tpu.memory_space<vmem>> -> memref<1x128x64xf32, #tpu.memory_space<vmem>>
    %dma_wait3A_71 = tpu.memref_squeeze %dma_wait3A_70 : memref<1x128x64xf32, #tpu.memory_space<vmem>> -> memref<128x64xf32, #tpu.memory_space<vmem>>
    %dma_wait3A_72 = arith.constant 200 : i32
    %dma_wait3A_73 = tpu.memref_slice %arg6[%dma_wait3A_72] : memref<400xi32, #tpu.memory_space<vmem>> -> memref<128xi32, #tpu.memory_space<vmem>>
    %dma_wait3A_74 = arith.constant 0 : i32
    %dma_wait3A_75 = arith.constant 0 : i32
    %dma_wait3A_76 = tpu.memref_slice %arg2[%dma_wait3A_74, %dma_wait3A_75] : memref<1000000x64xf32, #tpu.memory_space<hbm>> -> memref<1000000x64xf32, #tpu.memory_space<hbm>>
    tpu.wait_indirect_dma semaphore(%arg12 : memref<!tpu.dma_semaphore, #tpu.memory_space<semaphore_mem>>) src(%dma_wait3A_76 : memref<1000000x64xf32, #tpu.memory_space<hbm>>) dst(%dma_wait3A_71 : memref<128x64xf32, #tpu.memory_space<vmem>>)
    %dma_wait3A_77 = arith.constant 1 : i32
    %dma_wait3A_78 = arith.constant 128 : i32
    %dma_wait3A_79 = arith.constant 0 : i32
    %dma_wait3A_80 = tpu.memref_slice %arg9[%dma_wait3A_77, %dma_wait3A_78, %dma_wait3A_79] : memref<2x200x64xf32, #tpu.memory_space<vmem>> -> memref<1x72x64xf32, #tpu.memory_space<vmem>>
    %dma_wait3A_81 = tpu.memref_squeeze %dma_wait3A_80 : memref<1x72x64xf32, #tpu.memory_space<vmem>> -> memref<72x64xf32, #tpu.memory_space<vmem>>
    %dma_wait3A_82 = arith.constant 328 : i32
    %dma_wait3A_83 = tpu.memref_slice %arg6[%dma_wait3A_82] : memref<400xi32, #tpu.memory_space<vmem>> -> memref<72xi32, #tpu.memory_space<vmem>>
    %dma_wait3A_84 = arith.constant 0 : i32
    %dma_wait3A_85 = arith.constant 0 : i32
    %dma_wait3A_86 = tpu.memref_slice %arg2[%dma_wait3A_84, %dma_wait3A_85] : memref<1000000x64xf32, #tpu.memory_space<hbm>> -> memref<1000000x64xf32, #tpu.memory_space<hbm>>
    tpu.wait_indirect_dma semaphore(%arg12 : memref<!tpu.dma_semaphore, #tpu.memory_space<semaphore_mem>>) src(%dma_wait3A_86 : memref<1000000x64xf32, #tpu.memory_space<hbm>>) dst(%dma_wait3A_81 : memref<72x64xf32, #tpu.memory_space<vmem>>)
    %add3A_87 = arith.constant 400 : i32
    %add3A_88 = arith.addi %mul3A_2, %add3A_87 : i32
    %dma_wait3A_89 = tpu.memref_slice %arg3[%add3A_88] : memref<819200xi32, #tpu.memory_space<hbm>> -> memref<400xi32, #tpu.memory_space<hbm>>
    %dma_wait3A_90 = tpu.memref_slice %arg3[%add3A_88] : memref<819200xi32, #tpu.memory_space<hbm>> -> memref<400xi32, #tpu.memory_space<hbm>>
    tpu.wait_dma2 semaphore(%arg13 : memref<!tpu.dma_semaphore, #tpu.memory_space<semaphore_mem>>) src(%dma_wait3A_90 : memref<400xi32, #tpu.memory_space<hbm>>) dst(%arg7 : memref<400xi32, #tpu.memory_space<vmem>>)
    %dma_start3A_91 = arith.constant 0 : i32
    %dma_start3A_92 = arith.constant 0 : i32
    %dma_start3A_93 = arith.constant 0 : i32
    %dma_start3A_94 = tpu.memref_slice %arg10[%dma_start3A_91, %dma_start3A_92, %dma_start3A_93] : memref<2x200x64xf32, #tpu.memory_space<vmem>> -> memref<1x128x64xf32, #tpu.memory_space<vmem>>
    %dma_start3A_95 = tpu.memref_squeeze %dma_start3A_94 : memref<1x128x64xf32, #tpu.memory_space<vmem>> -> memref<128x64xf32, #tpu.memory_space<vmem>>
    %dma_start3A_96 = arith.constant 0 : i32
    %dma_start3A_97 = tpu.memref_slice %arg7[%dma_start3A_96] : memref<400xi32, #tpu.memory_space<vmem>> -> memref<128xi32, #tpu.memory_space<vmem>>
    %dma_start3A_98 = arith.constant 0 : i32
    %dma_start3A_99 = arith.constant 0 : i32
    %dma_start3A_100 = tpu.memref_slice %arg2[%dma_start3A_98, %dma_start3A_99] : memref<1000000x64xf32, #tpu.memory_space<hbm>> -> memref<1000000x64xf32, #tpu.memory_space<hbm>>
    tpu.enqueue_indirect_dma source(%dma_start3A_100 : memref<1000000x64xf32, #tpu.memory_space<hbm>>) target(%dma_start3A_95 : memref<128x64xf32, #tpu.memory_space<vmem>>) offsets(%dma_start3A_97 : memref<128xi32, #tpu.memory_space<vmem>>) semaphore(%arg12 : memref<!tpu.dma_semaphore, #tpu.memory_space<semaphore_mem>>)
    %dma_start3A_101 = arith.constant 0 : i32
    %dma_start3A_102 = arith.constant 128 : i32
    %dma_start3A_103 = arith.constant 0 : i32
    %dma_start3A_104 = tpu.memref_slice %arg10[%dma_start3A_101, %dma_start3A_102, %dma_start3A_103] : memref<2x200x64xf32, #tpu.memory_space<vmem>> -> memref<1x72x64xf32, #tpu.memory_space<vmem>>
    %dma_start3A_105 = tpu.memref_squeeze %dma_start3A_104 : memref<1x72x64xf32, #tpu.memory_space<vmem>> -> memref<72x64xf32, #tpu.memory_space<vmem>>
    %dma_start3A_106 = arith.constant 128 : i32
    %dma_start3A_107 = tpu.memref_slice %arg7[%dma_start3A_106] : memref<400xi32, #tpu.memory_space<vmem>> -> memref<72xi32, #tpu.memory_space<vmem>>
    %dma_start3A_108 = arith.constant 0 : i32
    %dma_start3A_109 = arith.constant 0 : i32
    %dma_start3A_110 = tpu.memref_slice %arg2[%dma_start3A_108, %dma_start3A_109] : memref<1000000x64xf32, #tpu.memory_space<hbm>> -> memref<1000000x64xf32, #tpu.memory_space<hbm>>
    tpu.enqueue_indirect_dma source(%dma_start3A_110 : memref<1000000x64xf32, #tpu.memory_space<hbm>>) target(%dma_start3A_105 : memref<72x64xf32, #tpu.memory_space<vmem>>) offsets(%dma_start3A_107 : memref<72xi32, #tpu.memory_space<vmem>>) semaphore(%arg12 : memref<!tpu.dma_semaphore, #tpu.memory_space<semaphore_mem>>)
    %dma_start3A_111 = arith.constant 1 : i32
    %dma_start3A_112 = arith.constant 0 : i32
    %dma_start3A_113 = arith.constant 0 : i32
    %dma_start3A_114 = tpu.memref_slice %arg10[%dma_start3A_111, %dma_start3A_112, %dma_start3A_113] : memref<2x200x64xf32, #tpu.memory_space<vmem>> -> memref<1x128x64xf32, #tpu.memory_space<vmem>>
    %dma_start3A_115 = tpu.memref_squeeze %dma_start3A_114 : memref<1x128x64xf32, #tpu.memory_space<vmem>> -> memref<128x64xf32, #tpu.memory_space<vmem>>
    %dma_start3A_116 = arith.constant 200 : i32
    %dma_start3A_117 = tpu.memref_slice %arg7[%dma_start3A_116] : memref<400xi32, #tpu.memory_space<vmem>> -> memref<128xi32, #tpu.memory_space<vmem>>
    %dma_start3A_118 = arith.constant 0 : i32
    %dma_start3A_119 = arith.constant 0 : i32
    %dma_start3A_120 = tpu.memref_slice %arg2[%dma_start3A_118, %dma_start3A_119] : memref<1000000x64xf32, #tpu.memory_space<hbm>> -> memref<1000000x64xf32, #tpu.memory_space<hbm>>
    tpu.enqueue_indirect_dma source(%dma_start3A_120 : memref<1000000x64xf32, #tpu.memory_space<hbm>>) target(%dma_start3A_115 : memref<128x64xf32, #tpu.memory_space<vmem>>) offsets(%dma_start3A_117 : memref<128xi32, #tpu.memory_space<vmem>>) semaphore(%arg12 : memref<!tpu.dma_semaphore, #tpu.memory_space<semaphore_mem>>)
    %dma_start3A_121 = arith.constant 1 : i32
    %dma_start3A_122 = arith.constant 128 : i32
    %dma_start3A_123 = arith.constant 0 : i32
    %dma_start3A_124 = tpu.memref_slice %arg10[%dma_start3A_121, %dma_start3A_122, %dma_start3A_123] : memref<2x200x64xf32, #tpu.memory_space<vmem>> -> memref<1x72x64xf32, #tpu.memory_space<vmem>>
    %dma_start3A_125 = tpu.memref_squeeze %dma_start3A_124 : memref<1x72x64xf32, #tpu.memory_space<vmem>> -> memref<72x64xf32, #tpu.memory_space<vmem>>
    %dma_start3A_126 = arith.constant 328 : i32
    %dma_start3A_127 = tpu.memref_slice %arg7[%dma_start3A_126] : memref<400xi32, #tpu.memory_space<vmem>> -> memref<72xi32, #tpu.memory_space<vmem>>
    %dma_start3A_128 = arith.constant 0 : i32
    %dma_start3A_129 = arith.constant 0 : i32
    %dma_start3A_130 = tpu.memref_slice %arg2[%dma_start3A_128, %dma_start3A_129] : memref<1000000x64xf32, #tpu.memory_space<hbm>> -> memref<1000000x64xf32, #tpu.memory_space<hbm>>
    tpu.enqueue_indirect_dma source(%dma_start3A_130 : memref<1000000x64xf32, #tpu.memory_space<hbm>>) target(%dma_start3A_125 : memref<72x64xf32, #tpu.memory_space<vmem>>) offsets(%dma_start3A_127 : memref<72xi32, #tpu.memory_space<vmem>>) semaphore(%arg12 : memref<!tpu.dma_semaphore, #tpu.memory_space<semaphore_mem>>)
    %add3A_131 = arith.constant 800 : i32
    %add3A_132 = arith.addi %mul3A_2, %add3A_131 : i32
    %dma_start3A_133 = tpu.memref_slice %arg3[%add3A_132] : memref<819200xi32, #tpu.memory_space<hbm>> -> memref<400xi32, #tpu.memory_space<hbm>>
    %dma_start3A_134 = tpu.memref_slice %arg3[%add3A_132] : memref<819200xi32, #tpu.memory_space<hbm>> -> memref<400xi32, #tpu.memory_space<hbm>>
    tpu.enqueue_dma source(%dma_start3A_134 : memref<400xi32, #tpu.memory_space<hbm>>) target(%arg6 : memref<400xi32, #tpu.memory_space<vmem>>) target_semaphore(%arg13 : memref<!tpu.dma_semaphore, #tpu.memory_space<semaphore_mem>>)
    %parallel_loop3A = arith.constant 0 : i32
    %parallel_loop3A_135 = arith.constant 200 : i32
    %parallel_loop3A_136 = arith.constant 1 : i32
    scf.for %parallel_loop3A_427 = %parallel_loop3A to %parallel_loop3A_135 step %parallel_loop3A_136  : i32 {
      %parallel_loop3A_428 = arith.index_cast %parallel_loop3A_427 : i32 to index
      %parallel_loop3A_429 = arith.constant 0 : index
      %parallel_loop3A_430 = tpu.vector_load %arg8[%parallel_loop3A_428, %parallel_loop3A_429] {strides = array<i32>} : memref<200x64xf32, #tpu.memory_space<vmem>>, vector<1x16xf32>,
      %parallel_loop3A_431 = vector.shape_cast %parallel_loop3A_430 : vector<1x16xf32> to vector<16xf32>
      %parallel_loop3A_432 = arith.constant 0 : i32
      %parallel_loop3A_433 = arith.index_cast %parallel_loop3A_432 : i32 to index
      %parallel_loop3A_434 = arith.index_cast %parallel_loop3A_427 : i32 to index
      %parallel_loop3A_435 = arith.constant 0 : index
      %parallel_loop3A_436 = tpu.vector_load %arg9[%parallel_loop3A_433, %parallel_loop3A_434, %parallel_loop3A_435] {strides = array<i32>} : memref<2x200x64xf32, #tpu.memory_space<vmem>>, vector<1x1x16xf32>,
      %parallel_loop3A_437 = vector.shape_cast %parallel_loop3A_436 : vector<1x1x16xf32> to vector<16xf32>
      %parallel_loop3A_438 = vector.shape_cast %parallel_loop3A_431 : vector<16xf32> to vector<1x1x16xf32>
      tpu.vector_store %arg9[%parallel_loop3A_433, %parallel_loop3A_434, %parallel_loop3A_435], %parallel_loop3A_438 {add = true, strides = array<i32>} : memref<2x200x64xf32, #tpu.memory_space<vmem>>, vector<1x1x16xf32>,
      %parallel_loop3A_439 = arith.constant 1 : i32
      %parallel_loop3A_440 = arith.index_cast %parallel_loop3A_439 : i32 to index
      %parallel_loop3A_441 = arith.index_cast %parallel_loop3A_427 : i32 to index
      %parallel_loop3A_442 = arith.constant 0 : index
      %parallel_loop3A_443 = tpu.vector_load %arg9[%parallel_loop3A_440, %parallel_loop3A_441, %parallel_loop3A_442] {strides = array<i32>} : memref<2x200x64xf32, #tpu.memory_space<vmem>>, vector<1x1x16xf32>,
      %parallel_loop3A_444 = vector.shape_cast %parallel_loop3A_443 : vector<1x1x16xf32> to vector<16xf32>
      %parallel_loop3A_445 = vector.shape_cast %parallel_loop3A_431 : vector<16xf32> to vector<1x1x16xf32>
      tpu.vector_store %arg9[%parallel_loop3A_440, %parallel_loop3A_441, %parallel_loop3A_442], %parallel_loop3A_445 {add = true, strides = array<i32>} : memref<2x200x64xf32, #tpu.memory_space<vmem>>, vector<1x1x16xf32>,
      %parallel_loop3A_446 = arith.index_cast %parallel_loop3A_427 : i32 to index
      %parallel_loop3A_447 = arith.constant 16 : index
      %parallel_loop3A_448 = tpu.vector_load %arg8[%parallel_loop3A_446, %parallel_loop3A_447] {strides = array<i32>} : memref<200x64xf32, #tpu.memory_space<vmem>>, vector<1x16xf32>,
      %parallel_loop3A_449 = vector.shape_cast %parallel_loop3A_448 : vector<1x16xf32> to vector<16xf32>
      %parallel_loop3A_450 = arith.constant 0 : i32
      %parallel_loop3A_451 = arith.index_cast %parallel_loop3A_450 : i32 to index
      %parallel_loop3A_452 = arith.index_cast %parallel_loop3A_427 : i32 to index
      %parallel_loop3A_453 = arith.constant 16 : index
      %parallel_loop3A_454 = tpu.vector_load %arg9[%parallel_loop3A_451, %parallel_loop3A_452, %parallel_loop3A_453] {strides = array<i32>} : memref<2x200x64xf32, #tpu.memory_space<vmem>>, vector<1x1x16xf32>,
      %parallel_loop3A_455 = vector.shape_cast %parallel_loop3A_454 : vector<1x1x16xf32> to vector<16xf32>
      %parallel_loop3A_456 = vector.shape_cast %parallel_loop3A_449 : vector<16xf32> to vector<1x1x16xf32>
      tpu.vector_store %arg9[%parallel_loop3A_451, %parallel_loop3A_452, %parallel_loop3A_453], %parallel_loop3A_456 {add = true, strides = array<i32>} : memref<2x200x64xf32, #tpu.memory_space<vmem>>, vector<1x1x16xf32>,
      %parallel_loop3A_457 = arith.constant 1 : i32
      %parallel_loop3A_458 = arith.index_cast %parallel_loop3A_457 : i32 to index
      %parallel_loop3A_459 = arith.index_cast %parallel_loop3A_427 : i32 to index
      %parallel_loop3A_460 = arith.constant 16 : index
      %parallel_loop3A_461 = tpu.vector_load %arg9[%parallel_loop3A_458, %parallel_loop3A_459, %parallel_loop3A_460] {strides = array<i32>} : memref<2x200x64xf32, #tpu.memory_space<vmem>>, vector<1x1x16xf32>,
      %parallel_loop3A_462 = vector.shape_cast %parallel_loop3A_461 : vector<1x1x16xf32> to vector<16xf32>
      %parallel_loop3A_463 = vector.shape_cast %parallel_loop3A_449 : vector<16xf32> to vector<1x1x16xf32>
      tpu.vector_store %arg9[%parallel_loop3A_458, %parallel_loop3A_459, %parallel_loop3A_460], %parallel_loop3A_463 {add = true, strides = array<i32>} : memref<2x200x64xf32, #tpu.memory_space<vmem>>, vector<1x1x16xf32>,
      %parallel_loop3A_464 = arith.index_cast %parallel_loop3A_427 : i32 to index
      %parallel_loop3A_465 = arith.constant 32 : index
      %parallel_loop3A_466 = tpu.vector_load %arg8[%parallel_loop3A_464, %parallel_loop3A_465] {strides = array<i32>} : memref<200x64xf32, #tpu.memory_space<vmem>>, vector<1x16xf32>,
      %parallel_loop3A_467 = vector.shape_cast %parallel_loop3A_466 : vector<1x16xf32> to vector<16xf32>
      %parallel_loop3A_468 = arith.constant 0 : i32
      %parallel_loop3A_469 = arith.index_cast %parallel_loop3A_468 : i32 to index
      %parallel_loop3A_470 = arith.index_cast %parallel_loop3A_427 : i32 to index
      %parallel_loop3A_471 = arith.constant 32 : index
      %parallel_loop3A_472 = tpu.vector_load %arg9[%parallel_loop3A_469, %parallel_loop3A_470, %parallel_loop3A_471] {strides = array<i32>} : memref<2x200x64xf32, #tpu.memory_space<vmem>>, vector<1x1x16xf32>,
      %parallel_loop3A_473 = vector.shape_cast %parallel_loop3A_472 : vector<1x1x16xf32> to vector<16xf32>
      %parallel_loop3A_474 = vector.shape_cast %parallel_loop3A_467 : vector<16xf32> to vector<1x1x16xf32>
      tpu.vector_store %arg9[%parallel_loop3A_469, %parallel_loop3A_470, %parallel_loop3A_471], %parallel_loop3A_474 {add = true, strides = array<i32>} : memref<2x200x64xf32, #tpu.memory_space<vmem>>, vector<1x1x16xf32>,
      %parallel_loop3A_475 = arith.constant 1 : i32
      %parallel_loop3A_476 = arith.index_cast %parallel_loop3A_475 : i32 to index
      %parallel_loop3A_477 = arith.index_cast %parallel_loop3A_427 : i32 to index
      %parallel_loop3A_478 = arith.constant 32 : index
      %parallel_loop3A_479 = tpu.vector_load %arg9[%parallel_loop3A_476, %parallel_loop3A_477, %parallel_loop3A_478] {strides = array<i32>} : memref<2x200x64xf32, #tpu.memory_space<vmem>>, vector<1x1x16xf32>,
      %parallel_loop3A_480 = vector.shape_cast %parallel_loop3A_479 : vector<1x1x16xf32> to vector<16xf32>
      %parallel_loop3A_481 = vector.shape_cast %parallel_loop3A_467 : vector<16xf32> to vector<1x1x16xf32>
      tpu.vector_store %arg9[%parallel_loop3A_476, %parallel_loop3A_477, %parallel_loop3A_478], %parallel_loop3A_481 {add = true, strides = array<i32>} : memref<2x200x64xf32, #tpu.memory_space<vmem>>, vector<1x1x16xf32>,
      %parallel_loop3A_482 = arith.index_cast %parallel_loop3A_427 : i32 to index
      %parallel_loop3A_483 = arith.constant 48 : index
      %parallel_loop3A_484 = tpu.vector_load %arg8[%parallel_loop3A_482, %parallel_loop3A_483] {strides = array<i32>} : memref<200x64xf32, #tpu.memory_space<vmem>>, vector<1x16xf32>,
      %parallel_loop3A_485 = vector.shape_cast %parallel_loop3A_484 : vector<1x16xf32> to vector<16xf32>
      %parallel_loop3A_486 = arith.constant 0 : i32
      %parallel_loop3A_487 = arith.index_cast %parallel_loop3A_486 : i32 to index
      %parallel_loop3A_488 = arith.index_cast %parallel_loop3A_427 : i32 to index
      %parallel_loop3A_489 = arith.constant 48 : index
      %parallel_loop3A_490 = tpu.vector_load %arg9[%parallel_loop3A_487, %parallel_loop3A_488, %parallel_loop3A_489] {strides = array<i32>} : memref<2x200x64xf32, #tpu.memory_space<vmem>>, vector<1x1x16xf32>,
      %parallel_loop3A_491 = vector.shape_cast %parallel_loop3A_490 : vector<1x1x16xf32> to vector<16xf32>
      %parallel_loop3A_492 = vector.shape_cast %parallel_loop3A_485 : vector<16xf32> to vector<1x1x16xf32>
      tpu.vector_store %arg9[%parallel_loop3A_487, %parallel_loop3A_488, %parallel_loop3A_489], %parallel_loop3A_492 {add = true, strides = array<i32>} : memref<2x200x64xf32, #tpu.memory_space<vmem>>, vector<1x1x16xf32>,
      %parallel_loop3A_493 = arith.constant 1 : i32
      %parallel_loop3A_494 = arith.index_cast %parallel_loop3A_493 : i32 to index
      %parallel_loop3A_495 = arith.index_cast %parallel_loop3A_427 : i32 to index
      %parallel_loop3A_496 = arith.constant 48 : index
      %parallel_loop3A_497 = tpu.vector_load %arg9[%parallel_loop3A_494, %parallel_loop3A_495, %parallel_loop3A_496] {strides = array<i32>} : memref<2x200x64xf32, #tpu.memory_space<vmem>>, vector<1x1x16xf32>,
      %parallel_loop3A_498 = vector.shape_cast %parallel_loop3A_497 : vector<1x1x16xf32> to vector<16xf32>
      %parallel_loop3A_499 = vector.shape_cast %parallel_loop3A_485 : vector<16xf32> to vector<1x1x16xf32>
      tpu.vector_store %arg9[%parallel_loop3A_494, %parallel_loop3A_495, %parallel_loop3A_496], %parallel_loop3A_499 {add = true, strides = array<i32>} : memref<2x200x64xf32, #tpu.memory_space<vmem>>, vector<1x1x16xf32>,
    } {sc.loop_unroll_factor = 4 : i64, sc.parallel_access}
    %add3A_137 = arith.constant 0 : i32
    %add3A_138 = arith.addi %mul3A_4, %add3A_137 : i32
    %dma_start3A_139 = arith.constant 0 : i32
    %dma_start3A_140 = arith.constant 0 : i32
    %dma_start3A_141 = tpu.memref_slice %arg5[%add3A_138, %dma_start3A_139, %dma_start3A_140] : memref<4096x200x128xf32, #tpu.memory_space<hbm>> -> memref<2x200x64xf32, #tpu.memory_space<hbm>>
    %dma_start3A_142 = arith.constant 0 : i32
    %dma_start3A_143 = arith.constant 0 : i32
    %dma_start3A_144 = tpu.memref_slice %arg5[%add3A_138, %dma_start3A_142, %dma_start3A_143] : memref<4096x200x128xf32, #tpu.memory_space<hbm>> -> memref<2x200x64xf32, #tpu.memory_space<hbm>>
    tpu.enqueue_dma source(%arg9 : memref<2x200x64xf32, #tpu.memory_space<vmem>>) target(%dma_start3A_144 : memref<2x200x64xf32, #tpu.memory_space<hbm>>) target_semaphore(%arg14 : memref<!tpu.dma_semaphore, #tpu.memory_space<semaphore_mem>>)
    %dma_wait3A_145 = arith.constant 0 : i32
    %dma_wait3A_146 = arith.constant 0 : i32
    %dma_wait3A_147 = arith.constant 0 : i32
    %dma_wait3A_148 = tpu.memref_slice %arg10[%dma_wait3A_145, %dma_wait3A_146, %dma_wait3A_147] : memref<2x200x64xf32, #tpu.memory_space<vmem>> -> memref<1x128x64xf32, #tpu.memory_space<vmem>>
    %dma_wait3A_149 = tpu.memref_squeeze %dma_wait3A_148 : memref<1x128x64xf32, #tpu.memory_space<vmem>> -> memref<128x64xf32, #tpu.memory_space<vmem>>
    %dma_wait3A_150 = arith.constant 0 : i32
    %dma_wait3A_151 = tpu.memref_slice %arg7[%dma_wait3A_150] : memref<400xi32, #tpu.memory_space<vmem>> -> memref<128xi32, #tpu.memory_space<vmem>>
    %dma_wait3A_152 = arith.constant 0 : i32
    %dma_wait3A_153 = arith.constant 0 : i32
    %dma_wait3A_154 = tpu.memref_slice %arg2[%dma_wait3A_152, %dma_wait3A_153] : memref<1000000x64xf32, #tpu.memory_space<hbm>> -> memref<1000000x64xf32, #tpu.memory_space<hbm>>
    tpu.wait_indirect_dma semaphore(%arg12 : memref<!tpu.dma_semaphore, #tpu.memory_space<semaphore_mem>>) src(%dma_wait3A_154 : memref<1000000x64xf32, #tpu.memory_space<hbm>>) dst(%dma_wait3A_149 : memref<128x64xf32, #tpu.memory_space<vmem>>)
    %dma_wait3A_155 = arith.constant 0 : i32
    %dma_wait3A_156 = arith.constant 128 : i32
    %dma_wait3A_157 = arith.constant 0 : i32
    %dma_wait3A_158 = tpu.memref_slice %arg10[%dma_wait3A_155, %dma_wait3A_156, %dma_wait3A_157] : memref<2x200x64xf32, #tpu.memory_space<vmem>> -> memref<1x72x64xf32, #tpu.memory_space<vmem>>
    %dma_wait3A_159 = tpu.memref_squeeze %dma_wait3A_158 : memref<1x72x64xf32, #tpu.memory_space<vmem>> -> memref<72x64xf32, #tpu.memory_space<vmem>>
    %dma_wait3A_160 = arith.constant 128 : i32
    %dma_wait3A_161 = tpu.memref_slice %arg7[%dma_wait3A_160] : memref<400xi32, #tpu.memory_space<vmem>> -> memref<72xi32, #tpu.memory_space<vmem>>
    %dma_wait3A_162 = arith.constant 0 : i32
    %dma_wait3A_163 = arith.constant 0 : i32
    %dma_wait3A_164 = tpu.memref_slice %arg2[%dma_wait3A_162, %dma_wait3A_163] : memref<1000000x64xf32, #tpu.memory_space<hbm>> -> memref<1000000x64xf32, #tpu.memory_space<hbm>>
    tpu.wait_indirect_dma semaphore(%arg12 : memref<!tpu.dma_semaphore, #tpu.memory_space<semaphore_mem>>) src(%dma_wait3A_164 : memref<1000000x64xf32, #tpu.memory_space<hbm>>) dst(%dma_wait3A_159 : memref<72x64xf32, #tpu.memory_space<vmem>>)
    %dma_wait3A_165 = arith.constant 1 : i32
    %dma_wait3A_166 = arith.constant 0 : i32
    %dma_wait3A_167 = arith.constant 0 : i32
    %dma_wait3A_168 = tpu.memref_slice %arg10[%dma_wait3A_165, %dma_wait3A_166, %dma_wait3A_167] : memref<2x200x64xf32, #tpu.memory_space<vmem>> -> memref<1x128x64xf32, #tpu.memory_space<vmem>>
    %dma_wait3A_169 = tpu.memref_squeeze %dma_wait3A_168 : memref<1x128x64xf32, #tpu.memory_space<vmem>> -> memref<128x64xf32, #tpu.memory_space<vmem>>
    %dma_wait3A_170 = arith.constant 200 : i32
    %dma_wait3A_171 = tpu.memref_slice %arg7[%dma_wait3A_170] : memref<400xi32, #tpu.memory_space<vmem>> -> memref<128xi32, #tpu.memory_space<vmem>>
    %dma_wait3A_172 = arith.constant 0 : i32
    %dma_wait3A_173 = arith.constant 0 : i32
    %dma_wait3A_174 = tpu.memref_slice %arg2[%dma_wait3A_172, %dma_wait3A_173] : memref<1000000x64xf32, #tpu.memory_space<hbm>> -> memref<1000000x64xf32, #tpu.memory_space<hbm>>
    tpu.wait_indirect_dma semaphore(%arg12 : memref<!tpu.dma_semaphore, #tpu.memory_space<semaphore_mem>>) src(%dma_wait3A_174 : memref<1000000x64xf32, #tpu.memory_space<hbm>>) dst(%dma_wait3A_169 : memref<128x64xf32, #tpu.memory_space<vmem>>)
    %dma_wait3A_175 = arith.constant 1 : i32
    %dma_wait3A_176 = arith.constant 128 : i32
    %dma_wait3A_177 = arith.constant 0 : i32
    %dma_wait3A_178 = tpu.memref_slice %arg10[%dma_wait3A_175, %dma_wait3A_176, %dma_wait3A_177] : memref<2x200x64xf32, #tpu.memory_space<vmem>> -> memref<1x72x64xf32, #tpu.memory_space<vmem>>
    %dma_wait3A_179 = tpu.memref_squeeze %dma_wait3A_178 : memref<1x72x64xf32, #tpu.memory_space<vmem>> -> memref<72x64xf32, #tpu.memory_space<vmem>>
    %dma_wait3A_180 = arith.constant 328 : i32
    %dma_wait3A_181 = tpu.memref_slice %arg7[%dma_wait3A_180] : memref<400xi32, #tpu.memory_space<vmem>> -> memref<72xi32, #tpu.memory_space<vmem>>
    %dma_wait3A_182 = arith.constant 0 : i32
    %dma_wait3A_183 = arith.constant 0 : i32
    %dma_wait3A_184 = tpu.memref_slice %arg2[%dma_wait3A_182, %dma_wait3A_183] : memref<1000000x64xf32, #tpu.memory_space<hbm>> -> memref<1000000x64xf32, #tpu.memory_space<hbm>>
    tpu.wait_indirect_dma semaphore(%arg12 : memref<!tpu.dma_semaphore, #tpu.memory_space<semaphore_mem>>) src(%dma_wait3A_184 : memref<1000000x64xf32, #tpu.memory_space<hbm>>) dst(%dma_wait3A_179 : memref<72x64xf32, #tpu.memory_space<vmem>>)
    %add3A_185 = arith.constant 800 : i32
    %add3A_186 = arith.addi %mul3A_2, %add3A_185 : i32
    %dma_wait3A_187 = tpu.memref_slice %arg3[%add3A_186] : memref<819200xi32, #tpu.memory_space<hbm>> -> memref<400xi32, #tpu.memory_space<hbm>>
    %dma_wait3A_188 = tpu.memref_slice %arg3[%add3A_186] : memref<819200xi32, #tpu.memory_space<hbm>> -> memref<400xi32, #tpu.memory_space<hbm>>
    tpu.wait_dma2 semaphore(%arg13 : memref<!tpu.dma_semaphore, #tpu.memory_space<semaphore_mem>>) src(%dma_wait3A_188 : memref<400xi32, #tpu.memory_space<hbm>>) dst(%arg6 : memref<400xi32, #tpu.memory_space<vmem>>)
    %dma_start3A_189 = arith.constant 0 : i32
    %dma_start3A_190 = arith.constant 0 : i32
    %dma_start3A_191 = arith.constant 0 : i32
    %dma_start3A_192 = tpu.memref_slice %arg11[%dma_start3A_189, %dma_start3A_190, %dma_start3A_191] : memref<2x200x64xf32, #tpu.memory_space<vmem>> -> memref<1x128x64xf32, #tpu.memory_space<vmem>>
    %dma_start3A_193 = tpu.memref_squeeze %dma_start3A_192 : memref<1x128x64xf32, #tpu.memory_space<vmem>> -> memref<128x64xf32, #tpu.memory_space<vmem>>
    %dma_start3A_194 = arith.constant 0 : i32
    %dma_start3A_195 = tpu.memref_slice %arg6[%dma_start3A_194] : memref<400xi32, #tpu.memory_space<vmem>> -> memref<128xi32, #tpu.memory_space<vmem>>
    %dma_start3A_196 = arith.constant 0 : i32
    %dma_start3A_197 = arith.constant 0 : i32
    %dma_start3A_198 = tpu.memref_slice %arg2[%dma_start3A_196, %dma_start3A_197] : memref<1000000x64xf32, #tpu.memory_space<hbm>> -> memref<1000000x64xf32, #tpu.memory_space<hbm>>
    tpu.enqueue_indirect_dma source(%dma_start3A_198 : memref<1000000x64xf32, #tpu.memory_space<hbm>>) target(%dma_start3A_193 : memref<128x64xf32, #tpu.memory_space<vmem>>) offsets(%dma_start3A_195 : memref<128xi32, #tpu.memory_space<vmem>>) semaphore(%arg12 : memref<!tpu.dma_semaphore, #tpu.memory_space<semaphore_mem>>)
    %dma_start3A_199 = arith.constant 0 : i32
    %dma_start3A_200 = arith.constant 128 : i32
    %dma_start3A_201 = arith.constant 0 : i32
    %dma_start3A_202 = tpu.memref_slice %arg11[%dma_start3A_199, %dma_start3A_200, %dma_start3A_201] : memref<2x200x64xf32, #tpu.memory_space<vmem>> -> memref<1x72x64xf32, #tpu.memory_space<vmem>>
    %dma_start3A_203 = tpu.memref_squeeze %dma_start3A_202 : memref<1x72x64xf32, #tpu.memory_space<vmem>> -> memref<72x64xf32, #tpu.memory_space<vmem>>
    %dma_start3A_204 = arith.constant 128 : i32
    %dma_start3A_205 = tpu.memref_slice %arg6[%dma_start3A_204] : memref<400xi32, #tpu.memory_space<vmem>> -> memref<72xi32, #tpu.memory_space<vmem>>
    %dma_start3A_206 = arith.constant 0 : i32
    %dma_start3A_207 = arith.constant 0 : i32
    %dma_start3A_208 = tpu.memref_slice %arg2[%dma_start3A_206, %dma_start3A_207] : memref<1000000x64xf32, #tpu.memory_space<hbm>> -> memref<1000000x64xf32, #tpu.memory_space<hbm>>
    tpu.enqueue_indirect_dma source(%dma_start3A_208 : memref<1000000x64xf32, #tpu.memory_space<hbm>>) target(%dma_start3A_203 : memref<72x64xf32, #tpu.memory_space<vmem>>) offsets(%dma_start3A_205 : memref<72xi32, #tpu.memory_space<vmem>>) semaphore(%arg12 : memref<!tpu.dma_semaphore, #tpu.memory_space<semaphore_mem>>)
    %dma_start3A_209 = arith.constant 1 : i32
    %dma_start3A_210 = arith.constant 0 : i32
    %dma_start3A_211 = arith.constant 0 : i32
    %dma_start3A_212 = tpu.memref_slice %arg11[%dma_start3A_209, %dma_start3A_210, %dma_start3A_211] : memref<2x200x64xf32, #tpu.memory_space<vmem>> -> memref<1x128x64xf32, #tpu.memory_space<vmem>>
    %dma_start3A_213 = tpu.memref_squeeze %dma_start3A_212 : memref<1x128x64xf32, #tpu.memory_space<vmem>> -> memref<128x64xf32, #tpu.memory_space<vmem>>
    %dma_start3A_214 = arith.constant 200 : i32
    %dma_start3A_215 = tpu.memref_slice %arg6[%dma_start3A_214] : memref<400xi32, #tpu.memory_space<vmem>> -> memref<128xi32, #tpu.memory_space<vmem>>
    %dma_start3A_216 = arith.constant 0 : i32
    %dma_start3A_217 = arith.constant 0 : i32
    %dma_start3A_218 = tpu.memref_slice %arg2[%dma_start3A_216, %dma_start3A_217] : memref<1000000x64xf32, #tpu.memory_space<hbm>> -> memref<1000000x64xf32, #tpu.memory_space<hbm>>
    tpu.enqueue_indirect_dma source(%dma_start3A_218 : memref<1000000x64xf32, #tpu.memory_space<hbm>>) target(%dma_start3A_213 : memref<128x64xf32, #tpu.memory_space<vmem>>) offsets(%dma_start3A_215 : memref<128xi32, #tpu.memory_space<vmem>>) semaphore(%arg12 : memref<!tpu.dma_semaphore, #tpu.memory_space<semaphore_mem>>)
    %dma_start3A_219 = arith.constant 1 : i32
    %dma_start3A_220 = arith.constant 128 : i32
    %dma_start3A_221 = arith.constant 0 : i32
    %dma_start3A_222 = tpu.memref_slice %arg11[%dma_start3A_219, %dma_start3A_220, %dma_start3A_221] : memref<2x200x64xf32, #tpu.memory_space<vmem>> -> memref<1x72x64xf32, #tpu.memory_space<vmem>>
    %dma_start3A_223 = tpu.memref_squeeze %dma_start3A_222 : memref<1x72x64xf32, #tpu.memory_space<vmem>> -> memref<72x64xf32, #tpu.memory_space<vmem>>
    %dma_start3A_224 = arith.constant 328 : i32
    %dma_start3A_225 = tpu.memref_slice %arg6[%dma_start3A_224] : memref<400xi32, #tpu.memory_space<vmem>> -> memref<72xi32, #tpu.memory_space<vmem>>
    %dma_start3A_226 = arith.constant 0 : i32
    %dma_start3A_227 = arith.constant 0 : i32
    %dma_start3A_228 = tpu.memref_slice %arg2[%dma_start3A_226, %dma_start3A_227] : memref<1000000x64xf32, #tpu.memory_space<hbm>> -> memref<1000000x64xf32, #tpu.memory_space<hbm>>
    tpu.enqueue_indirect_dma source(%dma_start3A_228 : memref<1000000x64xf32, #tpu.memory_space<hbm>>) target(%dma_start3A_223 : memref<72x64xf32, #tpu.memory_space<vmem>>) offsets(%dma_start3A_225 : memref<72xi32, #tpu.memory_space<vmem>>) semaphore(%arg12 : memref<!tpu.dma_semaphore, #tpu.memory_space<semaphore_mem>>)
    %add3A_229 = arith.constant 1200 : i32
    %add3A_230 = arith.addi %mul3A_2, %add3A_229 : i32
    %dma_start3A_231 = tpu.memref_slice %arg3[%add3A_230] : memref<819200xi32, #tpu.memory_space<hbm>> -> memref<400xi32, #tpu.memory_space<hbm>>
    %dma_start3A_232 = tpu.memref_slice %arg3[%add3A_230] : memref<819200xi32, #tpu.memory_space<hbm>> -> memref<400xi32, #tpu.memory_space<hbm>>
    tpu.enqueue_dma source(%dma_start3A_232 : memref<400xi32, #tpu.memory_space<hbm>>) target(%arg7 : memref<400xi32, #tpu.memory_space<vmem>>) target_semaphore(%arg13 : memref<!tpu.dma_semaphore, #tpu.memory_space<semaphore_mem>>)
    %parallel_loop3A_233 = arith.constant 0 : i32
    %parallel_loop3A_234 = arith.constant 200 : i32
    %parallel_loop3A_235 = arith.constant 1 : i32
    scf.for %parallel_loop3A_427 = %parallel_loop3A_233 to %parallel_loop3A_234 step %parallel_loop3A_235  : i32 {
      %parallel_loop3A_428 = arith.index_cast %parallel_loop3A_427 : i32 to index
      %parallel_loop3A_429 = arith.constant 0 : index
      %parallel_loop3A_430 = tpu.vector_load %arg8[%parallel_loop3A_428, %parallel_loop3A_429] {strides = array<i32>} : memref<200x64xf32, #tpu.memory_space<vmem>>, vector<1x16xf32>,
      %parallel_loop3A_431 = vector.shape_cast %parallel_loop3A_430 : vector<1x16xf32> to vector<16xf32>
      %parallel_loop3A_432 = arith.constant 0 : i32
      %parallel_loop3A_433 = arith.index_cast %parallel_loop3A_432 : i32 to index
      %parallel_loop3A_434 = arith.index_cast %parallel_loop3A_427 : i32 to index
      %parallel_loop3A_435 = arith.constant 0 : index
      %parallel_loop3A_436 = tpu.vector_load %arg10[%parallel_loop3A_433, %parallel_loop3A_434, %parallel_loop3A_435] {strides = array<i32>} : memref<2x200x64xf32, #tpu.memory_space<vmem>>, vector<1x1x16xf32>,
      %parallel_loop3A_437 = vector.shape_cast %parallel_loop3A_436 : vector<1x1x16xf32> to vector<16xf32>
      %parallel_loop3A_438 = vector.shape_cast %parallel_loop3A_431 : vector<16xf32> to vector<1x1x16xf32>
      tpu.vector_store %arg10[%parallel_loop3A_433, %parallel_loop3A_434, %parallel_loop3A_435], %parallel_loop3A_438 {add = true, strides = array<i32>} : memref<2x200x64xf32, #tpu.memory_space<vmem>>, vector<1x1x16xf32>,
      %parallel_loop3A_439 = arith.constant 1 : i32
      %parallel_loop3A_440 = arith.index_cast %parallel_loop3A_439 : i32 to index
      %parallel_loop3A_441 = arith.index_cast %parallel_loop3A_427 : i32 to index
      %parallel_loop3A_442 = arith.constant 0 : index
      %parallel_loop3A_443 = tpu.vector_load %arg10[%parallel_loop3A_440, %parallel_loop3A_441, %parallel_loop3A_442] {strides = array<i32>} : memref<2x200x64xf32, #tpu.memory_space<vmem>>, vector<1x1x16xf32>,
      %parallel_loop3A_444 = vector.shape_cast %parallel_loop3A_443 : vector<1x1x16xf32> to vector<16xf32>
      %parallel_loop3A_445 = vector.shape_cast %parallel_loop3A_431 : vector<16xf32> to vector<1x1x16xf32>
      tpu.vector_store %arg10[%parallel_loop3A_440, %parallel_loop3A_441, %parallel_loop3A_442], %parallel_loop3A_445 {add = true, strides = array<i32>} : memref<2x200x64xf32, #tpu.memory_space<vmem>>, vector<1x1x16xf32>,
      %parallel_loop3A_446 = arith.index_cast %parallel_loop3A_427 : i32 to index
      %parallel_loop3A_447 = arith.constant 16 : index
      %parallel_loop3A_448 = tpu.vector_load %arg8[%parallel_loop3A_446, %parallel_loop3A_447] {strides = array<i32>} : memref<200x64xf32, #tpu.memory_space<vmem>>, vector<1x16xf32>,
      %parallel_loop3A_449 = vector.shape_cast %parallel_loop3A_448 : vector<1x16xf32> to vector<16xf32>
      %parallel_loop3A_450 = arith.constant 0 : i32
      %parallel_loop3A_451 = arith.index_cast %parallel_loop3A_450 : i32 to index
      %parallel_loop3A_452 = arith.index_cast %parallel_loop3A_427 : i32 to index
      %parallel_loop3A_453 = arith.constant 16 : index
      %parallel_loop3A_454 = tpu.vector_load %arg10[%parallel_loop3A_451, %parallel_loop3A_452, %parallel_loop3A_453] {strides = array<i32>} : memref<2x200x64xf32, #tpu.memory_space<vmem>>, vector<1x1x16xf32>,
      %parallel_loop3A_455 = vector.shape_cast %parallel_loop3A_454 : vector<1x1x16xf32> to vector<16xf32>
      %parallel_loop3A_456 = vector.shape_cast %parallel_loop3A_449 : vector<16xf32> to vector<1x1x16xf32>
      tpu.vector_store %arg10[%parallel_loop3A_451, %parallel_loop3A_452, %parallel_loop3A_453], %parallel_loop3A_456 {add = true, strides = array<i32>} : memref<2x200x64xf32, #tpu.memory_space<vmem>>, vector<1x1x16xf32>,
      %parallel_loop3A_457 = arith.constant 1 : i32
      %parallel_loop3A_458 = arith.index_cast %parallel_loop3A_457 : i32 to index
      %parallel_loop3A_459 = arith.index_cast %parallel_loop3A_427 : i32 to index
      %parallel_loop3A_460 = arith.constant 16 : index
      %parallel_loop3A_461 = tpu.vector_load %arg10[%parallel_loop3A_458, %parallel_loop3A_459, %parallel_loop3A_460] {strides = array<i32>} : memref<2x200x64xf32, #tpu.memory_space<vmem>>, vector<1x1x16xf32>,
      %parallel_loop3A_462 = vector.shape_cast %parallel_loop3A_461 : vector<1x1x16xf32> to vector<16xf32>
      %parallel_loop3A_463 = vector.shape_cast %parallel_loop3A_449 : vector<16xf32> to vector<1x1x16xf32>
      tpu.vector_store %arg10[%parallel_loop3A_458, %parallel_loop3A_459, %parallel_loop3A_460], %parallel_loop3A_463 {add = true, strides = array<i32>} : memref<2x200x64xf32, #tpu.memory_space<vmem>>, vector<1x1x16xf32>,
      %parallel_loop3A_464 = arith.index_cast %parallel_loop3A_427 : i32 to index
      %parallel_loop3A_465 = arith.constant 32 : index
      %parallel_loop3A_466 = tpu.vector_load %arg8[%parallel_loop3A_464, %parallel_loop3A_465] {strides = array<i32>} : memref<200x64xf32, #tpu.memory_space<vmem>>, vector<1x16xf32>,
      %parallel_loop3A_467 = vector.shape_cast %parallel_loop3A_466 : vector<1x16xf32> to vector<16xf32>
      %parallel_loop3A_468 = arith.constant 0 : i32
      %parallel_loop3A_469 = arith.index_cast %parallel_loop3A_468 : i32 to index
      %parallel_loop3A_470 = arith.index_cast %parallel_loop3A_427 : i32 to index
      %parallel_loop3A_471 = arith.constant 32 : index
      %parallel_loop3A_472 = tpu.vector_load %arg10[%parallel_loop3A_469, %parallel_loop3A_470, %parallel_loop3A_471] {strides = array<i32>} : memref<2x200x64xf32, #tpu.memory_space<vmem>>, vector<1x1x16xf32>,
      %parallel_loop3A_473 = vector.shape_cast %parallel_loop3A_472 : vector<1x1x16xf32> to vector<16xf32>
      %parallel_loop3A_474 = vector.shape_cast %parallel_loop3A_467 : vector<16xf32> to vector<1x1x16xf32>
      tpu.vector_store %arg10[%parallel_loop3A_469, %parallel_loop3A_470, %parallel_loop3A_471], %parallel_loop3A_474 {add = true, strides = array<i32>} : memref<2x200x64xf32, #tpu.memory_space<vmem>>, vector<1x1x16xf32>,
      %parallel_loop3A_475 = arith.constant 1 : i32
      %parallel_loop3A_476 = arith.index_cast %parallel_loop3A_475 : i32 to index
      %parallel_loop3A_477 = arith.index_cast %parallel_loop3A_427 : i32 to index
      %parallel_loop3A_478 = arith.constant 32 : index
      %parallel_loop3A_479 = tpu.vector_load %arg10[%parallel_loop3A_476, %parallel_loop3A_477, %parallel_loop3A_478] {strides = array<i32>} : memref<2x200x64xf32, #tpu.memory_space<vmem>>, vector<1x1x16xf32>,
      %parallel_loop3A_480 = vector.shape_cast %parallel_loop3A_479 : vector<1x1x16xf32> to vector<16xf32>
      %parallel_loop3A_481 = vector.shape_cast %parallel_loop3A_467 : vector<16xf32> to vector<1x1x16xf32>
      tpu.vector_store %arg10[%parallel_loop3A_476, %parallel_loop3A_477, %parallel_loop3A_478], %parallel_loop3A_481 {add = true, strides = array<i32>} : memref<2x200x64xf32, #tpu.memory_space<vmem>>, vector<1x1x16xf32>,
      %parallel_loop3A_482 = arith.index_cast %parallel_loop3A_427 : i32 to index
      %parallel_loop3A_483 = arith.constant 48 : index
      %parallel_loop3A_484 = tpu.vector_load %arg8[%parallel_loop3A_482, %parallel_loop3A_483] {strides = array<i32>} : memref<200x64xf32, #tpu.memory_space<vmem>>, vector<1x16xf32>,
      %parallel_loop3A_485 = vector.shape_cast %parallel_loop3A_484 : vector<1x16xf32> to vector<16xf32>
      %parallel_loop3A_486 = arith.constant 0 : i32
      %parallel_loop3A_487 = arith.index_cast %parallel_loop3A_486 : i32 to index
      %parallel_loop3A_488 = arith.index_cast %parallel_loop3A_427 : i32 to index
      %parallel_loop3A_489 = arith.constant 48 : index
      %parallel_loop3A_490 = tpu.vector_load %arg10[%parallel_loop3A_487, %parallel_loop3A_488, %parallel_loop3A_489] {strides = array<i32>} : memref<2x200x64xf32, #tpu.memory_space<vmem>>, vector<1x1x16xf32>,
      %parallel_loop3A_491 = vector.shape_cast %parallel_loop3A_490 : vector<1x1x16xf32> to vector<16xf32>
      %parallel_loop3A_492 = vector.shape_cast %parallel_loop3A_485 : vector<16xf32> to vector<1x1x16xf32>
      tpu.vector_store %arg10[%parallel_loop3A_487, %parallel_loop3A_488, %parallel_loop3A_489], %parallel_loop3A_492 {add = true, strides = array<i32>} : memref<2x200x64xf32, #tpu.memory_space<vmem>>, vector<1x1x16xf32>,
      %parallel_loop3A_493 = arith.constant 1 : i32
      %parallel_loop3A_494 = arith.index_cast %parallel_loop3A_493 : i32 to index
      %parallel_loop3A_495 = arith.index_cast %parallel_loop3A_427 : i32 to index
      %parallel_loop3A_496 = arith.constant 48 : index
      %parallel_loop3A_497 = tpu.vector_load %arg10[%parallel_loop3A_494, %parallel_loop3A_495, %parallel_loop3A_496] {strides = array<i32>} : memref<2x200x64xf32, #tpu.memory_space<vmem>>, vector<1x1x16xf32>,
      %parallel_loop3A_498 = vector.shape_cast %parallel_loop3A_497 : vector<1x1x16xf32> to vector<16xf32>
      %parallel_loop3A_499 = vector.shape_cast %parallel_loop3A_485 : vector<16xf32> to vector<1x1x16xf32>
      tpu.vector_store %arg10[%parallel_loop3A_494, %parallel_loop3A_495, %parallel_loop3A_496], %parallel_loop3A_499 {add = true, strides = array<i32>} : memref<2x200x64xf32, #tpu.memory_space<vmem>>, vector<1x1x16xf32>,
    } {sc.loop_unroll_factor = 4 : i64, sc.parallel_access}
    %add3A_236 = arith.constant 2 : i32
    %add3A_237 = arith.addi %mul3A_4, %add3A_236 : i32
    %dma_start3A_238 = arith.constant 0 : i32
    %dma_start3A_239 = arith.constant 0 : i32
    %dma_start3A_240 = tpu.memref_slice %arg5[%add3A_237, %dma_start3A_238, %dma_start3A_239] : memref<4096x200x128xf32, #tpu.memory_space<hbm>> -> memref<2x200x64xf32, #tpu.memory_space<hbm>>
    %dma_start3A_241 = arith.constant 0 : i32
    %dma_start3A_242 = arith.constant 0 : i32
    %dma_start3A_243 = tpu.memref_slice %arg5[%add3A_237, %dma_start3A_241, %dma_start3A_242] : memref<4096x200x128xf32, #tpu.memory_space<hbm>> -> memref<2x200x64xf32, #tpu.memory_space<hbm>>
    tpu.enqueue_dma source(%arg10 : memref<2x200x64xf32, #tpu.memory_space<vmem>>) target(%dma_start3A_243 : memref<2x200x64xf32, #tpu.memory_space<hbm>>) target_semaphore(%arg14 : memref<!tpu.dma_semaphore, #tpu.memory_space<semaphore_mem>>)
    %scan3A = arith.constant 0 : i32
    %scan3A_244 = arith.constant 0 : i32
    %scan3A_245 = arith.constant 10 : i32
    %scan3A_246 = arith.addi %scan3A_244, %scan3A_245 : i32
    %scan3A_247 = arith.constant 1 : i32
    scf.for %scan3A_427 = %scan3A_244 to %scan3A_246 step %scan3A_247  : i32 {
      %mul3A_428 = arith.constant 6 : i32
      %mul3A_429 = arith.muli %mul3A_428, %scan3A_427 : i32
      %add3A_430 = arith.constant 2 : i32
      %add3A_431 = arith.addi %add3A_430, %mul3A_429 : i32
      %add3A_432 = arith.constant 0 : i32
      %add3A_433 = arith.addi %add3A_431, %add3A_432 : i32
      %dma_wait3A_434 = arith.constant 0 : i32
      %dma_wait3A_435 = arith.constant 0 : i32
      %dma_wait3A_436 = arith.constant 0 : i32
      %dma_wait3A_437 = tpu.memref_slice %arg11[%dma_wait3A_434, %dma_wait3A_435, %dma_wait3A_436] : memref<2x200x64xf32, #tpu.memory_space<vmem>> -> memref<1x128x64xf32, #tpu.memory_space<vmem>>
      %dma_wait3A_438 = tpu.memref_squeeze %dma_wait3A_437 : memref<1x128x64xf32, #tpu.memory_space<vmem>> -> memref<128x64xf32, #tpu.memory_space<vmem>>
      %dma_wait3A_439 = arith.constant 0 : i32
      %dma_wait3A_440 = tpu.memref_slice %arg6[%dma_wait3A_439] : memref<400xi32, #tpu.memory_space<vmem>> -> memref<128xi32, #tpu.memory_space<vmem>>
      %dma_wait3A_441 = arith.constant 0 : i32
      %dma_wait3A_442 = arith.constant 0 : i32
      %dma_wait3A_443 = tpu.memref_slice %arg2[%dma_wait3A_441, %dma_wait3A_442] : memref<1000000x64xf32, #tpu.memory_space<hbm>> -> memref<1000000x64xf32, #tpu.memory_space<hbm>>
      tpu.wait_indirect_dma semaphore(%arg12 : memref<!tpu.dma_semaphore, #tpu.memory_space<semaphore_mem>>) src(%dma_wait3A_443 : memref<1000000x64xf32, #tpu.memory_space<hbm>>) dst(%dma_wait3A_438 : memref<128x64xf32, #tpu.memory_space<vmem>>)
      %dma_wait3A_444 = arith.constant 0 : i32
      %dma_wait3A_445 = arith.constant 128 : i32
      %dma_wait3A_446 = arith.constant 0 : i32
      %dma_wait3A_447 = tpu.memref_slice %arg11[%dma_wait3A_444, %dma_wait3A_445, %dma_wait3A_446] : memref<2x200x64xf32, #tpu.memory_space<vmem>> -> memref<1x72x64xf32, #tpu.memory_space<vmem>>
      %dma_wait3A_448 = tpu.memref_squeeze %dma_wait3A_447 : memref<1x72x64xf32, #tpu.memory_space<vmem>> -> memref<72x64xf32, #tpu.memory_space<vmem>>
      %dma_wait3A_449 = arith.constant 128 : i32
      %dma_wait3A_450 = tpu.memref_slice %arg6[%dma_wait3A_449] : memref<400xi32, #tpu.memory_space<vmem>> -> memref<72xi32, #tpu.memory_space<vmem>>
      %dma_wait3A_451 = arith.constant 0 : i32
      %dma_wait3A_452 = arith.constant 0 : i32
      %dma_wait3A_453 = tpu.memref_slice %arg2[%dma_wait3A_451, %dma_wait3A_452] : memref<1000000x64xf32, #tpu.memory_space<hbm>> -> memref<1000000x64xf32, #tpu.memory_space<hbm>>
      tpu.wait_indirect_dma semaphore(%arg12 : memref<!tpu.dma_semaphore, #tpu.memory_space<semaphore_mem>>) src(%dma_wait3A_453 : memref<1000000x64xf32, #tpu.memory_space<hbm>>) dst(%dma_wait3A_448 : memref<72x64xf32, #tpu.memory_space<vmem>>)
      %dma_wait3A_454 = arith.constant 1 : i32
      %dma_wait3A_455 = arith.constant 0 : i32
      %dma_wait3A_456 = arith.constant 0 : i32
      %dma_wait3A_457 = tpu.memref_slice %arg11[%dma_wait3A_454, %dma_wait3A_455, %dma_wait3A_456] : memref<2x200x64xf32, #tpu.memory_space<vmem>> -> memref<1x128x64xf32, #tpu.memory_space<vmem>>
      %dma_wait3A_458 = tpu.memref_squeeze %dma_wait3A_457 : memref<1x128x64xf32, #tpu.memory_space<vmem>> -> memref<128x64xf32, #tpu.memory_space<vmem>>
      %dma_wait3A_459 = arith.constant 200 : i32
      %dma_wait3A_460 = tpu.memref_slice %arg6[%dma_wait3A_459] : memref<400xi32, #tpu.memory_space<vmem>> -> memref<128xi32, #tpu.memory_space<vmem>>
      %dma_wait3A_461 = arith.constant 0 : i32
      %dma_wait3A_462 = arith.constant 0 : i32
      %dma_wait3A_463 = tpu.memref_slice %arg2[%dma_wait3A_461, %dma_wait3A_462] : memref<1000000x64xf32, #tpu.memory_space<hbm>> -> memref<1000000x64xf32, #tpu.memory_space<hbm>>
      tpu.wait_indirect_dma semaphore(%arg12 : memref<!tpu.dma_semaphore, #tpu.memory_space<semaphore_mem>>) src(%dma_wait3A_463 : memref<1000000x64xf32, #tpu.memory_space<hbm>>) dst(%dma_wait3A_458 : memref<128x64xf32, #tpu.memory_space<vmem>>)
      %dma_wait3A_464 = arith.constant 1 : i32
      %dma_wait3A_465 = arith.constant 128 : i32
      %dma_wait3A_466 = arith.constant 0 : i32
      %dma_wait3A_467 = tpu.memref_slice %arg11[%dma_wait3A_464, %dma_wait3A_465, %dma_wait3A_466] : memref<2x200x64xf32, #tpu.memory_space<vmem>> -> memref<1x72x64xf32, #tpu.memory_space<vmem>>
      %dma_wait3A_468 = tpu.memref_squeeze %dma_wait3A_467 : memref<1x72x64xf32, #tpu.memory_space<vmem>> -> memref<72x64xf32, #tpu.memory_space<vmem>>
      %dma_wait3A_469 = arith.constant 328 : i32
      %dma_wait3A_470 = tpu.memref_slice %arg6[%dma_wait3A_469] : memref<400xi32, #tpu.memory_space<vmem>> -> memref<72xi32, #tpu.memory_space<vmem>>
      %dma_wait3A_471 = arith.constant 0 : i32
      %dma_wait3A_472 = arith.constant 0 : i32
      %dma_wait3A_473 = tpu.memref_slice %arg2[%dma_wait3A_471, %dma_wait3A_472] : memref<1000000x64xf32, #tpu.memory_space<hbm>> -> memref<1000000x64xf32, #tpu.memory_space<hbm>>
      tpu.wait_indirect_dma semaphore(%arg12 : memref<!tpu.dma_semaphore, #tpu.memory_space<semaphore_mem>>) src(%dma_wait3A_473 : memref<1000000x64xf32, #tpu.memory_space<hbm>>) dst(%dma_wait3A_468 : memref<72x64xf32, #tpu.memory_space<vmem>>)
      %mul3A_474 = arith.constant 2 : i32
      %mul3A_475 = arith.muli %add3A_433, %mul3A_474 : i32
      %add3A_476 = arith.addi %mul3A_4, %mul3A_475 : i32
      %dma_wait3A_477 = arith.constant 0 : i32
      %dma_wait3A_478 = arith.constant 0 : i32
      %dma_wait3A_479 = tpu.memref_slice %arg5[%add3A_476, %dma_wait3A_477, %dma_wait3A_478] : memref<4096x200x128xf32, #tpu.memory_space<hbm>> -> memref<2x200x64xf32, #tpu.memory_space<hbm>>
      %dma_wait3A_480 = arith.constant 0 : i32
      %dma_wait3A_481 = arith.constant 0 : i32
      %dma_wait3A_482 = tpu.memref_slice %arg5[%add3A_476, %dma_wait3A_480, %dma_wait3A_481] : memref<4096x200x128xf32, #tpu.memory_space<hbm>> -> memref<2x200x64xf32, #tpu.memory_space<hbm>>
      tpu.wait_dma2 semaphore(%arg14 : memref<!tpu.dma_semaphore, #tpu.memory_space<semaphore_mem>>) src(%arg9 : memref<2x200x64xf32, #tpu.memory_space<vmem>>) dst(%dma_wait3A_482 : memref<2x200x64xf32, #tpu.memory_space<hbm>>)
      %add3A_483 = arith.constant 1 : i32
      %add3A_484 = arith.addi %add3A_433, %add3A_483 : i32
      %mul3A_485 = arith.constant 400 : i32
      %mul3A_486 = arith.muli %add3A_484, %mul3A_485 : i32
      %add3A_487 = arith.addi %mul3A_2, %mul3A_486 : i32
      %dma_wait3A_488 = tpu.memref_slice %arg3[%add3A_487] : memref<819200xi32, #tpu.memory_space<hbm>> -> memref<400xi32, #tpu.memory_space<hbm>>
      %dma_wait3A_489 = tpu.memref_slice %arg3[%add3A_487] : memref<819200xi32, #tpu.memory_space<hbm>> -> memref<400xi32, #tpu.memory_space<hbm>>
      tpu.wait_dma2 semaphore(%arg13 : memref<!tpu.dma_semaphore, #tpu.memory_space<semaphore_mem>>) src(%dma_wait3A_489 : memref<400xi32, #tpu.memory_space<hbm>>) dst(%arg7 : memref<400xi32, #tpu.memory_space<vmem>>)
      %dma_start3A_490 = arith.constant 0 : i32
      %dma_start3A_491 = arith.constant 0 : i32
      %dma_start3A_492 = arith.constant 0 : i32
      %dma_start3A_493 = tpu.memref_slice %arg9[%dma_start3A_490, %dma_start3A_491, %dma_start3A_492] : memref<2x200x64xf32, #tpu.memory_space<vmem>> -> memref<1x128x64xf32, #tpu.memory_space<vmem>>
      %dma_start3A_494 = tpu.memref_squeeze %dma_start3A_493 : memref<1x128x64xf32, #tpu.memory_space<vmem>> -> memref<128x64xf32, #tpu.memory_space<vmem>>
      %dma_start3A_495 = arith.constant 0 : i32
      %dma_start3A_496 = tpu.memref_slice %arg7[%dma_start3A_495] : memref<400xi32, #tpu.memory_space<vmem>> -> memref<128xi32, #tpu.memory_space<vmem>>
      %dma_start3A_497 = arith.constant 0 : i32
      %dma_start3A_498 = arith.constant 0 : i32
      %dma_start3A_499 = tpu.memref_slice %arg2[%dma_start3A_497, %dma_start3A_498] : memref<1000000x64xf32, #tpu.memory_space<hbm>> -> memref<1000000x64xf32, #tpu.memory_space<hbm>>
      tpu.enqueue_indirect_dma source(%dma_start3A_499 : memref<1000000x64xf32, #tpu.memory_space<hbm>>) target(%dma_start3A_494 : memref<128x64xf32, #tpu.memory_space<vmem>>) offsets(%dma_start3A_496 : memref<128xi32, #tpu.memory_space<vmem>>) semaphore(%arg12 : memref<!tpu.dma_semaphore, #tpu.memory_space<semaphore_mem>>)
      %dma_start3A_500 = arith.constant 0 : i32
      %dma_start3A_501 = arith.constant 128 : i32
      %dma_start3A_502 = arith.constant 0 : i32
      %dma_start3A_503 = tpu.memref_slice %arg9[%dma_start3A_500, %dma_start3A_501, %dma_start3A_502] : memref<2x200x64xf32, #tpu.memory_space<vmem>> -> memref<1x72x64xf32, #tpu.memory_space<vmem>>
      %dma_start3A_504 = tpu.memref_squeeze %dma_start3A_503 : memref<1x72x64xf32, #tpu.memory_space<vmem>> -> memref<72x64xf32, #tpu.memory_space<vmem>>
      %dma_start3A_505 = arith.constant 128 : i32
      %dma_start3A_506 = tpu.memref_slice %arg7[%dma_start3A_505] : memref<400xi32, #tpu.memory_space<vmem>> -> memref<72xi32, #tpu.memory_space<vmem>>
      %dma_start3A_507 = arith.constant 0 : i32
      %dma_start3A_508 = arith.constant 0 : i32
      %dma_start3A_509 = tpu.memref_slice %arg2[%dma_start3A_507, %dma_start3A_508] : memref<1000000x64xf32, #tpu.memory_space<hbm>> -> memref<1000000x64xf32, #tpu.memory_space<hbm>>
      tpu.enqueue_indirect_dma source(%dma_start3A_509 : memref<1000000x64xf32, #tpu.memory_space<hbm>>) target(%dma_start3A_504 : memref<72x64xf32, #tpu.memory_space<vmem>>) offsets(%dma_start3A_506 : memref<72xi32, #tpu.memory_space<vmem>>) semaphore(%arg12 : memref<!tpu.dma_semaphore, #tpu.memory_space<semaphore_mem>>)
      %dma_start3A_510 = arith.constant 1 : i32
      %dma_start3A_511 = arith.constant 0 : i32
      %dma_start3A_512 = arith.constant 0 : i32
      %dma_start3A_513 = tpu.memref_slice %arg9[%dma_start3A_510, %dma_start3A_511, %dma_start3A_512] : memref<2x200x64xf32, #tpu.memory_space<vmem>> -> memref<1x128x64xf32, #tpu.memory_space<vmem>>
      %dma_start3A_514 = tpu.memref_squeeze %dma_start3A_513 : memref<1x128x64xf32, #tpu.memory_space<vmem>> -> memref<128x64xf32, #tpu.memory_space<vmem>>
      %dma_start3A_515 = arith.constant 200 : i32
      %dma_start3A_516 = tpu.memref_slice %arg7[%dma_start3A_515] : memref<400xi32, #tpu.memory_space<vmem>> -> memref<128xi32, #tpu.memory_space<vmem>>
      %dma_start3A_517 = arith.constant 0 : i32
      %dma_start3A_518 = arith.constant 0 : i32
      %dma_start3A_519 = tpu.memref_slice %arg2[%dma_start3A_517, %dma_start3A_518] : memref<1000000x64xf32, #tpu.memory_space<hbm>> -> memref<1000000x64xf32, #tpu.memory_space<hbm>>
      tpu.enqueue_indirect_dma source(%dma_start3A_519 : memref<1000000x64xf32, #tpu.memory_space<hbm>>) target(%dma_start3A_514 : memref<128x64xf32, #tpu.memory_space<vmem>>) offsets(%dma_start3A_516 : memref<128xi32, #tpu.memory_space<vmem>>) semaphore(%arg12 : memref<!tpu.dma_semaphore, #tpu.memory_space<semaphore_mem>>)
      %dma_start3A_520 = arith.constant 1 : i32
      %dma_start3A_521 = arith.constant 128 : i32
      %dma_start3A_522 = arith.constant 0 : i32
      %dma_start3A_523 = tpu.memref_slice %arg9[%dma_start3A_520, %dma_start3A_521, %dma_start3A_522] : memref<2x200x64xf32, #tpu.memory_space<vmem>> -> memref<1x72x64xf32, #tpu.memory_space<vmem>>
      %dma_start3A_524 = tpu.memref_squeeze %dma_start3A_523 : memref<1x72x64xf32, #tpu.memory_space<vmem>> -> memref<72x64xf32, #tpu.memory_space<vmem>>
      %dma_start3A_525 = arith.constant 328 : i32
      %dma_start3A_526 = tpu.memref_slice %arg7[%dma_start3A_525] : memref<400xi32, #tpu.memory_space<vmem>> -> memref<72xi32, #tpu.memory_space<vmem>>
      %dma_start3A_527 = arith.constant 0 : i32
      %dma_start3A_528 = arith.constant 0 : i32
      %dma_start3A_529 = tpu.memref_slice %arg2[%dma_start3A_527, %dma_start3A_528] : memref<1000000x64xf32, #tpu.memory_space<hbm>> -> memref<1000000x64xf32, #tpu.memory_space<hbm>>
      tpu.enqueue_indirect_dma source(%dma_start3A_529 : memref<1000000x64xf32, #tpu.memory_space<hbm>>) target(%dma_start3A_524 : memref<72x64xf32, #tpu.memory_space<vmem>>) offsets(%dma_start3A_526 : memref<72xi32, #tpu.memory_space<vmem>>) semaphore(%arg12 : memref<!tpu.dma_semaphore, #tpu.memory_space<semaphore_mem>>)
      %add3A_530 = arith.constant 2 : i32
      %add3A_531 = arith.addi %add3A_433, %add3A_530 : i32
      %mul3A_532 = arith.constant 400 : i32
      %mul3A_533 = arith.muli %add3A_531, %mul3A_532 : i32
      %add3A_534 = arith.addi %mul3A_2, %mul3A_533 : i32
      %dma_start3A_535 = tpu.memref_slice %arg3[%add3A_534] : memref<819200xi32, #tpu.memory_space<hbm>> -> memref<400xi32, #tpu.memory_space<hbm>>
      %dma_start3A_536 = tpu.memref_slice %arg3[%add3A_534] : memref<819200xi32, #tpu.memory_space<hbm>> -> memref<400xi32, #tpu.memory_space<hbm>>
      tpu.enqueue_dma source(%dma_start3A_536 : memref<400xi32, #tpu.memory_space<hbm>>) target(%arg6 : memref<400xi32, #tpu.memory_space<vmem>>) target_semaphore(%arg13 : memref<!tpu.dma_semaphore, #tpu.memory_space<semaphore_mem>>)
      %parallel_loop3A_537 = arith.constant 0 : i32
      %parallel_loop3A_538 = arith.constant 200 : i32
      %parallel_loop3A_539 = arith.constant 1 : i32
      scf.for %parallel_loop3A_1134 = %parallel_loop3A_537 to %parallel_loop3A_538 step %parallel_loop3A_539  : i32 {
        %parallel_loop3A_1135 = arith.index_cast %parallel_loop3A_1134 : i32 to index
        %parallel_loop3A_1136 = arith.constant 0 : index
        %parallel_loop3A_1137 = tpu.vector_load %arg8[%parallel_loop3A_1135, %parallel_loop3A_1136] {strides = array<i32>} : memref<200x64xf32, #tpu.memory_space<vmem>>, vector<1x16xf32>,
        %parallel_loop3A_1138 = vector.shape_cast %parallel_loop3A_1137 : vector<1x16xf32> to vector<16xf32>
        %parallel_loop3A_1139 = arith.constant 0 : i32
        %parallel_loop3A_1140 = arith.index_cast %parallel_loop3A_1139 : i32 to index
        %parallel_loop3A_1141 = arith.index_cast %parallel_loop3A_1134 : i32 to index
        %parallel_loop3A_1142 = arith.constant 0 : index
        %parallel_loop3A_1143 = tpu.vector_load %arg11[%parallel_loop3A_1140, %parallel_loop3A_1141, %parallel_loop3A_1142] {strides = array<i32>} : memref<2x200x64xf32, #tpu.memory_space<vmem>>, vector<1x1x16xf32>,
        %parallel_loop3A_1144 = vector.shape_cast %parallel_loop3A_1143 : vector<1x1x16xf32> to vector<16xf32>
        %parallel_loop3A_1145 = vector.shape_cast %parallel_loop3A_1138 : vector<16xf32> to vector<1x1x16xf32>
        tpu.vector_store %arg11[%parallel_loop3A_1140, %parallel_loop3A_1141, %parallel_loop3A_1142], %parallel_loop3A_1145 {add = true, strides = array<i32>} : memref<2x200x64xf32, #tpu.memory_space<vmem>>, vector<1x1x16xf32>,
        %parallel_loop3A_1146 = arith.constant 1 : i32
        %parallel_loop3A_1147 = arith.index_cast %parallel_loop3A_1146 : i32 to index
        %parallel_loop3A_1148 = arith.index_cast %parallel_loop3A_1134 : i32 to index
        %parallel_loop3A_1149 = arith.constant 0 : index
        %parallel_loop3A_1150 = tpu.vector_load %arg11[%parallel_loop3A_1147, %parallel_loop3A_1148, %parallel_loop3A_1149] {strides = array<i32>} : memref<2x200x64xf32, #tpu.memory_space<vmem>>, vector<1x1x16xf32>,
        %parallel_loop3A_1151 = vector.shape_cast %parallel_loop3A_1150 : vector<1x1x16xf32> to vector<16xf32>
        %parallel_loop3A_1152 = vector.shape_cast %parallel_loop3A_1138 : vector<16xf32> to vector<1x1x16xf32>
        tpu.vector_store %arg11[%parallel_loop3A_1147, %parallel_loop3A_1148, %parallel_loop3A_1149], %parallel_loop3A_1152 {add = true, strides = array<i32>} : memref<2x200x64xf32, #tpu.memory_space<vmem>>, vector<1x1x16xf32>,
        %parallel_loop3A_1153 = arith.index_cast %parallel_loop3A_1134 : i32 to index
        %parallel_loop3A_1154 = arith.constant 16 : index
        %parallel_loop3A_1155 = tpu.vector_load %arg8[%parallel_loop3A_1153, %parallel_loop3A_1154] {strides = array<i32>} : memref<200x64xf32, #tpu.memory_space<vmem>>, vector<1x16xf32>,
        %parallel_loop3A_1156 = vector.shape_cast %parallel_loop3A_1155 : vector<1x16xf32> to vector<16xf32>
        %parallel_loop3A_1157 = arith.constant 0 : i32
        %parallel_loop3A_1158 = arith.index_cast %parallel_loop3A_1157 : i32 to index
        %parallel_loop3A_1159 = arith.index_cast %parallel_loop3A_1134 : i32 to index
        %parallel_loop3A_1160 = arith.constant 16 : index
        %parallel_loop3A_1161 = tpu.vector_load %arg11[%parallel_loop3A_1158, %parallel_loop3A_1159, %parallel_loop3A_1160] {strides = array<i32>} : memref<2x200x64xf32, #tpu.memory_space<vmem>>, vector<1x1x16xf32>,
        %parallel_loop3A_1162 = vector.shape_cast %parallel_loop3A_1161 : vector<1x1x16xf32> to vector<16xf32>
        %parallel_loop3A_1163 = vector.shape_cast %parallel_loop3A_1156 : vector<16xf32> to vector<1x1x16xf32>
        tpu.vector_store %arg11[%parallel_loop3A_1158, %parallel_loop3A_1159, %parallel_loop3A_1160], %parallel_loop3A_1163 {add = true, strides = array<i32>} : memref<2x200x64xf32, #tpu.memory_space<vmem>>, vector<1x1x16xf32>,
        %parallel_loop3A_1164 = arith.constant 1 : i32
        %parallel_loop3A_1165 = arith.index_cast %parallel_loop3A_1164 : i32 to index
        %parallel_loop3A_1166 = arith.index_cast %parallel_loop3A_1134 : i32 to index
        %parallel_loop3A_1167 = arith.constant 16 : index
        %parallel_loop3A_1168 = tpu.vector_load %arg11[%parallel_loop3A_1165, %parallel_loop3A_1166, %parallel_loop3A_1167] {strides = array<i32>} : memref<2x200x64xf32, #tpu.memory_space<vmem>>, vector<1x1x16xf32>,
        %parallel_loop3A_1169 = vector.shape_cast %parallel_loop3A_1168 : vector<1x1x16xf32> to vector<16xf32>
        %parallel_loop3A_1170 = vector.shape_cast %parallel_loop3A_1156 : vector<16xf32> to vector<1x1x16xf32>
        tpu.vector_store %arg11[%parallel_loop3A_1165, %parallel_loop3A_1166, %parallel_loop3A_1167], %parallel_loop3A_1170 {add = true, strides = array<i32>} : memref<2x200x64xf32, #tpu.memory_space<vmem>>, vector<1x1x16xf32>,
        %parallel_loop3A_1171 = arith.index_cast %parallel_loop3A_1134 : i32 to index
        %parallel_loop3A_1172 = arith.constant 32 : index
        %parallel_loop3A_1173 = tpu.vector_load %arg8[%parallel_loop3A_1171, %parallel_loop3A_1172] {strides = array<i32>} : memref<200x64xf32, #tpu.memory_space<vmem>>, vector<1x16xf32>,
        %parallel_loop3A_1174 = vector.shape_cast %parallel_loop3A_1173 : vector<1x16xf32> to vector<16xf32>
        %parallel_loop3A_1175 = arith.constant 0 : i32
        %parallel_loop3A_1176 = arith.index_cast %parallel_loop3A_1175 : i32 to index
        %parallel_loop3A_1177 = arith.index_cast %parallel_loop3A_1134 : i32 to index
        %parallel_loop3A_1178 = arith.constant 32 : index
        %parallel_loop3A_1179 = tpu.vector_load %arg11[%parallel_loop3A_1176, %parallel_loop3A_1177, %parallel_loop3A_1178] {strides = array<i32>} : memref<2x200x64xf32, #tpu.memory_space<vmem>>, vector<1x1x16xf32>,
        %parallel_loop3A_1180 = vector.shape_cast %parallel_loop3A_1179 : vector<1x1x16xf32> to vector<16xf32>
        %parallel_loop3A_1181 = vector.shape_cast %parallel_loop3A_1174 : vector<16xf32> to vector<1x1x16xf32>
        tpu.vector_store %arg11[%parallel_loop3A_1176, %parallel_loop3A_1177, %parallel_loop3A_1178], %parallel_loop3A_1181 {add = true, strides = array<i32>} : memref<2x200x64xf32, #tpu.memory_space<vmem>>, vector<1x1x16xf32>,
        %parallel_loop3A_1182 = arith.constant 1 : i32
        %parallel_loop3A_1183 = arith.index_cast %parallel_loop3A_1182 : i32 to index
        %parallel_loop3A_1184 = arith.index_cast %parallel_loop3A_1134 : i32 to index
        %parallel_loop3A_1185 = arith.constant 32 : index
        %parallel_loop3A_1186 = tpu.vector_load %arg11[%parallel_loop3A_1183, %parallel_loop3A_1184, %parallel_loop3A_1185] {strides = array<i32>} : memref<2x200x64xf32, #tpu.memory_space<vmem>>, vector<1x1x16xf32>,
        %parallel_loop3A_1187 = vector.shape_cast %parallel_loop3A_1186 : vector<1x1x16xf32> to vector<16xf32>
        %parallel_loop3A_1188 = vector.shape_cast %parallel_loop3A_1174 : vector<16xf32> to vector<1x1x16xf32>
        tpu.vector_store %arg11[%parallel_loop3A_1183, %parallel_loop3A_1184, %parallel_loop3A_1185], %parallel_loop3A_1188 {add = true, strides = array<i32>} : memref<2x200x64xf32, #tpu.memory_space<vmem>>, vector<1x1x16xf32>,
        %parallel_loop3A_1189 = arith.index_cast %parallel_loop3A_1134 : i32 to index
        %parallel_loop3A_1190 = arith.constant 48 : index
        %parallel_loop3A_1191 = tpu.vector_load %arg8[%parallel_loop3A_1189, %parallel_loop3A_1190] {strides = array<i32>} : memref<200x64xf32, #tpu.memory_space<vmem>>, vector<1x16xf32>,
        %parallel_loop3A_1192 = vector.shape_cast %parallel_loop3A_1191 : vector<1x16xf32> to vector<16xf32>
        %parallel_loop3A_1193 = arith.constant 0 : i32
        %parallel_loop3A_1194 = arith.index_cast %parallel_loop3A_1193 : i32 to index
        %parallel_loop3A_1195 = arith.index_cast %parallel_loop3A_1134 : i32 to index
        %parallel_loop3A_1196 = arith.constant 48 : index
        %parallel_loop3A_1197 = tpu.vector_load %arg11[%parallel_loop3A_1194, %parallel_loop3A_1195, %parallel_loop3A_1196] {strides = array<i32>} : memref<2x200x64xf32, #tpu.memory_space<vmem>>, vector<1x1x16xf32>,
        %parallel_loop3A_1198 = vector.shape_cast %parallel_loop3A_1197 : vector<1x1x16xf32> to vector<16xf32>
        %parallel_loop3A_1199 = vector.shape_cast %parallel_loop3A_1192 : vector<16xf32> to vector<1x1x16xf32>
        tpu.vector_store %arg11[%parallel_loop3A_1194, %parallel_loop3A_1195, %parallel_loop3A_1196], %parallel_loop3A_1199 {add = true, strides = array<i32>} : memref<2x200x64xf32, #tpu.memory_space<vmem>>, vector<1x1x16xf32>,
        %parallel_loop3A_1200 = arith.constant 1 : i32
        %parallel_loop3A_1201 = arith.index_cast %parallel_loop3A_1200 : i32 to index
        %parallel_loop3A_1202 = arith.index_cast %parallel_loop3A_1134 : i32 to index
        %parallel_loop3A_1203 = arith.constant 48 : index
        %parallel_loop3A_1204 = tpu.vector_load %arg11[%parallel_loop3A_1201, %parallel_loop3A_1202, %parallel_loop3A_1203] {strides = array<i32>} : memref<2x200x64xf32, #tpu.memory_space<vmem>>, vector<1x1x16xf32>,
        %parallel_loop3A_1205 = vector.shape_cast %parallel_loop3A_1204 : vector<1x1x16xf32> to vector<16xf32>
        %parallel_loop3A_1206 = vector.shape_cast %parallel_loop3A_1192 : vector<16xf32> to vector<1x1x16xf32>
        tpu.vector_store %arg11[%parallel_loop3A_1201, %parallel_loop3A_1202, %parallel_loop3A_1203], %parallel_loop3A_1206 {add = true, strides = array<i32>} : memref<2x200x64xf32, #tpu.memory_space<vmem>>, vector<1x1x16xf32>,
      } {sc.loop_unroll_factor = 4 : i64, sc.parallel_access}
      %mul3A_540 = arith.constant 2 : i32
      %mul3A_541 = arith.muli %add3A_433, %mul3A_540 : i32
      %add3A_542 = arith.addi %mul3A_4, %mul3A_541 : i32
      %dma_start3A_543 = arith.constant 0 : i32
      %dma_start3A_544 = arith.constant 0 : i32
      %dma_start3A_545 = tpu.memref_slice %arg5[%add3A_542, %dma_start3A_543, %dma_start3A_544] : memref<4096x200x128xf32, #tpu.memory_space<hbm>> -> memref<2x200x64xf32, #tpu.memory_space<hbm>>
      %dma_start3A_546 = arith.constant 0 : i32
      %dma_start3A_547 = arith.constant 0 : i32
      %dma_start3A_548 = tpu.memref_slice %arg5[%add3A_542, %dma_start3A_546, %dma_start3A_547] : memref<4096x200x128xf32, #tpu.memory_space<hbm>> -> memref<2x200x64xf32, #tpu.memory_space<hbm>>
      tpu.enqueue_dma source(%arg11 : memref<2x200x64xf32, #tpu.memory_space<vmem>>) target(%dma_start3A_548 : memref<2x200x64xf32, #tpu.memory_space<hbm>>) target_semaphore(%arg14 : memref<!tpu.dma_semaphore, #tpu.memory_space<semaphore_mem>>)
      %add3A_549 = arith.constant 1 : i32
      %add3A_550 = arith.addi %add3A_431, %add3A_549 : i32
      %dma_wait3A_551 = arith.constant 0 : i32
      %dma_wait3A_552 = arith.constant 0 : i32
      %dma_wait3A_553 = arith.constant 0 : i32
      %dma_wait3A_554 = tpu.memref_slice %arg9[%dma_wait3A_551, %dma_wait3A_552, %dma_wait3A_553] : memref<2x200x64xf32, #tpu.memory_space<vmem>> -> memref<1x128x64xf32, #tpu.memory_space<vmem>>
      %dma_wait3A_555 = tpu.memref_squeeze %dma_wait3A_554 : memref<1x128x64xf32, #tpu.memory_space<vmem>> -> memref<128x64xf32, #tpu.memory_space<vmem>>
      %dma_wait3A_556 = arith.constant 0 : i32
      %dma_wait3A_557 = tpu.memref_slice %arg7[%dma_wait3A_556] : memref<400xi32, #tpu.memory_space<vmem>> -> memref<128xi32, #tpu.memory_space<vmem>>
      %dma_wait3A_558 = arith.constant 0 : i32
      %dma_wait3A_559 = arith.constant 0 : i32
      %dma_wait3A_560 = tpu.memref_slice %arg2[%dma_wait3A_558, %dma_wait3A_559] : memref<1000000x64xf32, #tpu.memory_space<hbm>> -> memref<1000000x64xf32, #tpu.memory_space<hbm>>
      tpu.wait_indirect_dma semaphore(%arg12 : memref<!tpu.dma_semaphore, #tpu.memory_space<semaphore_mem>>) src(%dma_wait3A_560 : memref<1000000x64xf32, #tpu.memory_space<hbm>>) dst(%dma_wait3A_555 : memref<128x64xf32, #tpu.memory_space<vmem>>)
      %dma_wait3A_561 = arith.constant 0 : i32
      %dma_wait3A_562 = arith.constant 128 : i32
      %dma_wait3A_563 = arith.constant 0 : i32
      %dma_wait3A_564 = tpu.memref_slice %arg9[%dma_wait3A_561, %dma_wait3A_562, %dma_wait3A_563] : memref<2x200x64xf32, #tpu.memory_space<vmem>> -> memref<1x72x64xf32, #tpu.memory_space<vmem>>
      %dma_wait3A_565 = tpu.memref_squeeze %dma_wait3A_564 : memref<1x72x64xf32, #tpu.memory_space<vmem>> -> memref<72x64xf32, #tpu.memory_space<vmem>>
      %dma_wait3A_566 = arith.constant 128 : i32
      %dma_wait3A_567 = tpu.memref_slice %arg7[%dma_wait3A_566] : memref<400xi32, #tpu.memory_space<vmem>> -> memref<72xi32, #tpu.memory_space<vmem>>
      %dma_wait3A_568 = arith.constant 0 : i32
      %dma_wait3A_569 = arith.constant 0 : i32
      %dma_wait3A_570 = tpu.memref_slice %arg2[%dma_wait3A_568, %dma_wait3A_569] : memref<1000000x64xf32, #tpu.memory_space<hbm>> -> memref<1000000x64xf32, #tpu.memory_space<hbm>>
      tpu.wait_indirect_dma semaphore(%arg12 : memref<!tpu.dma_semaphore, #tpu.memory_space<semaphore_mem>>) src(%dma_wait3A_570 : memref<1000000x64xf32, #tpu.memory_space<hbm>>) dst(%dma_wait3A_565 : memref<72x64xf32, #tpu.memory_space<vmem>>)
      %dma_wait3A_571 = arith.constant 1 : i32
      %dma_wait3A_572 = arith.constant 0 : i32
      %dma_wait3A_573 = arith.constant 0 : i32
      %dma_wait3A_574 = tpu.memref_slice %arg9[%dma_wait3A_571, %dma_wait3A_572, %dma_wait3A_573] : memref<2x200x64xf32, #tpu.memory_space<vmem>> -> memref<1x128x64xf32, #tpu.memory_space<vmem>>
      %dma_wait3A_575 = tpu.memref_squeeze %dma_wait3A_574 : memref<1x128x64xf32, #tpu.memory_space<vmem>> -> memref<128x64xf32, #tpu.memory_space<vmem>>
      %dma_wait3A_576 = arith.constant 200 : i32
      %dma_wait3A_577 = tpu.memref_slice %arg7[%dma_wait3A_576] : memref<400xi32, #tpu.memory_space<vmem>> -> memref<128xi32, #tpu.memory_space<vmem>>
      %dma_wait3A_578 = arith.constant 0 : i32
      %dma_wait3A_579 = arith.constant 0 : i32
      %dma_wait3A_580 = tpu.memref_slice %arg2[%dma_wait3A_578, %dma_wait3A_579] : memref<1000000x64xf32, #tpu.memory_space<hbm>> -> memref<1000000x64xf32, #tpu.memory_space<hbm>>
      tpu.wait_indirect_dma semaphore(%arg12 : memref<!tpu.dma_semaphore, #tpu.memory_space<semaphore_mem>>) src(%dma_wait3A_580 : memref<1000000x64xf32, #tpu.memory_space<hbm>>) dst(%dma_wait3A_575 : memref<128x64xf32, #tpu.memory_space<vmem>>)
      %dma_wait3A_581 = arith.constant 1 : i32
      %dma_wait3A_582 = arith.constant 128 : i32
      %dma_wait3A_583 = arith.constant 0 : i32
      %dma_wait3A_584 = tpu.memref_slice %arg9[%dma_wait3A_581, %dma_wait3A_582, %dma_wait3A_583] : memref<2x200x64xf32, #tpu.memory_space<vmem>> -> memref<1x72x64xf32, #tpu.memory_space<vmem>>
      %dma_wait3A_585 = tpu.memref_squeeze %dma_wait3A_584 : memref<1x72x64xf32, #tpu.memory_space<vmem>> -> memref<72x64xf32, #tpu.memory_space<vmem>>
      %dma_wait3A_586 = arith.constant 328 : i32
      %dma_wait3A_587 = tpu.memref_slice %arg7[%dma_wait3A_586] : memref<400xi32, #tpu.memory_space<vmem>> -> memref<72xi32, #tpu.memory_space<vmem>>
      %dma_wait3A_588 = arith.constant 0 : i32
      %dma_wait3A_589 = arith.constant 0 : i32
      %dma_wait3A_590 = tpu.memref_slice %arg2[%dma_wait3A_588, %dma_wait3A_589] : memref<1000000x64xf32, #tpu.memory_space<hbm>> -> memref<1000000x64xf32, #tpu.memory_space<hbm>>
      tpu.wait_indirect_dma semaphore(%arg12 : memref<!tpu.dma_semaphore, #tpu.memory_space<semaphore_mem>>) src(%dma_wait3A_590 : memref<1000000x64xf32, #tpu.memory_space<hbm>>) dst(%dma_wait3A_585 : memref<72x64xf32, #tpu.memory_space<vmem>>)
      %mul3A_591 = arith.constant 2 : i32
      %mul3A_592 = arith.muli %add3A_550, %mul3A_591 : i32
      %add3A_593 = arith.addi %mul3A_4, %mul3A_592 : i32
      %dma_wait3A_594 = arith.constant 0 : i32
      %dma_wait3A_595 = arith.constant 0 : i32
      %dma_wait3A_596 = tpu.memref_slice %arg5[%add3A_593, %dma_wait3A_594, %dma_wait3A_595] : memref<4096x200x128xf32, #tpu.memory_space<hbm>> -> memref<2x200x64xf32, #tpu.memory_space<hbm>>
      %dma_wait3A_597 = arith.constant 0 : i32
      %dma_wait3A_598 = arith.constant 0 : i32
      %dma_wait3A_599 = tpu.memref_slice %arg5[%add3A_593, %dma_wait3A_597, %dma_wait3A_598] : memref<4096x200x128xf32, #tpu.memory_space<hbm>> -> memref<2x200x64xf32, #tpu.memory_space<hbm>>
      tpu.wait_dma2 semaphore(%arg14 : memref<!tpu.dma_semaphore, #tpu.memory_space<semaphore_mem>>) src(%arg10 : memref<2x200x64xf32, #tpu.memory_space<vmem>>) dst(%dma_wait3A_599 : memref<2x200x64xf32, #tpu.memory_space<hbm>>)
      %add3A_600 = arith.constant 1 : i32
      %add3A_601 = arith.addi %add3A_550, %add3A_600 : i32
      %mul3A_602 = arith.constant 400 : i32
      %mul3A_603 = arith.muli %add3A_601, %mul3A_602 : i32
      %add3A_604 = arith.addi %mul3A_2, %mul3A_603 : i32
      %dma_wait3A_605 = tpu.memref_slice %arg3[%add3A_604] : memref<819200xi32, #tpu.memory_space<hbm>> -> memref<400xi32, #tpu.memory_space<hbm>>
      %dma_wait3A_606 = tpu.memref_slice %arg3[%add3A_604] : memref<819200xi32, #tpu.memory_space<hbm>> -> memref<400xi32, #tpu.memory_space<hbm>>
      tpu.wait_dma2 semaphore(%arg13 : memref<!tpu.dma_semaphore, #tpu.memory_space<semaphore_mem>>) src(%dma_wait3A_606 : memref<400xi32, #tpu.memory_space<hbm>>) dst(%arg6 : memref<400xi32, #tpu.memory_space<vmem>>)
      %dma_start3A_607 = arith.constant 0 : i32
      %dma_start3A_608 = arith.constant 0 : i32
      %dma_start3A_609 = arith.constant 0 : i32
      %dma_start3A_610 = tpu.memref_slice %arg10[%dma_start3A_607, %dma_start3A_608, %dma_start3A_609] : memref<2x200x64xf32, #tpu.memory_space<vmem>> -> memref<1x128x64xf32, #tpu.memory_space<vmem>>
      %dma_start3A_611 = tpu.memref_squeeze %dma_start3A_610 : memref<1x128x64xf32, #tpu.memory_space<vmem>> -> memref<128x64xf32, #tpu.memory_space<vmem>>
      %dma_start3A_612 = arith.constant 0 : i32
      %dma_start3A_613 = tpu.memref_slice %arg6[%dma_start3A_612] : memref<400xi32, #tpu.memory_space<vmem>> -> memref<128xi32, #tpu.memory_space<vmem>>
      %dma_start3A_614 = arith.constant 0 : i32
      %dma_start3A_615 = arith.constant 0 : i32
      %dma_start3A_616 = tpu.memref_slice %arg2[%dma_start3A_614, %dma_start3A_615] : memref<1000000x64xf32, #tpu.memory_space<hbm>> -> memref<1000000x64xf32, #tpu.memory_space<hbm>>
      tpu.enqueue_indirect_dma source(%dma_start3A_616 : memref<1000000x64xf32, #tpu.memory_space<hbm>>) target(%dma_start3A_611 : memref<128x64xf32, #tpu.memory_space<vmem>>) offsets(%dma_start3A_613 : memref<128xi32, #tpu.memory_space<vmem>>) semaphore(%arg12 : memref<!tpu.dma_semaphore, #tpu.memory_space<semaphore_mem>>)
      %dma_start3A_617 = arith.constant 0 : i32
      %dma_start3A_618 = arith.constant 128 : i32
      %dma_start3A_619 = arith.constant 0 : i32
      %dma_start3A_620 = tpu.memref_slice %arg10[%dma_start3A_617, %dma_start3A_618, %dma_start3A_619] : memref<2x200x64xf32, #tpu.memory_space<vmem>> -> memref<1x72x64xf32, #tpu.memory_space<vmem>>
      %dma_start3A_621 = tpu.memref_squeeze %dma_start3A_620 : memref<1x72x64xf32, #tpu.memory_space<vmem>> -> memref<72x64xf32, #tpu.memory_space<vmem>>
      %dma_start3A_622 = arith.constant 128 : i32
      %dma_start3A_623 = tpu.memref_slice %arg6[%dma_start3A_622] : memref<400xi32, #tpu.memory_space<vmem>> -> memref<72xi32, #tpu.memory_space<vmem>>
      %dma_start3A_624 = arith.constant 0 : i32
      %dma_start3A_625 = arith.constant 0 : i32
      %dma_start3A_626 = tpu.memref_slice %arg2[%dma_start3A_624, %dma_start3A_625] : memref<1000000x64xf32, #tpu.memory_space<hbm>> -> memref<1000000x64xf32, #tpu.memory_space<hbm>>
      tpu.enqueue_indirect_dma source(%dma_start3A_626 : memref<1000000x64xf32, #tpu.memory_space<hbm>>) target(%dma_start3A_621 : memref<72x64xf32, #tpu.memory_space<vmem>>) offsets(%dma_start3A_623 : memref<72xi32, #tpu.memory_space<vmem>>) semaphore(%arg12 : memref<!tpu.dma_semaphore, #tpu.memory_space<semaphore_mem>>)
      %dma_start3A_627 = arith.constant 1 : i32
      %dma_start3A_628 = arith.constant 0 : i32
      %dma_start3A_629 = arith.constant 0 : i32
      %dma_start3A_630 = tpu.memref_slice %arg10[%dma_start3A_627, %dma_start3A_628, %dma_start3A_629] : memref<2x200x64xf32, #tpu.memory_space<vmem>> -> memref<1x128x64xf32, #tpu.memory_space<vmem>>
      %dma_start3A_631 = tpu.memref_squeeze %dma_start3A_630 : memref<1x128x64xf32, #tpu.memory_space<vmem>> -> memref<128x64xf32, #tpu.memory_space<vmem>>
      %dma_start3A_632 = arith.constant 200 : i32
      %dma_start3A_633 = tpu.memref_slice %arg6[%dma_start3A_632] : memref<400xi32, #tpu.memory_space<vmem>> -> memref<128xi32, #tpu.memory_space<vmem>>
      %dma_start3A_634 = arith.constant 0 : i32
      %dma_start3A_635 = arith.constant 0 : i32
      %dma_start3A_636 = tpu.memref_slice %arg2[%dma_start3A_634, %dma_start3A_635] : memref<1000000x64xf32, #tpu.memory_space<hbm>> -> memref<1000000x64xf32, #tpu.memory_space<hbm>>
      tpu.enqueue_indirect_dma source(%dma_start3A_636 : memref<1000000x64xf32, #tpu.memory_space<hbm>>) target(%dma_start3A_631 : memref<128x64xf32, #tpu.memory_space<vmem>>) offsets(%dma_start3A_633 : memref<128xi32, #tpu.memory_space<vmem>>) semaphore(%arg12 : memref<!tpu.dma_semaphore, #tpu.memory_space<semaphore_mem>>)
      %dma_start3A_637 = arith.constant 1 : i32
      %dma_start3A_638 = arith.constant 128 : i32
      %dma_start3A_639 = arith.constant 0 : i32
      %dma_start3A_640 = tpu.memref_slice %arg10[%dma_start3A_637, %dma_start3A_638, %dma_start3A_639] : memref<2x200x64xf32, #tpu.memory_space<vmem>> -> memref<1x72x64xf32, #tpu.memory_space<vmem>>
      %dma_start3A_641 = tpu.memref_squeeze %dma_start3A_640 : memref<1x72x64xf32, #tpu.memory_space<vmem>> -> memref<72x64xf32, #tpu.memory_space<vmem>>
      %dma_start3A_642 = arith.constant 328 : i32
      %dma_start3A_643 = tpu.memref_slice %arg6[%dma_start3A_642] : memref<400xi32, #tpu.memory_space<vmem>> -> memref<72xi32, #tpu.memory_space<vmem>>
      %dma_start3A_644 = arith.constant 0 : i32
      %dma_start3A_645 = arith.constant 0 : i32
      %dma_start3A_646 = tpu.memref_slice %arg2[%dma_start3A_644, %dma_start3A_645] : memref<1000000x64xf32, #tpu.memory_space<hbm>> -> memref<1000000x64xf32, #tpu.memory_space<hbm>>
      tpu.enqueue_indirect_dma source(%dma_start3A_646 : memref<1000000x64xf32, #tpu.memory_space<hbm>>) target(%dma_start3A_641 : memref<72x64xf32, #tpu.memory_space<vmem>>) offsets(%dma_start3A_643 : memref<72xi32, #tpu.memory_space<vmem>>) semaphore(%arg12 : memref<!tpu.dma_semaphore, #tpu.memory_space<semaphore_mem>>)
      %add3A_647 = arith.constant 2 : i32
      %add3A_648 = arith.addi %add3A_550, %add3A_647 : i32
      %mul3A_649 = arith.constant 400 : i32
      %mul3A_650 = arith.muli %add3A_648, %mul3A_649 : i32
      %add3A_651 = arith.addi %mul3A_2, %mul3A_650 : i32
      %dma_start3A_652 = tpu.memref_slice %arg3[%add3A_651] : memref<819200xi32, #tpu.memory_space<hbm>> -> memref<400xi32, #tpu.memory_space<hbm>>
      %dma_start3A_653 = tpu.memref_slice %arg3[%add3A_651] : memref<819200xi32, #tpu.memory_space<hbm>> -> memref<400xi32, #tpu.memory_space<hbm>>
      tpu.enqueue_dma source(%dma_start3A_653 : memref<400xi32, #tpu.memory_space<hbm>>) target(%arg7 : memref<400xi32, #tpu.memory_space<vmem>>) target_semaphore(%arg13 : memref<!tpu.dma_semaphore, #tpu.memory_space<semaphore_mem>>)
      %parallel_loop3A_654 = arith.constant 0 : i32
      %parallel_loop3A_655 = arith.constant 200 : i32
      %parallel_loop3A_656 = arith.constant 1 : i32
      scf.for %parallel_loop3A_1134 = %parallel_loop3A_654 to %parallel_loop3A_655 step %parallel_loop3A_656  : i32 {
        %parallel_loop3A_1135 = arith.index_cast %parallel_loop3A_1134 : i32 to index
        %parallel_loop3A_1136 = arith.constant 0 : index
        %parallel_loop3A_1137 = tpu.vector_load %arg8[%parallel_loop3A_1135, %parallel_loop3A_1136] {strides = array<i32>} : memref<200x64xf32, #tpu.memory_space<vmem>>, vector<1x16xf32>,
        %parallel_loop3A_1138 = vector.shape_cast %parallel_loop3A_1137 : vector<1x16xf32> to vector<16xf32>
        %parallel_loop3A_1139 = arith.constant 0 : i32
        %parallel_loop3A_1140 = arith.index_cast %parallel_loop3A_1139 : i32 to index
        %parallel_loop3A_1141 = arith.index_cast %parallel_loop3A_1134 : i32 to index
        %parallel_loop3A_1142 = arith.constant 0 : index
        %parallel_loop3A_1143 = tpu.vector_load %arg9[%parallel_loop3A_1140, %parallel_loop3A_1141, %parallel_loop3A_1142] {strides = array<i32>} : memref<2x200x64xf32, #tpu.memory_space<vmem>>, vector<1x1x16xf32>,
        %parallel_loop3A_1144 = vector.shape_cast %parallel_loop3A_1143 : vector<1x1x16xf32> to vector<16xf32>
        %parallel_loop3A_1145 = vector.shape_cast %parallel_loop3A_1138 : vector<16xf32> to vector<1x1x16xf32>
        tpu.vector_store %arg9[%parallel_loop3A_1140, %parallel_loop3A_1141, %parallel_loop3A_1142], %parallel_loop3A_1145 {add = true, strides = array<i32>} : memref<2x200x64xf32, #tpu.memory_space<vmem>>, vector<1x1x16xf32>,
        %parallel_loop3A_1146 = arith.constant 1 : i32
        %parallel_loop3A_1147 = arith.index_cast %parallel_loop3A_1146 : i32 to index
        %parallel_loop3A_1148 = arith.index_cast %parallel_loop3A_1134 : i32 to index
        %parallel_loop3A_1149 = arith.constant 0 : index
        %parallel_loop3A_1150 = tpu.vector_load %arg9[%parallel_loop3A_1147, %parallel_loop3A_1148, %parallel_loop3A_1149] {strides = array<i32>} : memref<2x200x64xf32, #tpu.memory_space<vmem>>, vector<1x1x16xf32>,
        %parallel_loop3A_1151 = vector.shape_cast %parallel_loop3A_1150 : vector<1x1x16xf32> to vector<16xf32>
        %parallel_loop3A_1152 = vector.shape_cast %parallel_loop3A_1138 : vector<16xf32> to vector<1x1x16xf32>
        tpu.vector_store %arg9[%parallel_loop3A_1147, %parallel_loop3A_1148, %parallel_loop3A_1149], %parallel_loop3A_1152 {add = true, strides = array<i32>} : memref<2x200x64xf32, #tpu.memory_space<vmem>>, vector<1x1x16xf32>,
        %parallel_loop3A_1153 = arith.index_cast %parallel_loop3A_1134 : i32 to index
        %parallel_loop3A_1154 = arith.constant 16 : index
        %parallel_loop3A_1155 = tpu.vector_load %arg8[%parallel_loop3A_1153, %parallel_loop3A_1154] {strides = array<i32>} : memref<200x64xf32, #tpu.memory_space<vmem>>, vector<1x16xf32>,
        %parallel_loop3A_1156 = vector.shape_cast %parallel_loop3A_1155 : vector<1x16xf32> to vector<16xf32>
        %parallel_loop3A_1157 = arith.constant 0 : i32
        %parallel_loop3A_1158 = arith.index_cast %parallel_loop3A_1157 : i32 to index
        %parallel_loop3A_1159 = arith.index_cast %parallel_loop3A_1134 : i32 to index
        %parallel_loop3A_1160 = arith.constant 16 : index
        %parallel_loop3A_1161 = tpu.vector_load %arg9[%parallel_loop3A_1158, %parallel_loop3A_1159, %parallel_loop3A_1160] {strides = array<i32>} : memref<2x200x64xf32, #tpu.memory_space<vmem>>, vector<1x1x16xf32>,
        %parallel_loop3A_1162 = vector.shape_cast %parallel_loop3A_1161 : vector<1x1x16xf32> to vector<16xf32>
        %parallel_loop3A_1163 = vector.shape_cast %parallel_loop3A_1156 : vector<16xf32> to vector<1x1x16xf32>
        tpu.vector_store %arg9[%parallel_loop3A_1158, %parallel_loop3A_1159, %parallel_loop3A_1160], %parallel_loop3A_1163 {add = true, strides = array<i32>} : memref<2x200x64xf32, #tpu.memory_space<vmem>>, vector<1x1x16xf32>,
        %parallel_loop3A_1164 = arith.constant 1 : i32
        %parallel_loop3A_1165 = arith.index_cast %parallel_loop3A_1164 : i32 to index
        %parallel_loop3A_1166 = arith.index_cast %parallel_loop3A_1134 : i32 to index
        %parallel_loop3A_1167 = arith.constant 16 : index
        %parallel_loop3A_1168 = tpu.vector_load %arg9[%parallel_loop3A_1165, %parallel_loop3A_1166, %parallel_loop3A_1167] {strides = array<i32>} : memref<2x200x64xf32, #tpu.memory_space<vmem>>, vector<1x1x16xf32>,
        %parallel_loop3A_1169 = vector.shape_cast %parallel_loop3A_1168 : vector<1x1x16xf32> to vector<16xf32>
        %parallel_loop3A_1170 = vector.shape_cast %parallel_loop3A_1156 : vector<16xf32> to vector<1x1x16xf32>
        tpu.vector_store %arg9[%parallel_loop3A_1165, %parallel_loop3A_1166, %parallel_loop3A_1167], %parallel_loop3A_1170 {add = true, strides = array<i32>} : memref<2x200x64xf32, #tpu.memory_space<vmem>>, vector<1x1x16xf32>,
        %parallel_loop3A_1171 = arith.index_cast %parallel_loop3A_1134 : i32 to index
        %parallel_loop3A_1172 = arith.constant 32 : index
        %parallel_loop3A_1173 = tpu.vector_load %arg8[%parallel_loop3A_1171, %parallel_loop3A_1172] {strides = array<i32>} : memref<200x64xf32, #tpu.memory_space<vmem>>, vector<1x16xf32>,
        %parallel_loop3A_1174 = vector.shape_cast %parallel_loop3A_1173 : vector<1x16xf32> to vector<16xf32>
        %parallel_loop3A_1175 = arith.constant 0 : i32
        %parallel_loop3A_1176 = arith.index_cast %parallel_loop3A_1175 : i32 to index
        %parallel_loop3A_1177 = arith.index_cast %parallel_loop3A_1134 : i32 to index
        %parallel_loop3A_1178 = arith.constant 32 : index
        %parallel_loop3A_1179 = tpu.vector_load %arg9[%parallel_loop3A_1176, %parallel_loop3A_1177, %parallel_loop3A_1178] {strides = array<i32>} : memref<2x200x64xf32, #tpu.memory_space<vmem>>, vector<1x1x16xf32>,
        %parallel_loop3A_1180 = vector.shape_cast %parallel_loop3A_1179 : vector<1x1x16xf32> to vector<16xf32>
        %parallel_loop3A_1181 = vector.shape_cast %parallel_loop3A_1174 : vector<16xf32> to vector<1x1x16xf32>
        tpu.vector_store %arg9[%parallel_loop3A_1176, %parallel_loop3A_1177, %parallel_loop3A_1178], %parallel_loop3A_1181 {add = true, strides = array<i32>} : memref<2x200x64xf32, #tpu.memory_space<vmem>>, vector<1x1x16xf32>,
        %parallel_loop3A_1182 = arith.constant 1 : i32
        %parallel_loop3A_1183 = arith.index_cast %parallel_loop3A_1182 : i32 to index
        %parallel_loop3A_1184 = arith.index_cast %parallel_loop3A_1134 : i32 to index
        %parallel_loop3A_1185 = arith.constant 32 : index
        %parallel_loop3A_1186 = tpu.vector_load %arg9[%parallel_loop3A_1183, %parallel_loop3A_1184, %parallel_loop3A_1185] {strides = array<i32>} : memref<2x200x64xf32, #tpu.memory_space<vmem>>, vector<1x1x16xf32>,
        %parallel_loop3A_1187 = vector.shape_cast %parallel_loop3A_1186 : vector<1x1x16xf32> to vector<16xf32>
        %parallel_loop3A_1188 = vector.shape_cast %parallel_loop3A_1174 : vector<16xf32> to vector<1x1x16xf32>
        tpu.vector_store %arg9[%parallel_loop3A_1183, %parallel_loop3A_1184, %parallel_loop3A_1185], %parallel_loop3A_1188 {add = true, strides = array<i32>} : memref<2x200x64xf32, #tpu.memory_space<vmem>>, vector<1x1x16xf32>,
        %parallel_loop3A_1189 = arith.index_cast %parallel_loop3A_1134 : i32 to index
        %parallel_loop3A_1190 = arith.constant 48 : index
        %parallel_loop3A_1191 = tpu.vector_load %arg8[%parallel_loop3A_1189, %parallel_loop3A_1190] {strides = array<i32>} : memref<200x64xf32, #tpu.memory_space<vmem>>, vector<1x16xf32>,
        %parallel_loop3A_1192 = vector.shape_cast %parallel_loop3A_1191 : vector<1x16xf32> to vector<16xf32>
        %parallel_loop3A_1193 = arith.constant 0 : i32
        %parallel_loop3A_1194 = arith.index_cast %parallel_loop3A_1193 : i32 to index
        %parallel_loop3A_1195 = arith.index_cast %parallel_loop3A_1134 : i32 to index
        %parallel_loop3A_1196 = arith.constant 48 : index
        %parallel_loop3A_1197 = tpu.vector_load %arg9[%parallel_loop3A_1194, %parallel_loop3A_1195, %parallel_loop3A_1196] {strides = array<i32>} : memref<2x200x64xf32, #tpu.memory_space<vmem>>, vector<1x1x16xf32>,
        %parallel_loop3A_1198 = vector.shape_cast %parallel_loop3A_1197 : vector<1x1x16xf32> to vector<16xf32>
        %parallel_loop3A_1199 = vector.shape_cast %parallel_loop3A_1192 : vector<16xf32> to vector<1x1x16xf32>
        tpu.vector_store %arg9[%parallel_loop3A_1194, %parallel_loop3A_1195, %parallel_loop3A_1196], %parallel_loop3A_1199 {add = true, strides = array<i32>} : memref<2x200x64xf32, #tpu.memory_space<vmem>>, vector<1x1x16xf32>,
        %parallel_loop3A_1200 = arith.constant 1 : i32
        %parallel_loop3A_1201 = arith.index_cast %parallel_loop3A_1200 : i32 to index
        %parallel_loop3A_1202 = arith.index_cast %parallel_loop3A_1134 : i32 to index
        %parallel_loop3A_1203 = arith.constant 48 : index
        %parallel_loop3A_1204 = tpu.vector_load %arg9[%parallel_loop3A_1201, %parallel_loop3A_1202, %parallel_loop3A_1203] {strides = array<i32>} : memref<2x200x64xf32, #tpu.memory_space<vmem>>, vector<1x1x16xf32>,
        %parallel_loop3A_1205 = vector.shape_cast %parallel_loop3A_1204 : vector<1x1x16xf32> to vector<16xf32>
        %parallel_loop3A_1206 = vector.shape_cast %parallel_loop3A_1192 : vector<16xf32> to vector<1x1x16xf32>
        tpu.vector_store %arg9[%parallel_loop3A_1201, %parallel_loop3A_1202, %parallel_loop3A_1203], %parallel_loop3A_1206 {add = true, strides = array<i32>} : memref<2x200x64xf32, #tpu.memory_space<vmem>>, vector<1x1x16xf32>,
      } {sc.loop_unroll_factor = 4 : i64, sc.parallel_access}
      %mul3A_657 = arith.constant 2 : i32
      %mul3A_658 = arith.muli %add3A_550, %mul3A_657 : i32
      %add3A_659 = arith.addi %mul3A_4, %mul3A_658 : i32
      %dma_start3A_660 = arith.constant 0 : i32
      %dma_start3A_661 = arith.constant 0 : i32
      %dma_start3A_662 = tpu.memref_slice %arg5[%add3A_659, %dma_start3A_660, %dma_start3A_661] : memref<4096x200x128xf32, #tpu.memory_space<hbm>> -> memref<2x200x64xf32, #tpu.memory_space<hbm>>
      %dma_start3A_663 = arith.constant 0 : i32
      %dma_start3A_664 = arith.constant 0 : i32
      %dma_start3A_665 = tpu.memref_slice %arg5[%add3A_659, %dma_start3A_663, %dma_start3A_664] : memref<4096x200x128xf32, #tpu.memory_space<hbm>> -> memref<2x200x64xf32, #tpu.memory_space<hbm>>
      tpu.enqueue_dma source(%arg9 : memref<2x200x64xf32, #tpu.memory_space<vmem>>) target(%dma_start3A_665 : memref<2x200x64xf32, #tpu.memory_space<hbm>>) target_semaphore(%arg14 : memref<!tpu.dma_semaphore, #tpu.memory_space<semaphore_mem>>)
      %add3A_666 = arith.constant 2 : i32
      %add3A_667 = arith.addi %add3A_431, %add3A_666 : i32
      %dma_wait3A_668 = arith.constant 0 : i32
      %dma_wait3A_669 = arith.constant 0 : i32
      %dma_wait3A_670 = arith.constant 0 : i32
      %dma_wait3A_671 = tpu.memref_slice %arg10[%dma_wait3A_668, %dma_wait3A_669, %dma_wait3A_670] : memref<2x200x64xf32, #tpu.memory_space<vmem>> -> memref<1x128x64xf32, #tpu.memory_space<vmem>>
      %dma_wait3A_672 = tpu.memref_squeeze %dma_wait3A_671 : memref<1x128x64xf32, #tpu.memory_space<vmem>> -> memref<128x64xf32, #tpu.memory_space<vmem>>
      %dma_wait3A_673 = arith.constant 0 : i32
      %dma_wait3A_674 = tpu.memref_slice %arg6[%dma_wait3A_673] : memref<400xi32, #tpu.memory_space<vmem>> -> memref<128xi32, #tpu.memory_space<vmem>>
      %dma_wait3A_675 = arith.constant 0 : i32
      %dma_wait3A_676 = arith.constant 0 : i32
      %dma_wait3A_677 = tpu.memref_slice %arg2[%dma_wait3A_675, %dma_wait3A_676] : memref<1000000x64xf32, #tpu.memory_space<hbm>> -> memref<1000000x64xf32, #tpu.memory_space<hbm>>
      tpu.wait_indirect_dma semaphore(%arg12 : memref<!tpu.dma_semaphore, #tpu.memory_space<semaphore_mem>>) src(%dma_wait3A_677 : memref<1000000x64xf32, #tpu.memory_space<hbm>>) dst(%dma_wait3A_672 : memref<128x64xf32, #tpu.memory_space<vmem>>)
      %dma_wait3A_678 = arith.constant 0 : i32
      %dma_wait3A_679 = arith.constant 128 : i32
      %dma_wait3A_680 = arith.constant 0 : i32
      %dma_wait3A_681 = tpu.memref_slice %arg10[%dma_wait3A_678, %dma_wait3A_679, %dma_wait3A_680] : memref<2x200x64xf32, #tpu.memory_space<vmem>> -> memref<1x72x64xf32, #tpu.memory_space<vmem>>
      %dma_wait3A_682 = tpu.memref_squeeze %dma_wait3A_681 : memref<1x72x64xf32, #tpu.memory_space<vmem>> -> memref<72x64xf32, #tpu.memory_space<vmem>>
      %dma_wait3A_683 = arith.constant 128 : i32
      %dma_wait3A_684 = tpu.memref_slice %arg6[%dma_wait3A_683] : memref<400xi32, #tpu.memory_space<vmem>> -> memref<72xi32, #tpu.memory_space<vmem>>
      %dma_wait3A_685 = arith.constant 0 : i32
      %dma_wait3A_686 = arith.constant 0 : i32
      %dma_wait3A_687 = tpu.memref_slice %arg2[%dma_wait3A_685, %dma_wait3A_686] : memref<1000000x64xf32, #tpu.memory_space<hbm>> -> memref<1000000x64xf32, #tpu.memory_space<hbm>>
      tpu.wait_indirect_dma semaphore(%arg12 : memref<!tpu.dma_semaphore, #tpu.memory_space<semaphore_mem>>) src(%dma_wait3A_687 : memref<1000000x64xf32, #tpu.memory_space<hbm>>) dst(%dma_wait3A_682 : memref<72x64xf32, #tpu.memory_space<vmem>>)
      %dma_wait3A_688 = arith.constant 1 : i32
      %dma_wait3A_689 = arith.constant 0 : i32
      %dma_wait3A_690 = arith.constant 0 : i32
      %dma_wait3A_691 = tpu.memref_slice %arg10[%dma_wait3A_688, %dma_wait3A_689, %dma_wait3A_690] : memref<2x200x64xf32, #tpu.memory_space<vmem>> -> memref<1x128x64xf32, #tpu.memory_space<vmem>>
      %dma_wait3A_692 = tpu.memref_squeeze %dma_wait3A_691 : memref<1x128x64xf32, #tpu.memory_space<vmem>> -> memref<128x64xf32, #tpu.memory_space<vmem>>
      %dma_wait3A_693 = arith.constant 200 : i32
      %dma_wait3A_694 = tpu.memref_slice %arg6[%dma_wait3A_693] : memref<400xi32, #tpu.memory_space<vmem>> -> memref<128xi32, #tpu.memory_space<vmem>>
      %dma_wait3A_695 = arith.constant 0 : i32
      %dma_wait3A_696 = arith.constant 0 : i32
      %dma_wait3A_697 = tpu.memref_slice %arg2[%dma_wait3A_695, %dma_wait3A_696] : memref<1000000x64xf32, #tpu.memory_space<hbm>> -> memref<1000000x64xf32, #tpu.memory_space<hbm>>
      tpu.wait_indirect_dma semaphore(%arg12 : memref<!tpu.dma_semaphore, #tpu.memory_space<semaphore_mem>>) src(%dma_wait3A_697 : memref<1000000x64xf32, #tpu.memory_space<hbm>>) dst(%dma_wait3A_692 : memref<128x64xf32, #tpu.memory_space<vmem>>)
      %dma_wait3A_698 = arith.constant 1 : i32
      %dma_wait3A_699 = arith.constant 128 : i32
      %dma_wait3A_700 = arith.constant 0 : i32
      %dma_wait3A_701 = tpu.memref_slice %arg10[%dma_wait3A_698, %dma_wait3A_699, %dma_wait3A_700] : memref<2x200x64xf32, #tpu.memory_space<vmem>> -> memref<1x72x64xf32, #tpu.memory_space<vmem>>
      %dma_wait3A_702 = tpu.memref_squeeze %dma_wait3A_701 : memref<1x72x64xf32, #tpu.memory_space<vmem>> -> memref<72x64xf32, #tpu.memory_space<vmem>>
      %dma_wait3A_703 = arith.constant 328 : i32
      %dma_wait3A_704 = tpu.memref_slice %arg6[%dma_wait3A_703] : memref<400xi32, #tpu.memory_space<vmem>> -> memref<72xi32, #tpu.memory_space<vmem>>
      %dma_wait3A_705 = arith.constant 0 : i32
      %dma_wait3A_706 = arith.constant 0 : i32
      %dma_wait3A_707 = tpu.memref_slice %arg2[%dma_wait3A_705, %dma_wait3A_706] : memref<1000000x64xf32, #tpu.memory_space<hbm>> -> memref<1000000x64xf32, #tpu.memory_space<hbm>>
      tpu.wait_indirect_dma semaphore(%arg12 : memref<!tpu.dma_semaphore, #tpu.memory_space<semaphore_mem>>) src(%dma_wait3A_707 : memref<1000000x64xf32, #tpu.memory_space<hbm>>) dst(%dma_wait3A_702 : memref<72x64xf32, #tpu.memory_space<vmem>>)
      %mul3A_708 = arith.constant 2 : i32
      %mul3A_709 = arith.muli %add3A_667, %mul3A_708 : i32
      %add3A_710 = arith.addi %mul3A_4, %mul3A_709 : i32
      %dma_wait3A_711 = arith.constant 0 : i32
      %dma_wait3A_712 = arith.constant 0 : i32
      %dma_wait3A_713 = tpu.memref_slice %arg5[%add3A_710, %dma_wait3A_711, %dma_wait3A_712] : memref<4096x200x128xf32, #tpu.memory_space<hbm>> -> memref<2x200x64xf32, #tpu.memory_space<hbm>>
      %dma_wait3A_714 = arith.constant 0 : i32
      %dma_wait3A_715 = arith.constant 0 : i32
      %dma_wait3A_716 = tpu.memref_slice %arg5[%add3A_710, %dma_wait3A_714, %dma_wait3A_715] : memref<4096x200x128xf32, #tpu.memory_space<hbm>> -> memref<2x200x64xf32, #tpu.memory_space<hbm>>
      tpu.wait_dma2 semaphore(%arg14 : memref<!tpu.dma_semaphore, #tpu.memory_space<semaphore_mem>>) src(%arg11 : memref<2x200x64xf32, #tpu.memory_space<vmem>>) dst(%dma_wait3A_716 : memref<2x200x64xf32, #tpu.memory_space<hbm>>)
      %add3A_717 = arith.constant 1 : i32
      %add3A_718 = arith.addi %add3A_667, %add3A_717 : i32
      %mul3A_719 = arith.constant 400 : i32
      %mul3A_720 = arith.muli %add3A_718, %mul3A_719 : i32
      %add3A_721 = arith.addi %mul3A_2, %mul3A_720 : i32
      %dma_wait3A_722 = tpu.memref_slice %arg3[%add3A_721] : memref<819200xi32, #tpu.memory_space<hbm>> -> memref<400xi32, #tpu.memory_space<hbm>>
      %dma_wait3A_723 = tpu.memref_slice %arg3[%add3A_721] : memref<819200xi32, #tpu.memory_space<hbm>> -> memref<400xi32, #tpu.memory_space<hbm>>
      tpu.wait_dma2 semaphore(%arg13 : memref<!tpu.dma_semaphore, #tpu.memory_space<semaphore_mem>>) src(%dma_wait3A_723 : memref<400xi32, #tpu.memory_space<hbm>>) dst(%arg7 : memref<400xi32, #tpu.memory_space<vmem>>)
      %dma_start3A_724 = arith.constant 0 : i32
      %dma_start3A_725 = arith.constant 0 : i32
      %dma_start3A_726 = arith.constant 0 : i32
      %dma_start3A_727 = tpu.memref_slice %arg11[%dma_start3A_724, %dma_start3A_725, %dma_start3A_726] : memref<2x200x64xf32, #tpu.memory_space<vmem>> -> memref<1x128x64xf32, #tpu.memory_space<vmem>>
      %dma_start3A_728 = tpu.memref_squeeze %dma_start3A_727 : memref<1x128x64xf32, #tpu.memory_space<vmem>> -> memref<128x64xf32, #tpu.memory_space<vmem>>
      %dma_start3A_729 = arith.constant 0 : i32
      %dma_start3A_730 = tpu.memref_slice %arg7[%dma_start3A_729] : memref<400xi32, #tpu.memory_space<vmem>> -> memref<128xi32, #tpu.memory_space<vmem>>
      %dma_start3A_731 = arith.constant 0 : i32
      %dma_start3A_732 = arith.constant 0 : i32
      %dma_start3A_733 = tpu.memref_slice %arg2[%dma_start3A_731, %dma_start3A_732] : memref<1000000x64xf32, #tpu.memory_space<hbm>> -> memref<1000000x64xf32, #tpu.memory_space<hbm>>
      tpu.enqueue_indirect_dma source(%dma_start3A_733 : memref<1000000x64xf32, #tpu.memory_space<hbm>>) target(%dma_start3A_728 : memref<128x64xf32, #tpu.memory_space<vmem>>) offsets(%dma_start3A_730 : memref<128xi32, #tpu.memory_space<vmem>>) semaphore(%arg12 : memref<!tpu.dma_semaphore, #tpu.memory_space<semaphore_mem>>)
      %dma_start3A_734 = arith.constant 0 : i32
      %dma_start3A_735 = arith.constant 128 : i32
      %dma_start3A_736 = arith.constant 0 : i32
      %dma_start3A_737 = tpu.memref_slice %arg11[%dma_start3A_734, %dma_start3A_735, %dma_start3A_736] : memref<2x200x64xf32, #tpu.memory_space<vmem>> -> memref<1x72x64xf32, #tpu.memory_space<vmem>>
      %dma_start3A_738 = tpu.memref_squeeze %dma_start3A_737 : memref<1x72x64xf32, #tpu.memory_space<vmem>> -> memref<72x64xf32, #tpu.memory_space<vmem>>
      %dma_start3A_739 = arith.constant 128 : i32
      %dma_start3A_740 = tpu.memref_slice %arg7[%dma_start3A_739] : memref<400xi32, #tpu.memory_space<vmem>> -> memref<72xi32, #tpu.memory_space<vmem>>
      %dma_start3A_741 = arith.constant 0 : i32
      %dma_start3A_742 = arith.constant 0 : i32
      %dma_start3A_743 = tpu.memref_slice %arg2[%dma_start3A_741, %dma_start3A_742] : memref<1000000x64xf32, #tpu.memory_space<hbm>> -> memref<1000000x64xf32, #tpu.memory_space<hbm>>
      tpu.enqueue_indirect_dma source(%dma_start3A_743 : memref<1000000x64xf32, #tpu.memory_space<hbm>>) target(%dma_start3A_738 : memref<72x64xf32, #tpu.memory_space<vmem>>) offsets(%dma_start3A_740 : memref<72xi32, #tpu.memory_space<vmem>>) semaphore(%arg12 : memref<!tpu.dma_semaphore, #tpu.memory_space<semaphore_mem>>)
      %dma_start3A_744 = arith.constant 1 : i32
      %dma_start3A_745 = arith.constant 0 : i32
      %dma_start3A_746 = arith.constant 0 : i32
      %dma_start3A_747 = tpu.memref_slice %arg11[%dma_start3A_744, %dma_start3A_745, %dma_start3A_746] : memref<2x200x64xf32, #tpu.memory_space<vmem>> -> memref<1x128x64xf32, #tpu.memory_space<vmem>>
      %dma_start3A_748 = tpu.memref_squeeze %dma_start3A_747 : memref<1x128x64xf32, #tpu.memory_space<vmem>> -> memref<128x64xf32, #tpu.memory_space<vmem>>
      %dma_start3A_749 = arith.constant 200 : i32
      %dma_start3A_750 = tpu.memref_slice %arg7[%dma_start3A_749] : memref<400xi32, #tpu.memory_space<vmem>> -> memref<128xi32, #tpu.memory_space<vmem>>
      %dma_start3A_751 = arith.constant 0 : i32
      %dma_start3A_752 = arith.constant 0 : i32
      %dma_start3A_753 = tpu.memref_slice %arg2[%dma_start3A_751, %dma_start3A_752] : memref<1000000x64xf32, #tpu.memory_space<hbm>> -> memref<1000000x64xf32, #tpu.memory_space<hbm>>
      tpu.enqueue_indirect_dma source(%dma_start3A_753 : memref<1000000x64xf32, #tpu.memory_space<hbm>>) target(%dma_start3A_748 : memref<128x64xf32, #tpu.memory_space<vmem>>) offsets(%dma_start3A_750 : memref<128xi32, #tpu.memory_space<vmem>>) semaphore(%arg12 : memref<!tpu.dma_semaphore, #tpu.memory_space<semaphore_mem>>)
      %dma_start3A_754 = arith.constant 1 : i32
      %dma_start3A_755 = arith.constant 128 : i32
      %dma_start3A_756 = arith.constant 0 : i32
      %dma_start3A_757 = tpu.memref_slice %arg11[%dma_start3A_754, %dma_start3A_755, %dma_start3A_756] : memref<2x200x64xf32, #tpu.memory_space<vmem>> -> memref<1x72x64xf32, #tpu.memory_space<vmem>>
      %dma_start3A_758 = tpu.memref_squeeze %dma_start3A_757 : memref<1x72x64xf32, #tpu.memory_space<vmem>> -> memref<72x64xf32, #tpu.memory_space<vmem>>
      %dma_start3A_759 = arith.constant 328 : i32
      %dma_start3A_760 = tpu.memref_slice %arg7[%dma_start3A_759] : memref<400xi32, #tpu.memory_space<vmem>> -> memref<72xi32, #tpu.memory_space<vmem>>
      %dma_start3A_761 = arith.constant 0 : i32
      %dma_start3A_762 = arith.constant 0 : i32
      %dma_start3A_763 = tpu.memref_slice %arg2[%dma_start3A_761, %dma_start3A_762] : memref<1000000x64xf32, #tpu.memory_space<hbm>> -> memref<1000000x64xf32, #tpu.memory_space<hbm>>
      tpu.enqueue_indirect_dma source(%dma_start3A_763 : memref<1000000x64xf32, #tpu.memory_space<hbm>>) target(%dma_start3A_758 : memref<72x64xf32, #tpu.memory_space<vmem>>) offsets(%dma_start3A_760 : memref<72xi32, #tpu.memory_space<vmem>>) semaphore(%arg12 : memref<!tpu.dma_semaphore, #tpu.memory_space<semaphore_mem>>)
      %add3A_764 = arith.constant 2 : i32
      %add3A_765 = arith.addi %add3A_667, %add3A_764 : i32
      %mul3A_766 = arith.constant 400 : i32
      %mul3A_767 = arith.muli %add3A_765, %mul3A_766 : i32
      %add3A_768 = arith.addi %mul3A_2, %mul3A_767 : i32
      %dma_start3A_769 = tpu.memref_slice %arg3[%add3A_768] : memref<819200xi32, #tpu.memory_space<hbm>> -> memref<400xi32, #tpu.memory_space<hbm>>
      %dma_start3A_770 = tpu.memref_slice %arg3[%add3A_768] : memref<819200xi32, #tpu.memory_space<hbm>> -> memref<400xi32, #tpu.memory_space<hbm>>
      tpu.enqueue_dma source(%dma_start3A_770 : memref<400xi32, #tpu.memory_space<hbm>>) target(%arg6 : memref<400xi32, #tpu.memory_space<vmem>>) target_semaphore(%arg13 : memref<!tpu.dma_semaphore, #tpu.memory_space<semaphore_mem>>)
      %parallel_loop3A_771 = arith.constant 0 : i32
      %parallel_loop3A_772 = arith.constant 200 : i32
      %parallel_loop3A_773 = arith.constant 1 : i32
      scf.for %parallel_loop3A_1134 = %parallel_loop3A_771 to %parallel_loop3A_772 step %parallel_loop3A_773  : i32 {
        %parallel_loop3A_1135 = arith.index_cast %parallel_loop3A_1134 : i32 to index
        %parallel_loop3A_1136 = arith.constant 0 : index
        %parallel_loop3A_1137 = tpu.vector_load %arg8[%parallel_loop3A_1135, %parallel_loop3A_1136] {strides = array<i32>} : memref<200x64xf32, #tpu.memory_space<vmem>>, vector<1x16xf32>,
        %parallel_loop3A_1138 = vector.shape_cast %parallel_loop3A_1137 : vector<1x16xf32> to vector<16xf32>
        %parallel_loop3A_1139 = arith.constant 0 : i32
        %parallel_loop3A_1140 = arith.index_cast %parallel_loop3A_1139 : i32 to index
        %parallel_loop3A_1141 = arith.index_cast %parallel_loop3A_1134 : i32 to index
        %parallel_loop3A_1142 = arith.constant 0 : index
        %parallel_loop3A_1143 = tpu.vector_load %arg10[%parallel_loop3A_1140, %parallel_loop3A_1141, %parallel_loop3A_1142] {strides = array<i32>} : memref<2x200x64xf32, #tpu.memory_space<vmem>>, vector<1x1x16xf32>,
        %parallel_loop3A_1144 = vector.shape_cast %parallel_loop3A_1143 : vector<1x1x16xf32> to vector<16xf32>
        %parallel_loop3A_1145 = vector.shape_cast %parallel_loop3A_1138 : vector<16xf32> to vector<1x1x16xf32>
        tpu.vector_store %arg10[%parallel_loop3A_1140, %parallel_loop3A_1141, %parallel_loop3A_1142], %parallel_loop3A_1145 {add = true, strides = array<i32>} : memref<2x200x64xf32, #tpu.memory_space<vmem>>, vector<1x1x16xf32>,
        %parallel_loop3A_1146 = arith.constant 1 : i32
        %parallel_loop3A_1147 = arith.index_cast %parallel_loop3A_1146 : i32 to index
        %parallel_loop3A_1148 = arith.index_cast %parallel_loop3A_1134 : i32 to index
        %parallel_loop3A_1149 = arith.constant 0 : index
        %parallel_loop3A_1150 = tpu.vector_load %arg10[%parallel_loop3A_1147, %parallel_loop3A_1148, %parallel_loop3A_1149] {strides = array<i32>} : memref<2x200x64xf32, #tpu.memory_space<vmem>>, vector<1x1x16xf32>,
        %parallel_loop3A_1151 = vector.shape_cast %parallel_loop3A_1150 : vector<1x1x16xf32> to vector<16xf32>
        %parallel_loop3A_1152 = vector.shape_cast %parallel_loop3A_1138 : vector<16xf32> to vector<1x1x16xf32>
        tpu.vector_store %arg10[%parallel_loop3A_1147, %parallel_loop3A_1148, %parallel_loop3A_1149], %parallel_loop3A_1152 {add = true, strides = array<i32>} : memref<2x200x64xf32, #tpu.memory_space<vmem>>, vector<1x1x16xf32>,
        %parallel_loop3A_1153 = arith.index_cast %parallel_loop3A_1134 : i32 to index
        %parallel_loop3A_1154 = arith.constant 16 : index
        %parallel_loop3A_1155 = tpu.vector_load %arg8[%parallel_loop3A_1153, %parallel_loop3A_1154] {strides = array<i32>} : memref<200x64xf32, #tpu.memory_space<vmem>>, vector<1x16xf32>,
        %parallel_loop3A_1156 = vector.shape_cast %parallel_loop3A_1155 : vector<1x16xf32> to vector<16xf32>
        %parallel_loop3A_1157 = arith.constant 0 : i32
        %parallel_loop3A_1158 = arith.index_cast %parallel_loop3A_1157 : i32 to index
        %parallel_loop3A_1159 = arith.index_cast %parallel_loop3A_1134 : i32 to index
        %parallel_loop3A_1160 = arith.constant 16 : index
        %parallel_loop3A_1161 = tpu.vector_load %arg10[%parallel_loop3A_1158, %parallel_loop3A_1159, %parallel_loop3A_1160] {strides = array<i32>} : memref<2x200x64xf32, #tpu.memory_space<vmem>>, vector<1x1x16xf32>,
        %parallel_loop3A_1162 = vector.shape_cast %parallel_loop3A_1161 : vector<1x1x16xf32> to vector<16xf32>
        %parallel_loop3A_1163 = vector.shape_cast %parallel_loop3A_1156 : vector<16xf32> to vector<1x1x16xf32>
        tpu.vector_store %arg10[%parallel_loop3A_1158, %parallel_loop3A_1159, %parallel_loop3A_1160], %parallel_loop3A_1163 {add = true, strides = array<i32>} : memref<2x200x64xf32, #tpu.memory_space<vmem>>, vector<1x1x16xf32>,
        %parallel_loop3A_1164 = arith.constant 1 : i32
        %parallel_loop3A_1165 = arith.index_cast %parallel_loop3A_1164 : i32 to index
        %parallel_loop3A_1166 = arith.index_cast %parallel_loop3A_1134 : i32 to index
        %parallel_loop3A_1167 = arith.constant 16 : index
        %parallel_loop3A_1168 = tpu.vector_load %arg10[%parallel_loop3A_1165, %parallel_loop3A_1166, %parallel_loop3A_1167] {strides = array<i32>} : memref<2x200x64xf32, #tpu.memory_space<vmem>>, vector<1x1x16xf32>,
        %parallel_loop3A_1169 = vector.shape_cast %parallel_loop3A_1168 : vector<1x1x16xf32> to vector<16xf32>
        %parallel_loop3A_1170 = vector.shape_cast %parallel_loop3A_1156 : vector<16xf32> to vector<1x1x16xf32>
        tpu.vector_store %arg10[%parallel_loop3A_1165, %parallel_loop3A_1166, %parallel_loop3A_1167], %parallel_loop3A_1170 {add = true, strides = array<i32>} : memref<2x200x64xf32, #tpu.memory_space<vmem>>, vector<1x1x16xf32>,
        %parallel_loop3A_1171 = arith.index_cast %parallel_loop3A_1134 : i32 to index
        %parallel_loop3A_1172 = arith.constant 32 : index
        %parallel_loop3A_1173 = tpu.vector_load %arg8[%parallel_loop3A_1171, %parallel_loop3A_1172] {strides = array<i32>} : memref<200x64xf32, #tpu.memory_space<vmem>>, vector<1x16xf32>,
        %parallel_loop3A_1174 = vector.shape_cast %parallel_loop3A_1173 : vector<1x16xf32> to vector<16xf32>
        %parallel_loop3A_1175 = arith.constant 0 : i32
        %parallel_loop3A_1176 = arith.index_cast %parallel_loop3A_1175 : i32 to index
        %parallel_loop3A_1177 = arith.index_cast %parallel_loop3A_1134 : i32 to index
        %parallel_loop3A_1178 = arith.constant 32 : index
        %parallel_loop3A_1179 = tpu.vector_load %arg10[%parallel_loop3A_1176, %parallel_loop3A_1177, %parallel_loop3A_1178] {strides = array<i32>} : memref<2x200x64xf32, #tpu.memory_space<vmem>>, vector<1x1x16xf32>,
        %parallel_loop3A_1180 = vector.shape_cast %parallel_loop3A_1179 : vector<1x1x16xf32> to vector<16xf32>
        %parallel_loop3A_1181 = vector.shape_cast %parallel_loop3A_1174 : vector<16xf32> to vector<1x1x16xf32>
        tpu.vector_store %arg10[%parallel_loop3A_1176, %parallel_loop3A_1177, %parallel_loop3A_1178], %parallel_loop3A_1181 {add = true, strides = array<i32>} : memref<2x200x64xf32, #tpu.memory_space<vmem>>, vector<1x1x16xf32>,
        %parallel_loop3A_1182 = arith.constant 1 : i32
        %parallel_loop3A_1183 = arith.index_cast %parallel_loop3A_1182 : i32 to index
        %parallel_loop3A_1184 = arith.index_cast %parallel_loop3A_1134 : i32 to index
        %parallel_loop3A_1185 = arith.constant 32 : index
        %parallel_loop3A_1186 = tpu.vector_load %arg10[%parallel_loop3A_1183, %parallel_loop3A_1184, %parallel_loop3A_1185] {strides = array<i32>} : memref<2x200x64xf32, #tpu.memory_space<vmem>>, vector<1x1x16xf32>,
        %parallel_loop3A_1187 = vector.shape_cast %parallel_loop3A_1186 : vector<1x1x16xf32> to vector<16xf32>
        %parallel_loop3A_1188 = vector.shape_cast %parallel_loop3A_1174 : vector<16xf32> to vector<1x1x16xf32>
        tpu.vector_store %arg10[%parallel_loop3A_1183, %parallel_loop3A_1184, %parallel_loop3A_1185], %parallel_loop3A_1188 {add = true, strides = array<i32>} : memref<2x200x64xf32, #tpu.memory_space<vmem>>, vector<1x1x16xf32>,
        %parallel_loop3A_1189 = arith.index_cast %parallel_loop3A_1134 : i32 to index
        %parallel_loop3A_1190 = arith.constant 48 : index
        %parallel_loop3A_1191 = tpu.vector_load %arg8[%parallel_loop3A_1189, %parallel_loop3A_1190] {strides = array<i32>} : memref<200x64xf32, #tpu.memory_space<vmem>>, vector<1x16xf32>,
        %parallel_loop3A_1192 = vector.shape_cast %parallel_loop3A_1191 : vector<1x16xf32> to vector<16xf32>
        %parallel_loop3A_1193 = arith.constant 0 : i32
        %parallel_loop3A_1194 = arith.index_cast %parallel_loop3A_1193 : i32 to index
        %parallel_loop3A_1195 = arith.index_cast %parallel_loop3A_1134 : i32 to index
        %parallel_loop3A_1196 = arith.constant 48 : index
        %parallel_loop3A_1197 = tpu.vector_load %arg10[%parallel_loop3A_1194, %parallel_loop3A_1195, %parallel_loop3A_1196] {strides = array<i32>} : memref<2x200x64xf32, #tpu.memory_space<vmem>>, vector<1x1x16xf32>,
        %parallel_loop3A_1198 = vector.shape_cast %parallel_loop3A_1197 : vector<1x1x16xf32> to vector<16xf32>
        %parallel_loop3A_1199 = vector.shape_cast %parallel_loop3A_1192 : vector<16xf32> to vector<1x1x16xf32>
        tpu.vector_store %arg10[%parallel_loop3A_1194, %parallel_loop3A_1195, %parallel_loop3A_1196], %parallel_loop3A_1199 {add = true, strides = array<i32>} : memref<2x200x64xf32, #tpu.memory_space<vmem>>, vector<1x1x16xf32>,
        %parallel_loop3A_1200 = arith.constant 1 : i32
        %parallel_loop3A_1201 = arith.index_cast %parallel_loop3A_1200 : i32 to index
        %parallel_loop3A_1202 = arith.index_cast %parallel_loop3A_1134 : i32 to index
        %parallel_loop3A_1203 = arith.constant 48 : index
        %parallel_loop3A_1204 = tpu.vector_load %arg10[%parallel_loop3A_1201, %parallel_loop3A_1202, %parallel_loop3A_1203] {strides = array<i32>} : memref<2x200x64xf32, #tpu.memory_space<vmem>>, vector<1x1x16xf32>,
        %parallel_loop3A_1205 = vector.shape_cast %parallel_loop3A_1204 : vector<1x1x16xf32> to vector<16xf32>
        %parallel_loop3A_1206 = vector.shape_cast %parallel_loop3A_1192 : vector<16xf32> to vector<1x1x16xf32>
        tpu.vector_store %arg10[%parallel_loop3A_1201, %parallel_loop3A_1202, %parallel_loop3A_1203], %parallel_loop3A_1206 {add = true, strides = array<i32>} : memref<2x200x64xf32, #tpu.memory_space<vmem>>, vector<1x1x16xf32>,
      } {sc.loop_unroll_factor = 4 : i64, sc.parallel_access}
      %mul3A_774 = arith.constant 2 : i32
      %mul3A_775 = arith.muli %add3A_667, %mul3A_774 : i32
      %add3A_776 = arith.addi %mul3A_4, %mul3A_775 : i32
      %dma_start3A_777 = arith.constant 0 : i32
      %dma_start3A_778 = arith.constant 0 : i32
      %dma_start3A_779 = tpu.memref_slice %arg5[%add3A_776, %dma_start3A_777, %dma_start3A_778] : memref<4096x200x128xf32, #tpu.memory_space<hbm>> -> memref<2x200x64xf32, #tpu.memory_space<hbm>>
      %dma_start3A_780 = arith.constant 0 : i32
      %dma_start3A_781 = arith.constant 0 : i32
      %dma_start3A_782 = tpu.memref_slice %arg5[%add3A_776, %dma_start3A_780, %dma_start3A_781] : memref<4096x200x128xf32, #tpu.memory_space<hbm>> -> memref<2x200x64xf32, #tpu.memory_space<hbm>>
      tpu.enqueue_dma source(%arg10 : memref<2x200x64xf32, #tpu.memory_space<vmem>>) target(%dma_start3A_782 : memref<2x200x64xf32, #tpu.memory_space<hbm>>) target_semaphore(%arg14 : memref<!tpu.dma_semaphore, #tpu.memory_space<semaphore_mem>>)
      %add3A_783 = arith.constant 3 : i32
      %add3A_784 = arith.addi %add3A_431, %add3A_783 : i32
      %dma_wait3A_785 = arith.constant 0 : i32
      %dma_wait3A_786 = arith.constant 0 : i32
      %dma_wait3A_787 = arith.constant 0 : i32
      %dma_wait3A_788 = tpu.memref_slice %arg11[%dma_wait3A_785, %dma_wait3A_786, %dma_wait3A_787] : memref<2x200x64xf32, #tpu.memory_space<vmem>> -> memref<1x128x64xf32, #tpu.memory_space<vmem>>
      %dma_wait3A_789 = tpu.memref_squeeze %dma_wait3A_788 : memref<1x128x64xf32, #tpu.memory_space<vmem>> -> memref<128x64xf32, #tpu.memory_space<vmem>>
      %dma_wait3A_790 = arith.constant 0 : i32
      %dma_wait3A_791 = tpu.memref_slice %arg7[%dma_wait3A_790] : memref<400xi32, #tpu.memory_space<vmem>> -> memref<128xi32, #tpu.memory_space<vmem>>
      %dma_wait3A_792 = arith.constant 0 : i32
      %dma_wait3A_793 = arith.constant 0 : i32
      %dma_wait3A_794 = tpu.memref_slice %arg2[%dma_wait3A_792, %dma_wait3A_793] : memref<1000000x64xf32, #tpu.memory_space<hbm>> -> memref<1000000x64xf32, #tpu.memory_space<hbm>>
      tpu.wait_indirect_dma semaphore(%arg12 : memref<!tpu.dma_semaphore, #tpu.memory_space<semaphore_mem>>) src(%dma_wait3A_794 : memref<1000000x64xf32, #tpu.memory_space<hbm>>) dst(%dma_wait3A_789 : memref<128x64xf32, #tpu.memory_space<vmem>>)
      %dma_wait3A_795 = arith.constant 0 : i32
      %dma_wait3A_796 = arith.constant 128 : i32
      %dma_wait3A_797 = arith.constant 0 : i32
      %dma_wait3A_798 = tpu.memref_slice %arg11[%dma_wait3A_795, %dma_wait3A_796, %dma_wait3A_797] : memref<2x200x64xf32, #tpu.memory_space<vmem>> -> memref<1x72x64xf32, #tpu.memory_space<vmem>>
      %dma_wait3A_799 = tpu.memref_squeeze %dma_wait3A_798 : memref<1x72x64xf32, #tpu.memory_space<vmem>> -> memref<72x64xf32, #tpu.memory_space<vmem>>
      %dma_wait3A_800 = arith.constant 128 : i32
      %dma_wait3A_801 = tpu.memref_slice %arg7[%dma_wait3A_800] : memref<400xi32, #tpu.memory_space<vmem>> -> memref<72xi32, #tpu.memory_space<vmem>>
      %dma_wait3A_802 = arith.constant 0 : i32
      %dma_wait3A_803 = arith.constant 0 : i32
      %dma_wait3A_804 = tpu.memref_slice %arg2[%dma_wait3A_802, %dma_wait3A_803] : memref<1000000x64xf32, #tpu.memory_space<hbm>> -> memref<1000000x64xf32, #tpu.memory_space<hbm>>
      tpu.wait_indirect_dma semaphore(%arg12 : memref<!tpu.dma_semaphore, #tpu.memory_space<semaphore_mem>>) src(%dma_wait3A_804 : memref<1000000x64xf32, #tpu.memory_space<hbm>>) dst(%dma_wait3A_799 : memref<72x64xf32, #tpu.memory_space<vmem>>)
      %dma_wait3A_805 = arith.constant 1 : i32
      %dma_wait3A_806 = arith.constant 0 : i32
      %dma_wait3A_807 = arith.constant 0 : i32
      %dma_wait3A_808 = tpu.memref_slice %arg11[%dma_wait3A_805, %dma_wait3A_806, %dma_wait3A_807] : memref<2x200x64xf32, #tpu.memory_space<vmem>> -> memref<1x128x64xf32, #tpu.memory_space<vmem>>
      %dma_wait3A_809 = tpu.memref_squeeze %dma_wait3A_808 : memref<1x128x64xf32, #tpu.memory_space<vmem>> -> memref<128x64xf32, #tpu.memory_space<vmem>>
      %dma_wait3A_810 = arith.constant 200 : i32
      %dma_wait3A_811 = tpu.memref_slice %arg7[%dma_wait3A_810] : memref<400xi32, #tpu.memory_space<vmem>> -> memref<128xi32, #tpu.memory_space<vmem>>
      %dma_wait3A_812 = arith.constant 0 : i32
      %dma_wait3A_813 = arith.constant 0 : i32
      %dma_wait3A_814 = tpu.memref_slice %arg2[%dma_wait3A_812, %dma_wait3A_813] : memref<1000000x64xf32, #tpu.memory_space<hbm>> -> memref<1000000x64xf32, #tpu.memory_space<hbm>>
      tpu.wait_indirect_dma semaphore(%arg12 : memref<!tpu.dma_semaphore, #tpu.memory_space<semaphore_mem>>) src(%dma_wait3A_814 : memref<1000000x64xf32, #tpu.memory_space<hbm>>) dst(%dma_wait3A_809 : memref<128x64xf32, #tpu.memory_space<vmem>>)
      %dma_wait3A_815 = arith.constant 1 : i32
      %dma_wait3A_816 = arith.constant 128 : i32
      %dma_wait3A_817 = arith.constant 0 : i32
      %dma_wait3A_818 = tpu.memref_slice %arg11[%dma_wait3A_815, %dma_wait3A_816, %dma_wait3A_817] : memref<2x200x64xf32, #tpu.memory_space<vmem>> -> memref<1x72x64xf32, #tpu.memory_space<vmem>>
      %dma_wait3A_819 = tpu.memref_squeeze %dma_wait3A_818 : memref<1x72x64xf32, #tpu.memory_space<vmem>> -> memref<72x64xf32, #tpu.memory_space<vmem>>
      %dma_wait3A_820 = arith.constant 328 : i32
      %dma_wait3A_821 = tpu.memref_slice %arg7[%dma_wait3A_820] : memref<400xi32, #tpu.memory_space<vmem>> -> memref<72xi32, #tpu.memory_space<vmem>>
      %dma_wait3A_822 = arith.constant 0 : i32
      %dma_wait3A_823 = arith.constant 0 : i32
      %dma_wait3A_824 = tpu.memref_slice %arg2[%dma_wait3A_822, %dma_wait3A_823] : memref<1000000x64xf32, #tpu.memory_space<hbm>> -> memref<1000000x64xf32, #tpu.memory_space<hbm>>
      tpu.wait_indirect_dma semaphore(%arg12 : memref<!tpu.dma_semaphore, #tpu.memory_space<semaphore_mem>>) src(%dma_wait3A_824 : memref<1000000x64xf32, #tpu.memory_space<hbm>>) dst(%dma_wait3A_819 : memref<72x64xf32, #tpu.memory_space<vmem>>)
      %mul3A_825 = arith.constant 2 : i32
      %mul3A_826 = arith.muli %add3A_784, %mul3A_825 : i32
      %add3A_827 = arith.addi %mul3A_4, %mul3A_826 : i32
      %dma_wait3A_828 = arith.constant 0 : i32
      %dma_wait3A_829 = arith.constant 0 : i32
      %dma_wait3A_830 = tpu.memref_slice %arg5[%add3A_827, %dma_wait3A_828, %dma_wait3A_829] : memref<4096x200x128xf32, #tpu.memory_space<hbm>> -> memref<2x200x64xf32, #tpu.memory_space<hbm>>
      %dma_wait3A_831 = arith.constant 0 : i32
      %dma_wait3A_832 = arith.constant 0 : i32
      %dma_wait3A_833 = tpu.memref_slice %arg5[%add3A_827, %dma_wait3A_831, %dma_wait3A_832] : memref<4096x200x128xf32, #tpu.memory_space<hbm>> -> memref<2x200x64xf32, #tpu.memory_space<hbm>>
      tpu.wait_dma2 semaphore(%arg14 : memref<!tpu.dma_semaphore, #tpu.memory_space<semaphore_mem>>) src(%arg9 : memref<2x200x64xf32, #tpu.memory_space<vmem>>) dst(%dma_wait3A_833 : memref<2x200x64xf32, #tpu.memory_space<hbm>>)
      %add3A_834 = arith.constant 1 : i32
      %add3A_835 = arith.addi %add3A_784, %add3A_834 : i32
      %mul3A_836 = arith.constant 400 : i32
      %mul3A_837 = arith.muli %add3A_835, %mul3A_836 : i32
      %add3A_838 = arith.addi %mul3A_2, %mul3A_837 : i32
      %dma_wait3A_839 = tpu.memref_slice %arg3[%add3A_838] : memref<819200xi32, #tpu.memory_space<hbm>> -> memref<400xi32, #tpu.memory_space<hbm>>
      %dma_wait3A_840 = tpu.memref_slice %arg3[%add3A_838] : memref<819200xi32, #tpu.memory_space<hbm>> -> memref<400xi32, #tpu.memory_space<hbm>>
      tpu.wait_dma2 semaphore(%arg13 : memref<!tpu.dma_semaphore, #tpu.memory_space<semaphore_mem>>) src(%dma_wait3A_840 : memref<400xi32, #tpu.memory_space<hbm>>) dst(%arg6 : memref<400xi32, #tpu.memory_space<vmem>>)
      %dma_start3A_841 = arith.constant 0 : i32
      %dma_start3A_842 = arith.constant 0 : i32
      %dma_start3A_843 = arith.constant 0 : i32
      %dma_start3A_844 = tpu.memref_slice %arg9[%dma_start3A_841, %dma_start3A_842, %dma_start3A_843] : memref<2x200x64xf32, #tpu.memory_space<vmem>> -> memref<1x128x64xf32, #tpu.memory_space<vmem>>
      %dma_start3A_845 = tpu.memref_squeeze %dma_start3A_844 : memref<1x128x64xf32, #tpu.memory_space<vmem>> -> memref<128x64xf32, #tpu.memory_space<vmem>>
      %dma_start3A_846 = arith.constant 0 : i32
      %dma_start3A_847 = tpu.memref_slice %arg6[%dma_start3A_846] : memref<400xi32, #tpu.memory_space<vmem>> -> memref<128xi32, #tpu.memory_space<vmem>>
      %dma_start3A_848 = arith.constant 0 : i32
      %dma_start3A_849 = arith.constant 0 : i32
      %dma_start3A_850 = tpu.memref_slice %arg2[%dma_start3A_848, %dma_start3A_849] : memref<1000000x64xf32, #tpu.memory_space<hbm>> -> memref<1000000x64xf32, #tpu.memory_space<hbm>>
      tpu.enqueue_indirect_dma source(%dma_start3A_850 : memref<1000000x64xf32, #tpu.memory_space<hbm>>) target(%dma_start3A_845 : memref<128x64xf32, #tpu.memory_space<vmem>>) offsets(%dma_start3A_847 : memref<128xi32, #tpu.memory_space<vmem>>) semaphore(%arg12 : memref<!tpu.dma_semaphore, #tpu.memory_space<semaphore_mem>>)
      %dma_start3A_851 = arith.constant 0 : i32
      %dma_start3A_852 = arith.constant 128 : i32
      %dma_start3A_853 = arith.constant 0 : i32
      %dma_start3A_854 = tpu.memref_slice %arg9[%dma_start3A_851, %dma_start3A_852, %dma_start3A_853] : memref<2x200x64xf32, #tpu.memory_space<vmem>> -> memref<1x72x64xf32, #tpu.memory_space<vmem>>
      %dma_start3A_855 = tpu.memref_squeeze %dma_start3A_854 : memref<1x72x64xf32, #tpu.memory_space<vmem>> -> memref<72x64xf32, #tpu.memory_space<vmem>>
      %dma_start3A_856 = arith.constant 128 : i32
      %dma_start3A_857 = tpu.memref_slice %arg6[%dma_start3A_856] : memref<400xi32, #tpu.memory_space<vmem>> -> memref<72xi32, #tpu.memory_space<vmem>>
      %dma_start3A_858 = arith.constant 0 : i32
      %dma_start3A_859 = arith.constant 0 : i32
      %dma_start3A_860 = tpu.memref_slice %arg2[%dma_start3A_858, %dma_start3A_859] : memref<1000000x64xf32, #tpu.memory_space<hbm>> -> memref<1000000x64xf32, #tpu.memory_space<hbm>>
      tpu.enqueue_indirect_dma source(%dma_start3A_860 : memref<1000000x64xf32, #tpu.memory_space<hbm>>) target(%dma_start3A_855 : memref<72x64xf32, #tpu.memory_space<vmem>>) offsets(%dma_start3A_857 : memref<72xi32, #tpu.memory_space<vmem>>) semaphore(%arg12 : memref<!tpu.dma_semaphore, #tpu.memory_space<semaphore_mem>>)
      %dma_start3A_861 = arith.constant 1 : i32
      %dma_start3A_862 = arith.constant 0 : i32
      %dma_start3A_863 = arith.constant 0 : i32
      %dma_start3A_864 = tpu.memref_slice %arg9[%dma_start3A_861, %dma_start3A_862, %dma_start3A_863] : memref<2x200x64xf32, #tpu.memory_space<vmem>> -> memref<1x128x64xf32, #tpu.memory_space<vmem>>
      %dma_start3A_865 = tpu.memref_squeeze %dma_start3A_864 : memref<1x128x64xf32, #tpu.memory_space<vmem>> -> memref<128x64xf32, #tpu.memory_space<vmem>>
      %dma_start3A_866 = arith.constant 200 : i32
      %dma_start3A_867 = tpu.memref_slice %arg6[%dma_start3A_866] : memref<400xi32, #tpu.memory_space<vmem>> -> memref<128xi32, #tpu.memory_space<vmem>>
      %dma_start3A_868 = arith.constant 0 : i32
      %dma_start3A_869 = arith.constant 0 : i32
      %dma_start3A_870 = tpu.memref_slice %arg2[%dma_start3A_868, %dma_start3A_869] : memref<1000000x64xf32, #tpu.memory_space<hbm>> -> memref<1000000x64xf32, #tpu.memory_space<hbm>>
      tpu.enqueue_indirect_dma source(%dma_start3A_870 : memref<1000000x64xf32, #tpu.memory_space<hbm>>) target(%dma_start3A_865 : memref<128x64xf32, #tpu.memory_space<vmem>>) offsets(%dma_start3A_867 : memref<128xi32, #tpu.memory_space<vmem>>) semaphore(%arg12 : memref<!tpu.dma_semaphore, #tpu.memory_space<semaphore_mem>>)
      %dma_start3A_871 = arith.constant 1 : i32
      %dma_start3A_872 = arith.constant 128 : i32
      %dma_start3A_873 = arith.constant 0 : i32
      %dma_start3A_874 = tpu.memref_slice %arg9[%dma_start3A_871, %dma_start3A_872, %dma_start3A_873] : memref<2x200x64xf32, #tpu.memory_space<vmem>> -> memref<1x72x64xf32, #tpu.memory_space<vmem>>
      %dma_start3A_875 = tpu.memref_squeeze %dma_start3A_874 : memref<1x72x64xf32, #tpu.memory_space<vmem>> -> memref<72x64xf32, #tpu.memory_space<vmem>>
      %dma_start3A_876 = arith.constant 328 : i32
      %dma_start3A_877 = tpu.memref_slice %arg6[%dma_start3A_876] : memref<400xi32, #tpu.memory_space<vmem>> -> memref<72xi32, #tpu.memory_space<vmem>>
      %dma_start3A_878 = arith.constant 0 : i32
      %dma_start3A_879 = arith.constant 0 : i32
      %dma_start3A_880 = tpu.memref_slice %arg2[%dma_start3A_878, %dma_start3A_879] : memref<1000000x64xf32, #tpu.memory_space<hbm>> -> memref<1000000x64xf32, #tpu.memory_space<hbm>>
      tpu.enqueue_indirect_dma source(%dma_start3A_880 : memref<1000000x64xf32, #tpu.memory_space<hbm>>) target(%dma_start3A_875 : memref<72x64xf32, #tpu.memory_space<vmem>>) offsets(%dma_start3A_877 : memref<72xi32, #tpu.memory_space<vmem>>) semaphore(%arg12 : memref<!tpu.dma_semaphore, #tpu.memory_space<semaphore_mem>>)
      %add3A_881 = arith.constant 2 : i32
      %add3A_882 = arith.addi %add3A_784, %add3A_881 : i32
      %mul3A_883 = arith.constant 400 : i32
      %mul3A_884 = arith.muli %add3A_882, %mul3A_883 : i32
      %add3A_885 = arith.addi %mul3A_2, %mul3A_884 : i32
      %dma_start3A_886 = tpu.memref_slice %arg3[%add3A_885] : memref<819200xi32, #tpu.memory_space<hbm>> -> memref<400xi32, #tpu.memory_space<hbm>>
      %dma_start3A_887 = tpu.memref_slice %arg3[%add3A_885] : memref<819200xi32, #tpu.memory_space<hbm>> -> memref<400xi32, #tpu.memory_space<hbm>>
      tpu.enqueue_dma source(%dma_start3A_887 : memref<400xi32, #tpu.memory_space<hbm>>) target(%arg7 : memref<400xi32, #tpu.memory_space<vmem>>) target_semaphore(%arg13 : memref<!tpu.dma_semaphore, #tpu.memory_space<semaphore_mem>>)
      %parallel_loop3A_888 = arith.constant 0 : i32
      %parallel_loop3A_889 = arith.constant 200 : i32
      %parallel_loop3A_890 = arith.constant 1 : i32
      scf.for %parallel_loop3A_1134 = %parallel_loop3A_888 to %parallel_loop3A_889 step %parallel_loop3A_890  : i32 {
        %parallel_loop3A_1135 = arith.index_cast %parallel_loop3A_1134 : i32 to index
        %parallel_loop3A_1136 = arith.constant 0 : index
        %parallel_loop3A_1137 = tpu.vector_load %arg8[%parallel_loop3A_1135, %parallel_loop3A_1136] {strides = array<i32>} : memref<200x64xf32, #tpu.memory_space<vmem>>, vector<1x16xf32>,
        %parallel_loop3A_1138 = vector.shape_cast %parallel_loop3A_1137 : vector<1x16xf32> to vector<16xf32>
        %parallel_loop3A_1139 = arith.constant 0 : i32
        %parallel_loop3A_1140 = arith.index_cast %parallel_loop3A_1139 : i32 to index
        %parallel_loop3A_1141 = arith.index_cast %parallel_loop3A_1134 : i32 to index
        %parallel_loop3A_1142 = arith.constant 0 : index
        %parallel_loop3A_1143 = tpu.vector_load %arg11[%parallel_loop3A_1140, %parallel_loop3A_1141, %parallel_loop3A_1142] {strides = array<i32>} : memref<2x200x64xf32, #tpu.memory_space<vmem>>, vector<1x1x16xf32>,
        %parallel_loop3A_1144 = vector.shape_cast %parallel_loop3A_1143 : vector<1x1x16xf32> to vector<16xf32>
        %parallel_loop3A_1145 = vector.shape_cast %parallel_loop3A_1138 : vector<16xf32> to vector<1x1x16xf32>
        tpu.vector_store %arg11[%parallel_loop3A_1140, %parallel_loop3A_1141, %parallel_loop3A_1142], %parallel_loop3A_1145 {add = true, strides = array<i32>} : memref<2x200x64xf32, #tpu.memory_space<vmem>>, vector<1x1x16xf32>,
        %parallel_loop3A_1146 = arith.constant 1 : i32
        %parallel_loop3A_1147 = arith.index_cast %parallel_loop3A_1146 : i32 to index
        %parallel_loop3A_1148 = arith.index_cast %parallel_loop3A_1134 : i32 to index
        %parallel_loop3A_1149 = arith.constant 0 : index
        %parallel_loop3A_1150 = tpu.vector_load %arg11[%parallel_loop3A_1147, %parallel_loop3A_1148, %parallel_loop3A_1149] {strides = array<i32>} : memref<2x200x64xf32, #tpu.memory_space<vmem>>, vector<1x1x16xf32>,
        %parallel_loop3A_1151 = vector.shape_cast %parallel_loop3A_1150 : vector<1x1x16xf32> to vector<16xf32>
        %parallel_loop3A_1152 = vector.shape_cast %parallel_loop3A_1138 : vector<16xf32> to vector<1x1x16xf32>
        tpu.vector_store %arg11[%parallel_loop3A_1147, %parallel_loop3A_1148, %parallel_loop3A_1149], %parallel_loop3A_1152 {add = true, strides = array<i32>} : memref<2x200x64xf32, #tpu.memory_space<vmem>>, vector<1x1x16xf32>,
        %parallel_loop3A_1153 = arith.index_cast %parallel_loop3A_1134 : i32 to index
        %parallel_loop3A_1154 = arith.constant 16 : index
        %parallel_loop3A_1155 = tpu.vector_load %arg8[%parallel_loop3A_1153, %parallel_loop3A_1154] {strides = array<i32>} : memref<200x64xf32, #tpu.memory_space<vmem>>, vector<1x16xf32>,
        %parallel_loop3A_1156 = vector.shape_cast %parallel_loop3A_1155 : vector<1x16xf32> to vector<16xf32>
        %parallel_loop3A_1157 = arith.constant 0 : i32
        %parallel_loop3A_1158 = arith.index_cast %parallel_loop3A_1157 : i32 to index
        %parallel_loop3A_1159 = arith.index_cast %parallel_loop3A_1134 : i32 to index
        %parallel_loop3A_1160 = arith.constant 16 : index
        %parallel_loop3A_1161 = tpu.vector_load %arg11[%parallel_loop3A_1158, %parallel_loop3A_1159, %parallel_loop3A_1160] {strides = array<i32>} : memref<2x200x64xf32, #tpu.memory_space<vmem>>, vector<1x1x16xf32>,
        %parallel_loop3A_1162 = vector.shape_cast %parallel_loop3A_1161 : vector<1x1x16xf32> to vector<16xf32>
        %parallel_loop3A_1163 = vector.shape_cast %parallel_loop3A_1156 : vector<16xf32> to vector<1x1x16xf32>
        tpu.vector_store %arg11[%parallel_loop3A_1158, %parallel_loop3A_1159, %parallel_loop3A_1160], %parallel_loop3A_1163 {add = true, strides = array<i32>} : memref<2x200x64xf32, #tpu.memory_space<vmem>>, vector<1x1x16xf32>,
        %parallel_loop3A_1164 = arith.constant 1 : i32
        %parallel_loop3A_1165 = arith.index_cast %parallel_loop3A_1164 : i32 to index
        %parallel_loop3A_1166 = arith.index_cast %parallel_loop3A_1134 : i32 to index
        %parallel_loop3A_1167 = arith.constant 16 : index
        %parallel_loop3A_1168 = tpu.vector_load %arg11[%parallel_loop3A_1165, %parallel_loop3A_1166, %parallel_loop3A_1167] {strides = array<i32>} : memref<2x200x64xf32, #tpu.memory_space<vmem>>, vector<1x1x16xf32>,
        %parallel_loop3A_1169 = vector.shape_cast %parallel_loop3A_1168 : vector<1x1x16xf32> to vector<16xf32>
        %parallel_loop3A_1170 = vector.shape_cast %parallel_loop3A_1156 : vector<16xf32> to vector<1x1x16xf32>
        tpu.vector_store %arg11[%parallel_loop3A_1165, %parallel_loop3A_1166, %parallel_loop3A_1167], %parallel_loop3A_1170 {add = true, strides = array<i32>} : memref<2x200x64xf32, #tpu.memory_space<vmem>>, vector<1x1x16xf32>,
        %parallel_loop3A_1171 = arith.index_cast %parallel_loop3A_1134 : i32 to index
        %parallel_loop3A_1172 = arith.constant 32 : index
        %parallel_loop3A_1173 = tpu.vector_load %arg8[%parallel_loop3A_1171, %parallel_loop3A_1172] {strides = array<i32>} : memref<200x64xf32, #tpu.memory_space<vmem>>, vector<1x16xf32>,
        %parallel_loop3A_1174 = vector.shape_cast %parallel_loop3A_1173 : vector<1x16xf32> to vector<16xf32>
        %parallel_loop3A_1175 = arith.constant 0 : i32
        %parallel_loop3A_1176 = arith.index_cast %parallel_loop3A_1175 : i32 to index
        %parallel_loop3A_1177 = arith.index_cast %parallel_loop3A_1134 : i32 to index
        %parallel_loop3A_1178 = arith.constant 32 : index
        %parallel_loop3A_1179 = tpu.vector_load %arg11[%parallel_loop3A_1176, %parallel_loop3A_1177, %parallel_loop3A_1178] {strides = array<i32>} : memref<2x200x64xf32, #tpu.memory_space<vmem>>, vector<1x1x16xf32>,
        %parallel_loop3A_1180 = vector.shape_cast %parallel_loop3A_1179 : vector<1x1x16xf32> to vector<16xf32>
        %parallel_loop3A_1181 = vector.shape_cast %parallel_loop3A_1174 : vector<16xf32> to vector<1x1x16xf32>
        tpu.vector_store %arg11[%parallel_loop3A_1176, %parallel_loop3A_1177, %parallel_loop3A_1178], %parallel_loop3A_1181 {add = true, strides = array<i32>} : memref<2x200x64xf32, #tpu.memory_space<vmem>>, vector<1x1x16xf32>,
        %parallel_loop3A_1182 = arith.constant 1 : i32
        %parallel_loop3A_1183 = arith.index_cast %parallel_loop3A_1182 : i32 to index
        %parallel_loop3A_1184 = arith.index_cast %parallel_loop3A_1134 : i32 to index
        %parallel_loop3A_1185 = arith.constant 32 : index
        %parallel_loop3A_1186 = tpu.vector_load %arg11[%parallel_loop3A_1183, %parallel_loop3A_1184, %parallel_loop3A_1185] {strides = array<i32>} : memref<2x200x64xf32, #tpu.memory_space<vmem>>, vector<1x1x16xf32>,
        %parallel_loop3A_1187 = vector.shape_cast %parallel_loop3A_1186 : vector<1x1x16xf32> to vector<16xf32>
        %parallel_loop3A_1188 = vector.shape_cast %parallel_loop3A_1174 : vector<16xf32> to vector<1x1x16xf32>
        tpu.vector_store %arg11[%parallel_loop3A_1183, %parallel_loop3A_1184, %parallel_loop3A_1185], %parallel_loop3A_1188 {add = true, strides = array<i32>} : memref<2x200x64xf32, #tpu.memory_space<vmem>>, vector<1x1x16xf32>,
        %parallel_loop3A_1189 = arith.index_cast %parallel_loop3A_1134 : i32 to index
        %parallel_loop3A_1190 = arith.constant 48 : index
        %parallel_loop3A_1191 = tpu.vector_load %arg8[%parallel_loop3A_1189, %parallel_loop3A_1190] {strides = array<i32>} : memref<200x64xf32, #tpu.memory_space<vmem>>, vector<1x16xf32>,
        %parallel_loop3A_1192 = vector.shape_cast %parallel_loop3A_1191 : vector<1x16xf32> to vector<16xf32>
        %parallel_loop3A_1193 = arith.constant 0 : i32
        %parallel_loop3A_1194 = arith.index_cast %parallel_loop3A_1193 : i32 to index
        %parallel_loop3A_1195 = arith.index_cast %parallel_loop3A_1134 : i32 to index
        %parallel_loop3A_1196 = arith.constant 48 : index
        %parallel_loop3A_1197 = tpu.vector_load %arg11[%parallel_loop3A_1194, %parallel_loop3A_1195, %parallel_loop3A_1196] {strides = array<i32>} : memref<2x200x64xf32, #tpu.memory_space<vmem>>, vector<1x1x16xf32>,
        %parallel_loop3A_1198 = vector.shape_cast %parallel_loop3A_1197 : vector<1x1x16xf32> to vector<16xf32>
        %parallel_loop3A_1199 = vector.shape_cast %parallel_loop3A_1192 : vector<16xf32> to vector<1x1x16xf32>
        tpu.vector_store %arg11[%parallel_loop3A_1194, %parallel_loop3A_1195, %parallel_loop3A_1196], %parallel_loop3A_1199 {add = true, strides = array<i32>} : memref<2x200x64xf32, #tpu.memory_space<vmem>>, vector<1x1x16xf32>,
        %parallel_loop3A_1200 = arith.constant 1 : i32
        %parallel_loop3A_1201 = arith.index_cast %parallel_loop3A_1200 : i32 to index
        %parallel_loop3A_1202 = arith.index_cast %parallel_loop3A_1134 : i32 to index
        %parallel_loop3A_1203 = arith.constant 48 : index
        %parallel_loop3A_1204 = tpu.vector_load %arg11[%parallel_loop3A_1201, %parallel_loop3A_1202, %parallel_loop3A_1203] {strides = array<i32>} : memref<2x200x64xf32, #tpu.memory_space<vmem>>, vector<1x1x16xf32>,
        %parallel_loop3A_1205 = vector.shape_cast %parallel_loop3A_1204 : vector<1x1x16xf32> to vector<16xf32>
        %parallel_loop3A_1206 = vector.shape_cast %parallel_loop3A_1192 : vector<16xf32> to vector<1x1x16xf32>
        tpu.vector_store %arg11[%parallel_loop3A_1201, %parallel_loop3A_1202, %parallel_loop3A_1203], %parallel_loop3A_1206 {add = true, strides = array<i32>} : memref<2x200x64xf32, #tpu.memory_space<vmem>>, vector<1x1x16xf32>,
      } {sc.loop_unroll_factor = 4 : i64, sc.parallel_access}
      %mul3A_891 = arith.constant 2 : i32
      %mul3A_892 = arith.muli %add3A_784, %mul3A_891 : i32
      %add3A_893 = arith.addi %mul3A_4, %mul3A_892 : i32
      %dma_start3A_894 = arith.constant 0 : i32
      %dma_start3A_895 = arith.constant 0 : i32
      %dma_start3A_896 = tpu.memref_slice %arg5[%add3A_893, %dma_start3A_894, %dma_start3A_895] : memref<4096x200x128xf32, #tpu.memory_space<hbm>> -> memref<2x200x64xf32, #tpu.memory_space<hbm>>
      %dma_start3A_897 = arith.constant 0 : i32
      %dma_start3A_898 = arith.constant 0 : i32
      %dma_start3A_899 = tpu.memref_slice %arg5[%add3A_893, %dma_start3A_897, %dma_start3A_898] : memref<4096x200x128xf32, #tpu.memory_space<hbm>> -> memref<2x200x64xf32, #tpu.memory_space<hbm>>
      tpu.enqueue_dma source(%arg11 : memref<2x200x64xf32, #tpu.memory_space<vmem>>) target(%dma_start3A_899 : memref<2x200x64xf32, #tpu.memory_space<hbm>>) target_semaphore(%arg14 : memref<!tpu.dma_semaphore, #tpu.memory_space<semaphore_mem>>)
      %add3A_900 = arith.constant 4 : i32
      %add3A_901 = arith.addi %add3A_431, %add3A_900 : i32
      %dma_wait3A_902 = arith.constant 0 : i32
      %dma_wait3A_903 = arith.constant 0 : i32
      %dma_wait3A_904 = arith.constant 0 : i32
      %dma_wait3A_905 = tpu.memref_slice %arg9[%dma_wait3A_902, %dma_wait3A_903, %dma_wait3A_904] : memref<2x200x64xf32, #tpu.memory_space<vmem>> -> memref<1x128x64xf32, #tpu.memory_space<vmem>>
      %dma_wait3A_906 = tpu.memref_squeeze %dma_wait3A_905 : memref<1x128x64xf32, #tpu.memory_space<vmem>> -> memref<128x64xf32, #tpu.memory_space<vmem>>
      %dma_wait3A_907 = arith.constant 0 : i32
      %dma_wait3A_908 = tpu.memref_slice %arg6[%dma_wait3A_907] : memref<400xi32, #tpu.memory_space<vmem>> -> memref<128xi32, #tpu.memory_space<vmem>>
      %dma_wait3A_909 = arith.constant 0 : i32
      %dma_wait3A_910 = arith.constant 0 : i32
      %dma_wait3A_911 = tpu.memref_slice %arg2[%dma_wait3A_909, %dma_wait3A_910] : memref<1000000x64xf32, #tpu.memory_space<hbm>> -> memref<1000000x64xf32, #tpu.memory_space<hbm>>
      tpu.wait_indirect_dma semaphore(%arg12 : memref<!tpu.dma_semaphore, #tpu.memory_space<semaphore_mem>>) src(%dma_wait3A_911 : memref<1000000x64xf32, #tpu.memory_space<hbm>>) dst(%dma_wait3A_906 : memref<128x64xf32, #tpu.memory_space<vmem>>)
      %dma_wait3A_912 = arith.constant 0 : i32
      %dma_wait3A_913 = arith.constant 128 : i32
      %dma_wait3A_914 = arith.constant 0 : i32
      %dma_wait3A_915 = tpu.memref_slice %arg9[%dma_wait3A_912, %dma_wait3A_913, %dma_wait3A_914] : memref<2x200x64xf32, #tpu.memory_space<vmem>> -> memref<1x72x64xf32, #tpu.memory_space<vmem>>
      %dma_wait3A_916 = tpu.memref_squeeze %dma_wait3A_915 : memref<1x72x64xf32, #tpu.memory_space<vmem>> -> memref<72x64xf32, #tpu.memory_space<vmem>>
      %dma_wait3A_917 = arith.constant 128 : i32
      %dma_wait3A_918 = tpu.memref_slice %arg6[%dma_wait3A_917] : memref<400xi32, #tpu.memory_space<vmem>> -> memref<72xi32, #tpu.memory_space<vmem>>
      %dma_wait3A_919 = arith.constant 0 : i32
      %dma_wait3A_920 = arith.constant 0 : i32
      %dma_wait3A_921 = tpu.memref_slice %arg2[%dma_wait3A_919, %dma_wait3A_920] : memref<1000000x64xf32, #tpu.memory_space<hbm>> -> memref<1000000x64xf32, #tpu.memory_space<hbm>>
      tpu.wait_indirect_dma semaphore(%arg12 : memref<!tpu.dma_semaphore, #tpu.memory_space<semaphore_mem>>) src(%dma_wait3A_921 : memref<1000000x64xf32, #tpu.memory_space<hbm>>) dst(%dma_wait3A_916 : memref<72x64xf32, #tpu.memory_space<vmem>>)
      %dma_wait3A_922 = arith.constant 1 : i32
      %dma_wait3A_923 = arith.constant 0 : i32
      %dma_wait3A_924 = arith.constant 0 : i32
      %dma_wait3A_925 = tpu.memref_slice %arg9[%dma_wait3A_922, %dma_wait3A_923, %dma_wait3A_924] : memref<2x200x64xf32, #tpu.memory_space<vmem>> -> memref<1x128x64xf32, #tpu.memory_space<vmem>>
      %dma_wait3A_926 = tpu.memref_squeeze %dma_wait3A_925 : memref<1x128x64xf32, #tpu.memory_space<vmem>> -> memref<128x64xf32, #tpu.memory_space<vmem>>
      %dma_wait3A_927 = arith.constant 200 : i32
      %dma_wait3A_928 = tpu.memref_slice %arg6[%dma_wait3A_927] : memref<400xi32, #tpu.memory_space<vmem>> -> memref<128xi32, #tpu.memory_space<vmem>>
      %dma_wait3A_929 = arith.constant 0 : i32
      %dma_wait3A_930 = arith.constant 0 : i32
      %dma_wait3A_931 = tpu.memref_slice %arg2[%dma_wait3A_929, %dma_wait3A_930] : memref<1000000x64xf32, #tpu.memory_space<hbm>> -> memref<1000000x64xf32, #tpu.memory_space<hbm>>
      tpu.wait_indirect_dma semaphore(%arg12 : memref<!tpu.dma_semaphore, #tpu.memory_space<semaphore_mem>>) src(%dma_wait3A_931 : memref<1000000x64xf32, #tpu.memory_space<hbm>>) dst(%dma_wait3A_926 : memref<128x64xf32, #tpu.memory_space<vmem>>)
      %dma_wait3A_932 = arith.constant 1 : i32
      %dma_wait3A_933 = arith.constant 128 : i32
      %dma_wait3A_934 = arith.constant 0 : i32
      %dma_wait3A_935 = tpu.memref_slice %arg9[%dma_wait3A_932, %dma_wait3A_933, %dma_wait3A_934] : memref<2x200x64xf32, #tpu.memory_space<vmem>> -> memref<1x72x64xf32, #tpu.memory_space<vmem>>
      %dma_wait3A_936 = tpu.memref_squeeze %dma_wait3A_935 : memref<1x72x64xf32, #tpu.memory_space<vmem>> -> memref<72x64xf32, #tpu.memory_space<vmem>>
      %dma_wait3A_937 = arith.constant 328 : i32
      %dma_wait3A_938 = tpu.memref_slice %arg6[%dma_wait3A_937] : memref<400xi32, #tpu.memory_space<vmem>> -> memref<72xi32, #tpu.memory_space<vmem>>
      %dma_wait3A_939 = arith.constant 0 : i32
      %dma_wait3A_940 = arith.constant 0 : i32
      %dma_wait3A_941 = tpu.memref_slice %arg2[%dma_wait3A_939, %dma_wait3A_940] : memref<1000000x64xf32, #tpu.memory_space<hbm>> -> memref<1000000x64xf32, #tpu.memory_space<hbm>>
      tpu.wait_indirect_dma semaphore(%arg12 : memref<!tpu.dma_semaphore, #tpu.memory_space<semaphore_mem>>) src(%dma_wait3A_941 : memref<1000000x64xf32, #tpu.memory_space<hbm>>) dst(%dma_wait3A_936 : memref<72x64xf32, #tpu.memory_space<vmem>>)
      %mul3A_942 = arith.constant 2 : i32
      %mul3A_943 = arith.muli %add3A_901, %mul3A_942 : i32
      %add3A_944 = arith.addi %mul3A_4, %mul3A_943 : i32
      %dma_wait3A_945 = arith.constant 0 : i32
      %dma_wait3A_946 = arith.constant 0 : i32
      %dma_wait3A_947 = tpu.memref_slice %arg5[%add3A_944, %dma_wait3A_945, %dma_wait3A_946] : memref<4096x200x128xf32, #tpu.memory_space<hbm>> -> memref<2x200x64xf32, #tpu.memory_space<hbm>>
      %dma_wait3A_948 = arith.constant 0 : i32
      %dma_wait3A_949 = arith.constant 0 : i32
      %dma_wait3A_950 = tpu.memref_slice %arg5[%add3A_944, %dma_wait3A_948, %dma_wait3A_949] : memref<4096x200x128xf32, #tpu.memory_space<hbm>> -> memref<2x200x64xf32, #tpu.memory_space<hbm>>
      tpu.wait_dma2 semaphore(%arg14 : memref<!tpu.dma_semaphore, #tpu.memory_space<semaphore_mem>>) src(%arg10 : memref<2x200x64xf32, #tpu.memory_space<vmem>>) dst(%dma_wait3A_950 : memref<2x200x64xf32, #tpu.memory_space<hbm>>)
      %add3A_951 = arith.constant 1 : i32
      %add3A_952 = arith.addi %add3A_901, %add3A_951 : i32
      %mul3A_953 = arith.constant 400 : i32
      %mul3A_954 = arith.muli %add3A_952, %mul3A_953 : i32
      %add3A_955 = arith.addi %mul3A_2, %mul3A_954 : i32
      %dma_wait3A_956 = tpu.memref_slice %arg3[%add3A_955] : memref<819200xi32, #tpu.memory_space<hbm>> -> memref<400xi32, #tpu.memory_space<hbm>>
      %dma_wait3A_957 = tpu.memref_slice %arg3[%add3A_955] : memref<819200xi32, #tpu.memory_space<hbm>> -> memref<400xi32, #tpu.memory_space<hbm>>
      tpu.wait_dma2 semaphore(%arg13 : memref<!tpu.dma_semaphore, #tpu.memory_space<semaphore_mem>>) src(%dma_wait3A_957 : memref<400xi32, #tpu.memory_space<hbm>>) dst(%arg7 : memref<400xi32, #tpu.memory_space<vmem>>)
      %dma_start3A_958 = arith.constant 0 : i32
      %dma_start3A_959 = arith.constant 0 : i32
      %dma_start3A_960 = arith.constant 0 : i32
      %dma_start3A_961 = tpu.memref_slice %arg10[%dma_start3A_958, %dma_start3A_959, %dma_start3A_960] : memref<2x200x64xf32, #tpu.memory_space<vmem>> -> memref<1x128x64xf32, #tpu.memory_space<vmem>>
      %dma_start3A_962 = tpu.memref_squeeze %dma_start3A_961 : memref<1x128x64xf32, #tpu.memory_space<vmem>> -> memref<128x64xf32, #tpu.memory_space<vmem>>
      %dma_start3A_963 = arith.constant 0 : i32
      %dma_start3A_964 = tpu.memref_slice %arg7[%dma_start3A_963] : memref<400xi32, #tpu.memory_space<vmem>> -> memref<128xi32, #tpu.memory_space<vmem>>
      %dma_start3A_965 = arith.constant 0 : i32
      %dma_start3A_966 = arith.constant 0 : i32
      %dma_start3A_967 = tpu.memref_slice %arg2[%dma_start3A_965, %dma_start3A_966] : memref<1000000x64xf32, #tpu.memory_space<hbm>> -> memref<1000000x64xf32, #tpu.memory_space<hbm>>
      tpu.enqueue_indirect_dma source(%dma_start3A_967 : memref<1000000x64xf32, #tpu.memory_space<hbm>>) target(%dma_start3A_962 : memref<128x64xf32, #tpu.memory_space<vmem>>) offsets(%dma_start3A_964 : memref<128xi32, #tpu.memory_space<vmem>>) semaphore(%arg12 : memref<!tpu.dma_semaphore, #tpu.memory_space<semaphore_mem>>)
      %dma_start3A_968 = arith.constant 0 : i32
      %dma_start3A_969 = arith.constant 128 : i32
      %dma_start3A_970 = arith.constant 0 : i32
      %dma_start3A_971 = tpu.memref_slice %arg10[%dma_start3A_968, %dma_start3A_969, %dma_start3A_970] : memref<2x200x64xf32, #tpu.memory_space<vmem>> -> memref<1x72x64xf32, #tpu.memory_space<vmem>>
      %dma_start3A_972 = tpu.memref_squeeze %dma_start3A_971 : memref<1x72x64xf32, #tpu.memory_space<vmem>> -> memref<72x64xf32, #tpu.memory_space<vmem>>
      %dma_start3A_973 = arith.constant 128 : i32
      %dma_start3A_974 = tpu.memref_slice %arg7[%dma_start3A_973] : memref<400xi32, #tpu.memory_space<vmem>> -> memref<72xi32, #tpu.memory_space<vmem>>
      %dma_start3A_975 = arith.constant 0 : i32
      %dma_start3A_976 = arith.constant 0 : i32
      %dma_start3A_977 = tpu.memref_slice %arg2[%dma_start3A_975, %dma_start3A_976] : memref<1000000x64xf32, #tpu.memory_space<hbm>> -> memref<1000000x64xf32, #tpu.memory_space<hbm>>
      tpu.enqueue_indirect_dma source(%dma_start3A_977 : memref<1000000x64xf32, #tpu.memory_space<hbm>>) target(%dma_start3A_972 : memref<72x64xf32, #tpu.memory_space<vmem>>) offsets(%dma_start3A_974 : memref<72xi32, #tpu.memory_space<vmem>>) semaphore(%arg12 : memref<!tpu.dma_semaphore, #tpu.memory_space<semaphore_mem>>)
      %dma_start3A_978 = arith.constant 1 : i32
      %dma_start3A_979 = arith.constant 0 : i32
      %dma_start3A_980 = arith.constant 0 : i32
      %dma_start3A_981 = tpu.memref_slice %arg10[%dma_start3A_978, %dma_start3A_979, %dma_start3A_980] : memref<2x200x64xf32, #tpu.memory_space<vmem>> -> memref<1x128x64xf32, #tpu.memory_space<vmem>>
      %dma_start3A_982 = tpu.memref_squeeze %dma_start3A_981 : memref<1x128x64xf32, #tpu.memory_space<vmem>> -> memref<128x64xf32, #tpu.memory_space<vmem>>
      %dma_start3A_983 = arith.constant 200 : i32
      %dma_start3A_984 = tpu.memref_slice %arg7[%dma_start3A_983] : memref<400xi32, #tpu.memory_space<vmem>> -> memref<128xi32, #tpu.memory_space<vmem>>
      %dma_start3A_985 = arith.constant 0 : i32
      %dma_start3A_986 = arith.constant 0 : i32
      %dma_start3A_987 = tpu.memref_slice %arg2[%dma_start3A_985, %dma_start3A_986] : memref<1000000x64xf32, #tpu.memory_space<hbm>> -> memref<1000000x64xf32, #tpu.memory_space<hbm>>
      tpu.enqueue_indirect_dma source(%dma_start3A_987 : memref<1000000x64xf32, #tpu.memory_space<hbm>>) target(%dma_start3A_982 : memref<128x64xf32, #tpu.memory_space<vmem>>) offsets(%dma_start3A_984 : memref<128xi32, #tpu.memory_space<vmem>>) semaphore(%arg12 : memref<!tpu.dma_semaphore, #tpu.memory_space<semaphore_mem>>)
      %dma_start3A_988 = arith.constant 1 : i32
      %dma_start3A_989 = arith.constant 128 : i32
      %dma_start3A_990 = arith.constant 0 : i32
      %dma_start3A_991 = tpu.memref_slice %arg10[%dma_start3A_988, %dma_start3A_989, %dma_start3A_990] : memref<2x200x64xf32, #tpu.memory_space<vmem>> -> memref<1x72x64xf32, #tpu.memory_space<vmem>>
      %dma_start3A_992 = tpu.memref_squeeze %dma_start3A_991 : memref<1x72x64xf32, #tpu.memory_space<vmem>> -> memref<72x64xf32, #tpu.memory_space<vmem>>
      %dma_start3A_993 = arith.constant 328 : i32
      %dma_start3A_994 = tpu.memref_slice %arg7[%dma_start3A_993] : memref<400xi32, #tpu.memory_space<vmem>> -> memref<72xi32, #tpu.memory_space<vmem>>
      %dma_start3A_995 = arith.constant 0 : i32
      %dma_start3A_996 = arith.constant 0 : i32
      %dma_start3A_997 = tpu.memref_slice %arg2[%dma_start3A_995, %dma_start3A_996] : memref<1000000x64xf32, #tpu.memory_space<hbm>> -> memref<1000000x64xf32, #tpu.memory_space<hbm>>
      tpu.enqueue_indirect_dma source(%dma_start3A_997 : memref<1000000x64xf32, #tpu.memory_space<hbm>>) target(%dma_start3A_992 : memref<72x64xf32, #tpu.memory_space<vmem>>) offsets(%dma_start3A_994 : memref<72xi32, #tpu.memory_space<vmem>>) semaphore(%arg12 : memref<!tpu.dma_semaphore, #tpu.memory_space<semaphore_mem>>)
      %add3A_998 = arith.constant 2 : i32
      %add3A_999 = arith.addi %add3A_901, %add3A_998 : i32
      %mul3A_1000 = arith.constant 400 : i32
      %mul3A_1001 = arith.muli %add3A_999, %mul3A_1000 : i32
      %add3A_1002 = arith.addi %mul3A_2, %mul3A_1001 : i32
      %dma_start3A_1003 = tpu.memref_slice %arg3[%add3A_1002] : memref<819200xi32, #tpu.memory_space<hbm>> -> memref<400xi32, #tpu.memory_space<hbm>>
      %dma_start3A_1004 = tpu.memref_slice %arg3[%add3A_1002] : memref<819200xi32, #tpu.memory_space<hbm>> -> memref<400xi32, #tpu.memory_space<hbm>>
      tpu.enqueue_dma source(%dma_start3A_1004 : memref<400xi32, #tpu.memory_space<hbm>>) target(%arg6 : memref<400xi32, #tpu.memory_space<vmem>>) target_semaphore(%arg13 : memref<!tpu.dma_semaphore, #tpu.memory_space<semaphore_mem>>)
      %parallel_loop3A_1005 = arith.constant 0 : i32
      %parallel_loop3A_1006 = arith.constant 200 : i32
      %parallel_loop3A_1007 = arith.constant 1 : i32
      scf.for %parallel_loop3A_1134 = %parallel_loop3A_1005 to %parallel_loop3A_1006 step %parallel_loop3A_1007  : i32 {
        %parallel_loop3A_1135 = arith.index_cast %parallel_loop3A_1134 : i32 to index
        %parallel_loop3A_1136 = arith.constant 0 : index
        %parallel_loop3A_1137 = tpu.vector_load %arg8[%parallel_loop3A_1135, %parallel_loop3A_1136] {strides = array<i32>} : memref<200x64xf32, #tpu.memory_space<vmem>>, vector<1x16xf32>,
        %parallel_loop3A_1138 = vector.shape_cast %parallel_loop3A_1137 : vector<1x16xf32> to vector<16xf32>
        %parallel_loop3A_1139 = arith.constant 0 : i32
        %parallel_loop3A_1140 = arith.index_cast %parallel_loop3A_1139 : i32 to index
        %parallel_loop3A_1141 = arith.index_cast %parallel_loop3A_1134 : i32 to index
        %parallel_loop3A_1142 = arith.constant 0 : index
        %parallel_loop3A_1143 = tpu.vector_load %arg9[%parallel_loop3A_1140, %parallel_loop3A_1141, %parallel_loop3A_1142] {strides = array<i32>} : memref<2x200x64xf32, #tpu.memory_space<vmem>>, vector<1x1x16xf32>,
        %parallel_loop3A_1144 = vector.shape_cast %parallel_loop3A_1143 : vector<1x1x16xf32> to vector<16xf32>
        %parallel_loop3A_1145 = vector.shape_cast %parallel_loop3A_1138 : vector<16xf32> to vector<1x1x16xf32>
        tpu.vector_store %arg9[%parallel_loop3A_1140, %parallel_loop3A_1141, %parallel_loop3A_1142], %parallel_loop3A_1145 {add = true, strides = array<i32>} : memref<2x200x64xf32, #tpu.memory_space<vmem>>, vector<1x1x16xf32>,
        %parallel_loop3A_1146 = arith.constant 1 : i32
        %parallel_loop3A_1147 = arith.index_cast %parallel_loop3A_1146 : i32 to index
        %parallel_loop3A_1148 = arith.index_cast %parallel_loop3A_1134 : i32 to index
        %parallel_loop3A_1149 = arith.constant 0 : index
        %parallel_loop3A_1150 = tpu.vector_load %arg9[%parallel_loop3A_1147, %parallel_loop3A_1148, %parallel_loop3A_1149] {strides = array<i32>} : memref<2x200x64xf32, #tpu.memory_space<vmem>>, vector<1x1x16xf32>,
        %parallel_loop3A_1151 = vector.shape_cast %parallel_loop3A_1150 : vector<1x1x16xf32> to vector<16xf32>
        %parallel_loop3A_1152 = vector.shape_cast %parallel_loop3A_1138 : vector<16xf32> to vector<1x1x16xf32>
        tpu.vector_store %arg9[%parallel_loop3A_1147, %parallel_loop3A_1148, %parallel_loop3A_1149], %parallel_loop3A_1152 {add = true, strides = array<i32>} : memref<2x200x64xf32, #tpu.memory_space<vmem>>, vector<1x1x16xf32>,
        %parallel_loop3A_1153 = arith.index_cast %parallel_loop3A_1134 : i32 to index
        %parallel_loop3A_1154 = arith.constant 16 : index
        %parallel_loop3A_1155 = tpu.vector_load %arg8[%parallel_loop3A_1153, %parallel_loop3A_1154] {strides = array<i32>} : memref<200x64xf32, #tpu.memory_space<vmem>>, vector<1x16xf32>,
        %parallel_loop3A_1156 = vector.shape_cast %parallel_loop3A_1155 : vector<1x16xf32> to vector<16xf32>
        %parallel_loop3A_1157 = arith.constant 0 : i32
        %parallel_loop3A_1158 = arith.index_cast %parallel_loop3A_1157 : i32 to index
        %parallel_loop3A_1159 = arith.index_cast %parallel_loop3A_1134 : i32 to index
        %parallel_loop3A_1160 = arith.constant 16 : index
        %parallel_loop3A_1161 = tpu.vector_load %arg9[%parallel_loop3A_1158, %parallel_loop3A_1159, %parallel_loop3A_1160] {strides = array<i32>} : memref<2x200x64xf32, #tpu.memory_space<vmem>>, vector<1x1x16xf32>,
        %parallel_loop3A_1162 = vector.shape_cast %parallel_loop3A_1161 : vector<1x1x16xf32> to vector<16xf32>
        %parallel_loop3A_1163 = vector.shape_cast %parallel_loop3A_1156 : vector<16xf32> to vector<1x1x16xf32>
        tpu.vector_store %arg9[%parallel_loop3A_1158, %parallel_loop3A_1159, %parallel_loop3A_1160], %parallel_loop3A_1163 {add = true, strides = array<i32>} : memref<2x200x64xf32, #tpu.memory_space<vmem>>, vector<1x1x16xf32>,
        %parallel_loop3A_1164 = arith.constant 1 : i32
        %parallel_loop3A_1165 = arith.index_cast %parallel_loop3A_1164 : i32 to index
        %parallel_loop3A_1166 = arith.index_cast %parallel_loop3A_1134 : i32 to index
        %parallel_loop3A_1167 = arith.constant 16 : index
        %parallel_loop3A_1168 = tpu.vector_load %arg9[%parallel_loop3A_1165, %parallel_loop3A_1166, %parallel_loop3A_1167] {strides = array<i32>} : memref<2x200x64xf32, #tpu.memory_space<vmem>>, vector<1x1x16xf32>,
        %parallel_loop3A_1169 = vector.shape_cast %parallel_loop3A_1168 : vector<1x1x16xf32> to vector<16xf32>
        %parallel_loop3A_1170 = vector.shape_cast %parallel_loop3A_1156 : vector<16xf32> to vector<1x1x16xf32>
        tpu.vector_store %arg9[%parallel_loop3A_1165, %parallel_loop3A_1166, %parallel_loop3A_1167], %parallel_loop3A_1170 {add = true, strides = array<i32>} : memref<2x200x64xf32, #tpu.memory_space<vmem>>, vector<1x1x16xf32>,
        %parallel_loop3A_1171 = arith.index_cast %parallel_loop3A_1134 : i32 to index
        %parallel_loop3A_1172 = arith.constant 32 : index
        %parallel_loop3A_1173 = tpu.vector_load %arg8[%parallel_loop3A_1171, %parallel_loop3A_1172] {strides = array<i32>} : memref<200x64xf32, #tpu.memory_space<vmem>>, vector<1x16xf32>,
        %parallel_loop3A_1174 = vector.shape_cast %parallel_loop3A_1173 : vector<1x16xf32> to vector<16xf32>
        %parallel_loop3A_1175 = arith.constant 0 : i32
        %parallel_loop3A_1176 = arith.index_cast %parallel_loop3A_1175 : i32 to index
        %parallel_loop3A_1177 = arith.index_cast %parallel_loop3A_1134 : i32 to index
        %parallel_loop3A_1178 = arith.constant 32 : index
        %parallel_loop3A_1179 = tpu.vector_load %arg9[%parallel_loop3A_1176, %parallel_loop3A_1177, %parallel_loop3A_1178] {strides = array<i32>} : memref<2x200x64xf32, #tpu.memory_space<vmem>>, vector<1x1x16xf32>,
        %parallel_loop3A_1180 = vector.shape_cast %parallel_loop3A_1179 : vector<1x1x16xf32> to vector<16xf32>
        %parallel_loop3A_1181 = vector.shape_cast %parallel_loop3A_1174 : vector<16xf32> to vector<1x1x16xf32>
        tpu.vector_store %arg9[%parallel_loop3A_1176, %parallel_loop3A_1177, %parallel_loop3A_1178], %parallel_loop3A_1181 {add = true, strides = array<i32>} : memref<2x200x64xf32, #tpu.memory_space<vmem>>, vector<1x1x16xf32>,
        %parallel_loop3A_1182 = arith.constant 1 : i32
        %parallel_loop3A_1183 = arith.index_cast %parallel_loop3A_1182 : i32 to index
        %parallel_loop3A_1184 = arith.index_cast %parallel_loop3A_1134 : i32 to index
        %parallel_loop3A_1185 = arith.constant 32 : index
        %parallel_loop3A_1186 = tpu.vector_load %arg9[%parallel_loop3A_1183, %parallel_loop3A_1184, %parallel_loop3A_1185] {strides = array<i32>} : memref<2x200x64xf32, #tpu.memory_space<vmem>>, vector<1x1x16xf32>,
        %parallel_loop3A_1187 = vector.shape_cast %parallel_loop3A_1186 : vector<1x1x16xf32> to vector<16xf32>
        %parallel_loop3A_1188 = vector.shape_cast %parallel_loop3A_1174 : vector<16xf32> to vector<1x1x16xf32>
        tpu.vector_store %arg9[%parallel_loop3A_1183, %parallel_loop3A_1184, %parallel_loop3A_1185], %parallel_loop3A_1188 {add = true, strides = array<i32>} : memref<2x200x64xf32, #tpu.memory_space<vmem>>, vector<1x1x16xf32>,
        %parallel_loop3A_1189 = arith.index_cast %parallel_loop3A_1134 : i32 to index
        %parallel_loop3A_1190 = arith.constant 48 : index
        %parallel_loop3A_1191 = tpu.vector_load %arg8[%parallel_loop3A_1189, %parallel_loop3A_1190] {strides = array<i32>} : memref<200x64xf32, #tpu.memory_space<vmem>>, vector<1x16xf32>,
        %parallel_loop3A_1192 = vector.shape_cast %parallel_loop3A_1191 : vector<1x16xf32> to vector<16xf32>
        %parallel_loop3A_1193 = arith.constant 0 : i32
        %parallel_loop3A_1194 = arith.index_cast %parallel_loop3A_1193 : i32 to index
        %parallel_loop3A_1195 = arith.index_cast %parallel_loop3A_1134 : i32 to index
        %parallel_loop3A_1196 = arith.constant 48 : index
        %parallel_loop3A_1197 = tpu.vector_load %arg9[%parallel_loop3A_1194, %parallel_loop3A_1195, %parallel_loop3A_1196] {strides = array<i32>} : memref<2x200x64xf32, #tpu.memory_space<vmem>>, vector<1x1x16xf32>,
        %parallel_loop3A_1198 = vector.shape_cast %parallel_loop3A_1197 : vector<1x1x16xf32> to vector<16xf32>
        %parallel_loop3A_1199 = vector.shape_cast %parallel_loop3A_1192 : vector<16xf32> to vector<1x1x16xf32>
        tpu.vector_store %arg9[%parallel_loop3A_1194, %parallel_loop3A_1195, %parallel_loop3A_1196], %parallel_loop3A_1199 {add = true, strides = array<i32>} : memref<2x200x64xf32, #tpu.memory_space<vmem>>, vector<1x1x16xf32>,
        %parallel_loop3A_1200 = arith.constant 1 : i32
        %parallel_loop3A_1201 = arith.index_cast %parallel_loop3A_1200 : i32 to index
        %parallel_loop3A_1202 = arith.index_cast %parallel_loop3A_1134 : i32 to index
        %parallel_loop3A_1203 = arith.constant 48 : index
        %parallel_loop3A_1204 = tpu.vector_load %arg9[%parallel_loop3A_1201, %parallel_loop3A_1202, %parallel_loop3A_1203] {strides = array<i32>} : memref<2x200x64xf32, #tpu.memory_space<vmem>>, vector<1x1x16xf32>,
        %parallel_loop3A_1205 = vector.shape_cast %parallel_loop3A_1204 : vector<1x1x16xf32> to vector<16xf32>
        %parallel_loop3A_1206 = vector.shape_cast %parallel_loop3A_1192 : vector<16xf32> to vector<1x1x16xf32>
        tpu.vector_store %arg9[%parallel_loop3A_1201, %parallel_loop3A_1202, %parallel_loop3A_1203], %parallel_loop3A_1206 {add = true, strides = array<i32>} : memref<2x200x64xf32, #tpu.memory_space<vmem>>, vector<1x1x16xf32>,
      } {sc.loop_unroll_factor = 4 : i64, sc.parallel_access}
      %mul3A_1008 = arith.constant 2 : i32
      %mul3A_1009 = arith.muli %add3A_901, %mul3A_1008 : i32
      %add3A_1010 = arith.addi %mul3A_4, %mul3A_1009 : i32
      %dma_start3A_1011 = arith.constant 0 : i32
      %dma_start3A_1012 = arith.constant 0 : i32
      %dma_start3A_1013 = tpu.memref_slice %arg5[%add3A_1010, %dma_start3A_1011, %dma_start3A_1012] : memref<4096x200x128xf32, #tpu.memory_space<hbm>> -> memref<2x200x64xf32, #tpu.memory_space<hbm>>
      %dma_start3A_1014 = arith.constant 0 : i32
      %dma_start3A_1015 = arith.constant 0 : i32
      %dma_start3A_1016 = tpu.memref_slice %arg5[%add3A_1010, %dma_start3A_1014, %dma_start3A_1015] : memref<4096x200x128xf32, #tpu.memory_space<hbm>> -> memref<2x200x64xf32, #tpu.memory_space<hbm>>
      tpu.enqueue_dma source(%arg9 : memref<2x200x64xf32, #tpu.memory_space<vmem>>) target(%dma_start3A_1016 : memref<2x200x64xf32, #tpu.memory_space<hbm>>) target_semaphore(%arg14 : memref<!tpu.dma_semaphore, #tpu.memory_space<semaphore_mem>>)
      %add3A_1017 = arith.constant 5 : i32
      %add3A_1018 = arith.addi %add3A_431, %add3A_1017 : i32
      %dma_wait3A_1019 = arith.constant 0 : i32
      %dma_wait3A_1020 = arith.constant 0 : i32
      %dma_wait3A_1021 = arith.constant 0 : i32
      %dma_wait3A_1022 = tpu.memref_slice %arg10[%dma_wait3A_1019, %dma_wait3A_1020, %dma_wait3A_1021] : memref<2x200x64xf32, #tpu.memory_space<vmem>> -> memref<1x128x64xf32, #tpu.memory_space<vmem>>
      %dma_wait3A_1023 = tpu.memref_squeeze %dma_wait3A_1022 : memref<1x128x64xf32, #tpu.memory_space<vmem>> -> memref<128x64xf32, #tpu.memory_space<vmem>>
      %dma_wait3A_1024 = arith.constant 0 : i32
      %dma_wait3A_1025 = tpu.memref_slice %arg7[%dma_wait3A_1024] : memref<400xi32, #tpu.memory_space<vmem>> -> memref<128xi32, #tpu.memory_space<vmem>>
      %dma_wait3A_1026 = arith.constant 0 : i32
      %dma_wait3A_1027 = arith.constant 0 : i32
      %dma_wait3A_1028 = tpu.memref_slice %arg2[%dma_wait3A_1026, %dma_wait3A_1027] : memref<1000000x64xf32, #tpu.memory_space<hbm>> -> memref<1000000x64xf32, #tpu.memory_space<hbm>>
      tpu.wait_indirect_dma semaphore(%arg12 : memref<!tpu.dma_semaphore, #tpu.memory_space<semaphore_mem>>) src(%dma_wait3A_1028 : memref<1000000x64xf32, #tpu.memory_space<hbm>>) dst(%dma_wait3A_1023 : memref<128x64xf32, #tpu.memory_space<vmem>>)
      %dma_wait3A_1029 = arith.constant 0 : i32
      %dma_wait3A_1030 = arith.constant 128 : i32
      %dma_wait3A_1031 = arith.constant 0 : i32
      %dma_wait3A_1032 = tpu.memref_slice %arg10[%dma_wait3A_1029, %dma_wait3A_1030, %dma_wait3A_1031] : memref<2x200x64xf32, #tpu.memory_space<vmem>> -> memref<1x72x64xf32, #tpu.memory_space<vmem>>
      %dma_wait3A_1033 = tpu.memref_squeeze %dma_wait3A_1032 : memref<1x72x64xf32, #tpu.memory_space<vmem>> -> memref<72x64xf32, #tpu.memory_space<vmem>>
      %dma_wait3A_1034 = arith.constant 128 : i32
      %dma_wait3A_1035 = tpu.memref_slice %arg7[%dma_wait3A_1034] : memref<400xi32, #tpu.memory_space<vmem>> -> memref<72xi32, #tpu.memory_space<vmem>>
      %dma_wait3A_1036 = arith.constant 0 : i32
      %dma_wait3A_1037 = arith.constant 0 : i32
      %dma_wait3A_1038 = tpu.memref_slice %arg2[%dma_wait3A_1036, %dma_wait3A_1037] : memref<1000000x64xf32, #tpu.memory_space<hbm>> -> memref<1000000x64xf32, #tpu.memory_space<hbm>>
      tpu.wait_indirect_dma semaphore(%arg12 : memref<!tpu.dma_semaphore, #tpu.memory_space<semaphore_mem>>) src(%dma_wait3A_1038 : memref<1000000x64xf32, #tpu.memory_space<hbm>>) dst(%dma_wait3A_1033 : memref<72x64xf32, #tpu.memory_space<vmem>>)
      %dma_wait3A_1039 = arith.constant 1 : i32
      %dma_wait3A_1040 = arith.constant 0 : i32
      %dma_wait3A_1041 = arith.constant 0 : i32
      %dma_wait3A_1042 = tpu.memref_slice %arg10[%dma_wait3A_1039, %dma_wait3A_1040, %dma_wait3A_1041] : memref<2x200x64xf32, #tpu.memory_space<vmem>> -> memref<1x128x64xf32, #tpu.memory_space<vmem>>
      %dma_wait3A_1043 = tpu.memref_squeeze %dma_wait3A_1042 : memref<1x128x64xf32, #tpu.memory_space<vmem>> -> memref<128x64xf32, #tpu.memory_space<vmem>>
      %dma_wait3A_1044 = arith.constant 200 : i32
      %dma_wait3A_1045 = tpu.memref_slice %arg7[%dma_wait3A_1044] : memref<400xi32, #tpu.memory_space<vmem>> -> memref<128xi32, #tpu.memory_space<vmem>>
      %dma_wait3A_1046 = arith.constant 0 : i32
      %dma_wait3A_1047 = arith.constant 0 : i32
      %dma_wait3A_1048 = tpu.memref_slice %arg2[%dma_wait3A_1046, %dma_wait3A_1047] : memref<1000000x64xf32, #tpu.memory_space<hbm>> -> memref<1000000x64xf32, #tpu.memory_space<hbm>>
      tpu.wait_indirect_dma semaphore(%arg12 : memref<!tpu.dma_semaphore, #tpu.memory_space<semaphore_mem>>) src(%dma_wait3A_1048 : memref<1000000x64xf32, #tpu.memory_space<hbm>>) dst(%dma_wait3A_1043 : memref<128x64xf32, #tpu.memory_space<vmem>>)
      %dma_wait3A_1049 = arith.constant 1 : i32
      %dma_wait3A_1050 = arith.constant 128 : i32
      %dma_wait3A_1051 = arith.constant 0 : i32
      %dma_wait3A_1052 = tpu.memref_slice %arg10[%dma_wait3A_1049, %dma_wait3A_1050, %dma_wait3A_1051] : memref<2x200x64xf32, #tpu.memory_space<vmem>> -> memref<1x72x64xf32, #tpu.memory_space<vmem>>
      %dma_wait3A_1053 = tpu.memref_squeeze %dma_wait3A_1052 : memref<1x72x64xf32, #tpu.memory_space<vmem>> -> memref<72x64xf32, #tpu.memory_space<vmem>>
      %dma_wait3A_1054 = arith.constant 328 : i32
      %dma_wait3A_1055 = tpu.memref_slice %arg7[%dma_wait3A_1054] : memref<400xi32, #tpu.memory_space<vmem>> -> memref<72xi32, #tpu.memory_space<vmem>>
      %dma_wait3A_1056 = arith.constant 0 : i32
      %dma_wait3A_1057 = arith.constant 0 : i32
      %dma_wait3A_1058 = tpu.memref_slice %arg2[%dma_wait3A_1056, %dma_wait3A_1057] : memref<1000000x64xf32, #tpu.memory_space<hbm>> -> memref<1000000x64xf32, #tpu.memory_space<hbm>>
      tpu.wait_indirect_dma semaphore(%arg12 : memref<!tpu.dma_semaphore, #tpu.memory_space<semaphore_mem>>) src(%dma_wait3A_1058 : memref<1000000x64xf32, #tpu.memory_space<hbm>>) dst(%dma_wait3A_1053 : memref<72x64xf32, #tpu.memory_space<vmem>>)
      %mul3A_1059 = arith.constant 2 : i32
      %mul3A_1060 = arith.muli %add3A_1018, %mul3A_1059 : i32
      %add3A_1061 = arith.addi %mul3A_4, %mul3A_1060 : i32
      %dma_wait3A_1062 = arith.constant 0 : i32
      %dma_wait3A_1063 = arith.constant 0 : i32
      %dma_wait3A_1064 = tpu.memref_slice %arg5[%add3A_1061, %dma_wait3A_1062, %dma_wait3A_1063] : memref<4096x200x128xf32, #tpu.memory_space<hbm>> -> memref<2x200x64xf32, #tpu.memory_space<hbm>>
      %dma_wait3A_1065 = arith.constant 0 : i32
      %dma_wait3A_1066 = arith.constant 0 : i32
      %dma_wait3A_1067 = tpu.memref_slice %arg5[%add3A_1061, %dma_wait3A_1065, %dma_wait3A_1066] : memref<4096x200x128xf32, #tpu.memory_space<hbm>> -> memref<2x200x64xf32, #tpu.memory_space<hbm>>
      tpu.wait_dma2 semaphore(%arg14 : memref<!tpu.dma_semaphore, #tpu.memory_space<semaphore_mem>>) src(%arg11 : memref<2x200x64xf32, #tpu.memory_space<vmem>>) dst(%dma_wait3A_1067 : memref<2x200x64xf32, #tpu.memory_space<hbm>>)
      %add3A_1068 = arith.constant 1 : i32
      %add3A_1069 = arith.addi %add3A_1018, %add3A_1068 : i32
      %mul3A_1070 = arith.constant 400 : i32
      %mul3A_1071 = arith.muli %add3A_1069, %mul3A_1070 : i32
      %add3A_1072 = arith.addi %mul3A_2, %mul3A_1071 : i32
      %dma_wait3A_1073 = tpu.memref_slice %arg3[%add3A_1072] : memref<819200xi32, #tpu.memory_space<hbm>> -> memref<400xi32, #tpu.memory_space<hbm>>
      %dma_wait3A_1074 = tpu.memref_slice %arg3[%add3A_1072] : memref<819200xi32, #tpu.memory_space<hbm>> -> memref<400xi32, #tpu.memory_space<hbm>>
      tpu.wait_dma2 semaphore(%arg13 : memref<!tpu.dma_semaphore, #tpu.memory_space<semaphore_mem>>) src(%dma_wait3A_1074 : memref<400xi32, #tpu.memory_space<hbm>>) dst(%arg6 : memref<400xi32, #tpu.memory_space<vmem>>)
      %dma_start3A_1075 = arith.constant 0 : i32
      %dma_start3A_1076 = arith.constant 0 : i32
      %dma_start3A_1077 = arith.constant 0 : i32
      %dma_start3A_1078 = tpu.memref_slice %arg11[%dma_start3A_1075, %dma_start3A_1076, %dma_start3A_1077] : memref<2x200x64xf32, #tpu.memory_space<vmem>> -> memref<1x128x64xf32, #tpu.memory_space<vmem>>
      %dma_start3A_1079 = tpu.memref_squeeze %dma_start3A_1078 : memref<1x128x64xf32, #tpu.memory_space<vmem>> -> memref<128x64xf32, #tpu.memory_space<vmem>>
      %dma_start3A_1080 = arith.constant 0 : i32
      %dma_start3A_1081 = tpu.memref_slice %arg6[%dma_start3A_1080] : memref<400xi32, #tpu.memory_space<vmem>> -> memref<128xi32, #tpu.memory_space<vmem>>
      %dma_start3A_1082 = arith.constant 0 : i32
      %dma_start3A_1083 = arith.constant 0 : i32
      %dma_start3A_1084 = tpu.memref_slice %arg2[%dma_start3A_1082, %dma_start3A_1083] : memref<1000000x64xf32, #tpu.memory_space<hbm>> -> memref<1000000x64xf32, #tpu.memory_space<hbm>>
      tpu.enqueue_indirect_dma source(%dma_start3A_1084 : memref<1000000x64xf32, #tpu.memory_space<hbm>>) target(%dma_start3A_1079 : memref<128x64xf32, #tpu.memory_space<vmem>>) offsets(%dma_start3A_1081 : memref<128xi32, #tpu.memory_space<vmem>>) semaphore(%arg12 : memref<!tpu.dma_semaphore, #tpu.memory_space<semaphore_mem>>)
      %dma_start3A_1085 = arith.constant 0 : i32
      %dma_start3A_1086 = arith.constant 128 : i32
      %dma_start3A_1087 = arith.constant 0 : i32
      %dma_start3A_1088 = tpu.memref_slice %arg11[%dma_start3A_1085, %dma_start3A_1086, %dma_start3A_1087] : memref<2x200x64xf32, #tpu.memory_space<vmem>> -> memref<1x72x64xf32, #tpu.memory_space<vmem>>
      %dma_start3A_1089 = tpu.memref_squeeze %dma_start3A_1088 : memref<1x72x64xf32, #tpu.memory_space<vmem>> -> memref<72x64xf32, #tpu.memory_space<vmem>>
      %dma_start3A_1090 = arith.constant 128 : i32
      %dma_start3A_1091 = tpu.memref_slice %arg6[%dma_start3A_1090] : memref<400xi32, #tpu.memory_space<vmem>> -> memref<72xi32, #tpu.memory_space<vmem>>
      %dma_start3A_1092 = arith.constant 0 : i32
      %dma_start3A_1093 = arith.constant 0 : i32
      %dma_start3A_1094 = tpu.memref_slice %arg2[%dma_start3A_1092, %dma_start3A_1093] : memref<1000000x64xf32, #tpu.memory_space<hbm>> -> memref<1000000x64xf32, #tpu.memory_space<hbm>>
      tpu.enqueue_indirect_dma source(%dma_start3A_1094 : memref<1000000x64xf32, #tpu.memory_space<hbm>>) target(%dma_start3A_1089 : memref<72x64xf32, #tpu.memory_space<vmem>>) offsets(%dma_start3A_1091 : memref<72xi32, #tpu.memory_space<vmem>>) semaphore(%arg12 : memref<!tpu.dma_semaphore, #tpu.memory_space<semaphore_mem>>)
      %dma_start3A_1095 = arith.constant 1 : i32
      %dma_start3A_1096 = arith.constant 0 : i32
      %dma_start3A_1097 = arith.constant 0 : i32
      %dma_start3A_1098 = tpu.memref_slice %arg11[%dma_start3A_1095, %dma_start3A_1096, %dma_start3A_1097] : memref<2x200x64xf32, #tpu.memory_space<vmem>> -> memref<1x128x64xf32, #tpu.memory_space<vmem>>
      %dma_start3A_1099 = tpu.memref_squeeze %dma_start3A_1098 : memref<1x128x64xf32, #tpu.memory_space<vmem>> -> memref<128x64xf32, #tpu.memory_space<vmem>>
      %dma_start3A_1100 = arith.constant 200 : i32
      %dma_start3A_1101 = tpu.memref_slice %arg6[%dma_start3A_1100] : memref<400xi32, #tpu.memory_space<vmem>> -> memref<128xi32, #tpu.memory_space<vmem>>
      %dma_start3A_1102 = arith.constant 0 : i32
      %dma_start3A_1103 = arith.constant 0 : i32
      %dma_start3A_1104 = tpu.memref_slice %arg2[%dma_start3A_1102, %dma_start3A_1103] : memref<1000000x64xf32, #tpu.memory_space<hbm>> -> memref<1000000x64xf32, #tpu.memory_space<hbm>>
      tpu.enqueue_indirect_dma source(%dma_start3A_1104 : memref<1000000x64xf32, #tpu.memory_space<hbm>>) target(%dma_start3A_1099 : memref<128x64xf32, #tpu.memory_space<vmem>>) offsets(%dma_start3A_1101 : memref<128xi32, #tpu.memory_space<vmem>>) semaphore(%arg12 : memref<!tpu.dma_semaphore, #tpu.memory_space<semaphore_mem>>)
      %dma_start3A_1105 = arith.constant 1 : i32
      %dma_start3A_1106 = arith.constant 128 : i32
      %dma_start3A_1107 = arith.constant 0 : i32
      %dma_start3A_1108 = tpu.memref_slice %arg11[%dma_start3A_1105, %dma_start3A_1106, %dma_start3A_1107] : memref<2x200x64xf32, #tpu.memory_space<vmem>> -> memref<1x72x64xf32, #tpu.memory_space<vmem>>
      %dma_start3A_1109 = tpu.memref_squeeze %dma_start3A_1108 : memref<1x72x64xf32, #tpu.memory_space<vmem>> -> memref<72x64xf32, #tpu.memory_space<vmem>>
      %dma_start3A_1110 = arith.constant 328 : i32
      %dma_start3A_1111 = tpu.memref_slice %arg6[%dma_start3A_1110] : memref<400xi32, #tpu.memory_space<vmem>> -> memref<72xi32, #tpu.memory_space<vmem>>
      %dma_start3A_1112 = arith.constant 0 : i32
      %dma_start3A_1113 = arith.constant 0 : i32
      %dma_start3A_1114 = tpu.memref_slice %arg2[%dma_start3A_1112, %dma_start3A_1113] : memref<1000000x64xf32, #tpu.memory_space<hbm>> -> memref<1000000x64xf32, #tpu.memory_space<hbm>>
      tpu.enqueue_indirect_dma source(%dma_start3A_1114 : memref<1000000x64xf32, #tpu.memory_space<hbm>>) target(%dma_start3A_1109 : memref<72x64xf32, #tpu.memory_space<vmem>>) offsets(%dma_start3A_1111 : memref<72xi32, #tpu.memory_space<vmem>>) semaphore(%arg12 : memref<!tpu.dma_semaphore, #tpu.memory_space<semaphore_mem>>)
      %add3A_1115 = arith.constant 2 : i32
      %add3A_1116 = arith.addi %add3A_1018, %add3A_1115 : i32
      %mul3A_1117 = arith.constant 400 : i32
      %mul3A_1118 = arith.muli %add3A_1116, %mul3A_1117 : i32
      %add3A_1119 = arith.addi %mul3A_2, %mul3A_1118 : i32
      %dma_start3A_1120 = tpu.memref_slice %arg3[%add3A_1119] : memref<819200xi32, #tpu.memory_space<hbm>> -> memref<400xi32, #tpu.memory_space<hbm>>
      %dma_start3A_1121 = tpu.memref_slice %arg3[%add3A_1119] : memref<819200xi32, #tpu.memory_space<hbm>> -> memref<400xi32, #tpu.memory_space<hbm>>
      tpu.enqueue_dma source(%dma_start3A_1121 : memref<400xi32, #tpu.memory_space<hbm>>) target(%arg7 : memref<400xi32, #tpu.memory_space<vmem>>) target_semaphore(%arg13 : memref<!tpu.dma_semaphore, #tpu.memory_space<semaphore_mem>>)
      %parallel_loop3A_1122 = arith.constant 0 : i32
      %parallel_loop3A_1123 = arith.constant 200 : i32
      %parallel_loop3A_1124 = arith.constant 1 : i32
      scf.for %parallel_loop3A_1134 = %parallel_loop3A_1122 to %parallel_loop3A_1123 step %parallel_loop3A_1124  : i32 {
        %parallel_loop3A_1135 = arith.index_cast %parallel_loop3A_1134 : i32 to index
        %parallel_loop3A_1136 = arith.constant 0 : index
        %parallel_loop3A_1137 = tpu.vector_load %arg8[%parallel_loop3A_1135, %parallel_loop3A_1136] {strides = array<i32>} : memref<200x64xf32, #tpu.memory_space<vmem>>, vector<1x16xf32>,
        %parallel_loop3A_1138 = vector.shape_cast %parallel_loop3A_1137 : vector<1x16xf32> to vector<16xf32>
        %parallel_loop3A_1139 = arith.constant 0 : i32
        %parallel_loop3A_1140 = arith.index_cast %parallel_loop3A_1139 : i32 to index
        %parallel_loop3A_1141 = arith.index_cast %parallel_loop3A_1134 : i32 to index
        %parallel_loop3A_1142 = arith.constant 0 : index
        %parallel_loop3A_1143 = tpu.vector_load %arg10[%parallel_loop3A_1140, %parallel_loop3A_1141, %parallel_loop3A_1142] {strides = array<i32>} : memref<2x200x64xf32, #tpu.memory_space<vmem>>, vector<1x1x16xf32>,
        %parallel_loop3A_1144 = vector.shape_cast %parallel_loop3A_1143 : vector<1x1x16xf32> to vector<16xf32>
        %parallel_loop3A_1145 = vector.shape_cast %parallel_loop3A_1138 : vector<16xf32> to vector<1x1x16xf32>
        tpu.vector_store %arg10[%parallel_loop3A_1140, %parallel_loop3A_1141, %parallel_loop3A_1142], %parallel_loop3A_1145 {add = true, strides = array<i32>} : memref<2x200x64xf32, #tpu.memory_space<vmem>>, vector<1x1x16xf32>,
        %parallel_loop3A_1146 = arith.constant 1 : i32
        %parallel_loop3A_1147 = arith.index_cast %parallel_loop3A_1146 : i32 to index
        %parallel_loop3A_1148 = arith.index_cast %parallel_loop3A_1134 : i32 to index
        %parallel_loop3A_1149 = arith.constant 0 : index
        %parallel_loop3A_1150 = tpu.vector_load %arg10[%parallel_loop3A_1147, %parallel_loop3A_1148, %parallel_loop3A_1149] {strides = array<i32>} : memref<2x200x64xf32, #tpu.memory_space<vmem>>, vector<1x1x16xf32>,
        %parallel_loop3A_1151 = vector.shape_cast %parallel_loop3A_1150 : vector<1x1x16xf32> to vector<16xf32>
        %parallel_loop3A_1152 = vector.shape_cast %parallel_loop3A_1138 : vector<16xf32> to vector<1x1x16xf32>
        tpu.vector_store %arg10[%parallel_loop3A_1147, %parallel_loop3A_1148, %parallel_loop3A_1149], %parallel_loop3A_1152 {add = true, strides = array<i32>} : memref<2x200x64xf32, #tpu.memory_space<vmem>>, vector<1x1x16xf32>,
        %parallel_loop3A_1153 = arith.index_cast %parallel_loop3A_1134 : i32 to index
        %parallel_loop3A_1154 = arith.constant 16 : index
        %parallel_loop3A_1155 = tpu.vector_load %arg8[%parallel_loop3A_1153, %parallel_loop3A_1154] {strides = array<i32>} : memref<200x64xf32, #tpu.memory_space<vmem>>, vector<1x16xf32>,
        %parallel_loop3A_1156 = vector.shape_cast %parallel_loop3A_1155 : vector<1x16xf32> to vector<16xf32>
        %parallel_loop3A_1157 = arith.constant 0 : i32
        %parallel_loop3A_1158 = arith.index_cast %parallel_loop3A_1157 : i32 to index
        %parallel_loop3A_1159 = arith.index_cast %parallel_loop3A_1134 : i32 to index
        %parallel_loop3A_1160 = arith.constant 16 : index
        %parallel_loop3A_1161 = tpu.vector_load %arg10[%parallel_loop3A_1158, %parallel_loop3A_1159, %parallel_loop3A_1160] {strides = array<i32>} : memref<2x200x64xf32, #tpu.memory_space<vmem>>, vector<1x1x16xf32>,
        %parallel_loop3A_1162 = vector.shape_cast %parallel_loop3A_1161 : vector<1x1x16xf32> to vector<16xf32>
        %parallel_loop3A_1163 = vector.shape_cast %parallel_loop3A_1156 : vector<16xf32> to vector<1x1x16xf32>
        tpu.vector_store %arg10[%parallel_loop3A_1158, %parallel_loop3A_1159, %parallel_loop3A_1160], %parallel_loop3A_1163 {add = true, strides = array<i32>} : memref<2x200x64xf32, #tpu.memory_space<vmem>>, vector<1x1x16xf32>,
        %parallel_loop3A_1164 = arith.constant 1 : i32
        %parallel_loop3A_1165 = arith.index_cast %parallel_loop3A_1164 : i32 to index
        %parallel_loop3A_1166 = arith.index_cast %parallel_loop3A_1134 : i32 to index
        %parallel_loop3A_1167 = arith.constant 16 : index
        %parallel_loop3A_1168 = tpu.vector_load %arg10[%parallel_loop3A_1165, %parallel_loop3A_1166, %parallel_loop3A_1167] {strides = array<i32>} : memref<2x200x64xf32, #tpu.memory_space<vmem>>, vector<1x1x16xf32>,
        %parallel_loop3A_1169 = vector.shape_cast %parallel_loop3A_1168 : vector<1x1x16xf32> to vector<16xf32>
        %parallel_loop3A_1170 = vector.shape_cast %parallel_loop3A_1156 : vector<16xf32> to vector<1x1x16xf32>
        tpu.vector_store %arg10[%parallel_loop3A_1165, %parallel_loop3A_1166, %parallel_loop3A_1167], %parallel_loop3A_1170 {add = true, strides = array<i32>} : memref<2x200x64xf32, #tpu.memory_space<vmem>>, vector<1x1x16xf32>,
        %parallel_loop3A_1171 = arith.index_cast %parallel_loop3A_1134 : i32 to index
        %parallel_loop3A_1172 = arith.constant 32 : index
        %parallel_loop3A_1173 = tpu.vector_load %arg8[%parallel_loop3A_1171, %parallel_loop3A_1172] {strides = array<i32>} : memref<200x64xf32, #tpu.memory_space<vmem>>, vector<1x16xf32>,
        %parallel_loop3A_1174 = vector.shape_cast %parallel_loop3A_1173 : vector<1x16xf32> to vector<16xf32>
        %parallel_loop3A_1175 = arith.constant 0 : i32
        %parallel_loop3A_1176 = arith.index_cast %parallel_loop3A_1175 : i32 to index
        %parallel_loop3A_1177 = arith.index_cast %parallel_loop3A_1134 : i32 to index
        %parallel_loop3A_1178 = arith.constant 32 : index
        %parallel_loop3A_1179 = tpu.vector_load %arg10[%parallel_loop3A_1176, %parallel_loop3A_1177, %parallel_loop3A_1178] {strides = array<i32>} : memref<2x200x64xf32, #tpu.memory_space<vmem>>, vector<1x1x16xf32>,
        %parallel_loop3A_1180 = vector.shape_cast %parallel_loop3A_1179 : vector<1x1x16xf32> to vector<16xf32>
        %parallel_loop3A_1181 = vector.shape_cast %parallel_loop3A_1174 : vector<16xf32> to vector<1x1x16xf32>
        tpu.vector_store %arg10[%parallel_loop3A_1176, %parallel_loop3A_1177, %parallel_loop3A_1178], %parallel_loop3A_1181 {add = true, strides = array<i32>} : memref<2x200x64xf32, #tpu.memory_space<vmem>>, vector<1x1x16xf32>,
        %parallel_loop3A_1182 = arith.constant 1 : i32
        %parallel_loop3A_1183 = arith.index_cast %parallel_loop3A_1182 : i32 to index
        %parallel_loop3A_1184 = arith.index_cast %parallel_loop3A_1134 : i32 to index
        %parallel_loop3A_1185 = arith.constant 32 : index
        %parallel_loop3A_1186 = tpu.vector_load %arg10[%parallel_loop3A_1183, %parallel_loop3A_1184, %parallel_loop3A_1185] {strides = array<i32>} : memref<2x200x64xf32, #tpu.memory_space<vmem>>, vector<1x1x16xf32>,
        %parallel_loop3A_1187 = vector.shape_cast %parallel_loop3A_1186 : vector<1x1x16xf32> to vector<16xf32>
        %parallel_loop3A_1188 = vector.shape_cast %parallel_loop3A_1174 : vector<16xf32> to vector<1x1x16xf32>
        tpu.vector_store %arg10[%parallel_loop3A_1183, %parallel_loop3A_1184, %parallel_loop3A_1185], %parallel_loop3A_1188 {add = true, strides = array<i32>} : memref<2x200x64xf32, #tpu.memory_space<vmem>>, vector<1x1x16xf32>,
        %parallel_loop3A_1189 = arith.index_cast %parallel_loop3A_1134 : i32 to index
        %parallel_loop3A_1190 = arith.constant 48 : index
        %parallel_loop3A_1191 = tpu.vector_load %arg8[%parallel_loop3A_1189, %parallel_loop3A_1190] {strides = array<i32>} : memref<200x64xf32, #tpu.memory_space<vmem>>, vector<1x16xf32>,
        %parallel_loop3A_1192 = vector.shape_cast %parallel_loop3A_1191 : vector<1x16xf32> to vector<16xf32>
        %parallel_loop3A_1193 = arith.constant 0 : i32
        %parallel_loop3A_1194 = arith.index_cast %parallel_loop3A_1193 : i32 to index
        %parallel_loop3A_1195 = arith.index_cast %parallel_loop3A_1134 : i32 to index
        %parallel_loop3A_1196 = arith.constant 48 : index
        %parallel_loop3A_1197 = tpu.vector_load %arg10[%parallel_loop3A_1194, %parallel_loop3A_1195, %parallel_loop3A_1196] {strides = array<i32>} : memref<2x200x64xf32, #tpu.memory_space<vmem>>, vector<1x1x16xf32>,
        %parallel_loop3A_1198 = vector.shape_cast %parallel_loop3A_1197 : vector<1x1x16xf32> to vector<16xf32>
        %parallel_loop3A_1199 = vector.shape_cast %parallel_loop3A_1192 : vector<16xf32> to vector<1x1x16xf32>
        tpu.vector_store %arg10[%parallel_loop3A_1194, %parallel_loop3A_1195, %parallel_loop3A_1196], %parallel_loop3A_1199 {add = true, strides = array<i32>} : memref<2x200x64xf32, #tpu.memory_space<vmem>>, vector<1x1x16xf32>,
        %parallel_loop3A_1200 = arith.constant 1 : i32
        %parallel_loop3A_1201 = arith.index_cast %parallel_loop3A_1200 : i32 to index
        %parallel_loop3A_1202 = arith.index_cast %parallel_loop3A_1134 : i32 to index
        %parallel_loop3A_1203 = arith.constant 48 : index
        %parallel_loop3A_1204 = tpu.vector_load %arg10[%parallel_loop3A_1201, %parallel_loop3A_1202, %parallel_loop3A_1203] {strides = array<i32>} : memref<2x200x64xf32, #tpu.memory_space<vmem>>, vector<1x1x16xf32>,
        %parallel_loop3A_1205 = vector.shape_cast %parallel_loop3A_1204 : vector<1x1x16xf32> to vector<16xf32>
        %parallel_loop3A_1206 = vector.shape_cast %parallel_loop3A_1192 : vector<16xf32> to vector<1x1x16xf32>
        tpu.vector_store %arg10[%parallel_loop3A_1201, %parallel_loop3A_1202, %parallel_loop3A_1203], %parallel_loop3A_1206 {add = true, strides = array<i32>} : memref<2x200x64xf32, #tpu.memory_space<vmem>>, vector<1x1x16xf32>,
      } {sc.loop_unroll_factor = 4 : i64, sc.parallel_access}
      %mul3A_1125 = arith.constant 2 : i32
      %mul3A_1126 = arith.muli %add3A_1018, %mul3A_1125 : i32
      %add3A_1127 = arith.addi %mul3A_4, %mul3A_1126 : i32
      %dma_start3A_1128 = arith.constant 0 : i32
      %dma_start3A_1129 = arith.constant 0 : i32
      %dma_start3A_1130 = tpu.memref_slice %arg5[%add3A_1127, %dma_start3A_1128, %dma_start3A_1129] : memref<4096x200x128xf32, #tpu.memory_space<hbm>> -> memref<2x200x64xf32, #tpu.memory_space<hbm>>
      %dma_start3A_1131 = arith.constant 0 : i32
      %dma_start3A_1132 = arith.constant 0 : i32
      %dma_start3A_1133 = tpu.memref_slice %arg5[%add3A_1127, %dma_start3A_1131, %dma_start3A_1132] : memref<4096x200x128xf32, #tpu.memory_space<hbm>> -> memref<2x200x64xf32, #tpu.memory_space<hbm>>
      tpu.enqueue_dma source(%arg10 : memref<2x200x64xf32, #tpu.memory_space<vmem>>) target(%dma_start3A_1133 : memref<2x200x64xf32, #tpu.memory_space<hbm>>) target_semaphore(%arg14 : memref<!tpu.dma_semaphore, #tpu.memory_space<semaphore_mem>>)
    }
    %scan3A_248 = arith.constant 10 : i32
    %dma_wait3A_249 = arith.constant 0 : i32
    %dma_wait3A_250 = arith.constant 0 : i32
    %dma_wait3A_251 = arith.constant 0 : i32
    %dma_wait3A_252 = tpu.memref_slice %arg11[%dma_wait3A_249, %dma_wait3A_250, %dma_wait3A_251] : memref<2x200x64xf32, #tpu.memory_space<vmem>> -> memref<1x128x64xf32, #tpu.memory_space<vmem>>
    %dma_wait3A_253 = tpu.memref_squeeze %dma_wait3A_252 : memref<1x128x64xf32, #tpu.memory_space<vmem>> -> memref<128x64xf32, #tpu.memory_space<vmem>>
    %dma_wait3A_254 = arith.constant 0 : i32
    %dma_wait3A_255 = tpu.memref_slice %arg6[%dma_wait3A_254] : memref<400xi32, #tpu.memory_space<vmem>> -> memref<128xi32, #tpu.memory_space<vmem>>
    %dma_wait3A_256 = arith.constant 0 : i32
    %dma_wait3A_257 = arith.constant 0 : i32
    %dma_wait3A_258 = tpu.memref_slice %arg2[%dma_wait3A_256, %dma_wait3A_257] : memref<1000000x64xf32, #tpu.memory_space<hbm>> -> memref<1000000x64xf32, #tpu.memory_space<hbm>>
    tpu.wait_indirect_dma semaphore(%arg12 : memref<!tpu.dma_semaphore, #tpu.memory_space<semaphore_mem>>) src(%dma_wait3A_258 : memref<1000000x64xf32, #tpu.memory_space<hbm>>) dst(%dma_wait3A_253 : memref<128x64xf32, #tpu.memory_space<vmem>>)
    %dma_wait3A_259 = arith.constant 0 : i32
    %dma_wait3A_260 = arith.constant 128 : i32
    %dma_wait3A_261 = arith.constant 0 : i32
    %dma_wait3A_262 = tpu.memref_slice %arg11[%dma_wait3A_259, %dma_wait3A_260, %dma_wait3A_261] : memref<2x200x64xf32, #tpu.memory_space<vmem>> -> memref<1x72x64xf32, #tpu.memory_space<vmem>>
    %dma_wait3A_263 = tpu.memref_squeeze %dma_wait3A_262 : memref<1x72x64xf32, #tpu.memory_space<vmem>> -> memref<72x64xf32, #tpu.memory_space<vmem>>
    %dma_wait3A_264 = arith.constant 128 : i32
    %dma_wait3A_265 = tpu.memref_slice %arg6[%dma_wait3A_264] : memref<400xi32, #tpu.memory_space<vmem>> -> memref<72xi32, #tpu.memory_space<vmem>>
    %dma_wait3A_266 = arith.constant 0 : i32
    %dma_wait3A_267 = arith.constant 0 : i32
    %dma_wait3A_268 = tpu.memref_slice %arg2[%dma_wait3A_266, %dma_wait3A_267] : memref<1000000x64xf32, #tpu.memory_space<hbm>> -> memref<1000000x64xf32, #tpu.memory_space<hbm>>
    tpu.wait_indirect_dma semaphore(%arg12 : memref<!tpu.dma_semaphore, #tpu.memory_space<semaphore_mem>>) src(%dma_wait3A_268 : memref<1000000x64xf32, #tpu.memory_space<hbm>>) dst(%dma_wait3A_263 : memref<72x64xf32, #tpu.memory_space<vmem>>)
    %dma_wait3A_269 = arith.constant 1 : i32
    %dma_wait3A_270 = arith.constant 0 : i32
    %dma_wait3A_271 = arith.constant 0 : i32
    %dma_wait3A_272 = tpu.memref_slice %arg11[%dma_wait3A_269, %dma_wait3A_270, %dma_wait3A_271] : memref<2x200x64xf32, #tpu.memory_space<vmem>> -> memref<1x128x64xf32, #tpu.memory_space<vmem>>
    %dma_wait3A_273 = tpu.memref_squeeze %dma_wait3A_272 : memref<1x128x64xf32, #tpu.memory_space<vmem>> -> memref<128x64xf32, #tpu.memory_space<vmem>>
    %dma_wait3A_274 = arith.constant 200 : i32
    %dma_wait3A_275 = tpu.memref_slice %arg6[%dma_wait3A_274] : memref<400xi32, #tpu.memory_space<vmem>> -> memref<128xi32, #tpu.memory_space<vmem>>
    %dma_wait3A_276 = arith.constant 0 : i32
    %dma_wait3A_277 = arith.constant 0 : i32
    %dma_wait3A_278 = tpu.memref_slice %arg2[%dma_wait3A_276, %dma_wait3A_277] : memref<1000000x64xf32, #tpu.memory_space<hbm>> -> memref<1000000x64xf32, #tpu.memory_space<hbm>>
    tpu.wait_indirect_dma semaphore(%arg12 : memref<!tpu.dma_semaphore, #tpu.memory_space<semaphore_mem>>) src(%dma_wait3A_278 : memref<1000000x64xf32, #tpu.memory_space<hbm>>) dst(%dma_wait3A_273 : memref<128x64xf32, #tpu.memory_space<vmem>>)
    %dma_wait3A_279 = arith.constant 1 : i32
    %dma_wait3A_280 = arith.constant 128 : i32
    %dma_wait3A_281 = arith.constant 0 : i32
    %dma_wait3A_282 = tpu.memref_slice %arg11[%dma_wait3A_279, %dma_wait3A_280, %dma_wait3A_281] : memref<2x200x64xf32, #tpu.memory_space<vmem>> -> memref<1x72x64xf32, #tpu.memory_space<vmem>>
    %dma_wait3A_283 = tpu.memref_squeeze %dma_wait3A_282 : memref<1x72x64xf32, #tpu.memory_space<vmem>> -> memref<72x64xf32, #tpu.memory_space<vmem>>
    %dma_wait3A_284 = arith.constant 328 : i32
    %dma_wait3A_285 = tpu.memref_slice %arg6[%dma_wait3A_284] : memref<400xi32, #tpu.memory_space<vmem>> -> memref<72xi32, #tpu.memory_space<vmem>>
    %dma_wait3A_286 = arith.constant 0 : i32
    %dma_wait3A_287 = arith.constant 0 : i32
    %dma_wait3A_288 = tpu.memref_slice %arg2[%dma_wait3A_286, %dma_wait3A_287] : memref<1000000x64xf32, #tpu.memory_space<hbm>> -> memref<1000000x64xf32, #tpu.memory_space<hbm>>
    tpu.wait_indirect_dma semaphore(%arg12 : memref<!tpu.dma_semaphore, #tpu.memory_space<semaphore_mem>>) src(%dma_wait3A_288 : memref<1000000x64xf32, #tpu.memory_space<hbm>>) dst(%dma_wait3A_283 : memref<72x64xf32, #tpu.memory_space<vmem>>)
    %add3A_289 = arith.constant 124 : i32
    %add3A_290 = arith.addi %mul3A_4, %add3A_289 : i32
    %dma_wait3A_291 = arith.constant 0 : i32
    %dma_wait3A_292 = arith.constant 0 : i32
    %dma_wait3A_293 = tpu.memref_slice %arg5[%add3A_290, %dma_wait3A_291, %dma_wait3A_292] : memref<4096x200x128xf32, #tpu.memory_space<hbm>> -> memref<2x200x64xf32, #tpu.memory_space<hbm>>
    %dma_wait3A_294 = arith.constant 0 : i32
    %dma_wait3A_295 = arith.constant 0 : i32
    %dma_wait3A_296 = tpu.memref_slice %arg5[%add3A_290, %dma_wait3A_294, %dma_wait3A_295] : memref<4096x200x128xf32, #tpu.memory_space<hbm>> -> memref<2x200x64xf32, #tpu.memory_space<hbm>>
    tpu.wait_dma2 semaphore(%arg14 : memref<!tpu.dma_semaphore, #tpu.memory_space<semaphore_mem>>) src(%arg9 : memref<2x200x64xf32, #tpu.memory_space<vmem>>) dst(%dma_wait3A_296 : memref<2x200x64xf32, #tpu.memory_space<hbm>>)
    %add3A_297 = arith.constant 25200 : i32
    %add3A_298 = arith.addi %mul3A_2, %add3A_297 : i32
    %dma_wait3A_299 = tpu.memref_slice %arg3[%add3A_298] : memref<819200xi32, #tpu.memory_space<hbm>> -> memref<400xi32, #tpu.memory_space<hbm>>
    %dma_wait3A_300 = tpu.memref_slice %arg3[%add3A_298] : memref<819200xi32, #tpu.memory_space<hbm>> -> memref<400xi32, #tpu.memory_space<hbm>>
    tpu.wait_dma2 semaphore(%arg13 : memref<!tpu.dma_semaphore, #tpu.memory_space<semaphore_mem>>) src(%dma_wait3A_300 : memref<400xi32, #tpu.memory_space<hbm>>) dst(%arg7 : memref<400xi32, #tpu.memory_space<vmem>>)
    %dma_start3A_301 = arith.constant 0 : i32
    %dma_start3A_302 = arith.constant 0 : i32
    %dma_start3A_303 = arith.constant 0 : i32
    %dma_start3A_304 = tpu.memref_slice %arg9[%dma_start3A_301, %dma_start3A_302, %dma_start3A_303] : memref<2x200x64xf32, #tpu.memory_space<vmem>> -> memref<1x128x64xf32, #tpu.memory_space<vmem>>
    %dma_start3A_305 = tpu.memref_squeeze %dma_start3A_304 : memref<1x128x64xf32, #tpu.memory_space<vmem>> -> memref<128x64xf32, #tpu.memory_space<vmem>>
    %dma_start3A_306 = arith.constant 0 : i32
    %dma_start3A_307 = tpu.memref_slice %arg7[%dma_start3A_306] : memref<400xi32, #tpu.memory_space<vmem>> -> memref<128xi32, #tpu.memory_space<vmem>>
    %dma_start3A_308 = arith.constant 0 : i32
    %dma_start3A_309 = arith.constant 0 : i32
    %dma_start3A_310 = tpu.memref_slice %arg2[%dma_start3A_308, %dma_start3A_309] : memref<1000000x64xf32, #tpu.memory_space<hbm>> -> memref<1000000x64xf32, #tpu.memory_space<hbm>>
    tpu.enqueue_indirect_dma source(%dma_start3A_310 : memref<1000000x64xf32, #tpu.memory_space<hbm>>) target(%dma_start3A_305 : memref<128x64xf32, #tpu.memory_space<vmem>>) offsets(%dma_start3A_307 : memref<128xi32, #tpu.memory_space<vmem>>) semaphore(%arg12 : memref<!tpu.dma_semaphore, #tpu.memory_space<semaphore_mem>>)
    %dma_start3A_311 = arith.constant 0 : i32
    %dma_start3A_312 = arith.constant 128 : i32
    %dma_start3A_313 = arith.constant 0 : i32
    %dma_start3A_314 = tpu.memref_slice %arg9[%dma_start3A_311, %dma_start3A_312, %dma_start3A_313] : memref<2x200x64xf32, #tpu.memory_space<vmem>> -> memref<1x72x64xf32, #tpu.memory_space<vmem>>
    %dma_start3A_315 = tpu.memref_squeeze %dma_start3A_314 : memref<1x72x64xf32, #tpu.memory_space<vmem>> -> memref<72x64xf32, #tpu.memory_space<vmem>>
    %dma_start3A_316 = arith.constant 128 : i32
    %dma_start3A_317 = tpu.memref_slice %arg7[%dma_start3A_316] : memref<400xi32, #tpu.memory_space<vmem>> -> memref<72xi32, #tpu.memory_space<vmem>>
    %dma_start3A_318 = arith.constant 0 : i32
    %dma_start3A_319 = arith.constant 0 : i32
    %dma_start3A_320 = tpu.memref_slice %arg2[%dma_start3A_318, %dma_start3A_319] : memref<1000000x64xf32, #tpu.memory_space<hbm>> -> memref<1000000x64xf32, #tpu.memory_space<hbm>>
    tpu.enqueue_indirect_dma source(%dma_start3A_320 : memref<1000000x64xf32, #tpu.memory_space<hbm>>) target(%dma_start3A_315 : memref<72x64xf32, #tpu.memory_space<vmem>>) offsets(%dma_start3A_317 : memref<72xi32, #tpu.memory_space<vmem>>) semaphore(%arg12 : memref<!tpu.dma_semaphore, #tpu.memory_space<semaphore_mem>>)
    %dma_start3A_321 = arith.constant 1 : i32
    %dma_start3A_322 = arith.constant 0 : i32
    %dma_start3A_323 = arith.constant 0 : i32
    %dma_start3A_324 = tpu.memref_slice %arg9[%dma_start3A_321, %dma_start3A_322, %dma_start3A_323] : memref<2x200x64xf32, #tpu.memory_space<vmem>> -> memref<1x128x64xf32, #tpu.memory_space<vmem>>
    %dma_start3A_325 = tpu.memref_squeeze %dma_start3A_324 : memref<1x128x64xf32, #tpu.memory_space<vmem>> -> memref<128x64xf32, #tpu.memory_space<vmem>>
    %dma_start3A_326 = arith.constant 200 : i32
    %dma_start3A_327 = tpu.memref_slice %arg7[%dma_start3A_326] : memref<400xi32, #tpu.memory_space<vmem>> -> memref<128xi32, #tpu.memory_space<vmem>>
    %dma_start3A_328 = arith.constant 0 : i32
    %dma_start3A_329 = arith.constant 0 : i32
    %dma_start3A_330 = tpu.memref_slice %arg2[%dma_start3A_328, %dma_start3A_329] : memref<1000000x64xf32, #tpu.memory_space<hbm>> -> memref<1000000x64xf32, #tpu.memory_space<hbm>>
    tpu.enqueue_indirect_dma source(%dma_start3A_330 : memref<1000000x64xf32, #tpu.memory_space<hbm>>) target(%dma_start3A_325 : memref<128x64xf32, #tpu.memory_space<vmem>>) offsets(%dma_start3A_327 : memref<128xi32, #tpu.memory_space<vmem>>) semaphore(%arg12 : memref<!tpu.dma_semaphore, #tpu.memory_space<semaphore_mem>>)
    %dma_start3A_331 = arith.constant 1 : i32
    %dma_start3A_332 = arith.constant 128 : i32
    %dma_start3A_333 = arith.constant 0 : i32
    %dma_start3A_334 = tpu.memref_slice %arg9[%dma_start3A_331, %dma_start3A_332, %dma_start3A_333] : memref<2x200x64xf32, #tpu.memory_space<vmem>> -> memref<1x72x64xf32, #tpu.memory_space<vmem>>
    %dma_start3A_335 = tpu.memref_squeeze %dma_start3A_334 : memref<1x72x64xf32, #tpu.memory_space<vmem>> -> memref<72x64xf32, #tpu.memory_space<vmem>>
    %dma_start3A_336 = arith.constant 328 : i32
    %dma_start3A_337 = tpu.memref_slice %arg7[%dma_start3A_336] : memref<400xi32, #tpu.memory_space<vmem>> -> memref<72xi32, #tpu.memory_space<vmem>>
    %dma_start3A_338 = arith.constant 0 : i32
    %dma_start3A_339 = arith.constant 0 : i32
    %dma_start3A_340 = tpu.memref_slice %arg2[%dma_start3A_338, %dma_start3A_339] : memref<1000000x64xf32, #tpu.memory_space<hbm>> -> memref<1000000x64xf32, #tpu.memory_space<hbm>>
    tpu.enqueue_indirect_dma source(%dma_start3A_340 : memref<1000000x64xf32, #tpu.memory_space<hbm>>) target(%dma_start3A_335 : memref<72x64xf32, #tpu.memory_space<vmem>>) offsets(%dma_start3A_337 : memref<72xi32, #tpu.memory_space<vmem>>) semaphore(%arg12 : memref<!tpu.dma_semaphore, #tpu.memory_space<semaphore_mem>>)
    %parallel_loop3A_341 = arith.constant 0 : i32
    %parallel_loop3A_342 = arith.constant 200 : i32
    %parallel_loop3A_343 = arith.constant 1 : i32
    scf.for %parallel_loop3A_427 = %parallel_loop3A_341 to %parallel_loop3A_342 step %parallel_loop3A_343  : i32 {
      %parallel_loop3A_428 = arith.index_cast %parallel_loop3A_427 : i32 to index
      %parallel_loop3A_429 = arith.constant 0 : index
      %parallel_loop3A_430 = tpu.vector_load %arg8[%parallel_loop3A_428, %parallel_loop3A_429] {strides = array<i32>} : memref<200x64xf32, #tpu.memory_space<vmem>>, vector<1x16xf32>,
      %parallel_loop3A_431 = vector.shape_cast %parallel_loop3A_430 : vector<1x16xf32> to vector<16xf32>
      %parallel_loop3A_432 = arith.constant 0 : i32
      %parallel_loop3A_433 = arith.index_cast %parallel_loop3A_432 : i32 to index
      %parallel_loop3A_434 = arith.index_cast %parallel_loop3A_427 : i32 to index
      %parallel_loop3A_435 = arith.constant 0 : index
      %parallel_loop3A_436 = tpu.vector_load %arg11[%parallel_loop3A_433, %parallel_loop3A_434, %parallel_loop3A_435] {strides = array<i32>} : memref<2x200x64xf32, #tpu.memory_space<vmem>>, vector<1x1x16xf32>,
      %parallel_loop3A_437 = vector.shape_cast %parallel_loop3A_436 : vector<1x1x16xf32> to vector<16xf32>
      %parallel_loop3A_438 = vector.shape_cast %parallel_loop3A_431 : vector<16xf32> to vector<1x1x16xf32>
      tpu.vector_store %arg11[%parallel_loop3A_433, %parallel_loop3A_434, %parallel_loop3A_435], %parallel_loop3A_438 {add = true, strides = array<i32>} : memref<2x200x64xf32, #tpu.memory_space<vmem>>, vector<1x1x16xf32>,
      %parallel_loop3A_439 = arith.constant 1 : i32
      %parallel_loop3A_440 = arith.index_cast %parallel_loop3A_439 : i32 to index
      %parallel_loop3A_441 = arith.index_cast %parallel_loop3A_427 : i32 to index
      %parallel_loop3A_442 = arith.constant 0 : index
      %parallel_loop3A_443 = tpu.vector_load %arg11[%parallel_loop3A_440, %parallel_loop3A_441, %parallel_loop3A_442] {strides = array<i32>} : memref<2x200x64xf32, #tpu.memory_space<vmem>>, vector<1x1x16xf32>,
      %parallel_loop3A_444 = vector.shape_cast %parallel_loop3A_443 : vector<1x1x16xf32> to vector<16xf32>
      %parallel_loop3A_445 = vector.shape_cast %parallel_loop3A_431 : vector<16xf32> to vector<1x1x16xf32>
      tpu.vector_store %arg11[%parallel_loop3A_440, %parallel_loop3A_441, %parallel_loop3A_442], %parallel_loop3A_445 {add = true, strides = array<i32>} : memref<2x200x64xf32, #tpu.memory_space<vmem>>, vector<1x1x16xf32>,
      %parallel_loop3A_446 = arith.index_cast %parallel_loop3A_427 : i32 to index
      %parallel_loop3A_447 = arith.constant 16 : index
      %parallel_loop3A_448 = tpu.vector_load %arg8[%parallel_loop3A_446, %parallel_loop3A_447] {strides = array<i32>} : memref<200x64xf32, #tpu.memory_space<vmem>>, vector<1x16xf32>,
      %parallel_loop3A_449 = vector.shape_cast %parallel_loop3A_448 : vector<1x16xf32> to vector<16xf32>
      %parallel_loop3A_450 = arith.constant 0 : i32
      %parallel_loop3A_451 = arith.index_cast %parallel_loop3A_450 : i32 to index
      %parallel_loop3A_452 = arith.index_cast %parallel_loop3A_427 : i32 to index
      %parallel_loop3A_453 = arith.constant 16 : index
      %parallel_loop3A_454 = tpu.vector_load %arg11[%parallel_loop3A_451, %parallel_loop3A_452, %parallel_loop3A_453] {strides = array<i32>} : memref<2x200x64xf32, #tpu.memory_space<vmem>>, vector<1x1x16xf32>,
      %parallel_loop3A_455 = vector.shape_cast %parallel_loop3A_454 : vector<1x1x16xf32> to vector<16xf32>
      %parallel_loop3A_456 = vector.shape_cast %parallel_loop3A_449 : vector<16xf32> to vector<1x1x16xf32>
      tpu.vector_store %arg11[%parallel_loop3A_451, %parallel_loop3A_452, %parallel_loop3A_453], %parallel_loop3A_456 {add = true, strides = array<i32>} : memref<2x200x64xf32, #tpu.memory_space<vmem>>, vector<1x1x16xf32>,
      %parallel_loop3A_457 = arith.constant 1 : i32
      %parallel_loop3A_458 = arith.index_cast %parallel_loop3A_457 : i32 to index
      %parallel_loop3A_459 = arith.index_cast %parallel_loop3A_427 : i32 to index
      %parallel_loop3A_460 = arith.constant 16 : index
      %parallel_loop3A_461 = tpu.vector_load %arg11[%parallel_loop3A_458, %parallel_loop3A_459, %parallel_loop3A_460] {strides = array<i32>} : memref<2x200x64xf32, #tpu.memory_space<vmem>>, vector<1x1x16xf32>,
      %parallel_loop3A_462 = vector.shape_cast %parallel_loop3A_461 : vector<1x1x16xf32> to vector<16xf32>
      %parallel_loop3A_463 = vector.shape_cast %parallel_loop3A_449 : vector<16xf32> to vector<1x1x16xf32>
      tpu.vector_store %arg11[%parallel_loop3A_458, %parallel_loop3A_459, %parallel_loop3A_460], %parallel_loop3A_463 {add = true, strides = array<i32>} : memref<2x200x64xf32, #tpu.memory_space<vmem>>, vector<1x1x16xf32>,
      %parallel_loop3A_464 = arith.index_cast %parallel_loop3A_427 : i32 to index
      %parallel_loop3A_465 = arith.constant 32 : index
      %parallel_loop3A_466 = tpu.vector_load %arg8[%parallel_loop3A_464, %parallel_loop3A_465] {strides = array<i32>} : memref<200x64xf32, #tpu.memory_space<vmem>>, vector<1x16xf32>,
      %parallel_loop3A_467 = vector.shape_cast %parallel_loop3A_466 : vector<1x16xf32> to vector<16xf32>
      %parallel_loop3A_468 = arith.constant 0 : i32
      %parallel_loop3A_469 = arith.index_cast %parallel_loop3A_468 : i32 to index
      %parallel_loop3A_470 = arith.index_cast %parallel_loop3A_427 : i32 to index
      %parallel_loop3A_471 = arith.constant 32 : index
      %parallel_loop3A_472 = tpu.vector_load %arg11[%parallel_loop3A_469, %parallel_loop3A_470, %parallel_loop3A_471] {strides = array<i32>} : memref<2x200x64xf32, #tpu.memory_space<vmem>>, vector<1x1x16xf32>,
      %parallel_loop3A_473 = vector.shape_cast %parallel_loop3A_472 : vector<1x1x16xf32> to vector<16xf32>
      %parallel_loop3A_474 = vector.shape_cast %parallel_loop3A_467 : vector<16xf32> to vector<1x1x16xf32>
      tpu.vector_store %arg11[%parallel_loop3A_469, %parallel_loop3A_470, %parallel_loop3A_471], %parallel_loop3A_474 {add = true, strides = array<i32>} : memref<2x200x64xf32, #tpu.memory_space<vmem>>, vector<1x1x16xf32>,
      %parallel_loop3A_475 = arith.constant 1 : i32
      %parallel_loop3A_476 = arith.index_cast %parallel_loop3A_475 : i32 to index
      %parallel_loop3A_477 = arith.index_cast %parallel_loop3A_427 : i32 to index
      %parallel_loop3A_478 = arith.constant 32 : index
      %parallel_loop3A_479 = tpu.vector_load %arg11[%parallel_loop3A_476, %parallel_loop3A_477, %parallel_loop3A_478] {strides = array<i32>} : memref<2x200x64xf32, #tpu.memory_space<vmem>>, vector<1x1x16xf32>,
      %parallel_loop3A_480 = vector.shape_cast %parallel_loop3A_479 : vector<1x1x16xf32> to vector<16xf32>
      %parallel_loop3A_481 = vector.shape_cast %parallel_loop3A_467 : vector<16xf32> to vector<1x1x16xf32>
      tpu.vector_store %arg11[%parallel_loop3A_476, %parallel_loop3A_477, %parallel_loop3A_478], %parallel_loop3A_481 {add = true, strides = array<i32>} : memref<2x200x64xf32, #tpu.memory_space<vmem>>, vector<1x1x16xf32>,
      %parallel_loop3A_482 = arith.index_cast %parallel_loop3A_427 : i32 to index
      %parallel_loop3A_483 = arith.constant 48 : index
      %parallel_loop3A_484 = tpu.vector_load %arg8[%parallel_loop3A_482, %parallel_loop3A_483] {strides = array<i32>} : memref<200x64xf32, #tpu.memory_space<vmem>>, vector<1x16xf32>,
      %parallel_loop3A_485 = vector.shape_cast %parallel_loop3A_484 : vector<1x16xf32> to vector<16xf32>
      %parallel_loop3A_486 = arith.constant 0 : i32
      %parallel_loop3A_487 = arith.index_cast %parallel_loop3A_486 : i32 to index
      %parallel_loop3A_488 = arith.index_cast %parallel_loop3A_427 : i32 to index
      %parallel_loop3A_489 = arith.constant 48 : index
      %parallel_loop3A_490 = tpu.vector_load %arg11[%parallel_loop3A_487, %parallel_loop3A_488, %parallel_loop3A_489] {strides = array<i32>} : memref<2x200x64xf32, #tpu.memory_space<vmem>>, vector<1x1x16xf32>,
      %parallel_loop3A_491 = vector.shape_cast %parallel_loop3A_490 : vector<1x1x16xf32> to vector<16xf32>
      %parallel_loop3A_492 = vector.shape_cast %parallel_loop3A_485 : vector<16xf32> to vector<1x1x16xf32>
      tpu.vector_store %arg11[%parallel_loop3A_487, %parallel_loop3A_488, %parallel_loop3A_489], %parallel_loop3A_492 {add = true, strides = array<i32>} : memref<2x200x64xf32, #tpu.memory_space<vmem>>, vector<1x1x16xf32>,
      %parallel_loop3A_493 = arith.constant 1 : i32
      %parallel_loop3A_494 = arith.index_cast %parallel_loop3A_493 : i32 to index
      %parallel_loop3A_495 = arith.index_cast %parallel_loop3A_427 : i32 to index
      %parallel_loop3A_496 = arith.constant 48 : index
      %parallel_loop3A_497 = tpu.vector_load %arg11[%parallel_loop3A_494, %parallel_loop3A_495, %parallel_loop3A_496] {strides = array<i32>} : memref<2x200x64xf32, #tpu.memory_space<vmem>>, vector<1x1x16xf32>,
      %parallel_loop3A_498 = vector.shape_cast %parallel_loop3A_497 : vector<1x1x16xf32> to vector<16xf32>
      %parallel_loop3A_499 = vector.shape_cast %parallel_loop3A_485 : vector<16xf32> to vector<1x1x16xf32>
      tpu.vector_store %arg11[%parallel_loop3A_494, %parallel_loop3A_495, %parallel_loop3A_496], %parallel_loop3A_499 {add = true, strides = array<i32>} : memref<2x200x64xf32, #tpu.memory_space<vmem>>, vector<1x1x16xf32>,
    } {sc.loop_unroll_factor = 4 : i64, sc.parallel_access}
    %add3A_344 = arith.constant 124 : i32
    %add3A_345 = arith.addi %mul3A_4, %add3A_344 : i32
    %dma_start3A_346 = arith.constant 0 : i32
    %dma_start3A_347 = arith.constant 0 : i32
    %dma_start3A_348 = tpu.memref_slice %arg5[%add3A_345, %dma_start3A_346, %dma_start3A_347] : memref<4096x200x128xf32, #tpu.memory_space<hbm>> -> memref<2x200x64xf32, #tpu.memory_space<hbm>>
    %dma_start3A_349 = arith.constant 0 : i32
    %dma_start3A_350 = arith.constant 0 : i32
    %dma_start3A_351 = tpu.memref_slice %arg5[%add3A_345, %dma_start3A_349, %dma_start3A_350] : memref<4096x200x128xf32, #tpu.memory_space<hbm>> -> memref<2x200x64xf32, #tpu.memory_space<hbm>>
    tpu.enqueue_dma source(%arg11 : memref<2x200x64xf32, #tpu.memory_space<vmem>>) target(%dma_start3A_351 : memref<2x200x64xf32, #tpu.memory_space<hbm>>) target_semaphore(%arg14 : memref<!tpu.dma_semaphore, #tpu.memory_space<semaphore_mem>>)
    %dma_wait3A_352 = arith.constant 0 : i32
    %dma_wait3A_353 = arith.constant 0 : i32
    %dma_wait3A_354 = arith.constant 0 : i32
    %dma_wait3A_355 = tpu.memref_slice %arg9[%dma_wait3A_352, %dma_wait3A_353, %dma_wait3A_354] : memref<2x200x64xf32, #tpu.memory_space<vmem>> -> memref<1x128x64xf32, #tpu.memory_space<vmem>>
    %dma_wait3A_356 = tpu.memref_squeeze %dma_wait3A_355 : memref<1x128x64xf32, #tpu.memory_space<vmem>> -> memref<128x64xf32, #tpu.memory_space<vmem>>
    %dma_wait3A_357 = arith.constant 0 : i32
    %dma_wait3A_358 = tpu.memref_slice %arg7[%dma_wait3A_357] : memref<400xi32, #tpu.memory_space<vmem>> -> memref<128xi32, #tpu.memory_space<vmem>>
    %dma_wait3A_359 = arith.constant 0 : i32
    %dma_wait3A_360 = arith.constant 0 : i32
    %dma_wait3A_361 = tpu.memref_slice %arg2[%dma_wait3A_359, %dma_wait3A_360] : memref<1000000x64xf32, #tpu.memory_space<hbm>> -> memref<1000000x64xf32, #tpu.memory_space<hbm>>
    tpu.wait_indirect_dma semaphore(%arg12 : memref<!tpu.dma_semaphore, #tpu.memory_space<semaphore_mem>>) src(%dma_wait3A_361 : memref<1000000x64xf32, #tpu.memory_space<hbm>>) dst(%dma_wait3A_356 : memref<128x64xf32, #tpu.memory_space<vmem>>)
    %dma_wait3A_362 = arith.constant 0 : i32
    %dma_wait3A_363 = arith.constant 128 : i32
    %dma_wait3A_364 = arith.constant 0 : i32
    %dma_wait3A_365 = tpu.memref_slice %arg9[%dma_wait3A_362, %dma_wait3A_363, %dma_wait3A_364] : memref<2x200x64xf32, #tpu.memory_space<vmem>> -> memref<1x72x64xf32, #tpu.memory_space<vmem>>
    %dma_wait3A_366 = tpu.memref_squeeze %dma_wait3A_365 : memref<1x72x64xf32, #tpu.memory_space<vmem>> -> memref<72x64xf32, #tpu.memory_space<vmem>>
    %dma_wait3A_367 = arith.constant 128 : i32
    %dma_wait3A_368 = tpu.memref_slice %arg7[%dma_wait3A_367] : memref<400xi32, #tpu.memory_space<vmem>> -> memref<72xi32, #tpu.memory_space<vmem>>
    %dma_wait3A_369 = arith.constant 0 : i32
    %dma_wait3A_370 = arith.constant 0 : i32
    %dma_wait3A_371 = tpu.memref_slice %arg2[%dma_wait3A_369, %dma_wait3A_370] : memref<1000000x64xf32, #tpu.memory_space<hbm>> -> memref<1000000x64xf32, #tpu.memory_space<hbm>>
    tpu.wait_indirect_dma semaphore(%arg12 : memref<!tpu.dma_semaphore, #tpu.memory_space<semaphore_mem>>) src(%dma_wait3A_371 : memref<1000000x64xf32, #tpu.memory_space<hbm>>) dst(%dma_wait3A_366 : memref<72x64xf32, #tpu.memory_space<vmem>>)
    %dma_wait3A_372 = arith.constant 1 : i32
    %dma_wait3A_373 = arith.constant 0 : i32
    %dma_wait3A_374 = arith.constant 0 : i32
    %dma_wait3A_375 = tpu.memref_slice %arg9[%dma_wait3A_372, %dma_wait3A_373, %dma_wait3A_374] : memref<2x200x64xf32, #tpu.memory_space<vmem>> -> memref<1x128x64xf32, #tpu.memory_space<vmem>>
    %dma_wait3A_376 = tpu.memref_squeeze %dma_wait3A_375 : memref<1x128x64xf32, #tpu.memory_space<vmem>> -> memref<128x64xf32, #tpu.memory_space<vmem>>
    %dma_wait3A_377 = arith.constant 200 : i32
    %dma_wait3A_378 = tpu.memref_slice %arg7[%dma_wait3A_377] : memref<400xi32, #tpu.memory_space<vmem>> -> memref<128xi32, #tpu.memory_space<vmem>>
    %dma_wait3A_379 = arith.constant 0 : i32
    %dma_wait3A_380 = arith.constant 0 : i32
    %dma_wait3A_381 = tpu.memref_slice %arg2[%dma_wait3A_379, %dma_wait3A_380] : memref<1000000x64xf32, #tpu.memory_space<hbm>> -> memref<1000000x64xf32, #tpu.memory_space<hbm>>
    tpu.wait_indirect_dma semaphore(%arg12 : memref<!tpu.dma_semaphore, #tpu.memory_space<semaphore_mem>>) src(%dma_wait3A_381 : memref<1000000x64xf32, #tpu.memory_space<hbm>>) dst(%dma_wait3A_376 : memref<128x64xf32, #tpu.memory_space<vmem>>)
    %dma_wait3A_382 = arith.constant 1 : i32
    %dma_wait3A_383 = arith.constant 128 : i32
    %dma_wait3A_384 = arith.constant 0 : i32
    %dma_wait3A_385 = tpu.memref_slice %arg9[%dma_wait3A_382, %dma_wait3A_383, %dma_wait3A_384] : memref<2x200x64xf32, #tpu.memory_space<vmem>> -> memref<1x72x64xf32, #tpu.memory_space<vmem>>
    %dma_wait3A_386 = tpu.memref_squeeze %dma_wait3A_385 : memref<1x72x64xf32, #tpu.memory_space<vmem>> -> memref<72x64xf32, #tpu.memory_space<vmem>>
    %dma_wait3A_387 = arith.constant 328 : i32
    %dma_wait3A_388 = tpu.memref_slice %arg7[%dma_wait3A_387] : memref<400xi32, #tpu.memory_space<vmem>> -> memref<72xi32, #tpu.memory_space<vmem>>
    %dma_wait3A_389 = arith.constant 0 : i32
    %dma_wait3A_390 = arith.constant 0 : i32
    %dma_wait3A_391 = tpu.memref_slice %arg2[%dma_wait3A_389, %dma_wait3A_390] : memref<1000000x64xf32, #tpu.memory_space<hbm>> -> memref<1000000x64xf32, #tpu.memory_space<hbm>>
    tpu.wait_indirect_dma semaphore(%arg12 : memref<!tpu.dma_semaphore, #tpu.memory_space<semaphore_mem>>) src(%dma_wait3A_391 : memref<1000000x64xf32, #tpu.memory_space<hbm>>) dst(%dma_wait3A_386 : memref<72x64xf32, #tpu.memory_space<vmem>>)
    %add3A_392 = arith.constant 126 : i32
    %add3A_393 = arith.addi %mul3A_4, %add3A_392 : i32
    %dma_wait3A_394 = arith.constant 0 : i32
    %dma_wait3A_395 = arith.constant 0 : i32
    %dma_wait3A_396 = tpu.memref_slice %arg5[%add3A_393, %dma_wait3A_394, %dma_wait3A_395] : memref<4096x200x128xf32, #tpu.memory_space<hbm>> -> memref<2x200x64xf32, #tpu.memory_space<hbm>>
    %dma_wait3A_397 = arith.constant 0 : i32
    %dma_wait3A_398 = arith.constant 0 : i32
    %dma_wait3A_399 = tpu.memref_slice %arg5[%add3A_393, %dma_wait3A_397, %dma_wait3A_398] : memref<4096x200x128xf32, #tpu.memory_space<hbm>> -> memref<2x200x64xf32, #tpu.memory_space<hbm>>
    tpu.wait_dma2 semaphore(%arg14 : memref<!tpu.dma_semaphore, #tpu.memory_space<semaphore_mem>>) src(%arg10 : memref<2x200x64xf32, #tpu.memory_space<vmem>>) dst(%dma_wait3A_399 : memref<2x200x64xf32, #tpu.memory_space<hbm>>)
    %parallel_loop3A_400 = arith.constant 0 : i32
    %parallel_loop3A_401 = arith.constant 200 : i32
    %parallel_loop3A_402 = arith.constant 1 : i32
    scf.for %parallel_loop3A_427 = %parallel_loop3A_400 to %parallel_loop3A_401 step %parallel_loop3A_402  : i32 {
      %parallel_loop3A_428 = arith.index_cast %parallel_loop3A_427 : i32 to index
      %parallel_loop3A_429 = arith.constant 0 : index
      %parallel_loop3A_430 = tpu.vector_load %arg8[%parallel_loop3A_428, %parallel_loop3A_429] {strides = array<i32>} : memref<200x64xf32, #tpu.memory_space<vmem>>, vector<1x16xf32>,
      %parallel_loop3A_431 = vector.shape_cast %parallel_loop3A_430 : vector<1x16xf32> to vector<16xf32>
      %parallel_loop3A_432 = arith.constant 0 : i32
      %parallel_loop3A_433 = arith.index_cast %parallel_loop3A_432 : i32 to index
      %parallel_loop3A_434 = arith.index_cast %parallel_loop3A_427 : i32 to index
      %parallel_loop3A_435 = arith.constant 0 : index
      %parallel_loop3A_436 = tpu.vector_load %arg9[%parallel_loop3A_433, %parallel_loop3A_434, %parallel_loop3A_435] {strides = array<i32>} : memref<2x200x64xf32, #tpu.memory_space<vmem>>, vector<1x1x16xf32>,
      %parallel_loop3A_437 = vector.shape_cast %parallel_loop3A_436 : vector<1x1x16xf32> to vector<16xf32>
      %parallel_loop3A_438 = vector.shape_cast %parallel_loop3A_431 : vector<16xf32> to vector<1x1x16xf32>
      tpu.vector_store %arg9[%parallel_loop3A_433, %parallel_loop3A_434, %parallel_loop3A_435], %parallel_loop3A_438 {add = true, strides = array<i32>} : memref<2x200x64xf32, #tpu.memory_space<vmem>>, vector<1x1x16xf32>,
      %parallel_loop3A_439 = arith.constant 1 : i32
      %parallel_loop3A_440 = arith.index_cast %parallel_loop3A_439 : i32 to index
      %parallel_loop3A_441 = arith.index_cast %parallel_loop3A_427 : i32 to index
      %parallel_loop3A_442 = arith.constant 0 : index
      %parallel_loop3A_443 = tpu.vector_load %arg9[%parallel_loop3A_440, %parallel_loop3A_441, %parallel_loop3A_442] {strides = array<i32>} : memref<2x200x64xf32, #tpu.memory_space<vmem>>, vector<1x1x16xf32>,
      %parallel_loop3A_444 = vector.shape_cast %parallel_loop3A_443 : vector<1x1x16xf32> to vector<16xf32>
      %parallel_loop3A_445 = vector.shape_cast %parallel_loop3A_431 : vector<16xf32> to vector<1x1x16xf32>
      tpu.vector_store %arg9[%parallel_loop3A_440, %parallel_loop3A_441, %parallel_loop3A_442], %parallel_loop3A_445 {add = true, strides = array<i32>} : memref<2x200x64xf32, #tpu.memory_space<vmem>>, vector<1x1x16xf32>,
      %parallel_loop3A_446 = arith.index_cast %parallel_loop3A_427 : i32 to index
      %parallel_loop3A_447 = arith.constant 16 : index
      %parallel_loop3A_448 = tpu.vector_load %arg8[%parallel_loop3A_446, %parallel_loop3A_447] {strides = array<i32>} : memref<200x64xf32, #tpu.memory_space<vmem>>, vector<1x16xf32>,
      %parallel_loop3A_449 = vector.shape_cast %parallel_loop3A_448 : vector<1x16xf32> to vector<16xf32>
      %parallel_loop3A_450 = arith.constant 0 : i32
      %parallel_loop3A_451 = arith.index_cast %parallel_loop3A_450 : i32 to index
      %parallel_loop3A_452 = arith.index_cast %parallel_loop3A_427 : i32 to index
      %parallel_loop3A_453 = arith.constant 16 : index
      %parallel_loop3A_454 = tpu.vector_load %arg9[%parallel_loop3A_451, %parallel_loop3A_452, %parallel_loop3A_453] {strides = array<i32>} : memref<2x200x64xf32, #tpu.memory_space<vmem>>, vector<1x1x16xf32>,
      %parallel_loop3A_455 = vector.shape_cast %parallel_loop3A_454 : vector<1x1x16xf32> to vector<16xf32>
      %parallel_loop3A_456 = vector.shape_cast %parallel_loop3A_449 : vector<16xf32> to vector<1x1x16xf32>
      tpu.vector_store %arg9[%parallel_loop3A_451, %parallel_loop3A_452, %parallel_loop3A_453], %parallel_loop3A_456 {add = true, strides = array<i32>} : memref<2x200x64xf32, #tpu.memory_space<vmem>>, vector<1x1x16xf32>,
      %parallel_loop3A_457 = arith.constant 1 : i32
      %parallel_loop3A_458 = arith.index_cast %parallel_loop3A_457 : i32 to index
      %parallel_loop3A_459 = arith.index_cast %parallel_loop3A_427 : i32 to index
      %parallel_loop3A_460 = arith.constant 16 : index
      %parallel_loop3A_461 = tpu.vector_load %arg9[%parallel_loop3A_458, %parallel_loop3A_459, %parallel_loop3A_460] {strides = array<i32>} : memref<2x200x64xf32, #tpu.memory_space<vmem>>, vector<1x1x16xf32>,
      %parallel_loop3A_462 = vector.shape_cast %parallel_loop3A_461 : vector<1x1x16xf32> to vector<16xf32>
      %parallel_loop3A_463 = vector.shape_cast %parallel_loop3A_449 : vector<16xf32> to vector<1x1x16xf32>
      tpu.vector_store %arg9[%parallel_loop3A_458, %parallel_loop3A_459, %parallel_loop3A_460], %parallel_loop3A_463 {add = true, strides = array<i32>} : memref<2x200x64xf32, #tpu.memory_space<vmem>>, vector<1x1x16xf32>,
      %parallel_loop3A_464 = arith.index_cast %parallel_loop3A_427 : i32 to index
      %parallel_loop3A_465 = arith.constant 32 : index
      %parallel_loop3A_466 = tpu.vector_load %arg8[%parallel_loop3A_464, %parallel_loop3A_465] {strides = array<i32>} : memref<200x64xf32, #tpu.memory_space<vmem>>, vector<1x16xf32>,
      %parallel_loop3A_467 = vector.shape_cast %parallel_loop3A_466 : vector<1x16xf32> to vector<16xf32>
      %parallel_loop3A_468 = arith.constant 0 : i32
      %parallel_loop3A_469 = arith.index_cast %parallel_loop3A_468 : i32 to index
      %parallel_loop3A_470 = arith.index_cast %parallel_loop3A_427 : i32 to index
      %parallel_loop3A_471 = arith.constant 32 : index
      %parallel_loop3A_472 = tpu.vector_load %arg9[%parallel_loop3A_469, %parallel_loop3A_470, %parallel_loop3A_471] {strides = array<i32>} : memref<2x200x64xf32, #tpu.memory_space<vmem>>, vector<1x1x16xf32>,
      %parallel_loop3A_473 = vector.shape_cast %parallel_loop3A_472 : vector<1x1x16xf32> to vector<16xf32>
      %parallel_loop3A_474 = vector.shape_cast %parallel_loop3A_467 : vector<16xf32> to vector<1x1x16xf32>
      tpu.vector_store %arg9[%parallel_loop3A_469, %parallel_loop3A_470, %parallel_loop3A_471], %parallel_loop3A_474 {add = true, strides = array<i32>} : memref<2x200x64xf32, #tpu.memory_space<vmem>>, vector<1x1x16xf32>,
      %parallel_loop3A_475 = arith.constant 1 : i32
      %parallel_loop3A_476 = arith.index_cast %parallel_loop3A_475 : i32 to index
      %parallel_loop3A_477 = arith.index_cast %parallel_loop3A_427 : i32 to index
      %parallel_loop3A_478 = arith.constant 32 : index
      %parallel_loop3A_479 = tpu.vector_load %arg9[%parallel_loop3A_476, %parallel_loop3A_477, %parallel_loop3A_478] {strides = array<i32>} : memref<2x200x64xf32, #tpu.memory_space<vmem>>, vector<1x1x16xf32>,
      %parallel_loop3A_480 = vector.shape_cast %parallel_loop3A_479 : vector<1x1x16xf32> to vector<16xf32>
      %parallel_loop3A_481 = vector.shape_cast %parallel_loop3A_467 : vector<16xf32> to vector<1x1x16xf32>
      tpu.vector_store %arg9[%parallel_loop3A_476, %parallel_loop3A_477, %parallel_loop3A_478], %parallel_loop3A_481 {add = true, strides = array<i32>} : memref<2x200x64xf32, #tpu.memory_space<vmem>>, vector<1x1x16xf32>,
      %parallel_loop3A_482 = arith.index_cast %parallel_loop3A_427 : i32 to index
      %parallel_loop3A_483 = arith.constant 48 : index
      %parallel_loop3A_484 = tpu.vector_load %arg8[%parallel_loop3A_482, %parallel_loop3A_483] {strides = array<i32>} : memref<200x64xf32, #tpu.memory_space<vmem>>, vector<1x16xf32>,
      %parallel_loop3A_485 = vector.shape_cast %parallel_loop3A_484 : vector<1x16xf32> to vector<16xf32>
      %parallel_loop3A_486 = arith.constant 0 : i32
      %parallel_loop3A_487 = arith.index_cast %parallel_loop3A_486 : i32 to index
      %parallel_loop3A_488 = arith.index_cast %parallel_loop3A_427 : i32 to index
      %parallel_loop3A_489 = arith.constant 48 : index
      %parallel_loop3A_490 = tpu.vector_load %arg9[%parallel_loop3A_487, %parallel_loop3A_488, %parallel_loop3A_489] {strides = array<i32>} : memref<2x200x64xf32, #tpu.memory_space<vmem>>, vector<1x1x16xf32>,
      %parallel_loop3A_491 = vector.shape_cast %parallel_loop3A_490 : vector<1x1x16xf32> to vector<16xf32>
      %parallel_loop3A_492 = vector.shape_cast %parallel_loop3A_485 : vector<16xf32> to vector<1x1x16xf32>
      tpu.vector_store %arg9[%parallel_loop3A_487, %parallel_loop3A_488, %parallel_loop3A_489], %parallel_loop3A_492 {add = true, strides = array<i32>} : memref<2x200x64xf32, #tpu.memory_space<vmem>>, vector<1x1x16xf32>,
      %parallel_loop3A_493 = arith.constant 1 : i32
      %parallel_loop3A_494 = arith.index_cast %parallel_loop3A_493 : i32 to index
      %parallel_loop3A_495 = arith.index_cast %parallel_loop3A_427 : i32 to index
      %parallel_loop3A_496 = arith.constant 48 : index
      %parallel_loop3A_497 = tpu.vector_load %arg9[%parallel_loop3A_494, %parallel_loop3A_495, %parallel_loop3A_496] {strides = array<i32>} : memref<2x200x64xf32, #tpu.memory_space<vmem>>, vector<1x1x16xf32>,
      %parallel_loop3A_498 = vector.shape_cast %parallel_loop3A_497 : vector<1x1x16xf32> to vector<16xf32>
      %parallel_loop3A_499 = vector.shape_cast %parallel_loop3A_485 : vector<16xf32> to vector<1x1x16xf32>
      tpu.vector_store %arg9[%parallel_loop3A_494, %parallel_loop3A_495, %parallel_loop3A_496], %parallel_loop3A_499 {add = true, strides = array<i32>} : memref<2x200x64xf32, #tpu.memory_space<vmem>>, vector<1x1x16xf32>,
    } {sc.loop_unroll_factor = 4 : i64, sc.parallel_access}
    %add3A_403 = arith.constant 126 : i32
    %add3A_404 = arith.addi %mul3A_4, %add3A_403 : i32
    %dma_start3A_405 = arith.constant 0 : i32
    %dma_start3A_406 = arith.constant 0 : i32
    %dma_start3A_407 = tpu.memref_slice %arg5[%add3A_404, %dma_start3A_405, %dma_start3A_406] : memref<4096x200x128xf32, #tpu.memory_space<hbm>> -> memref<2x200x64xf32, #tpu.memory_space<hbm>>
    %dma_start3A_408 = arith.constant 0 : i32
    %dma_start3A_409 = arith.constant 0 : i32
    %dma_start3A_410 = tpu.memref_slice %arg5[%add3A_404, %dma_start3A_408, %dma_start3A_409] : memref<4096x200x128xf32, #tpu.memory_space<hbm>> -> memref<2x200x64xf32, #tpu.memory_space<hbm>>
    tpu.enqueue_dma source(%arg9 : memref<2x200x64xf32, #tpu.memory_space<vmem>>) target(%dma_start3A_410 : memref<2x200x64xf32, #tpu.memory_space<hbm>>) target_semaphore(%arg14 : memref<!tpu.dma_semaphore, #tpu.memory_space<semaphore_mem>>)
    %add3A_411 = arith.constant 124 : i32
    %add3A_412 = arith.addi %mul3A_4, %add3A_411 : i32
    %dma_wait3A_413 = arith.constant 0 : i32
    %dma_wait3A_414 = arith.constant 0 : i32
    %dma_wait3A_415 = tpu.memref_slice %arg5[%add3A_412, %dma_wait3A_413, %dma_wait3A_414] : memref<4096x200x128xf32, #tpu.memory_space<hbm>> -> memref<2x200x64xf32, #tpu.memory_space<hbm>>
    %dma_wait3A_416 = arith.constant 0 : i32
    %dma_wait3A_417 = arith.constant 0 : i32
    %dma_wait3A_418 = tpu.memref_slice %arg5[%add3A_412, %dma_wait3A_416, %dma_wait3A_417] : memref<4096x200x128xf32, #tpu.memory_space<hbm>> -> memref<2x200x64xf32, #tpu.memory_space<hbm>>
    tpu.wait_dma2 semaphore(%arg14 : memref<!tpu.dma_semaphore, #tpu.memory_space<semaphore_mem>>) src(%arg11 : memref<2x200x64xf32, #tpu.memory_space<vmem>>) dst(%dma_wait3A_418 : memref<2x200x64xf32, #tpu.memory_space<hbm>>)
    %add3A_419 = arith.constant 126 : i32
    %add3A_420 = arith.addi %mul3A_4, %add3A_419 : i32
    %dma_wait3A_421 = arith.constant 0 : i32
    %dma_wait3A_422 = arith.constant 0 : i32
    %dma_wait3A_423 = tpu.memref_slice %arg5[%add3A_420, %dma_wait3A_421, %dma_wait3A_422] : memref<4096x200x128xf32, #tpu.memory_space<hbm>> -> memref<2x200x64xf32, #tpu.memory_space<hbm>>
    %dma_wait3A_424 = arith.constant 0 : i32
    %dma_wait3A_425 = arith.constant 0 : i32
    %dma_wait3A_426 = tpu.memref_slice %arg5[%add3A_420, %dma_wait3A_424, %dma_wait3A_425] : memref<4096x200x128xf32, #tpu.memory_space<hbm>> -> memref<2x200x64xf32, #tpu.memory_space<hbm>>
    tpu.wait_dma2 semaphore(%arg14 : memref<!tpu.dma_semaphore, #tpu.memory_space<semaphore_mem>>) src(%arg9 : memref<2x200x64xf32, #tpu.memory_space<vmem>>) dst(%dma_wait3A_426 : memref<2x200x64xf32, #tpu.memory_space<hbm>>)
    return
  }
}

</mosaic_0001>

<sc_bundles>
// kernel: _lookup.3.cloned.1.call-start
scs
__scs_entry_jumppad:
0x0: {  	(pc) =	sbr.rel $0x88, $3  }
0x1: {  	(tag) =	ssettag $0x0;
	lr =	simm.s32 $0x1  }
0x2: {  	[smem:$0x3F9E] =	sst lr;
	_ =	strace $0xD0000000  }
0x3: {  	_ = 	snop  }
0x4: {  	_ = 	snop  }
0x5: {  	_ = 	snop  }
0x6: {  	_ = 	snop  }
0x7: {  	_ = 	snop  }
__scs_overlays_trampoline_lowered:
0x8: {  	[smem:$0x3FAD] =	sst s0  }
0x9: {  	[smem:$0x3FAE] =	sst s1  }
0xa: {  	[smem:$0x3FAF] =	sst s2  }
0xb: {  	[smem:$0x3FB0] =	sst s3  }
0xc: {  	[smem:$0x3FB1] =	sst s4  }
0xd: {  	[smem:$0x3FB2] =	sst s5  }
0xe: {  	[smem:$0x3FB3] =	sst s6  }
0xf: {  	[smem:$0x3FB4] =	sst s7  }
0x10: {  	[smem:$0x3FB5] =	sst s8  }
0x11: {  	[smem:$0x3FB6] =	sst s9;
	s0 =	simm.s32 @!p0 $0x0  }
0x12: {  	s1 =	sld [smem:$0x3F9C];
	s0 =	simm.s32 @p0 $0x1  }
0x13: {  	[smem:$0x3FB7] =	sst s0;
	s0 =	simm.s32 @!p1 $0x0  }
0x14: {  	s2 =	sld [smem:$0x3F9B];
	s0 =	simm.s32 @p1 $0x1  }
0x15: {  	[smem:$0x3FB8] =	sst s0;
	s0 =	simm.s32 @!p2 $0x0  }
0x16: {  	s3 =	sld [smem:$0x3FDB];
	s0 =	simm.s32 @p2 $0x1  }
0x17: {  	s4 =	simm.s32 $0x1BF5;
	[smem:$0x3FBA] =	sst s0  }
0x18: {  	s0 =	sld [smem:$0x3F9D];
	_ =	swait.ge [sflag:s4], $0x0  }
0x19: {  	s7 =	sld [smem:$0x3F9E]  }
0x1a: {  	s8 =	sadd.s32 $0xFFFFE003, lr  }
0x1b: {  	s9 =	sadd.s32 $0xFFFFFEF7, lr;
	s5 =	simm.s32 $0xFFFFFFFF;
	p2 =	slt.u32 s8, $0xFFFFF086  }
0x1c: {  	p1 =	slt.u32 s9, $0xF7A;
	s5 =	simm.s32 @!p2 $0x0  }
0x1d: {  	s5 =	simm.s32 @p1 $0x1;
	p0 =	seq.s32 s7, s2  }
0x1e: {  	s7 =	smul.u32 @!p0 $0xF7A, s2;
	p2 =	seq.s32 @!p0 s5, $0x0  }
0x1f: {  	s9 =	smul.u32 $0xF7A, s1;
	s8 =	simm.s32 @!p0 $0x1BF5;
	p2 =	por !p2, p0  }
0x20: {  	[sflag:s8] =	ssyncset.s32 @!p0 $0xFFFFF086;
	s6 =	sadd.s32 @!p0 s3, s7;
	s7 =	simm.s32 @!p0 $0x108  }
0x21: {  	s3 =	sadd.s32 s3, s9;
	s6 =	sadd.s32 @!p0 $0x88, s6;
	s7 =	simm.s32 @p2 $0x1082  }
0x22: {  	[simem:s7], [sflag:s8] =	dma.local @!p0 [hbm:s6], $0xF7A  }
0x23: {  	s9 =	sor.u32 $0xD0000000, s2;
	s6 =	simm.s32 $0x108;
	_ =	swait.ge @!p0 [sflag:s8], $0x0  }
0x24: {  	s3 =	sadd.s32 $0x88, s3;
	s6 =	simm.s32 @!p1 $0x1082;
	[sflag:s4] =	ssyncset.s32 $0xFFFFF086  }
0x25: {  	[simem:s6], [sflag:s4] =	dma.local [hbm:s3], $0xF7A  }
0x26: {  	[smem:$0x3F9E] =	sst s1;
	(tag) =	ssettag s2;
	_ =	strace s9  }
0x27: {  	s1 =	sld [smem:$0x3FAE]  }
0x28: {  	s2 =	sld [smem:$0x3FAF]  }
0x29: {  	s4 =	sld [smem:$0x3FB1]  }
0x2a: {  	p0 =	seq.s32 s5, $0x0;
	s5 =	sld [smem:$0x3FB2]  }
0x2b: {  	s6 =	sld [smem:$0x3FB3]  }
0x2c: {  	s7 =	sld [smem:$0x3FB4]  }
0x2d: {  	s3 =	simm.s32 $0x108;
	s8 =	sld [smem:$0x3FB5]  }
0x2e: {  	s3 =	simm.s32 @!p0 $0x1082;
	s9 =	sld [smem:$0x3FB6]  }
0x2f: {  	lr =	sadd.s32 s0, s3;
	s0 =	sld [smem:$0x3FAD]  }
0x30: {  	s3 =	sld [smem:$0x3FB0]  }
0x31: {  	[smem:$0x3FB9] =	sst s10  }
0x32: {  	s10 =	sld [smem:$0x3FB7];
	_ =	sdelay $0x3  }
0x33: {  	p0 =	seq.s32 s10, $0x1;
	s10 =	sld [smem:$0x3FB9];
	_ =	sdelay $0x3  }
0x34: {  	[smem:$0x3FB9] =	sst s10  }
0x35: {  	s10 =	sld [smem:$0x3FB8];
	_ =	sdelay $0x3  }
0x36: {  	p1 =	seq.s32 s10, $0x1;
	s10 =	sld [smem:$0x3FB9];
	_ =	sdelay $0x3  }
0x37: {  	[smem:$0x3FB9] =	sst s10  }
0x38: {  	s10 =	sld [smem:$0x3FBA]  }
0x39: {  	_ = 	snop;
	(pc) =	sbr.ind lr, $3  }
0x3a: {  	_ = 	snop  }
0x3b: {  	_ = 	snop  }
0x3c: {  	p2 =	seq.s32 s10, $0x1;
	s10 =	sld [smem:$0x3FB9]  }
0x3d: {  	_ =	shalt  }
0x3e: {  	_ =	shalt  }
0x3f: {  	_ =	shalt  }
0x40: {  	_ =	shalt  }
0x41: {  	_ =	shalt  }
0x42: {  	_ =	shalt  }
0x43: {  	_ =	shalt  }
0x44: {  	_ =	shalt  }
0x45: {  	_ =	shalt  }
0x46: {  	_ =	shalt  }
0x47: {  	_ =	shalt  }
0x48: {  	_ =	shalt  }
0x49: {  	_ =	shalt  }
0x4a: {  	_ =	shalt  }
0x4b: {  	_ =	shalt  }
0x4c: {  	_ =	shalt  }
0x4d: {  	_ =	shalt  }
0x4e: {  	_ =	shalt  }
0x4f: {  	_ =	shalt  }
0x50: {  	_ =	shalt  }
0x51: {  	_ =	shalt  }
0x52: {  	_ =	shalt  }
0x53: {  	_ =	shalt  }
0x54: {  	_ =	shalt  }
0x55: {  	_ =	shalt  }
0x56: {  	_ =	shalt  }
0x57: {  	_ =	shalt  }
0x58: {  	_ =	shalt  }
0x59: {  	_ =	shalt  }
0x5a: {  	_ =	shalt  }
0x5b: {  	_ =	shalt  }
0x5c: {  	_ =	shalt  }
0x5d: {  	_ =	shalt  }
0x5e: {  	_ =	shalt  }
0x5f: {  	_ =	shalt  }
0x60: {  	_ =	shalt  }
0x61: {  	_ =	shalt  }
0x62: {  	_ =	shalt  }
0x63: {  	_ =	shalt  }
0x64: {  	_ =	shalt  }
0x65: {  	_ =	shalt  }
0x66: {  	_ =	shalt  }
0x67: {  	_ =	shalt  }
0x68: {  	_ =	shalt  }
0x69: {  	_ =	shalt  }
0x6a: {  	_ =	shalt  }
0x6b: {  	_ =	shalt  }
0x6c: {  	_ =	shalt  }
0x6d: {  	_ =	shalt  }
0x6e: {  	_ =	shalt  }
0x6f: {  	_ =	shalt  }
0x70: {  	_ =	shalt  }
0x71: {  	_ =	shalt  }
0x72: {  	_ =	shalt  }
0x73: {  	_ =	shalt  }
0x74: {  	_ =	shalt  }
0x75: {  	_ =	shalt  }
0x76: {  	_ =	shalt  }
0x77: {  	_ =	shalt  }
0x78: {  	_ =	shalt  }
0x79: {  	_ =	shalt  }
0x7a: {  	_ =	shalt  }
0x7b: {  	_ =	shalt  }
0x7c: {  	_ =	shalt  }
0x7d: {  	_ =	shalt  }
0x7e: {  	_ =	shalt  }
0x7f: {  	_ =	shalt  }
0x80: {  	_ =	shalt  }
0x81: {  	_ =	shalt  }
0x82: {  	_ =	shalt  }
0x83: {  	_ =	shalt  }
0x84: {  	_ =	shalt  }
0x85: {  	_ =	shalt  }
0x86: {  	_ =	shalt  }
0x87: {  	_ =	shalt  }
.Lfunc_end0:
.L_simem_size_0:
called_computation_lowered:
.L_overlay_start_0:
0x88: {  	s2 =	sld [smem:$0x3FD9]  }
0x89: {  	s3 =	sld [smem:$0x3FFE];
	_ =	sdelay $0x1  }
0x8a: {  	s1 =	srdreg.scid  }
0x8b: {  	s0 =	sand.u32 $0x1, s1  }
0x8c: {  	s17 =	sshll.u32 s0, $0xA;
	s2 =	sadd.s32 s3, s2  }
0x8d: {  	s2 =	sadd.s32 s2, s17  }
0x8e: {  	[smem:$0x3FC5] =	sst s2  }
0x8f: {  	_ = 	snop  }
0x90: {  	s2 =	sld [smem:$0x3FC8]  }
0x91: {  	s18 =	sld [smem:$0x3FD0];
	(tm) =	ssettm $0x1  }
0x92: {  	s4 =	sld [smem:$0x3FFB];
	_ =	sdelay $0x3  }
0x93: {  	_ =	strace s4  }
0x94: {  	s4 =	sld [smem:$0x3FFC];
	_ =	sdelay $0x3  }
0x95: {  	_ =	strace s4  }
0x96: {  	s4 =	sld [smem:$0x3FFD];
	_ =	sdelay $0x3  }
0x97: {  	_ =	strace s4  }
0x98: {  	_ =	strace $0x8FFFFFFF  }
0x99: {  	s19 =	sld [smem:$0x3FDB];
	_ =	sdelay $0x1  }
0x9a: {  	s5 =	simm.s32 $_scs_section_size  }
0x9b: {  	s6 =	simm.s32 $_size__tile_overlayer_lowered;
	s7 =	simm.s32 $_tile_overlayer_lowered  }
0x9c: {  	s22 =	simm.s32 $0x1BFF;
	s21 =	sshll.u32 s7, $0x1;
	s4 =	sadd.s32 s5, s19  }
0x9d: {  	s8 =	simm.s32 $0x0;
	s20 =	sshll.u32 s6, $0x1;
	s6 =	sadd.s32 s21, s4  }
0x9e: {  	[timem:s8], [sflag:s22] =	dma.local [hbm:s6], s20  }
0x9f: {  	_ =	swait.ge [sflag:s22], s20  }
0xa0: {  	s5 =	ssub.s32 $0x0, s20;
	[sflag:s22] =	ssyncset.done $0x0  }
0xa1: {  	[sflag:s22] =	ssyncadd.s32 s5;
	_ =	sdelay $0x1  }
0xa2: {  	s23 =	simm.s32 $0x1B8B  }
0xa3: {  	_ =	swait.ge [sflag:s23], $0x1  }
0xa4: {  	[sflag:s23] =	ssyncset.done $0x0  }
0xa5: {  	s25 =	simm.s32 $0x1B8E;
	s24 =	sld [smem:$0x3FFE];
	[sflag:s23] =	ssyncadd.s32 $0xFFFFFFFF  }
0xa6: {  	s26 =	simm.s32 $execute0_lowered;
	[smem:$0x3FD2] =	sst s25  }
0xa7: {  	s6 =	sshll.u32 s26, $0x1;
	_ =	strace $0x80000046;
	[dreg:$0x1] =	wrdreg $0xFFFFFFFF  }
0xa8: {  	s28 =	simm.s32 $_size_execute0_lowered;
	s4 =	sadd.s32 s4, s6;
	[dreg:$0x0] =	wrdreg $0x0  }
0xa9: {  	s6 =	sshll.u32 s28, $0x1;
	[dreg:$0x2] =	wrdreg s4  }
0xaa: {  	[dreg:$0x3] =	wrdreg s6  }
0xab: {  	[dreg:$0x4] =	wrdreg $0xC0  }
0xac: {  	_ =	task [dreg:s8], $0x5FFFF  }
0xad: {  	[dreg:$0x1] =	wrdreg $0xFFFFFFFF  }
0xae: {  	[dreg:$0x0] =	wrdreg $0x60  }
0xaf: {  	[dreg:$0x2] =	wrdreg s24  }
0xb0: {  	[dreg:$0x3] =	wrdreg s2  }
0xb1: {  	[dreg:$0x4] =	wrdreg s18  }
0xb2: {  	[dreg:$0x5] =	wrdreg $0x9  }
0xb3: {  	_ =	task.clear_ibuf [dreg:s8], $0x6FFFF;
	_ =	strace $0x90000046  }
0xb4: {  	s29 =	simm.s32 $0x9;
	_ =	strace $0x80000048  }
0xb5: {  	_ =	swait.ge [sflag:s29], $0x1  }
0xb6: {  	[sflag:s29] =	ssyncadd.s32 $0xFFFFFFFF  }
0xb7: {  	_ =	strace $0x90000048  }
0xb8: {  	_ =	sfence  }
0xb9: {  	s30 =	sld [smem:$0x0];
	_ =	sdelay $0x2  }
0xba: {  	s31 =	sshll.u32 s1, $0xD;
	s1 =	sshrl.u32 s1, $0x2  }
0xbb: {  	s3 =	sand.u32 $0x4000, s31;
	s1 =	sadd.s32 s1, s30  }
0xbc: {  	s0 =	sor.u32 s3, s0;
	s1 =	sshll.u32 s1, $0x11  }
0xbd: {  	s0 =	sor.u32 s1, s0  }
0xbe: {  	s0 =	sadd.s32 $0x8F2B, s0  }
0xbf: {  	[sflag:s0] =	ssyncadd.remote.s32 $0x1  }
0xc0: {  	_ =	sfence.sel $0xFFFF  }
0xc1: {  	[dreg:$0x0] =	wrdreg $0xFFFFFFFF;
	(pc) =	sbr.abs _section_cstart, $3  }
0xc2: {  	[dreg:$0x1] =	wrdreg $0xFFFFFFFF  }
0xc3: {  	_ =	task.clear_ibuf [dreg:s8], $0x2FFFF;
	_ =	strace $0x9FFFFFFF  }
0xc4: {  	(tm) =	ssettm $0x7FFFFFFF  }
0xc5: {  	_ =	shalt  }
tec
execute0_lowered:
.L_overlay_start_1:
0x0: {  	(tag) =	ssettag $0x1  }
0x1: {  	s0 =	rddreg [dreg:$0x0]  }
0x2: {  	s2 =	rddreg [dreg:$0x1]  }
0x3: {  	s3 =	rddreg [dreg:$0x2]  }
0x4: {  	s1 =	srdreg.scid;
	s4 =	stileid.u32;
	s5 =	simm.s32 $0x0  }
0x5: {  	s28 =	simm.s32 $0x5520;
	s29 =	simm.s32 $0xC8;
	s30 =	simm.s32 $0x6720  }
0x6: {  	s31 =	simm.s32 $0x148;
	s10 =	simm.s32 $0x9920;
	s12 =	simm.s32 $0x210  }
0x7: {  	s14 =	simm.s32 $0x258;
	s11 =	simm.s32 $0x40;
	s13 =	simm.s32 $0x0  }
0x8: {  	s1 =	sand.u32 $0x1, s1;
	s4 =	sshll.u32 s4, $0x1;
	[smem:$0x7FF] =	sst s5  }
0x9: {  	s6 =	sadd.s32 $0xF42A00, s0;
	s0 =	sadd.s32 $0x600, s0;
	s4 =	sor.u32 s1, s4  }
0xa: {  	_ =	strace $0x80000047;
	[dreg:$0x4] =	wrdreg s0;
	s8 =	sshll.u32 s4, $0x7  }
0xb: {  	s16 =	ssub.s32 $0x2, s1;
	s9 =	smul.u32 $0x64000, s4;
	s22 =	sor.u32 $0x4, s8  }
0xc: {  	s5 =	smul.u32 $0x6400, s4;
	s23 =	sor.u32 $0x6, s8;
	[dreg:$0xb] =	wrdreg s22  }
0xd: {  	s1 =	sshrl.u32 s16, $0x1;
	s9 =	sadd.s32 s3, s9;
	[dreg:$0xc] =	wrdreg s23  }
0xe: {  	s18 =	smul.u32 $0x320000, s4;
	s24 =	sadd.s32 $0xC80, s5;
	[dreg:$0x7] =	wrdreg s9  }
0xf: {  	s0 =	ssub.s32 s16, s1;
	s25 =	sadd.s32 $0xE10, s5;
	[dreg:$0xd] =	wrdreg s24  }
0x10: {  	s7 =	sshrl.u32 s5, $0x3;
	s0 =	smax.u32 s0, $0x1;
	[dreg:$0xe] =	wrdreg s25  }
0x11: {  	s16 =	simm.s32 $0x3;
	s7 =	sadd.s32 s2, s7;
	[dreg:$0x11] =	wrdreg s0  }
0x12: {  	s1 =	sshrl.u32 s18, $0x3;
	s21 =	sadd.s32 $0x1900, s9;
	[dreg:$0x5] =	wrdreg s7  }
0x13: {  	s22 =	simm.s32 $0x1;
	s17 =	sadd.s32 $0x32, s7;
	[dreg:$0xa] =	wrdreg s21  }
0x14: {  	s1 =	sadd.s32 s3, s1;
	s19 =	sadd.s32 $0x64, s7;
	[dreg:$0x6] =	wrdreg s17  }
0x15: {  	s24 =	simm.s32 $0x80;
	s20 =	sadd.s32 $0x96, s7;
	[dreg:$0x8] =	wrdreg s19  }
0x16: {  	s25 =	simm.s32 $0x3520;
	s26 =	sadd.s32 $0x60E00, s1;
	[dreg:$0x9] =	wrdreg s20  }
0x17: {  	s0 =	simm.s32 $0x8720;
	s1 =	sadd.s32 $0x62700, s1;
	[dreg:$0xf] =	wrdreg s26  }
0x18: {  	s9 =	simm.s32 $0xFD20;
	s7 =	simm.s32 $0x2;
	[dreg:$0x10] =	wrdreg s1  }
0x19: {  	s26 =	simm.s32 $0x48;
	s1 =	simm.s32 $0x190;
	s20 =	simm.s32 $0x2D8  }
.LBB2_1:
0x1a: {  	[dreg:$0x12] =	wrdreg s13;
	s4 =	simm.s32 $0x0  }
0x1b: {  	s19 =	rddreg [dreg:$0x4];
	s15 =	simm.s32 $0x320;
	s21 =	simm.s32 $0x4  }
0x1c: {  	[tilespmem:s15], [sflag:$0x4] =	stream.linear.gather [hbm4b:s19+s4], $0x3200, $0x38;
	[tilespmem:$0x16120] =	vst v63  }
0x1d: {  	_ =	swait.ge [sflag:s21], $0x3200  }
0x1e: {  	[sflag:s21] =	ssyncset.done $0x0  }
0x1f: {  	s23 =	rddreg [dreg:$0x5];
	[sflag:s21] =	ssyncadd.s32 $0xFFFFCE00  }
0x20: {  	[tilespmem:s4], [sflag:$0x4] =	stream.linear.gather [hbm4b:s23+s4], $0x190, $0x38;
	[tilespmem:$0x16120] =	vst v63  }
0x21: {  	_ =	swait.ge [sflag:s21], $0x190  }
0x22: {  	[sflag:s21] =	ssyncset.done $0x0  }
0x23: {  	[sflag:s21] =	ssyncadd.s32 $0xFFFFFE70  }
0x24: {  	[tilespmem:s25], [sflag:$0x1] =	stream.indirect.gather [hbm4b:s6+s24], $0x40, s4, s24, $0xb8;
	[tilespmem:$0x16120] =	vst v63  }
0x25: {  	_ = 	snop  }
0x26: {  	[tilespmem:s28], [sflag:$0x1] =	stream.indirect.gather [hbm4b:s6+s26], $0x40, s24, s26, $0xb8;
	[tilespmem:$0x16120] =	vst v63  }
0x27: {  	_ = 	snop  }
0x28: {  	[tilespmem:s30], [sflag:$0x1] =	stream.indirect.gather [hbm4b:s6+s24], $0x40, s29, s24, $0xb8;
	[tilespmem:$0x16120] =	vst v63  }
0x29: {  	_ = 	snop  }
0x2a: {  	[tilespmem:s0], [sflag:$0x1] =	stream.indirect.gather [hbm4b:s6+s26], $0x40, s31, s26, $0xb8;
	[tilespmem:$0x16120] =	vst v63  }
0x2b: {  	s17 =	rddreg [dreg:$0x6]  }
0x2c: {  	[tilespmem:s1], [sflag:$0x2] =	stream.linear.gather [hbm4b:s17+s4], $0x190, $0x38;
	[tilespmem:$0x16120] =	vst v63  }
0x2d: {  	_ =	swait.ge [sflag:s22], $0x2000  }
0x2e: {  	[sflag:s22] =	ssyncset.done $0x0  }
0x2f: {  	[sflag:s22] =	ssyncadd.s32 $0xFFFFE000  }
0x30: {  	_ =	swait.ge [sflag:s22], $0x1200  }
0x31: {  	[sflag:s22] =	ssyncset.done $0x0  }
0x32: {  	[sflag:s22] =	ssyncadd.s32 $0xFFFFEE00  }
0x33: {  	_ =	swait.ge [sflag:s22], $0x2000  }
0x34: {  	[sflag:s22] =	ssyncset.done $0x0  }
0x35: {  	[sflag:s22] =	ssyncadd.s32 $0xFFFFE000  }
0x36: {  	_ =	swait.ge [sflag:s22], $0x1200  }
0x37: {  	[sflag:s22] =	ssyncset.done $0x0  }
0x38: {  	[sflag:s22] =	ssyncadd.s32 $0xFFFFEE00  }
0x39: {  	_ =	swait.ge [sflag:s7], $0x190  }
0x3a: {  	[sflag:s7] =	ssyncset.done $0x0  }
0x3b: {  	[sflag:s7] =	ssyncadd.s32 $0xFFFFFE70  }
0x3c: {  	[tilespmem:s10], [sflag:$0x1] =	stream.indirect.gather [hbm4b:s6+s24], $0x40, s1, s24, $0xb8;
	[tilespmem:$0x16120] =	vst v63  }
0x3d: {  	s18 =	simm.s32 $0xB920  }
0x3e: {  	[tilespmem:s18], [sflag:$0x1] =	stream.indirect.gather [hbm4b:s6+s26], $0x40, s12, s26, $0xb8;
	[tilespmem:$0x16120] =	vst v63  }
0x3f: {  	s19 =	simm.s32 $0xCB20  }
0x40: {  	[tilespmem:s19], [sflag:$0x1] =	stream.indirect.gather [hbm4b:s6+s24], $0x40, s14, s24, $0xb8;
	[tilespmem:$0x16120] =	vst v63  }
0x41: {  	s21 =	simm.s32 $0xEB20  }
0x42: {  	[tilespmem:s21], [sflag:$0x1] =	stream.indirect.gather [hbm4b:s6+s26], $0x40, s20, s26, $0xb8;
	[tilespmem:$0x16120] =	vst v63  }
0x43: {  	s23 =	rddreg [dreg:$0x8]  }
0x44: {  	[tilespmem:s4], [sflag:$0x2] =	stream.linear.gather [hbm4b:s23+s4], $0x190, $0x38;
	[tilespmem:$0x16120] =	vst v63  }
0x45: {  	s4 =	simm.s32 $0x0  }
0x46: {  	v0 =	vld [tilespmem:s4+$0x410]  }
0x47: {  	v1 =	vld [tilespmem:s4+$0x320]  }
0x48: {  	v2 =	vld [tilespmem:s4+$0x330]  }
0x49: {  	v3 =	vld [tilespmem:s4+$0x340]  }
0x4a: {  	v4 =	vld [tilespmem:s4+$0x350]  }
0x4b: {  	v5 =	vld [tilespmem:s4+$0x360]  }
0x4c: {  	v6 =	vld [tilespmem:s4+$0x370]  }
0x4d: {  	v7 =	vld [tilespmem:s4+$0x380]  }
0x4e: {  	v8 =	vld [tilespmem:s4+$0x390]  }
0x4f: {  	v9 =	vld [tilespmem:s4+$0x3A0]  }
0x50: {  	v10 =	vld [tilespmem:s4+$0x3B0]  }
0x51: {  	v11 =	vld [tilespmem:s4+$0x3C0]  }
0x52: {  	v12 =	vld [tilespmem:s4+$0x3D0]  }
0x53: {  	v13 =	vld [tilespmem:s4+$0x3E0]  }
0x54: {  	v14 =	vld [tilespmem:s4+$0x3F0]  }
0x55: {  	v15 =	vld [tilespmem:s4+$0x400]  }
0x56: {  	[tilespmem:s4+$0x6810] =	vst.add.f32.msk $0xffff, v0  }
0x57: {  	[tilespmem:s4+$0x3520] =	vst.add.f32.msk $0xffff, v1  }
0x58: {  	[tilespmem:s4+$0x6720] =	vst.add.f32.msk $0xffff, v1  }
0x59: {  	[tilespmem:s4+$0x3530] =	vst.add.f32.msk $0xffff, v2  }
0x5a: {  	[tilespmem:s4+$0x6730] =	vst.add.f32.msk $0xffff, v2  }
0x5b: {  	[tilespmem:s4+$0x3540] =	vst.add.f32.msk $0xffff, v3  }
0x5c: {  	[tilespmem:s4+$0x6740] =	vst.add.f32.msk $0xffff, v3  }
0x5d: {  	[tilespmem:s4+$0x3550] =	vst.add.f32.msk $0xffff, v4  }
0x5e: {  	[tilespmem:s4+$0x6750] =	vst.add.f32.msk $0xffff, v4  }
0x5f: {  	[tilespmem:s4+$0x3560] =	vst.add.f32.msk $0xffff, v5  }
0x60: {  	[tilespmem:s4+$0x6760] =	vst.add.f32.msk $0xffff, v5  }
0x61: {  	[tilespmem:s4+$0x3570] =	vst.add.f32.msk $0xffff, v6  }
0x62: {  	[tilespmem:s4+$0x6770] =	vst.add.f32.msk $0xffff, v6  }
0x63: {  	[tilespmem:s4+$0x3580] =	vst.add.f32.msk $0xffff, v7  }
0x64: {  	[tilespmem:s4+$0x6780] =	vst.add.f32.msk $0xffff, v7  }
0x65: {  	[tilespmem:s4+$0x3590] =	vst.add.f32.msk $0xffff, v8  }
0x66: {  	[tilespmem:s4+$0x6790] =	vst.add.f32.msk $0xffff, v8  }
0x67: {  	[tilespmem:s4+$0x35A0] =	vst.add.f32.msk $0xffff, v9  }
0x68: {  	[tilespmem:s4+$0x67A0] =	vst.add.f32.msk $0xffff, v9  }
0x69: {  	[tilespmem:s4+$0x35B0] =	vst.add.f32.msk $0xffff, v10  }
0x6a: {  	[tilespmem:s4+$0x67B0] =	vst.add.f32.msk $0xffff, v10  }
0x6b: {  	[tilespmem:s4+$0x35C0] =	vst.add.f32.msk $0xffff, v11  }
0x6c: {  	[tilespmem:s4+$0x67C0] =	vst.add.f32.msk $0xffff, v11  }
0x6d: {  	[tilespmem:s4+$0x35D0] =	vst.add.f32.msk $0xffff, v12  }
0x6e: {  	[tilespmem:s4+$0x67D0] =	vst.add.f32.msk $0xffff, v12  }
0x6f: {  	[tilespmem:s4+$0x35E0] =	vst.add.f32.msk $0xffff, v13  }
0x70: {  	[tilespmem:s4+$0x67E0] =	vst.add.f32.msk $0xffff, v13  }
0x71: {  	[tilespmem:s4+$0x35F0] =	vst.add.f32.msk $0xffff, v14  }
0x72: {  	[tilespmem:s4+$0x67F0] =	vst.add.f32.msk $0xffff, v14  }
0x73: {  	[tilespmem:s4+$0x3600] =	vst.add.f32.msk $0xffff, v15  }
0x74: {  	s13 =	simm.s32 $0x0;
	s17 =	simm.s32 $0x400;
	[tilespmem:s4+$0x6800] =	vst.add.f32.msk $0xffff, v15  }
.LBB2_2:
0x75: {  	s13 =	sadd.s32 $0x4, s13;
	[tilespmem:s4+$0x3610] =	vst.add.f32.msk $0xffff, v0;
	s4 =	sshra.s32 s17, $0x2  }
0x76: {  	v0 =	vld [tilespmem:s4+$0x410];
	p0 =	slt.u32 s13, $0xC4  }
0x77: {  	v1 =	vld [tilespmem:s4+$0x320]  }
0x78: {  	v2 =	vld [tilespmem:s4+$0x330]  }
0x79: {  	v3 =	vld [tilespmem:s4+$0x340]  }
0x7a: {  	v4 =	vld [tilespmem:s4+$0x350]  }
0x7b: {  	[tilespmem:s4+$0x6810] =	vst.add.f32.msk $0xffff, v0  }
0x7c: {  	v5 =	vld [tilespmem:s4+$0x360]  }
0x7d: {  	v6 =	vld [tilespmem:s4+$0x370]  }
0x7e: {  	v7 =	vld [tilespmem:s4+$0x380]  }
0x7f: {  	v8 =	vld [tilespmem:s4+$0x390]  }
0x80: {  	v9 =	vld [tilespmem:s4+$0x3A0]  }
0x81: {  	v10 =	vld [tilespmem:s4+$0x3B0]  }
0x82: {  	v11 =	vld [tilespmem:s4+$0x3C0]  }
0x83: {  	v12 =	vld [tilespmem:s4+$0x3D0]  }
0x84: {  	v13 =	vld [tilespmem:s4+$0x3E0]  }
0x85: {  	v14 =	vld [tilespmem:s4+$0x3F0]  }
0x86: {  	v15 =	vld [tilespmem:s4+$0x400]  }
0x87: {  	[tilespmem:s4+$0x3520] =	vst.add.f32.msk $0xffff, v1  }
0x88: {  	[tilespmem:s4+$0x6720] =	vst.add.f32.msk $0xffff, v1  }
0x89: {  	[tilespmem:s4+$0x3530] =	vst.add.f32.msk $0xffff, v2  }
0x8a: {  	[tilespmem:s4+$0x6730] =	vst.add.f32.msk $0xffff, v2  }
0x8b: {  	[tilespmem:s4+$0x3540] =	vst.add.f32.msk $0xffff, v3  }
0x8c: {  	[tilespmem:s4+$0x6740] =	vst.add.f32.msk $0xffff, v3  }
0x8d: {  	[tilespmem:s4+$0x3550] =	vst.add.f32.msk $0xffff, v4  }
0x8e: {  	[tilespmem:s4+$0x6750] =	vst.add.f32.msk $0xffff, v4  }
0x8f: {  	[tilespmem:s4+$0x3560] =	vst.add.f32.msk $0xffff, v5  }
0x90: {  	[tilespmem:s4+$0x6760] =	vst.add.f32.msk $0xffff, v5  }
0x91: {  	[tilespmem:s4+$0x3570] =	vst.add.f32.msk $0xffff, v6  }
0x92: {  	[tilespmem:s4+$0x6770] =	vst.add.f32.msk $0xffff, v6  }
0x93: {  	[tilespmem:s4+$0x3580] =	vst.add.f32.msk $0xffff, v7  }
0x94: {  	[tilespmem:s4+$0x6780] =	vst.add.f32.msk $0xffff, v7  }
0x95: {  	[tilespmem:s4+$0x3590] =	vst.add.f32.msk $0xffff, v8  }
0x96: {  	[tilespmem:s4+$0x6790] =	vst.add.f32.msk $0xffff, v8  }
0x97: {  	[tilespmem:s4+$0x35A0] =	vst.add.f32.msk $0xffff, v9  }
0x98: {  	[tilespmem:s4+$0x67A0] =	vst.add.f32.msk $0xffff, v9  }
0x99: {  	[tilespmem:s4+$0x35B0] =	vst.add.f32.msk $0xffff, v10  }
0x9a: {  	[tilespmem:s4+$0x67B0] =	vst.add.f32.msk $0xffff, v10  }
0x9b: {  	[tilespmem:s4+$0x35C0] =	vst.add.f32.msk $0xffff, v11  }
0x9c: {  	[tilespmem:s4+$0x67C0] =	vst.add.f32.msk $0xffff, v11  }
0x9d: {  	[tilespmem:s4+$0x35D0] =	vst.add.f32.msk $0xffff, v12  }
0x9e: {  	[tilespmem:s4+$0x67D0] =	vst.add.f32.msk $0xffff, v12  }
0x9f: {  	[tilespmem:s4+$0x35E0] =	vst.add.f32.msk $0xffff, v13  }
.Ltmp0:
0xa0: {  	[tilespmem:s4+$0x67E0] =	vst.add.f32.msk $0xffff, v13;
	(pc) =	sbr.rel @p0 .LBB2_2-.Ltmp0, $4  }
0xa1: {  	[tilespmem:s4+$0x35F0] =	vst.add.f32.msk $0xffff, v14  }
0xa2: {  	[tilespmem:s4+$0x67F0] =	vst.add.f32.msk $0xffff, v14  }
0xa3: {  	[tilespmem:s4+$0x3600] =	vst.add.f32.msk $0xffff, v15  }
0xa4: {  	s17 =	sadd.s32 $0x400, s17;
	[tilespmem:s4+$0x6800] =	vst.add.f32.msk $0xffff, v15  }
0xa5: {  	[tilespmem:s4+$0x3610] =	vst.add.f32.msk $0xffff, v0  }
0xa6: {  	s4 =	rddreg [dreg:$0x7]  }
0xa7: {  	[hbm4b:s4+s11] =	stream.strided.scatter [tilespmem:s25], [sflag:$0x3], $0x6400, s24, s11, $0x38;
	[tilespmem:$0x16120] =	vst v63  }
0xa8: {  	_ =	swait.ge [sflag:s22], $0x2000  }
0xa9: {  	[sflag:s22] =	ssyncset.done $0x0  }
0xaa: {  	[sflag:s22] =	ssyncadd.s32 $0xFFFFE000  }
0xab: {  	_ =	swait.ge [sflag:s22], $0x1200  }
0xac: {  	[sflag:s22] =	ssyncset.done $0x0  }
0xad: {  	[sflag:s22] =	ssyncadd.s32 $0xFFFFEE00  }
0xae: {  	_ =	swait.ge [sflag:s22], $0x2000  }
0xaf: {  	[sflag:s22] =	ssyncset.done $0x0  }
0xb0: {  	[sflag:s22] =	ssyncadd.s32 $0xFFFFE000  }
0xb1: {  	_ =	swait.ge [sflag:s22], $0x1200  }
0xb2: {  	[sflag:s22] =	ssyncset.done $0x0  }
0xb3: {  	[sflag:s22] =	ssyncadd.s32 $0xFFFFEE00  }
0xb4: {  	_ =	swait.ge [sflag:s7], $0x190  }
0xb5: {  	[sflag:s7] =	ssyncset.done $0x0  }
0xb6: {  	s18 =	simm.s32 $0x0;
	[sflag:s7] =	ssyncadd.s32 $0xFFFFFE70  }
0xb7: {  	[tilespmem:s9], [sflag:$0x1] =	stream.indirect.gather [hbm4b:s6+s24], $0x40, s18, s24, $0xb8;
	[tilespmem:$0x16120] =	vst v63  }
0xb8: {  	s13 =	simm.s32 $0x11D20  }
0xb9: {  	[tilespmem:s13], [sflag:$0x1] =	stream.indirect.gather [hbm4b:s6+s26], $0x40, s24, s26, $0xb8;
	[tilespmem:$0x16120] =	vst v63  }
0xba: {  	s19 =	simm.s32 $0x12F20  }
0xbb: {  	[tilespmem:s19], [sflag:$0x1] =	stream.indirect.gather [hbm4b:s6+s24], $0x40, s29, s24, $0xb8;
	[tilespmem:$0x16120] =	vst v63  }
0xbc: {  	s21 =	simm.s32 $0x14F20  }
0xbd: {  	[tilespmem:s21], [sflag:$0x1] =	stream.indirect.gather [hbm4b:s6+s26], $0x40, s31, s26, $0xb8;
	[tilespmem:$0x16120] =	vst v63  }
0xbe: {  	s4 =	simm.s32 $0x0;
	s23 =	rddreg [dreg:$0x9]  }
0xbf: {  	[tilespmem:s1], [sflag:$0x2] =	stream.linear.gather [hbm4b:s23+s18], $0x190, $0x38;
	[tilespmem:$0x16120] =	vst v63  }
0xc0: {  	v0 =	vld [tilespmem:s4+$0x410]  }
0xc1: {  	v1 =	vld [tilespmem:s4+$0x320]  }
0xc2: {  	v2 =	vld [tilespmem:s4+$0x330]  }
0xc3: {  	v3 =	vld [tilespmem:s4+$0x340]  }
0xc4: {  	v4 =	vld [tilespmem:s4+$0x350]  }
0xc5: {  	v5 =	vld [tilespmem:s4+$0x360]  }
0xc6: {  	v6 =	vld [tilespmem:s4+$0x370]  }
0xc7: {  	v7 =	vld [tilespmem:s4+$0x380]  }
0xc8: {  	v8 =	vld [tilespmem:s4+$0x390]  }
0xc9: {  	v9 =	vld [tilespmem:s4+$0x3A0]  }
0xca: {  	v10 =	vld [tilespmem:s4+$0x3B0]  }
0xcb: {  	v11 =	vld [tilespmem:s4+$0x3C0]  }
0xcc: {  	v12 =	vld [tilespmem:s4+$0x3D0]  }
0xcd: {  	v13 =	vld [tilespmem:s4+$0x3E0]  }
0xce: {  	v14 =	vld [tilespmem:s4+$0x3F0]  }
0xcf: {  	v15 =	vld [tilespmem:s4+$0x400]  }
0xd0: {  	[tilespmem:s4+$0xCC10] =	vst.add.f32.msk $0xffff, v0  }
0xd1: {  	[tilespmem:s4+$0x9920] =	vst.add.f32.msk $0xffff, v1  }
0xd2: {  	[tilespmem:s4+$0xCB20] =	vst.add.f32.msk $0xffff, v1  }
0xd3: {  	[tilespmem:s4+$0x9930] =	vst.add.f32.msk $0xffff, v2  }
0xd4: {  	[tilespmem:s4+$0xCB30] =	vst.add.f32.msk $0xffff, v2  }
0xd5: {  	[tilespmem:s4+$0x9940] =	vst.add.f32.msk $0xffff, v3  }
0xd6: {  	[tilespmem:s4+$0xCB40] =	vst.add.f32.msk $0xffff, v3  }
0xd7: {  	[tilespmem:s4+$0x9950] =	vst.add.f32.msk $0xffff, v4  }
0xd8: {  	[tilespmem:s4+$0xCB50] =	vst.add.f32.msk $0xffff, v4  }
0xd9: {  	[tilespmem:s4+$0x9960] =	vst.add.f32.msk $0xffff, v5  }
0xda: {  	[tilespmem:s4+$0xCB60] =	vst.add.f32.msk $0xffff, v5  }
0xdb: {  	[tilespmem:s4+$0x9970] =	vst.add.f32.msk $0xffff, v6  }
0xdc: {  	[tilespmem:s4+$0xCB70] =	vst.add.f32.msk $0xffff, v6  }
0xdd: {  	[tilespmem:s4+$0x9980] =	vst.add.f32.msk $0xffff, v7  }
0xde: {  	[tilespmem:s4+$0xCB80] =	vst.add.f32.msk $0xffff, v7  }
0xdf: {  	[tilespmem:s4+$0x9990] =	vst.add.f32.msk $0xffff, v8  }
0xe0: {  	[tilespmem:s4+$0xCB90] =	vst.add.f32.msk $0xffff, v8  }
0xe1: {  	[tilespmem:s4+$0x99A0] =	vst.add.f32.msk $0xffff, v9  }
0xe2: {  	[tilespmem:s4+$0xCBA0] =	vst.add.f32.msk $0xffff, v9  }
0xe3: {  	[tilespmem:s4+$0x99B0] =	vst.add.f32.msk $0xffff, v10  }
0xe4: {  	[tilespmem:s4+$0xCBB0] =	vst.add.f32.msk $0xffff, v10  }
0xe5: {  	[tilespmem:s4+$0x99C0] =	vst.add.f32.msk $0xffff, v11  }
0xe6: {  	[tilespmem:s4+$0xCBC0] =	vst.add.f32.msk $0xffff, v11  }
0xe7: {  	[tilespmem:s4+$0x99D0] =	vst.add.f32.msk $0xffff, v12  }
0xe8: {  	[tilespmem:s4+$0xCBD0] =	vst.add.f32.msk $0xffff, v12  }
0xe9: {  	[tilespmem:s4+$0x99E0] =	vst.add.f32.msk $0xffff, v13  }
0xea: {  	[tilespmem:s4+$0xCBE0] =	vst.add.f32.msk $0xffff, v13  }
0xeb: {  	[tilespmem:s4+$0x99F0] =	vst.add.f32.msk $0xffff, v14  }
0xec: {  	[tilespmem:s4+$0xCBF0] =	vst.add.f32.msk $0xffff, v14  }
0xed: {  	[tilespmem:s4+$0x9A00] =	vst.add.f32.msk $0xffff, v15  }
0xee: {  	s17 =	simm.s32 $0x400;
	s13 =	simm.s32 $0x0;
	[tilespmem:s4+$0xCC00] =	vst.add.f32.msk $0xffff, v15  }
.LBB2_4:
0xef: {  	s13 =	sadd.s32 $0x4, s13;
	[tilespmem:s4+$0x9A10] =	vst.add.f32.msk $0xffff, v0;
	s4 =	sshra.s32 s17, $0x2  }
0xf0: {  	v0 =	vld [tilespmem:s4+$0x410];
	p0 =	slt.u32 s13, $0xC4  }
0xf1: {  	v1 =	vld [tilespmem:s4+$0x320]  }
0xf2: {  	v2 =	vld [tilespmem:s4+$0x330]  }
0xf3: {  	v3 =	vld [tilespmem:s4+$0x340]  }
0xf4: {  	v4 =	vld [tilespmem:s4+$0x350]  }
0xf5: {  	[tilespmem:s4+$0xCC10] =	vst.add.f32.msk $0xffff, v0  }
0xf6: {  	v5 =	vld [tilespmem:s4+$0x360]  }
0xf7: {  	v6 =	vld [tilespmem:s4+$0x370]  }
0xf8: {  	v7 =	vld [tilespmem:s4+$0x380]  }
0xf9: {  	v8 =	vld [tilespmem:s4+$0x390]  }
0xfa: {  	v9 =	vld [tilespmem:s4+$0x3A0]  }
0xfb: {  	v10 =	vld [tilespmem:s4+$0x3B0]  }
0xfc: {  	v11 =	vld [tilespmem:s4+$0x3C0]  }
0xfd: {  	v12 =	vld [tilespmem:s4+$0x3D0]  }
0xfe: {  	v13 =	vld [tilespmem:s4+$0x3E0]  }
0xff: {  	v14 =	vld [tilespmem:s4+$0x3F0]  }
0x100: {  	v15 =	vld [tilespmem:s4+$0x400]  }
0x101: {  	[tilespmem:s4+$0x9920] =	vst.add.f32.msk $0xffff, v1  }
0x102: {  	[tilespmem:s4+$0xCB20] =	vst.add.f32.msk $0xffff, v1  }
0x103: {  	[tilespmem:s4+$0x9930] =	vst.add.f32.msk $0xffff, v2  }
0x104: {  	[tilespmem:s4+$0xCB30] =	vst.add.f32.msk $0xffff, v2  }
0x105: {  	[tilespmem:s4+$0x9940] =	vst.add.f32.msk $0xffff, v3  }
0x106: {  	[tilespmem:s4+$0xCB40] =	vst.add.f32.msk $0xffff, v3  }
0x107: {  	[tilespmem:s4+$0x9950] =	vst.add.f32.msk $0xffff, v4  }
0x108: {  	[tilespmem:s4+$0xCB50] =	vst.add.f32.msk $0xffff, v4  }
0x109: {  	[tilespmem:s4+$0x9960] =	vst.add.f32.msk $0xffff, v5  }
0x10a: {  	[tilespmem:s4+$0xCB60] =	vst.add.f32.msk $0xffff, v5  }
0x10b: {  	[tilespmem:s4+$0x9970] =	vst.add.f32.msk $0xffff, v6  }
0x10c: {  	[tilespmem:s4+$0xCB70] =	vst.add.f32.msk $0xffff, v6  }
0x10d: {  	[tilespmem:s4+$0x9980] =	vst.add.f32.msk $0xffff, v7  }
0x10e: {  	[tilespmem:s4+$0xCB80] =	vst.add.f32.msk $0xffff, v7  }
0x10f: {  	[tilespmem:s4+$0x9990] =	vst.add.f32.msk $0xffff, v8  }
0x110: {  	[tilespmem:s4+$0xCB90] =	vst.add.f32.msk $0xffff, v8  }
0x111: {  	[tilespmem:s4+$0x99A0] =	vst.add.f32.msk $0xffff, v9  }
0x112: {  	[tilespmem:s4+$0xCBA0] =	vst.add.f32.msk $0xffff, v9  }
0x113: {  	[tilespmem:s4+$0x99B0] =	vst.add.f32.msk $0xffff, v10  }
0x114: {  	[tilespmem:s4+$0xCBB0] =	vst.add.f32.msk $0xffff, v10  }
0x115: {  	[tilespmem:s4+$0x99C0] =	vst.add.f32.msk $0xffff, v11  }
0x116: {  	[tilespmem:s4+$0xCBC0] =	vst.add.f32.msk $0xffff, v11  }
0x117: {  	[tilespmem:s4+$0x99D0] =	vst.add.f32.msk $0xffff, v12  }
0x118: {  	[tilespmem:s4+$0xCBD0] =	vst.add.f32.msk $0xffff, v12  }
0x119: {  	[tilespmem:s4+$0x99E0] =	vst.add.f32.msk $0xffff, v13  }
.Ltmp1:
0x11a: {  	[tilespmem:s4+$0xCBE0] =	vst.add.f32.msk $0xffff, v13;
	(pc) =	sbr.rel @p0 .LBB2_4-.Ltmp1, $4  }
0x11b: {  	[tilespmem:s4+$0x99F0] =	vst.add.f32.msk $0xffff, v14  }
0x11c: {  	[tilespmem:s4+$0xCBF0] =	vst.add.f32.msk $0xffff, v14  }
0x11d: {  	[tilespmem:s4+$0x9A00] =	vst.add.f32.msk $0xffff, v15  }
0x11e: {  	s17 =	sadd.s32 $0x400, s17;
	[tilespmem:s4+$0xCC00] =	vst.add.f32.msk $0xffff, v15  }
0x11f: {  	[tilespmem:s4+$0x9A10] =	vst.add.f32.msk $0xffff, v0  }
0x120: {  	s17 =	simm.s32 $0x0;
	s4 =	rddreg [dreg:$0xa]  }
0x121: {  	[hbm4b:s4+s11] =	stream.strided.scatter [tilespmem:s10], [sflag:$0x3], $0x6400, s24, s11, $0x38;
	[tilespmem:$0x16120] =	vst v63  }
.LBB2_6:
0x122: {  	_ =	swait.ge [sflag:s22], $0x2000  }
0x123: {  	[sflag:s22] =	ssyncset.done $0x0  }
0x124: {  	[sflag:s22] =	ssyncadd.s32 $0xFFFFE000  }
0x125: {  	_ =	swait.ge [sflag:s22], $0x1200  }
0x126: {  	[sflag:s22] =	ssyncset.done $0x0  }
0x127: {  	[sflag:s22] =	ssyncadd.s32 $0xFFFFEE00  }
0x128: {  	_ =	swait.ge [sflag:s22], $0x2000  }
0x129: {  	[sflag:s22] =	ssyncset.done $0x0  }
0x12a: {  	[sflag:s22] =	ssyncadd.s32 $0xFFFFE000  }
0x12b: {  	_ =	swait.ge [sflag:s22], $0x1200  }
0x12c: {  	[sflag:s22] =	ssyncset.done $0x0  }
0x12d: {  	[sflag:s22] =	ssyncadd.s32 $0xFFFFEE00  }
0x12e: {  	_ =	swait.ge [sflag:s16], $0x6400  }
0x12f: {  	[sflag:s16] =	ssyncset.done $0x0  }
0x130: {  	[sflag:s16] =	ssyncadd.s32 $0xFFFF9C00  }
0x131: {  	s18 =	smul.u32 $0x6, s17;
	_ =	swait.ge [sflag:s7], $0x190  }
0x132: {  	[sflag:s7] =	ssyncset.done $0x0  }
0x133: {  	s19 =	sadd.s32 $0x4, s18;
	[sflag:s7] =	ssyncadd.s32 $0xFFFFFE70  }
0x134: {  	[tilespmem:s25], [sflag:$0x1] =	stream.indirect.gather [hbm4b:s6+s24], $0x40, s1, s24, $0xb8;
	[tilespmem:$0x16120] =	vst v63  }
0x135: {  	s4 =	smul.u32 $0x190, s19  }
0x136: {  	[tilespmem:s28], [sflag:$0x1] =	stream.indirect.gather [hbm4b:s6+s26], $0x40, s12, s26, $0xb8;
	[tilespmem:$0x16120] =	vst v63  }
0x137: {  	s4 =	sadd.s32 s5, s4  }
0x138: {  	[tilespmem:s30], [sflag:$0x1] =	stream.indirect.gather [hbm4b:s6+s24], $0x40, s14, s24, $0xb8;
	[tilespmem:$0x16120] =	vst v63  }
0x139: {  	s4 =	sshrl.u32 s4, $0x3  }
0x13a: {  	[tilespmem:s0], [sflag:$0x1] =	stream.indirect.gather [hbm4b:s6+s26], $0x40, s20, s26, $0xb8;
	[tilespmem:$0x16120] =	vst v63  }
0x13b: {  	s13 =	simm.s32 $0x0;
	s21 =	simm.s32 $0x0;
	s4 =	sadd.s32 s2, s4  }
0x13c: {  	[tilespmem:s13], [sflag:$0x2] =	stream.linear.gather [hbm4b:s4+s13], $0x190, $0x38;
	[tilespmem:$0x16120] =	vst v63  }
0x13d: {  	v0 =	vld [tilespmem:s21+$0x410]  }
0x13e: {  	v1 =	vld [tilespmem:s21+$0x320]  }
0x13f: {  	v2 =	vld [tilespmem:s21+$0x330]  }
0x140: {  	v3 =	vld [tilespmem:s21+$0x340]  }
0x141: {  	v4 =	vld [tilespmem:s21+$0x350]  }
0x142: {  	v5 =	vld [tilespmem:s21+$0x360]  }
0x143: {  	v6 =	vld [tilespmem:s21+$0x370]  }
0x144: {  	v7 =	vld [tilespmem:s21+$0x380]  }
0x145: {  	v8 =	vld [tilespmem:s21+$0x390]  }
0x146: {  	v9 =	vld [tilespmem:s21+$0x3A0]  }
0x147: {  	v10 =	vld [tilespmem:s21+$0x3B0]  }
0x148: {  	v11 =	vld [tilespmem:s21+$0x3C0]  }
0x149: {  	v12 =	vld [tilespmem:s21+$0x3D0]  }
0x14a: {  	v13 =	vld [tilespmem:s21+$0x3E0]  }
0x14b: {  	v14 =	vld [tilespmem:s21+$0x3F0]  }
0x14c: {  	v15 =	vld [tilespmem:s21+$0x400]  }
0x14d: {  	[tilespmem:s21+$0x13010] =	vst.add.f32.msk $0xffff, v0  }
0x14e: {  	[tilespmem:s21+$0xFD20] =	vst.add.f32.msk $0xffff, v1  }
0x14f: {  	[tilespmem:s21+$0x12F20] =	vst.add.f32.msk $0xffff, v1  }
0x150: {  	[tilespmem:s21+$0xFD30] =	vst.add.f32.msk $0xffff, v2  }
0x151: {  	[tilespmem:s21+$0x12F30] =	vst.add.f32.msk $0xffff, v2  }
0x152: {  	[tilespmem:s21+$0xFD40] =	vst.add.f32.msk $0xffff, v3  }
0x153: {  	[tilespmem:s21+$0x12F40] =	vst.add.f32.msk $0xffff, v3  }
0x154: {  	[tilespmem:s21+$0xFD50] =	vst.add.f32.msk $0xffff, v4  }
0x155: {  	[tilespmem:s21+$0x12F50] =	vst.add.f32.msk $0xffff, v4  }
0x156: {  	[tilespmem:s21+$0xFD60] =	vst.add.f32.msk $0xffff, v5  }
0x157: {  	[tilespmem:s21+$0x12F60] =	vst.add.f32.msk $0xffff, v5  }
0x158: {  	[tilespmem:s21+$0xFD70] =	vst.add.f32.msk $0xffff, v6  }
0x159: {  	[tilespmem:s21+$0x12F70] =	vst.add.f32.msk $0xffff, v6  }
0x15a: {  	[tilespmem:s21+$0xFD80] =	vst.add.f32.msk $0xffff, v7  }
0x15b: {  	[tilespmem:s21+$0x12F80] =	vst.add.f32.msk $0xffff, v7  }
0x15c: {  	[tilespmem:s21+$0xFD90] =	vst.add.f32.msk $0xffff, v8  }
0x15d: {  	[tilespmem:s21+$0x12F90] =	vst.add.f32.msk $0xffff, v8  }
0x15e: {  	[tilespmem:s21+$0xFDA0] =	vst.add.f32.msk $0xffff, v9  }
0x15f: {  	[tilespmem:s21+$0x12FA0] =	vst.add.f32.msk $0xffff, v9  }
0x160: {  	[tilespmem:s21+$0xFDB0] =	vst.add.f32.msk $0xffff, v10  }
0x161: {  	[tilespmem:s21+$0x12FB0] =	vst.add.f32.msk $0xffff, v10  }
0x162: {  	[tilespmem:s21+$0xFDC0] =	vst.add.f32.msk $0xffff, v11  }
0x163: {  	[tilespmem:s21+$0x12FC0] =	vst.add.f32.msk $0xffff, v11  }
0x164: {  	[tilespmem:s21+$0xFDD0] =	vst.add.f32.msk $0xffff, v12  }
0x165: {  	[tilespmem:s21+$0x12FD0] =	vst.add.f32.msk $0xffff, v12  }
0x166: {  	[tilespmem:s21+$0xFDE0] =	vst.add.f32.msk $0xffff, v13  }
0x167: {  	s13 =	smul.u32 $0xC, s17;
	[tilespmem:s21+$0x12FE0] =	vst.add.f32.msk $0xffff, v13  }
0x168: {  	s23 =	rddreg [dreg:$0xb]  }
0x169: {  	[tilespmem:s21+$0xFDF0] =	vst.add.f32.msk $0xffff, v14;
	s4 =	sadd.s32 s13, s23  }
0x16a: {  	[tilespmem:s21+$0x12FF0] =	vst.add.f32.msk $0xffff, v14;
	s4 =	smul.u32 $0xC80, s4  }
0x16b: {  	[tilespmem:s21+$0xFE00] =	vst.add.f32.msk $0xffff, v15  }
0x16c: {  	s15 =	simm.s32 $0x400;
	[tilespmem:s21+$0x13000] =	vst.add.f32.msk $0xffff, v15;
	s23 =	simm.s32 $0x0;
	s4 =	sadd.s32 s3, s4  }
.LBB2_7:
0x16d: {  	s23 =	sadd.s32 $0x4, s23;
	[tilespmem:s21+$0xFE10] =	vst.add.f32.msk $0xffff, v0;
	s21 =	sshra.s32 s15, $0x2  }
0x16e: {  	v0 =	vld [tilespmem:s21+$0x410];
	p0 =	slt.u32 s23, $0xC4  }
0x16f: {  	v1 =	vld [tilespmem:s21+$0x320]  }
0x170: {  	v2 =	vld [tilespmem:s21+$0x330]  }
0x171: {  	v3 =	vld [tilespmem:s21+$0x340]  }
0x172: {  	v4 =	vld [tilespmem:s21+$0x350]  }
0x173: {  	[tilespmem:s21+$0x13010] =	vst.add.f32.msk $0xffff, v0  }
0x174: {  	v5 =	vld [tilespmem:s21+$0x360]  }
0x175: {  	v6 =	vld [tilespmem:s21+$0x370]  }
0x176: {  	v7 =	vld [tilespmem:s21+$0x380]  }
0x177: {  	v8 =	vld [tilespmem:s21+$0x390]  }
0x178: {  	v9 =	vld [tilespmem:s21+$0x3A0]  }
0x179: {  	v10 =	vld [tilespmem:s21+$0x3B0]  }
0x17a: {  	v11 =	vld [tilespmem:s21+$0x3C0]  }
0x17b: {  	v12 =	vld [tilespmem:s21+$0x3D0]  }
0x17c: {  	v13 =	vld [tilespmem:s21+$0x3E0]  }
0x17d: {  	v14 =	vld [tilespmem:s21+$0x3F0]  }
0x17e: {  	v15 =	vld [tilespmem:s21+$0x400]  }
0x17f: {  	[tilespmem:s21+$0xFD20] =	vst.add.f32.msk $0xffff, v1  }
0x180: {  	[tilespmem:s21+$0x12F20] =	vst.add.f32.msk $0xffff, v1  }
0x181: {  	[tilespmem:s21+$0xFD30] =	vst.add.f32.msk $0xffff, v2  }
0x182: {  	[tilespmem:s21+$0x12F30] =	vst.add.f32.msk $0xffff, v2  }
0x183: {  	[tilespmem:s21+$0xFD40] =	vst.add.f32.msk $0xffff, v3  }
0x184: {  	[tilespmem:s21+$0x12F40] =	vst.add.f32.msk $0xffff, v3  }
0x185: {  	[tilespmem:s21+$0xFD50] =	vst.add.f32.msk $0xffff, v4  }
0x186: {  	[tilespmem:s21+$0x12F50] =	vst.add.f32.msk $0xffff, v4  }
0x187: {  	[tilespmem:s21+$0xFD60] =	vst.add.f32.msk $0xffff, v5  }
0x188: {  	[tilespmem:s21+$0x12F60] =	vst.add.f32.msk $0xffff, v5  }
0x189: {  	[tilespmem:s21+$0xFD70] =	vst.add.f32.msk $0xffff, v6  }
0x18a: {  	[tilespmem:s21+$0x12F70] =	vst.add.f32.msk $0xffff, v6  }
0x18b: {  	[tilespmem:s21+$0xFD80] =	vst.add.f32.msk $0xffff, v7  }
0x18c: {  	[tilespmem:s21+$0x12F80] =	vst.add.f32.msk $0xffff, v7  }
0x18d: {  	[tilespmem:s21+$0xFD90] =	vst.add.f32.msk $0xffff, v8  }
0x18e: {  	[tilespmem:s21+$0x12F90] =	vst.add.f32.msk $0xffff, v8  }
0x18f: {  	[tilespmem:s21+$0xFDA0] =	vst.add.f32.msk $0xffff, v9  }
0x190: {  	[tilespmem:s21+$0x12FA0] =	vst.add.f32.msk $0xffff, v9  }
0x191: {  	[tilespmem:s21+$0xFDB0] =	vst.add.f32.msk $0xffff, v10  }
0x192: {  	[tilespmem:s21+$0x12FB0] =	vst.add.f32.msk $0xffff, v10  }
0x193: {  	[tilespmem:s21+$0xFDC0] =	vst.add.f32.msk $0xffff, v11  }
0x194: {  	[tilespmem:s21+$0x12FC0] =	vst.add.f32.msk $0xffff, v11  }
0x195: {  	[tilespmem:s21+$0xFDD0] =	vst.add.f32.msk $0xffff, v12  }
0x196: {  	[tilespmem:s21+$0x12FD0] =	vst.add.f32.msk $0xffff, v12  }
0x197: {  	[tilespmem:s21+$0xFDE0] =	vst.add.f32.msk $0xffff, v13  }
.Ltmp2:
0x198: {  	[tilespmem:s21+$0x12FE0] =	vst.add.f32.msk $0xffff, v13;
	(pc) =	sbr.rel @p0 .LBB2_7-.Ltmp2, $4  }
0x199: {  	[tilespmem:s21+$0xFDF0] =	vst.add.f32.msk $0xffff, v14  }
0x19a: {  	[tilespmem:s21+$0x12FF0] =	vst.add.f32.msk $0xffff, v14  }
0x19b: {  	[tilespmem:s21+$0xFE00] =	vst.add.f32.msk $0xffff, v15  }
0x19c: {  	s15 =	sadd.s32 $0x400, s15;
	[tilespmem:s21+$0x13000] =	vst.add.f32.msk $0xffff, v15  }
0x19d: {  	[tilespmem:s21+$0xFE10] =	vst.add.f32.msk $0xffff, v0  }
0x19e: {  	[hbm4b:s4+s11] =	stream.strided.scatter [tilespmem:s9], [sflag:$0x3], $0x6400, s24, s11, $0x38;
	[tilespmem:$0x16120] =	vst v63  }
0x19f: {  	_ =	swait.ge [sflag:s22], $0x2000  }
0x1a0: {  	[sflag:s22] =	ssyncset.done $0x0  }
0x1a1: {  	[sflag:s22] =	ssyncadd.s32 $0xFFFFE000  }
0x1a2: {  	_ =	swait.ge [sflag:s22], $0x1200  }
0x1a3: {  	[sflag:s22] =	ssyncset.done $0x0  }
0x1a4: {  	[sflag:s22] =	ssyncadd.s32 $0xFFFFEE00  }
0x1a5: {  	_ =	swait.ge [sflag:s22], $0x2000  }
0x1a6: {  	[sflag:s22] =	ssyncset.done $0x0  }
0x1a7: {  	[sflag:s22] =	ssyncadd.s32 $0xFFFFE000  }
0x1a8: {  	_ =	swait.ge [sflag:s22], $0x1200  }
0x1a9: {  	[sflag:s22] =	ssyncset.done $0x0  }
0x1aa: {  	[sflag:s22] =	ssyncadd.s32 $0xFFFFEE00  }
0x1ab: {  	_ =	swait.ge [sflag:s16], $0x6400  }
0x1ac: {  	[sflag:s16] =	ssyncset.done $0x0  }
0x1ad: {  	[sflag:s16] =	ssyncadd.s32 $0xFFFF9C00  }
0x1ae: {  	_ =	swait.ge [sflag:s7], $0x190  }
0x1af: {  	[sflag:s7] =	ssyncset.done $0x0  }
0x1b0: {  	s4 =	simm.s32 $0x0;
	[sflag:s7] =	ssyncadd.s32 $0xFFFFFE70  }
0x1b1: {  	[tilespmem:s10], [sflag:$0x1] =	stream.indirect.gather [hbm4b:s6+s24], $0x40, s4, s24, $0xb8;
	[tilespmem:$0x16120] =	vst v63  }
0x1b2: {  	s15 =	simm.s32 $0xB920  }
0x1b3: {  	[tilespmem:s15], [sflag:$0x1] =	stream.indirect.gather [hbm4b:s6+s26], $0x40, s24, s26, $0xb8;
	[tilespmem:$0x16120] =	vst v63  }
0x1b4: {  	s21 =	simm.s32 $0xCB20  }
0x1b5: {  	[tilespmem:s21], [sflag:$0x1] =	stream.indirect.gather [hbm4b:s6+s24], $0x40, s29, s24, $0xb8;
	[tilespmem:$0x16120] =	vst v63  }
0x1b6: {  	s21 =	sadd.s32 $0x5, s18  }
0x1b7: {  	s23 =	simm.s32 $0xEB20;
	s15 =	smul.u32 $0x190, s21  }
0x1b8: {  	[tilespmem:s23], [sflag:$0x1] =	stream.indirect.gather [hbm4b:s6+s26], $0x40, s31, s26, $0xb8;
	[tilespmem:$0x16120] =	vst v63  }
0x1b9: {  	s15 =	sadd.s32 s5, s15  }
0x1ba: {  	s15 =	sshrl.u32 s15, $0x3  }
0x1bb: {  	s15 =	sadd.s32 s2, s15  }
0x1bc: {  	[tilespmem:s1], [sflag:$0x2] =	stream.linear.gather [hbm4b:s15+s4], $0x190, $0x38;
	[tilespmem:$0x16120] =	vst v63  }
0x1bd: {  	s4 =	simm.s32 $0x0  }
0x1be: {  	v0 =	vld [tilespmem:s4+$0x410]  }
0x1bf: {  	v1 =	vld [tilespmem:s4+$0x320]  }
0x1c0: {  	v2 =	vld [tilespmem:s4+$0x330]  }
0x1c1: {  	v3 =	vld [tilespmem:s4+$0x340]  }
0x1c2: {  	v4 =	vld [tilespmem:s4+$0x350]  }
0x1c3: {  	v5 =	vld [tilespmem:s4+$0x360]  }
0x1c4: {  	v6 =	vld [tilespmem:s4+$0x370]  }
0x1c5: {  	v7 =	vld [tilespmem:s4+$0x380]  }
0x1c6: {  	v8 =	vld [tilespmem:s4+$0x390]  }
0x1c7: {  	v9 =	vld [tilespmem:s4+$0x3A0]  }
0x1c8: {  	v10 =	vld [tilespmem:s4+$0x3B0]  }
0x1c9: {  	v11 =	vld [tilespmem:s4+$0x3C0]  }
0x1ca: {  	v12 =	vld [tilespmem:s4+$0x3D0]  }
0x1cb: {  	v13 =	vld [tilespmem:s4+$0x3E0]  }
0x1cc: {  	v14 =	vld [tilespmem:s4+$0x3F0]  }
0x1cd: {  	v15 =	vld [tilespmem:s4+$0x400]  }
0x1ce: {  	[tilespmem:s4+$0x6810] =	vst.add.f32.msk $0xffff, v0  }
0x1cf: {  	[tilespmem:s4+$0x3520] =	vst.add.f32.msk $0xffff, v1  }
0x1d0: {  	[tilespmem:s4+$0x6720] =	vst.add.f32.msk $0xffff, v1  }
0x1d1: {  	[tilespmem:s4+$0x3530] =	vst.add.f32.msk $0xffff, v2  }
0x1d2: {  	[tilespmem:s4+$0x6730] =	vst.add.f32.msk $0xffff, v2  }
0x1d3: {  	[tilespmem:s4+$0x3540] =	vst.add.f32.msk $0xffff, v3  }
0x1d4: {  	[tilespmem:s4+$0x6740] =	vst.add.f32.msk $0xffff, v3  }
0x1d5: {  	[tilespmem:s4+$0x3550] =	vst.add.f32.msk $0xffff, v4  }
0x1d6: {  	[tilespmem:s4+$0x6750] =	vst.add.f32.msk $0xffff, v4  }
0x1d7: {  	[tilespmem:s4+$0x3560] =	vst.add.f32.msk $0xffff, v5  }
0x1d8: {  	[tilespmem:s4+$0x6760] =	vst.add.f32.msk $0xffff, v5  }
0x1d9: {  	[tilespmem:s4+$0x3570] =	vst.add.f32.msk $0xffff, v6  }
0x1da: {  	[tilespmem:s4+$0x6770] =	vst.add.f32.msk $0xffff, v6  }
0x1db: {  	[tilespmem:s4+$0x3580] =	vst.add.f32.msk $0xffff, v7  }
0x1dc: {  	[tilespmem:s4+$0x6780] =	vst.add.f32.msk $0xffff, v7  }
0x1dd: {  	[tilespmem:s4+$0x3590] =	vst.add.f32.msk $0xffff, v8  }
0x1de: {  	[tilespmem:s4+$0x6790] =	vst.add.f32.msk $0xffff, v8  }
0x1df: {  	[tilespmem:s4+$0x35A0] =	vst.add.f32.msk $0xffff, v9  }
0x1e0: {  	[tilespmem:s4+$0x67A0] =	vst.add.f32.msk $0xffff, v9  }
0x1e1: {  	[tilespmem:s4+$0x35B0] =	vst.add.f32.msk $0xffff, v10  }
0x1e2: {  	[tilespmem:s4+$0x67B0] =	vst.add.f32.msk $0xffff, v10  }
0x1e3: {  	[tilespmem:s4+$0x35C0] =	vst.add.f32.msk $0xffff, v11  }
0x1e4: {  	[tilespmem:s4+$0x67C0] =	vst.add.f32.msk $0xffff, v11  }
0x1e5: {  	[tilespmem:s4+$0x35D0] =	vst.add.f32.msk $0xffff, v12  }
0x1e6: {  	[tilespmem:s4+$0x67D0] =	vst.add.f32.msk $0xffff, v12  }
0x1e7: {  	[tilespmem:s4+$0x35E0] =	vst.add.f32.msk $0xffff, v13  }
0x1e8: {  	[tilespmem:s4+$0x67E0] =	vst.add.f32.msk $0xffff, v13  }
0x1e9: {  	s23 =	rddreg [dreg:$0xc]  }
0x1ea: {  	[tilespmem:s4+$0x35F0] =	vst.add.f32.msk $0xffff, v14;
	s13 =	sadd.s32 s13, s23  }
0x1eb: {  	[tilespmem:s4+$0x67F0] =	vst.add.f32.msk $0xffff, v14;
	s13 =	smul.u32 $0xC80, s13  }
0x1ec: {  	[tilespmem:s4+$0x3600] =	vst.add.f32.msk $0xffff, v15  }
0x1ed: {  	s15 =	simm.s32 $0x400;
	[tilespmem:s4+$0x6800] =	vst.add.f32.msk $0xffff, v15;
	s23 =	simm.s32 $0x0;
	s13 =	sadd.s32 s3, s13  }
.LBB2_9:
0x1ee: {  	s23 =	sadd.s32 $0x4, s23;
	[tilespmem:s4+$0x3610] =	vst.add.f32.msk $0xffff, v0;
	s4 =	sshra.s32 s15, $0x2  }
0x1ef: {  	v0 =	vld [tilespmem:s4+$0x410];
	p0 =	slt.u32 s23, $0xC4  }
0x1f0: {  	v1 =	vld [tilespmem:s4+$0x320]  }
0x1f1: {  	v2 =	vld [tilespmem:s4+$0x330]  }
0x1f2: {  	v3 =	vld [tilespmem:s4+$0x340]  }
0x1f3: {  	v4 =	vld [tilespmem:s4+$0x350]  }
0x1f4: {  	[tilespmem:s4+$0x6810] =	vst.add.f32.msk $0xffff, v0  }
0x1f5: {  	v5 =	vld [tilespmem:s4+$0x360]  }
0x1f6: {  	v6 =	vld [tilespmem:s4+$0x370]  }
0x1f7: {  	v7 =	vld [tilespmem:s4+$0x380]  }
0x1f8: {  	v8 =	vld [tilespmem:s4+$0x390]  }
0x1f9: {  	v9 =	vld [tilespmem:s4+$0x3A0]  }
0x1fa: {  	v10 =	vld [tilespmem:s4+$0x3B0]  }
0x1fb: {  	v11 =	vld [tilespmem:s4+$0x3C0]  }
0x1fc: {  	v12 =	vld [tilespmem:s4+$0x3D0]  }
0x1fd: {  	v13 =	vld [tilespmem:s4+$0x3E0]  }
0x1fe: {  	v14 =	vld [tilespmem:s4+$0x3F0]  }
0x1ff: {  	v15 =	vld [tilespmem:s4+$0x400]  }
0x200: {  	[tilespmem:s4+$0x3520] =	vst.add.f32.msk $0xffff, v1  }
0x201: {  	[tilespmem:s4+$0x6720] =	vst.add.f32.msk $0xffff, v1  }
0x202: {  	[tilespmem:s4+$0x3530] =	vst.add.f32.msk $0xffff, v2  }
0x203: {  	[tilespmem:s4+$0x6730] =	vst.add.f32.msk $0xffff, v2  }
0x204: {  	[tilespmem:s4+$0x3540] =	vst.add.f32.msk $0xffff, v3  }
0x205: {  	[tilespmem:s4+$0x6740] =	vst.add.f32.msk $0xffff, v3  }
0x206: {  	[tilespmem:s4+$0x3550] =	vst.add.f32.msk $0xffff, v4  }
0x207: {  	[tilespmem:s4+$0x6750] =	vst.add.f32.msk $0xffff, v4  }
0x208: {  	[tilespmem:s4+$0x3560] =	vst.add.f32.msk $0xffff, v5  }
0x209: {  	[tilespmem:s4+$0x6760] =	vst.add.f32.msk $0xffff, v5  }
0x20a: {  	[tilespmem:s4+$0x3570] =	vst.add.f32.msk $0xffff, v6  }
0x20b: {  	[tilespmem:s4+$0x6770] =	vst.add.f32.msk $0xffff, v6  }
0x20c: {  	[tilespmem:s4+$0x3580] =	vst.add.f32.msk $0xffff, v7  }
0x20d: {  	[tilespmem:s4+$0x6780] =	vst.add.f32.msk $0xffff, v7  }
0x20e: {  	[tilespmem:s4+$0x3590] =	vst.add.f32.msk $0xffff, v8  }
0x20f: {  	[tilespmem:s4+$0x6790] =	vst.add.f32.msk $0xffff, v8  }
0x210: {  	[tilespmem:s4+$0x35A0] =	vst.add.f32.msk $0xffff, v9  }
0x211: {  	[tilespmem:s4+$0x67A0] =	vst.add.f32.msk $0xffff, v9  }
0x212: {  	[tilespmem:s4+$0x35B0] =	vst.add.f32.msk $0xffff, v10  }
0x213: {  	[tilespmem:s4+$0x67B0] =	vst.add.f32.msk $0xffff, v10  }
0x214: {  	[tilespmem:s4+$0x35C0] =	vst.add.f32.msk $0xffff, v11  }
0x215: {  	[tilespmem:s4+$0x67C0] =	vst.add.f32.msk $0xffff, v11  }
0x216: {  	[tilespmem:s4+$0x35D0] =	vst.add.f32.msk $0xffff, v12  }
0x217: {  	[tilespmem:s4+$0x67D0] =	vst.add.f32.msk $0xffff, v12  }
0x218: {  	[tilespmem:s4+$0x35E0] =	vst.add.f32.msk $0xffff, v13  }
.Ltmp3:
0x219: {  	[tilespmem:s4+$0x67E0] =	vst.add.f32.msk $0xffff, v13;
	(pc) =	sbr.rel @p0 .LBB2_9-.Ltmp3, $4  }
0x21a: {  	[tilespmem:s4+$0x35F0] =	vst.add.f32.msk $0xffff, v14  }
0x21b: {  	[tilespmem:s4+$0x67F0] =	vst.add.f32.msk $0xffff, v14  }
0x21c: {  	[tilespmem:s4+$0x3600] =	vst.add.f32.msk $0xffff, v15  }
0x21d: {  	s15 =	sadd.s32 $0x400, s15;
	[tilespmem:s4+$0x6800] =	vst.add.f32.msk $0xffff, v15  }
0x21e: {  	[tilespmem:s4+$0x3610] =	vst.add.f32.msk $0xffff, v0  }
0x21f: {  	[hbm4b:s13+s11] =	stream.strided.scatter [tilespmem:s25], [sflag:$0x3], $0x6400, s24, s11, $0x38;
	[tilespmem:$0x16120] =	vst v63  }
0x220: {  	_ =	swait.ge [sflag:s22], $0x2000  }
0x221: {  	[sflag:s22] =	ssyncset.done $0x0  }
0x222: {  	[sflag:s22] =	ssyncadd.s32 $0xFFFFE000  }
0x223: {  	_ =	swait.ge [sflag:s22], $0x1200  }
0x224: {  	[sflag:s22] =	ssyncset.done $0x0  }
0x225: {  	[sflag:s22] =	ssyncadd.s32 $0xFFFFEE00  }
0x226: {  	_ =	swait.ge [sflag:s22], $0x2000  }
0x227: {  	[sflag:s22] =	ssyncset.done $0x0  }
0x228: {  	[sflag:s22] =	ssyncadd.s32 $0xFFFFE000  }
0x229: {  	_ =	swait.ge [sflag:s22], $0x1200  }
0x22a: {  	[sflag:s22] =	ssyncset.done $0x0  }
0x22b: {  	[sflag:s22] =	ssyncadd.s32 $0xFFFFEE00  }
0x22c: {  	_ =	swait.ge [sflag:s16], $0x6400  }
0x22d: {  	[sflag:s16] =	ssyncset.done $0x0  }
0x22e: {  	[sflag:s16] =	ssyncadd.s32 $0xFFFF9C00  }
0x22f: {  	_ =	swait.ge [sflag:s7], $0x190  }
0x230: {  	[sflag:s7] =	ssyncset.done $0x0  }
0x231: {  	[sflag:s7] =	ssyncadd.s32 $0xFFFFFE70  }
0x232: {  	[tilespmem:s9], [sflag:$0x1] =	stream.indirect.gather [hbm4b:s6+s24], $0x40, s1, s24, $0xb8;
	[tilespmem:$0x16120] =	vst v63  }
0x233: {  	s13 =	simm.s32 $0x11D20  }
0x234: {  	[tilespmem:s13], [sflag:$0x1] =	stream.indirect.gather [hbm4b:s6+s26], $0x40, s12, s26, $0xb8;
	[tilespmem:$0x16120] =	vst v63  }
0x235: {  	s13 =	sadd.s32 $0x6, s18  }
0x236: {  	s15 =	simm.s32 $0x12F20;
	s23 =	smul.u32 $0x190, s13  }
0x237: {  	[tilespmem:s15], [sflag:$0x1] =	stream.indirect.gather [hbm4b:s6+s24], $0x40, s14, s24, $0xb8;
	[tilespmem:$0x16120] =	vst v63  }
0x238: {  	s15 =	simm.s32 $0x14F20;
	s4 =	sadd.s32 s5, s23  }
0x239: {  	[tilespmem:s15], [sflag:$0x1] =	stream.indirect.gather [hbm4b:s6+s26], $0x40, s20, s26, $0xb8;
	[tilespmem:$0x16120] =	vst v63  }
0x23a: {  	s4 =	sshrl.u32 s4, $0x3  }
0x23b: {  	s23 =	simm.s32 $0x0;
	s4 =	sadd.s32 s2, s4  }
0x23c: {  	[tilespmem:s23], [sflag:$0x2] =	stream.linear.gather [hbm4b:s4+s23], $0x190, $0x38;
	[tilespmem:$0x16120] =	vst v63  }
0x23d: {  	s4 =	simm.s32 $0x0  }
0x23e: {  	v0 =	vld [tilespmem:s4+$0x410]  }
0x23f: {  	v1 =	vld [tilespmem:s4+$0x320]  }
0x240: {  	v2 =	vld [tilespmem:s4+$0x330]  }
0x241: {  	v3 =	vld [tilespmem:s4+$0x340]  }
0x242: {  	v4 =	vld [tilespmem:s4+$0x350]  }
0x243: {  	v5 =	vld [tilespmem:s4+$0x360]  }
0x244: {  	v6 =	vld [tilespmem:s4+$0x370]  }
0x245: {  	v7 =	vld [tilespmem:s4+$0x380]  }
0x246: {  	v8 =	vld [tilespmem:s4+$0x390]  }
0x247: {  	v9 =	vld [tilespmem:s4+$0x3A0]  }
0x248: {  	v10 =	vld [tilespmem:s4+$0x3B0]  }
0x249: {  	v11 =	vld [tilespmem:s4+$0x3C0]  }
0x24a: {  	v12 =	vld [tilespmem:s4+$0x3D0]  }
0x24b: {  	v13 =	vld [tilespmem:s4+$0x3E0]  }
0x24c: {  	v14 =	vld [tilespmem:s4+$0x3F0]  }
0x24d: {  	v15 =	vld [tilespmem:s4+$0x400]  }
0x24e: {  	[tilespmem:s4+$0xCC10] =	vst.add.f32.msk $0xffff, v0  }
0x24f: {  	[tilespmem:s4+$0x9920] =	vst.add.f32.msk $0xffff, v1  }
0x250: {  	[tilespmem:s4+$0xCB20] =	vst.add.f32.msk $0xffff, v1  }
0x251: {  	[tilespmem:s4+$0x9930] =	vst.add.f32.msk $0xffff, v2  }
0x252: {  	[tilespmem:s4+$0xCB30] =	vst.add.f32.msk $0xffff, v2  }
0x253: {  	[tilespmem:s4+$0x9940] =	vst.add.f32.msk $0xffff, v3  }
0x254: {  	[tilespmem:s4+$0xCB40] =	vst.add.f32.msk $0xffff, v3  }
0x255: {  	[tilespmem:s4+$0x9950] =	vst.add.f32.msk $0xffff, v4  }
0x256: {  	[tilespmem:s4+$0xCB50] =	vst.add.f32.msk $0xffff, v4  }
0x257: {  	[tilespmem:s4+$0x9960] =	vst.add.f32.msk $0xffff, v5  }
0x258: {  	[tilespmem:s4+$0xCB60] =	vst.add.f32.msk $0xffff, v5  }
0x259: {  	[tilespmem:s4+$0x9970] =	vst.add.f32.msk $0xffff, v6  }
0x25a: {  	[tilespmem:s4+$0xCB70] =	vst.add.f32.msk $0xffff, v6  }
0x25b: {  	[tilespmem:s4+$0x9980] =	vst.add.f32.msk $0xffff, v7  }
0x25c: {  	[tilespmem:s4+$0xCB80] =	vst.add.f32.msk $0xffff, v7  }
0x25d: {  	[tilespmem:s4+$0x9990] =	vst.add.f32.msk $0xffff, v8  }
0x25e: {  	[tilespmem:s4+$0xCB90] =	vst.add.f32.msk $0xffff, v8  }
0x25f: {  	[tilespmem:s4+$0x99A0] =	vst.add.f32.msk $0xffff, v9  }
0x260: {  	[tilespmem:s4+$0xCBA0] =	vst.add.f32.msk $0xffff, v9  }
0x261: {  	[tilespmem:s4+$0x99B0] =	vst.add.f32.msk $0xffff, v10  }
0x262: {  	[tilespmem:s4+$0xCBB0] =	vst.add.f32.msk $0xffff, v10  }
0x263: {  	[tilespmem:s4+$0x99C0] =	vst.add.f32.msk $0xffff, v11  }
0x264: {  	[tilespmem:s4+$0xCBC0] =	vst.add.f32.msk $0xffff, v11  }
0x265: {  	[tilespmem:s4+$0x99D0] =	vst.add.f32.msk $0xffff, v12  }
0x266: {  	[tilespmem:s4+$0xCBD0] =	vst.add.f32.msk $0xffff, v12  }
0x267: {  	[tilespmem:s4+$0x99E0] =	vst.add.f32.msk $0xffff, v13  }
0x268: {  	s23 =	sshll.u32 s19, $0x1;
	[tilespmem:s4+$0xCBE0] =	vst.add.f32.msk $0xffff, v13  }
0x269: {  	s15 =	sadd.s32 s8, s23;
	[tilespmem:s4+$0x99F0] =	vst.add.f32.msk $0xffff, v14  }
0x26a: {  	s15 =	smul.u32 $0xC80, s15;
	[tilespmem:s4+$0xCBF0] =	vst.add.f32.msk $0xffff, v14  }
0x26b: {  	[tilespmem:s4+$0x9A00] =	vst.add.f32.msk $0xffff, v15  }
0x26c: {  	s23 =	simm.s32 $0x0;
	s19 =	sadd.s32 s3, s15;
	s15 =	simm.s32 $0x400;
	[tilespmem:s4+$0xCC00] =	vst.add.f32.msk $0xffff, v15  }
.LBB2_11:
0x26d: {  	s23 =	sadd.s32 $0x4, s23;
	[tilespmem:s4+$0x9A10] =	vst.add.f32.msk $0xffff, v0;
	s4 =	sshra.s32 s15, $0x2  }
0x26e: {  	v0 =	vld [tilespmem:s4+$0x410];
	p0 =	slt.u32 s23, $0xC4  }
0x26f: {  	v1 =	vld [tilespmem:s4+$0x320]  }
0x270: {  	v2 =	vld [tilespmem:s4+$0x330]  }
0x271: {  	v3 =	vld [tilespmem:s4+$0x340]  }
0x272: {  	v4 =	vld [tilespmem:s4+$0x350]  }
0x273: {  	[tilespmem:s4+$0xCC10] =	vst.add.f32.msk $0xffff, v0  }
0x274: {  	v5 =	vld [tilespmem:s4+$0x360]  }
0x275: {  	v6 =	vld [tilespmem:s4+$0x370]  }
0x276: {  	v7 =	vld [tilespmem:s4+$0x380]  }
0x277: {  	v8 =	vld [tilespmem:s4+$0x390]  }
0x278: {  	v9 =	vld [tilespmem:s4+$0x3A0]  }
0x279: {  	v10 =	vld [tilespmem:s4+$0x3B0]  }
0x27a: {  	v11 =	vld [tilespmem:s4+$0x3C0]  }
0x27b: {  	v12 =	vld [tilespmem:s4+$0x3D0]  }
0x27c: {  	v13 =	vld [tilespmem:s4+$0x3E0]  }
0x27d: {  	v14 =	vld [tilespmem:s4+$0x3F0]  }
0x27e: {  	v15 =	vld [tilespmem:s4+$0x400]  }
0x27f: {  	[tilespmem:s4+$0x9920] =	vst.add.f32.msk $0xffff, v1  }
0x280: {  	[tilespmem:s4+$0xCB20] =	vst.add.f32.msk $0xffff, v1  }
0x281: {  	[tilespmem:s4+$0x9930] =	vst.add.f32.msk $0xffff, v2  }
0x282: {  	[tilespmem:s4+$0xCB30] =	vst.add.f32.msk $0xffff, v2  }
0x283: {  	[tilespmem:s4+$0x9940] =	vst.add.f32.msk $0xffff, v3  }
0x284: {  	[tilespmem:s4+$0xCB40] =	vst.add.f32.msk $0xffff, v3  }
0x285: {  	[tilespmem:s4+$0x9950] =	vst.add.f32.msk $0xffff, v4  }
0x286: {  	[tilespmem:s4+$0xCB50] =	vst.add.f32.msk $0xffff, v4  }
0x287: {  	[tilespmem:s4+$0x9960] =	vst.add.f32.msk $0xffff, v5  }
0x288: {  	[tilespmem:s4+$0xCB60] =	vst.add.f32.msk $0xffff, v5  }
0x289: {  	[tilespmem:s4+$0x9970] =	vst.add.f32.msk $0xffff, v6  }
0x28a: {  	[tilespmem:s4+$0xCB70] =	vst.add.f32.msk $0xffff, v6  }
0x28b: {  	[tilespmem:s4+$0x9980] =	vst.add.f32.msk $0xffff, v7  }
0x28c: {  	[tilespmem:s4+$0xCB80] =	vst.add.f32.msk $0xffff, v7  }
0x28d: {  	[tilespmem:s4+$0x9990] =	vst.add.f32.msk $0xffff, v8  }
0x28e: {  	[tilespmem:s4+$0xCB90] =	vst.add.f32.msk $0xffff, v8  }
0x28f: {  	[tilespmem:s4+$0x99A0] =	vst.add.f32.msk $0xffff, v9  }
0x290: {  	[tilespmem:s4+$0xCBA0] =	vst.add.f32.msk $0xffff, v9  }
0x291: {  	[tilespmem:s4+$0x99B0] =	vst.add.f32.msk $0xffff, v10  }
0x292: {  	[tilespmem:s4+$0xCBB0] =	vst.add.f32.msk $0xffff, v10  }
0x293: {  	[tilespmem:s4+$0x99C0] =	vst.add.f32.msk $0xffff, v11  }
0x294: {  	[tilespmem:s4+$0xCBC0] =	vst.add.f32.msk $0xffff, v11  }
0x295: {  	[tilespmem:s4+$0x99D0] =	vst.add.f32.msk $0xffff, v12  }
0x296: {  	[tilespmem:s4+$0xCBD0] =	vst.add.f32.msk $0xffff, v12  }
0x297: {  	[tilespmem:s4+$0x99E0] =	vst.add.f32.msk $0xffff, v13  }
.Ltmp4:
0x298: {  	[tilespmem:s4+$0xCBE0] =	vst.add.f32.msk $0xffff, v13;
	(pc) =	sbr.rel @p0 .LBB2_11-.Ltmp4, $4  }
0x299: {  	[tilespmem:s4+$0x99F0] =	vst.add.f32.msk $0xffff, v14  }
0x29a: {  	[tilespmem:s4+$0xCBF0] =	vst.add.f32.msk $0xffff, v14  }
0x29b: {  	[tilespmem:s4+$0x9A00] =	vst.add.f32.msk $0xffff, v15  }
0x29c: {  	s15 =	sadd.s32 $0x400, s15;
	[tilespmem:s4+$0xCC00] =	vst.add.f32.msk $0xffff, v15  }
0x29d: {  	[tilespmem:s4+$0x9A10] =	vst.add.f32.msk $0xffff, v0  }
0x29e: {  	[hbm4b:s19+s11] =	stream.strided.scatter [tilespmem:s10], [sflag:$0x3], $0x6400, s24, s11, $0x38;
	[tilespmem:$0x16120] =	vst v63  }
0x29f: {  	_ =	swait.ge [sflag:s22], $0x2000  }
0x2a0: {  	[sflag:s22] =	ssyncset.done $0x0  }
0x2a1: {  	[sflag:s22] =	ssyncadd.s32 $0xFFFFE000  }
0x2a2: {  	_ =	swait.ge [sflag:s22], $0x1200  }
0x2a3: {  	[sflag:s22] =	ssyncset.done $0x0  }
0x2a4: {  	[sflag:s22] =	ssyncadd.s32 $0xFFFFEE00  }
0x2a5: {  	_ =	swait.ge [sflag:s22], $0x2000  }
0x2a6: {  	[sflag:s22] =	ssyncset.done $0x0  }
0x2a7: {  	[sflag:s22] =	ssyncadd.s32 $0xFFFFE000  }
0x2a8: {  	_ =	swait.ge [sflag:s22], $0x1200  }
0x2a9: {  	[sflag:s22] =	ssyncset.done $0x0  }
0x2aa: {  	[sflag:s22] =	ssyncadd.s32 $0xFFFFEE00  }
0x2ab: {  	_ =	swait.ge [sflag:s16], $0x6400  }
0x2ac: {  	[sflag:s16] =	ssyncset.done $0x0  }
0x2ad: {  	[sflag:s16] =	ssyncadd.s32 $0xFFFF9C00  }
0x2ae: {  	_ =	swait.ge [sflag:s7], $0x190  }
0x2af: {  	[sflag:s7] =	ssyncset.done $0x0  }
0x2b0: {  	s18 =	sadd.s32 $0x7, s18;
	s19 =	simm.s32 $0x0;
	[sflag:s7] =	ssyncadd.s32 $0xFFFFFE70  }
0x2b1: {  	[tilespmem:s25], [sflag:$0x1] =	stream.indirect.gather [hbm4b:s6+s24], $0x40, s19, s24, $0xb8;
	[tilespmem:$0x16120] =	vst v63  }
0x2b2: {  	s15 =	smul.u32 $0x190, s18  }
0x2b3: {  	[tilespmem:s28], [sflag:$0x1] =	stream.indirect.gather [hbm4b:s6+s26], $0x40, s24, s26, $0xb8;
	[tilespmem:$0x16120] =	vst v63  }
0x2b4: {  	s15 =	sadd.s32 s5, s15  }
0x2b5: {  	[tilespmem:s30], [sflag:$0x1] =	stream.indirect.gather [hbm4b:s6+s24], $0x40, s29, s24, $0xb8;
	[tilespmem:$0x16120] =	vst v63  }
0x2b6: {  	s15 =	sshrl.u32 s15, $0x3  }
0x2b7: {  	[tilespmem:s0], [sflag:$0x1] =	stream.indirect.gather [hbm4b:s6+s26], $0x40, s31, s26, $0xb8;
	[tilespmem:$0x16120] =	vst v63  }
0x2b8: {  	s4 =	simm.s32 $0x0;
	s15 =	sadd.s32 s2, s15  }
0x2b9: {  	[tilespmem:s1], [sflag:$0x2] =	stream.linear.gather [hbm4b:s15+s19], $0x190, $0x38;
	[tilespmem:$0x16120] =	vst v63  }
0x2ba: {  	v0 =	vld [tilespmem:s4+$0x410]  }
0x2bb: {  	v1 =	vld [tilespmem:s4+$0x320]  }
0x2bc: {  	v2 =	vld [tilespmem:s4+$0x330]  }
0x2bd: {  	v3 =	vld [tilespmem:s4+$0x340]  }
0x2be: {  	v4 =	vld [tilespmem:s4+$0x350]  }
0x2bf: {  	v5 =	vld [tilespmem:s4+$0x360]  }
0x2c0: {  	v6 =	vld [tilespmem:s4+$0x370]  }
0x2c1: {  	v7 =	vld [tilespmem:s4+$0x380]  }
0x2c2: {  	v8 =	vld [tilespmem:s4+$0x390]  }
0x2c3: {  	v9 =	vld [tilespmem:s4+$0x3A0]  }
0x2c4: {  	v10 =	vld [tilespmem:s4+$0x3B0]  }
0x2c5: {  	v11 =	vld [tilespmem:s4+$0x3C0]  }
0x2c6: {  	v12 =	vld [tilespmem:s4+$0x3D0]  }
0x2c7: {  	v13 =	vld [tilespmem:s4+$0x3E0]  }
0x2c8: {  	v14 =	vld [tilespmem:s4+$0x3F0]  }
0x2c9: {  	v15 =	vld [tilespmem:s4+$0x400]  }
0x2ca: {  	[tilespmem:s4+$0x13010] =	vst.add.f32.msk $0xffff, v0  }
0x2cb: {  	[tilespmem:s4+$0xFD20] =	vst.add.f32.msk $0xffff, v1  }
0x2cc: {  	[tilespmem:s4+$0x12F20] =	vst.add.f32.msk $0xffff, v1  }
0x2cd: {  	[tilespmem:s4+$0xFD30] =	vst.add.f32.msk $0xffff, v2  }
0x2ce: {  	[tilespmem:s4+$0x12F30] =	vst.add.f32.msk $0xffff, v2  }
0x2cf: {  	[tilespmem:s4+$0xFD40] =	vst.add.f32.msk $0xffff, v3  }
0x2d0: {  	[tilespmem:s4+$0x12F40] =	vst.add.f32.msk $0xffff, v3  }
0x2d1: {  	[tilespmem:s4+$0xFD50] =	vst.add.f32.msk $0xffff, v4  }
0x2d2: {  	[tilespmem:s4+$0x12F50] =	vst.add.f32.msk $0xffff, v4  }
0x2d3: {  	[tilespmem:s4+$0xFD60] =	vst.add.f32.msk $0xffff, v5  }
0x2d4: {  	[tilespmem:s4+$0x12F60] =	vst.add.f32.msk $0xffff, v5  }
0x2d5: {  	[tilespmem:s4+$0xFD70] =	vst.add.f32.msk $0xffff, v6  }
0x2d6: {  	[tilespmem:s4+$0x12F70] =	vst.add.f32.msk $0xffff, v6  }
0x2d7: {  	[tilespmem:s4+$0xFD80] =	vst.add.f32.msk $0xffff, v7  }
0x2d8: {  	[tilespmem:s4+$0x12F80] =	vst.add.f32.msk $0xffff, v7  }
0x2d9: {  	[tilespmem:s4+$0xFD90] =	vst.add.f32.msk $0xffff, v8  }
0x2da: {  	[tilespmem:s4+$0x12F90] =	vst.add.f32.msk $0xffff, v8  }
0x2db: {  	[tilespmem:s4+$0xFDA0] =	vst.add.f32.msk $0xffff, v9  }
0x2dc: {  	[tilespmem:s4+$0x12FA0] =	vst.add.f32.msk $0xffff, v9  }
0x2dd: {  	[tilespmem:s4+$0xFDB0] =	vst.add.f32.msk $0xffff, v10  }
0x2de: {  	[tilespmem:s4+$0x12FB0] =	vst.add.f32.msk $0xffff, v10  }
0x2df: {  	[tilespmem:s4+$0xFDC0] =	vst.add.f32.msk $0xffff, v11  }
0x2e0: {  	[tilespmem:s4+$0x12FC0] =	vst.add.f32.msk $0xffff, v11  }
0x2e1: {  	[tilespmem:s4+$0xFDD0] =	vst.add.f32.msk $0xffff, v12  }
0x2e2: {  	[tilespmem:s4+$0x12FD0] =	vst.add.f32.msk $0xffff, v12  }
0x2e3: {  	[tilespmem:s4+$0xFDE0] =	vst.add.f32.msk $0xffff, v13  }
0x2e4: {  	s23 =	sshll.u32 s21, $0x1;
	[tilespmem:s4+$0x12FE0] =	vst.add.f32.msk $0xffff, v13  }
0x2e5: {  	s15 =	sadd.s32 s8, s23;
	[tilespmem:s4+$0xFDF0] =	vst.add.f32.msk $0xffff, v14  }
0x2e6: {  	s15 =	smul.u32 $0xC80, s15;
	[tilespmem:s4+$0x12FF0] =	vst.add.f32.msk $0xffff, v14  }
0x2e7: {  	[tilespmem:s4+$0xFE00] =	vst.add.f32.msk $0xffff, v15  }
0x2e8: {  	s21 =	simm.s32 $0x0;
	s19 =	sadd.s32 s3, s15;
	s15 =	simm.s32 $0x400;
	[tilespmem:s4+$0x13000] =	vst.add.f32.msk $0xffff, v15  }
.LBB2_13:
0x2e9: {  	s21 =	sadd.s32 $0x4, s21;
	[tilespmem:s4+$0xFE10] =	vst.add.f32.msk $0xffff, v0;
	s4 =	sshra.s32 s15, $0x2  }
0x2ea: {  	v0 =	vld [tilespmem:s4+$0x410];
	p0 =	slt.u32 s21, $0xC4  }
0x2eb: {  	v1 =	vld [tilespmem:s4+$0x320]  }
0x2ec: {  	v2 =	vld [tilespmem:s4+$0x330]  }
0x2ed: {  	v3 =	vld [tilespmem:s4+$0x340]  }
0x2ee: {  	v4 =	vld [tilespmem:s4+$0x350]  }
0x2ef: {  	[tilespmem:s4+$0x13010] =	vst.add.f32.msk $0xffff, v0  }
0x2f0: {  	v5 =	vld [tilespmem:s4+$0x360]  }
0x2f1: {  	v6 =	vld [tilespmem:s4+$0x370]  }
0x2f2: {  	v7 =	vld [tilespmem:s4+$0x380]  }
0x2f3: {  	v8 =	vld [tilespmem:s4+$0x390]  }
0x2f4: {  	v9 =	vld [tilespmem:s4+$0x3A0]  }
0x2f5: {  	v10 =	vld [tilespmem:s4+$0x3B0]  }
0x2f6: {  	v11 =	vld [tilespmem:s4+$0x3C0]  }
0x2f7: {  	v12 =	vld [tilespmem:s4+$0x3D0]  }
0x2f8: {  	v13 =	vld [tilespmem:s4+$0x3E0]  }
0x2f9: {  	v14 =	vld [tilespmem:s4+$0x3F0]  }
0x2fa: {  	v15 =	vld [tilespmem:s4+$0x400]  }
0x2fb: {  	[tilespmem:s4+$0xFD20] =	vst.add.f32.msk $0xffff, v1  }
0x2fc: {  	[tilespmem:s4+$0x12F20] =	vst.add.f32.msk $0xffff, v1  }
0x2fd: {  	[tilespmem:s4+$0xFD30] =	vst.add.f32.msk $0xffff, v2  }
0x2fe: {  	[tilespmem:s4+$0x12F30] =	vst.add.f32.msk $0xffff, v2  }
0x2ff: {  	[tilespmem:s4+$0xFD40] =	vst.add.f32.msk $0xffff, v3  }
0x300: {  	[tilespmem:s4+$0x12F40] =	vst.add.f32.msk $0xffff, v3  }
0x301: {  	[tilespmem:s4+$0xFD50] =	vst.add.f32.msk $0xffff, v4  }
0x302: {  	[tilespmem:s4+$0x12F50] =	vst.add.f32.msk $0xffff, v4  }
0x303: {  	[tilespmem:s4+$0xFD60] =	vst.add.f32.msk $0xffff, v5  }
0x304: {  	[tilespmem:s4+$0x12F60] =	vst.add.f32.msk $0xffff, v5  }
0x305: {  	[tilespmem:s4+$0xFD70] =	vst.add.f32.msk $0xffff, v6  }
0x306: {  	[tilespmem:s4+$0x12F70] =	vst.add.f32.msk $0xffff, v6  }
0x307: {  	[tilespmem:s4+$0xFD80] =	vst.add.f32.msk $0xffff, v7  }
0x308: {  	[tilespmem:s4+$0x12F80] =	vst.add.f32.msk $0xffff, v7  }
0x309: {  	[tilespmem:s4+$0xFD90] =	vst.add.f32.msk $0xffff, v8  }
0x30a: {  	[tilespmem:s4+$0x12F90] =	vst.add.f32.msk $0xffff, v8  }
0x30b: {  	[tilespmem:s4+$0xFDA0] =	vst.add.f32.msk $0xffff, v9  }
0x30c: {  	[tilespmem:s4+$0x12FA0] =	vst.add.f32.msk $0xffff, v9  }
0x30d: {  	[tilespmem:s4+$0xFDB0] =	vst.add.f32.msk $0xffff, v10  }
0x30e: {  	[tilespmem:s4+$0x12FB0] =	vst.add.f32.msk $0xffff, v10  }
0x30f: {  	[tilespmem:s4+$0xFDC0] =	vst.add.f32.msk $0xffff, v11  }
0x310: {  	[tilespmem:s4+$0x12FC0] =	vst.add.f32.msk $0xffff, v11  }
0x311: {  	[tilespmem:s4+$0xFDD0] =	vst.add.f32.msk $0xffff, v12  }
0x312: {  	[tilespmem:s4+$0x12FD0] =	vst.add.f32.msk $0xffff, v12  }
0x313: {  	[tilespmem:s4+$0xFDE0] =	vst.add.f32.msk $0xffff, v13  }
.Ltmp5:
0x314: {  	[tilespmem:s4+$0x12FE0] =	vst.add.f32.msk $0xffff, v13;
	(pc) =	sbr.rel @p0 .LBB2_13-.Ltmp5, $4  }
0x315: {  	[tilespmem:s4+$0xFDF0] =	vst.add.f32.msk $0xffff, v14  }
0x316: {  	[tilespmem:s4+$0x12FF0] =	vst.add.f32.msk $0xffff, v14  }
0x317: {  	[tilespmem:s4+$0xFE00] =	vst.add.f32.msk $0xffff, v15  }
0x318: {  	s15 =	sadd.s32 $0x400, s15;
	[tilespmem:s4+$0x13000] =	vst.add.f32.msk $0xffff, v15  }
0x319: {  	[tilespmem:s4+$0xFE10] =	vst.add.f32.msk $0xffff, v0  }
0x31a: {  	[hbm4b:s19+s11] =	stream.strided.scatter [tilespmem:s9], [sflag:$0x3], $0x6400, s24, s11, $0x38;
	[tilespmem:$0x16120] =	vst v63  }
0x31b: {  	_ =	swait.ge [sflag:s22], $0x2000  }
0x31c: {  	[sflag:s22] =	ssyncset.done $0x0  }
0x31d: {  	[sflag:s22] =	ssyncadd.s32 $0xFFFFE000  }
0x31e: {  	_ =	swait.ge [sflag:s22], $0x1200  }
0x31f: {  	[sflag:s22] =	ssyncset.done $0x0  }
0x320: {  	[sflag:s22] =	ssyncadd.s32 $0xFFFFEE00  }
0x321: {  	_ =	swait.ge [sflag:s22], $0x2000  }
0x322: {  	[sflag:s22] =	ssyncset.done $0x0  }
0x323: {  	[sflag:s22] =	ssyncadd.s32 $0xFFFFE000  }
0x324: {  	_ =	swait.ge [sflag:s22], $0x1200  }
0x325: {  	[sflag:s22] =	ssyncset.done $0x0  }
0x326: {  	[sflag:s22] =	ssyncadd.s32 $0xFFFFEE00  }
0x327: {  	_ =	swait.ge [sflag:s16], $0x6400  }
0x328: {  	[sflag:s16] =	ssyncset.done $0x0  }
0x329: {  	[sflag:s16] =	ssyncadd.s32 $0xFFFF9C00  }
0x32a: {  	_ =	swait.ge [sflag:s7], $0x190  }
0x32b: {  	[sflag:s7] =	ssyncset.done $0x0  }
0x32c: {  	[sflag:s7] =	ssyncadd.s32 $0xFFFFFE70  }
0x32d: {  	[tilespmem:s10], [sflag:$0x1] =	stream.indirect.gather [hbm4b:s6+s24], $0x40, s1, s24, $0xb8;
	[tilespmem:$0x16120] =	vst v63  }
0x32e: {  	s15 =	simm.s32 $0xB920  }
0x32f: {  	[tilespmem:s15], [sflag:$0x1] =	stream.indirect.gather [hbm4b:s6+s26], $0x40, s12, s26, $0xb8;
	[tilespmem:$0x16120] =	vst v63  }
0x330: {  	s19 =	simm.s32 $0xCB20  }
0x331: {  	[tilespmem:s19], [sflag:$0x1] =	stream.indirect.gather [hbm4b:s6+s24], $0x40, s14, s24, $0xb8;
	[tilespmem:$0x16120] =	vst v63  }
0x332: {  	s21 =	simm.s32 $0xEB20;
	s23 =	rddreg [dreg:$0xd];
	s19 =	smul.u32 $0x960, s17  }
0x333: {  	[tilespmem:s21], [sflag:$0x1] =	stream.indirect.gather [hbm4b:s6+s26], $0x40, s20, s26, $0xb8;
	[tilespmem:$0x16120] =	vst v63  }
0x334: {  	s4 =	sadd.s32 s19, s23  }
0x335: {  	s4 =	sshrl.u32 s4, $0x3  }
0x336: {  	s15 =	simm.s32 $0x0;
	s4 =	sadd.s32 s2, s4  }
0x337: {  	[tilespmem:s15], [sflag:$0x2] =	stream.linear.gather [hbm4b:s4+s15], $0x190, $0x38;
	[tilespmem:$0x16120] =	vst v63  }
0x338: {  	s4 =	simm.s32 $0x0  }
0x339: {  	v0 =	vld [tilespmem:s4+$0x410]  }
0x33a: {  	v1 =	vld [tilespmem:s4+$0x320]  }
0x33b: {  	v2 =	vld [tilespmem:s4+$0x330]  }
0x33c: {  	v3 =	vld [tilespmem:s4+$0x340]  }
0x33d: {  	v4 =	vld [tilespmem:s4+$0x350]  }
0x33e: {  	v5 =	vld [tilespmem:s4+$0x360]  }
0x33f: {  	v6 =	vld [tilespmem:s4+$0x370]  }
0x340: {  	v7 =	vld [tilespmem:s4+$0x380]  }
0x341: {  	v8 =	vld [tilespmem:s4+$0x390]  }
0x342: {  	v9 =	vld [tilespmem:s4+$0x3A0]  }
0x343: {  	v10 =	vld [tilespmem:s4+$0x3B0]  }
0x344: {  	v11 =	vld [tilespmem:s4+$0x3C0]  }
0x345: {  	v12 =	vld [tilespmem:s4+$0x3D0]  }
0x346: {  	v13 =	vld [tilespmem:s4+$0x3E0]  }
0x347: {  	v14 =	vld [tilespmem:s4+$0x3F0]  }
0x348: {  	v15 =	vld [tilespmem:s4+$0x400]  }
0x349: {  	[tilespmem:s4+$0x6810] =	vst.add.f32.msk $0xffff, v0  }
0x34a: {  	[tilespmem:s4+$0x3520] =	vst.add.f32.msk $0xffff, v1  }
0x34b: {  	[tilespmem:s4+$0x6720] =	vst.add.f32.msk $0xffff, v1  }
0x34c: {  	[tilespmem:s4+$0x3530] =	vst.add.f32.msk $0xffff, v2  }
0x34d: {  	[tilespmem:s4+$0x6730] =	vst.add.f32.msk $0xffff, v2  }
0x34e: {  	[tilespmem:s4+$0x3540] =	vst.add.f32.msk $0xffff, v3  }
0x34f: {  	[tilespmem:s4+$0x6740] =	vst.add.f32.msk $0xffff, v3  }
0x350: {  	[tilespmem:s4+$0x3550] =	vst.add.f32.msk $0xffff, v4  }
0x351: {  	[tilespmem:s4+$0x6750] =	vst.add.f32.msk $0xffff, v4  }
0x352: {  	[tilespmem:s4+$0x3560] =	vst.add.f32.msk $0xffff, v5  }
0x353: {  	[tilespmem:s4+$0x6760] =	vst.add.f32.msk $0xffff, v5  }
0x354: {  	[tilespmem:s4+$0x3570] =	vst.add.f32.msk $0xffff, v6  }
0x355: {  	[tilespmem:s4+$0x6770] =	vst.add.f32.msk $0xffff, v6  }
0x356: {  	[tilespmem:s4+$0x3580] =	vst.add.f32.msk $0xffff, v7  }
0x357: {  	[tilespmem:s4+$0x6780] =	vst.add.f32.msk $0xffff, v7  }
0x358: {  	[tilespmem:s4+$0x3590] =	vst.add.f32.msk $0xffff, v8  }
0x359: {  	[tilespmem:s4+$0x6790] =	vst.add.f32.msk $0xffff, v8  }
0x35a: {  	[tilespmem:s4+$0x35A0] =	vst.add.f32.msk $0xffff, v9  }
0x35b: {  	[tilespmem:s4+$0x67A0] =	vst.add.f32.msk $0xffff, v9  }
0x35c: {  	[tilespmem:s4+$0x35B0] =	vst.add.f32.msk $0xffff, v10  }
0x35d: {  	[tilespmem:s4+$0x67B0] =	vst.add.f32.msk $0xffff, v10  }
0x35e: {  	[tilespmem:s4+$0x35C0] =	vst.add.f32.msk $0xffff, v11  }
0x35f: {  	[tilespmem:s4+$0x67C0] =	vst.add.f32.msk $0xffff, v11  }
0x360: {  	[tilespmem:s4+$0x35D0] =	vst.add.f32.msk $0xffff, v12  }
0x361: {  	[tilespmem:s4+$0x67D0] =	vst.add.f32.msk $0xffff, v12  }
0x362: {  	[tilespmem:s4+$0x35E0] =	vst.add.f32.msk $0xffff, v13  }
0x363: {  	s13 =	sshll.u32 s13, $0x1;
	[tilespmem:s4+$0x67E0] =	vst.add.f32.msk $0xffff, v13  }
0x364: {  	s13 =	sadd.s32 s8, s13;
	[tilespmem:s4+$0x35F0] =	vst.add.f32.msk $0xffff, v14  }
0x365: {  	s13 =	smul.u32 $0xC80, s13;
	[tilespmem:s4+$0x67F0] =	vst.add.f32.msk $0xffff, v14  }
0x366: {  	[tilespmem:s4+$0x3600] =	vst.add.f32.msk $0xffff, v15  }
0x367: {  	s13 =	sadd.s32 s3, s13;
	s21 =	simm.s32 $0x0;
	s15 =	simm.s32 $0x400;
	[tilespmem:s4+$0x6800] =	vst.add.f32.msk $0xffff, v15  }
.LBB2_15:
0x368: {  	s21 =	sadd.s32 $0x4, s21;
	[tilespmem:s4+$0x3610] =	vst.add.f32.msk $0xffff, v0;
	s4 =	sshra.s32 s15, $0x2  }
0x369: {  	v0 =	vld [tilespmem:s4+$0x410];
	p0 =	slt.u32 s21, $0xC4  }
0x36a: {  	v1 =	vld [tilespmem:s4+$0x320]  }
0x36b: {  	v2 =	vld [tilespmem:s4+$0x330]  }
0x36c: {  	v3 =	vld [tilespmem:s4+$0x340]  }
0x36d: {  	v4 =	vld [tilespmem:s4+$0x350]  }
0x36e: {  	[tilespmem:s4+$0x6810] =	vst.add.f32.msk $0xffff, v0  }
0x36f: {  	v5 =	vld [tilespmem:s4+$0x360]  }
0x370: {  	v6 =	vld [tilespmem:s4+$0x370]  }
0x371: {  	v7 =	vld [tilespmem:s4+$0x380]  }
0x372: {  	v8 =	vld [tilespmem:s4+$0x390]  }
0x373: {  	v9 =	vld [tilespmem:s4+$0x3A0]  }
0x374: {  	v10 =	vld [tilespmem:s4+$0x3B0]  }
0x375: {  	v11 =	vld [tilespmem:s4+$0x3C0]  }
0x376: {  	v12 =	vld [tilespmem:s4+$0x3D0]  }
0x377: {  	v13 =	vld [tilespmem:s4+$0x3E0]  }
0x378: {  	v14 =	vld [tilespmem:s4+$0x3F0]  }
0x379: {  	v15 =	vld [tilespmem:s4+$0x400]  }
0x37a: {  	[tilespmem:s4+$0x3520] =	vst.add.f32.msk $0xffff, v1  }
0x37b: {  	[tilespmem:s4+$0x6720] =	vst.add.f32.msk $0xffff, v1  }
0x37c: {  	[tilespmem:s4+$0x3530] =	vst.add.f32.msk $0xffff, v2  }
0x37d: {  	[tilespmem:s4+$0x6730] =	vst.add.f32.msk $0xffff, v2  }
0x37e: {  	[tilespmem:s4+$0x3540] =	vst.add.f32.msk $0xffff, v3  }
0x37f: {  	[tilespmem:s4+$0x6740] =	vst.add.f32.msk $0xffff, v3  }
0x380: {  	[tilespmem:s4+$0x3550] =	vst.add.f32.msk $0xffff, v4  }
0x381: {  	[tilespmem:s4+$0x6750] =	vst.add.f32.msk $0xffff, v4  }
0x382: {  	[tilespmem:s4+$0x3560] =	vst.add.f32.msk $0xffff, v5  }
0x383: {  	[tilespmem:s4+$0x6760] =	vst.add.f32.msk $0xffff, v5  }
0x384: {  	[tilespmem:s4+$0x3570] =	vst.add.f32.msk $0xffff, v6  }
0x385: {  	[tilespmem:s4+$0x6770] =	vst.add.f32.msk $0xffff, v6  }
0x386: {  	[tilespmem:s4+$0x3580] =	vst.add.f32.msk $0xffff, v7  }
0x387: {  	[tilespmem:s4+$0x6780] =	vst.add.f32.msk $0xffff, v7  }
0x388: {  	[tilespmem:s4+$0x3590] =	vst.add.f32.msk $0xffff, v8  }
0x389: {  	[tilespmem:s4+$0x6790] =	vst.add.f32.msk $0xffff, v8  }
0x38a: {  	[tilespmem:s4+$0x35A0] =	vst.add.f32.msk $0xffff, v9  }
0x38b: {  	[tilespmem:s4+$0x67A0] =	vst.add.f32.msk $0xffff, v9  }
0x38c: {  	[tilespmem:s4+$0x35B0] =	vst.add.f32.msk $0xffff, v10  }
0x38d: {  	[tilespmem:s4+$0x67B0] =	vst.add.f32.msk $0xffff, v10  }
0x38e: {  	[tilespmem:s4+$0x35C0] =	vst.add.f32.msk $0xffff, v11  }
0x38f: {  	[tilespmem:s4+$0x67C0] =	vst.add.f32.msk $0xffff, v11  }
0x390: {  	[tilespmem:s4+$0x35D0] =	vst.add.f32.msk $0xffff, v12  }
0x391: {  	[tilespmem:s4+$0x67D0] =	vst.add.f32.msk $0xffff, v12  }
0x392: {  	[tilespmem:s4+$0x35E0] =	vst.add.f32.msk $0xffff, v13  }
.Ltmp6:
0x393: {  	[tilespmem:s4+$0x67E0] =	vst.add.f32.msk $0xffff, v13;
	(pc) =	sbr.rel @p0 .LBB2_15-.Ltmp6, $4  }
0x394: {  	[tilespmem:s4+$0x35F0] =	vst.add.f32.msk $0xffff, v14  }
0x395: {  	[tilespmem:s4+$0x67F0] =	vst.add.f32.msk $0xffff, v14  }
0x396: {  	[tilespmem:s4+$0x3600] =	vst.add.f32.msk $0xffff, v15  }
0x397: {  	s15 =	sadd.s32 $0x400, s15;
	[tilespmem:s4+$0x6800] =	vst.add.f32.msk $0xffff, v15  }
0x398: {  	[tilespmem:s4+$0x3610] =	vst.add.f32.msk $0xffff, v0  }
0x399: {  	[hbm4b:s13+s11] =	stream.strided.scatter [tilespmem:s25], [sflag:$0x3], $0x6400, s24, s11, $0x38;
	[tilespmem:$0x16120] =	vst v63  }
0x39a: {  	_ =	swait.ge [sflag:s22], $0x2000  }
0x39b: {  	[sflag:s22] =	ssyncset.done $0x0  }
0x39c: {  	[sflag:s22] =	ssyncadd.s32 $0xFFFFE000  }
0x39d: {  	_ =	swait.ge [sflag:s22], $0x1200  }
0x39e: {  	[sflag:s22] =	ssyncset.done $0x0  }
0x39f: {  	[sflag:s22] =	ssyncadd.s32 $0xFFFFEE00  }
0x3a0: {  	_ =	swait.ge [sflag:s22], $0x2000  }
0x3a1: {  	[sflag:s22] =	ssyncset.done $0x0  }
0x3a2: {  	[sflag:s22] =	ssyncadd.s32 $0xFFFFE000  }
0x3a3: {  	_ =	swait.ge [sflag:s22], $0x1200  }
0x3a4: {  	[sflag:s22] =	ssyncset.done $0x0  }
0x3a5: {  	[sflag:s22] =	ssyncadd.s32 $0xFFFFEE00  }
0x3a6: {  	_ =	swait.ge [sflag:s16], $0x6400  }
0x3a7: {  	[sflag:s16] =	ssyncset.done $0x0  }
0x3a8: {  	[sflag:s16] =	ssyncadd.s32 $0xFFFF9C00  }
0x3a9: {  	_ =	swait.ge [sflag:s7], $0x190  }
0x3aa: {  	[sflag:s7] =	ssyncset.done $0x0  }
0x3ab: {  	s4 =	simm.s32 $0x0;
	[sflag:s7] =	ssyncadd.s32 $0xFFFFFE70  }
0x3ac: {  	[tilespmem:s9], [sflag:$0x1] =	stream.indirect.gather [hbm4b:s6+s24], $0x40, s4, s24, $0xb8;
	[tilespmem:$0x16120] =	vst v63  }
0x3ad: {  	s21 =	simm.s32 $0x11D20  }
0x3ae: {  	[tilespmem:s21], [sflag:$0x1] =	stream.indirect.gather [hbm4b:s6+s26], $0x40, s24, s26, $0xb8;
	[tilespmem:$0x16120] =	vst v63  }
0x3af: {  	s21 =	rddreg [dreg:$0xe]  }
0x3b0: {  	s23 =	simm.s32 $0x12F20;
	s13 =	sadd.s32 s19, s21  }
0x3b1: {  	[tilespmem:s23], [sflag:$0x1] =	stream.indirect.gather [hbm4b:s6+s24], $0x40, s29, s24, $0xb8;
	[tilespmem:$0x16120] =	vst v63  }
0x3b2: {  	s15 =	simm.s32 $0x14F20;
	s13 =	sshrl.u32 s13, $0x3  }
0x3b3: {  	[tilespmem:s15], [sflag:$0x1] =	stream.indirect.gather [hbm4b:s6+s26], $0x40, s31, s26, $0xb8;
	[tilespmem:$0x16120] =	vst v63  }
0x3b4: {  	s13 =	sadd.s32 s2, s13  }
0x3b5: {  	[tilespmem:s1], [sflag:$0x2] =	stream.linear.gather [hbm4b:s13+s4], $0x190, $0x38;
	[tilespmem:$0x16120] =	vst v63  }
0x3b6: {  	s4 =	simm.s32 $0x0  }
0x3b7: {  	v0 =	vld [tilespmem:s4+$0x410]  }
0x3b8: {  	v1 =	vld [tilespmem:s4+$0x320]  }
0x3b9: {  	v2 =	vld [tilespmem:s4+$0x330]  }
0x3ba: {  	v3 =	vld [tilespmem:s4+$0x340]  }
0x3bb: {  	v4 =	vld [tilespmem:s4+$0x350]  }
0x3bc: {  	v5 =	vld [tilespmem:s4+$0x360]  }
0x3bd: {  	v6 =	vld [tilespmem:s4+$0x370]  }
0x3be: {  	v7 =	vld [tilespmem:s4+$0x380]  }
0x3bf: {  	v8 =	vld [tilespmem:s4+$0x390]  }
0x3c0: {  	v9 =	vld [tilespmem:s4+$0x3A0]  }
0x3c1: {  	v10 =	vld [tilespmem:s4+$0x3B0]  }
0x3c2: {  	v11 =	vld [tilespmem:s4+$0x3C0]  }
0x3c3: {  	v12 =	vld [tilespmem:s4+$0x3D0]  }
0x3c4: {  	v13 =	vld [tilespmem:s4+$0x3E0]  }
0x3c5: {  	v14 =	vld [tilespmem:s4+$0x3F0]  }
0x3c6: {  	v15 =	vld [tilespmem:s4+$0x400]  }
0x3c7: {  	[tilespmem:s4+$0xCC10] =	vst.add.f32.msk $0xffff, v0  }
0x3c8: {  	[tilespmem:s4+$0x9920] =	vst.add.f32.msk $0xffff, v1  }
0x3c9: {  	[tilespmem:s4+$0xCB20] =	vst.add.f32.msk $0xffff, v1  }
0x3ca: {  	[tilespmem:s4+$0x9930] =	vst.add.f32.msk $0xffff, v2  }
0x3cb: {  	[tilespmem:s4+$0xCB30] =	vst.add.f32.msk $0xffff, v2  }
0x3cc: {  	[tilespmem:s4+$0x9940] =	vst.add.f32.msk $0xffff, v3  }
0x3cd: {  	[tilespmem:s4+$0xCB40] =	vst.add.f32.msk $0xffff, v3  }
0x3ce: {  	[tilespmem:s4+$0x9950] =	vst.add.f32.msk $0xffff, v4  }
0x3cf: {  	[tilespmem:s4+$0xCB50] =	vst.add.f32.msk $0xffff, v4  }
0x3d0: {  	[tilespmem:s4+$0x9960] =	vst.add.f32.msk $0xffff, v5  }
0x3d1: {  	[tilespmem:s4+$0xCB60] =	vst.add.f32.msk $0xffff, v5  }
0x3d2: {  	[tilespmem:s4+$0x9970] =	vst.add.f32.msk $0xffff, v6  }
0x3d3: {  	[tilespmem:s4+$0xCB70] =	vst.add.f32.msk $0xffff, v6  }
0x3d4: {  	[tilespmem:s4+$0x9980] =	vst.add.f32.msk $0xffff, v7  }
0x3d5: {  	[tilespmem:s4+$0xCB80] =	vst.add.f32.msk $0xffff, v7  }
0x3d6: {  	[tilespmem:s4+$0x9990] =	vst.add.f32.msk $0xffff, v8  }
0x3d7: {  	[tilespmem:s4+$0xCB90] =	vst.add.f32.msk $0xffff, v8  }
0x3d8: {  	[tilespmem:s4+$0x99A0] =	vst.add.f32.msk $0xffff, v9  }
0x3d9: {  	[tilespmem:s4+$0xCBA0] =	vst.add.f32.msk $0xffff, v9  }
0x3da: {  	[tilespmem:s4+$0x99B0] =	vst.add.f32.msk $0xffff, v10  }
0x3db: {  	[tilespmem:s4+$0xCBB0] =	vst.add.f32.msk $0xffff, v10  }
0x3dc: {  	[tilespmem:s4+$0x99C0] =	vst.add.f32.msk $0xffff, v11  }
0x3dd: {  	[tilespmem:s4+$0xCBC0] =	vst.add.f32.msk $0xffff, v11  }
0x3de: {  	[tilespmem:s4+$0x99D0] =	vst.add.f32.msk $0xffff, v12  }
0x3df: {  	[tilespmem:s4+$0xCBD0] =	vst.add.f32.msk $0xffff, v12  }
0x3e0: {  	[tilespmem:s4+$0x99E0] =	vst.add.f32.msk $0xffff, v13  }
0x3e1: {  	s23 =	sshll.u32 s18, $0x1;
	[tilespmem:s4+$0xCBE0] =	vst.add.f32.msk $0xffff, v13  }
0x3e2: {  	s13 =	sadd.s32 s8, s23;
	[tilespmem:s4+$0x99F0] =	vst.add.f32.msk $0xffff, v14  }
0x3e3: {  	s13 =	smul.u32 $0xC80, s13;
	[tilespmem:s4+$0xCBF0] =	vst.add.f32.msk $0xffff, v14  }
0x3e4: {  	[tilespmem:s4+$0x9A00] =	vst.add.f32.msk $0xffff, v15  }
0x3e5: {  	s18 =	simm.s32 $0x0;
	s15 =	simm.s32 $0x400;
	s13 =	sadd.s32 s3, s13;
	[tilespmem:s4+$0xCC00] =	vst.add.f32.msk $0xffff, v15  }
.LBB2_17:
0x3e6: {  	s18 =	sadd.s32 $0x4, s18;
	[tilespmem:s4+$0x9A10] =	vst.add.f32.msk $0xffff, v0;
	s4 =	sshra.s32 s15, $0x2  }
0x3e7: {  	v0 =	vld [tilespmem:s4+$0x410];
	p0 =	slt.u32 s18, $0xC4  }
0x3e8: {  	v1 =	vld [tilespmem:s4+$0x320]  }
0x3e9: {  	v2 =	vld [tilespmem:s4+$0x330]  }
0x3ea: {  	v3 =	vld [tilespmem:s4+$0x340]  }
0x3eb: {  	v4 =	vld [tilespmem:s4+$0x350]  }
0x3ec: {  	[tilespmem:s4+$0xCC10] =	vst.add.f32.msk $0xffff, v0  }
0x3ed: {  	v5 =	vld [tilespmem:s4+$0x360]  }
0x3ee: {  	v6 =	vld [tilespmem:s4+$0x370]  }
0x3ef: {  	v7 =	vld [tilespmem:s4+$0x380]  }
0x3f0: {  	v8 =	vld [tilespmem:s4+$0x390]  }
0x3f1: {  	v9 =	vld [tilespmem:s4+$0x3A0]  }
0x3f2: {  	v10 =	vld [tilespmem:s4+$0x3B0]  }
0x3f3: {  	v11 =	vld [tilespmem:s4+$0x3C0]  }
0x3f4: {  	v12 =	vld [tilespmem:s4+$0x3D0]  }
0x3f5: {  	v13 =	vld [tilespmem:s4+$0x3E0]  }
0x3f6: {  	v14 =	vld [tilespmem:s4+$0x3F0]  }
0x3f7: {  	v15 =	vld [tilespmem:s4+$0x400]  }
0x3f8: {  	[tilespmem:s4+$0x9920] =	vst.add.f32.msk $0xffff, v1  }
0x3f9: {  	[tilespmem:s4+$0xCB20] =	vst.add.f32.msk $0xffff, v1  }
0x3fa: {  	[tilespmem:s4+$0x9930] =	vst.add.f32.msk $0xffff, v2  }
0x3fb: {  	[tilespmem:s4+$0xCB30] =	vst.add.f32.msk $0xffff, v2  }
0x3fc: {  	[tilespmem:s4+$0x9940] =	vst.add.f32.msk $0xffff, v3  }
0x3fd: {  	[tilespmem:s4+$0xCB40] =	vst.add.f32.msk $0xffff, v3  }
0x3fe: {  	[tilespmem:s4+$0x9950] =	vst.add.f32.msk $0xffff, v4  }
0x3ff: {  	[tilespmem:s4+$0xCB50] =	vst.add.f32.msk $0xffff, v4  }
0x400: {  	[tilespmem:s4+$0x9960] =	vst.add.f32.msk $0xffff, v5  }
0x401: {  	[tilespmem:s4+$0xCB60] =	vst.add.f32.msk $0xffff, v5  }
0x402: {  	[tilespmem:s4+$0x9970] =	vst.add.f32.msk $0xffff, v6  }
0x403: {  	[tilespmem:s4+$0xCB70] =	vst.add.f32.msk $0xffff, v6  }
0x404: {  	[tilespmem:s4+$0x9980] =	vst.add.f32.msk $0xffff, v7  }
0x405: {  	[tilespmem:s4+$0xCB80] =	vst.add.f32.msk $0xffff, v7  }
0x406: {  	[tilespmem:s4+$0x9990] =	vst.add.f32.msk $0xffff, v8  }
0x407: {  	[tilespmem:s4+$0xCB90] =	vst.add.f32.msk $0xffff, v8  }
0x408: {  	[tilespmem:s4+$0x99A0] =	vst.add.f32.msk $0xffff, v9  }
0x409: {  	[tilespmem:s4+$0xCBA0] =	vst.add.f32.msk $0xffff, v9  }
0x40a: {  	[tilespmem:s4+$0x99B0] =	vst.add.f32.msk $0xffff, v10  }
0x40b: {  	[tilespmem:s4+$0xCBB0] =	vst.add.f32.msk $0xffff, v10  }
0x40c: {  	[tilespmem:s4+$0x99C0] =	vst.add.f32.msk $0xffff, v11  }
0x40d: {  	[tilespmem:s4+$0xCBC0] =	vst.add.f32.msk $0xffff, v11  }
0x40e: {  	[tilespmem:s4+$0x99D0] =	vst.add.f32.msk $0xffff, v12  }
0x40f: {  	[tilespmem:s4+$0xCBD0] =	vst.add.f32.msk $0xffff, v12  }
0x410: {  	[tilespmem:s4+$0x99E0] =	vst.add.f32.msk $0xffff, v13  }
.Ltmp7:
0x411: {  	[tilespmem:s4+$0xCBE0] =	vst.add.f32.msk $0xffff, v13;
	(pc) =	sbr.rel @p0 .LBB2_17-.Ltmp7, $4  }
0x412: {  	[tilespmem:s4+$0x99F0] =	vst.add.f32.msk $0xffff, v14  }
0x413: {  	[tilespmem:s4+$0xCBF0] =	vst.add.f32.msk $0xffff, v14  }
0x414: {  	[tilespmem:s4+$0x9A00] =	vst.add.f32.msk $0xffff, v15  }
0x415: {  	s15 =	sadd.s32 $0x400, s15;
	[tilespmem:s4+$0xCC00] =	vst.add.f32.msk $0xffff, v15  }
0x416: {  	s17 =	sadd.s32 $0x1, s17  }
0x417: {  	p0 =	sne.s32 s17, $0xA  }
.Ltmp8:
0x418: {  	_ = 	snop;
	(pc) =	sbr.rel @p0 .LBB2_6-.Ltmp8, $3  }
0x419: {  	_ =	sdelay $0x1  }
0x41a: {  	[tilespmem:s4+$0x9A10] =	vst.add.f32.msk $0xffff, v0  }
0x41b: {  	[hbm4b:s13+s11] =	stream.strided.scatter [tilespmem:s10], [sflag:$0x3], $0x6400, s24, s11, $0x38;
	[tilespmem:$0x16120] =	vst v63  }
0x41c: {  	_ =	swait.ge [sflag:s22], $0x2000  }
0x41d: {  	[sflag:s22] =	ssyncset.done $0x0  }
0x41e: {  	[sflag:s22] =	ssyncadd.s32 $0xFFFFE000  }
0x41f: {  	_ =	swait.ge [sflag:s22], $0x1200  }
0x420: {  	[sflag:s22] =	ssyncset.done $0x0  }
0x421: {  	[sflag:s22] =	ssyncadd.s32 $0xFFFFEE00  }
0x422: {  	_ =	swait.ge [sflag:s22], $0x2000  }
0x423: {  	[sflag:s22] =	ssyncset.done $0x0  }
0x424: {  	[sflag:s22] =	ssyncadd.s32 $0xFFFFE000  }
0x425: {  	_ =	swait.ge [sflag:s22], $0x1200  }
0x426: {  	[sflag:s22] =	ssyncset.done $0x0  }
0x427: {  	[sflag:s22] =	ssyncadd.s32 $0xFFFFEE00  }
0x428: {  	_ =	swait.ge [sflag:s16], $0x6400  }
0x429: {  	[sflag:s16] =	ssyncset.done $0x0  }
0x42a: {  	[sflag:s16] =	ssyncadd.s32 $0xFFFF9C00  }
0x42b: {  	_ =	swait.ge [sflag:s7], $0x190  }
0x42c: {  	[sflag:s7] =	ssyncset.done $0x0  }
0x42d: {  	[sflag:s7] =	ssyncadd.s32 $0xFFFFFE70  }
0x42e: {  	[tilespmem:s25], [sflag:$0x1] =	stream.indirect.gather [hbm4b:s6+s24], $0x40, s1, s24, $0xb8;
	[tilespmem:$0x16120] =	vst v63  }
0x42f: {  	_ = 	snop  }
0x430: {  	[tilespmem:s28], [sflag:$0x1] =	stream.indirect.gather [hbm4b:s6+s26], $0x40, s12, s26, $0xb8;
	[tilespmem:$0x16120] =	vst v63  }
0x431: {  	_ = 	snop  }
0x432: {  	[tilespmem:s30], [sflag:$0x1] =	stream.indirect.gather [hbm4b:s6+s24], $0x40, s14, s24, $0xb8;
	[tilespmem:$0x16120] =	vst v63  }
0x433: {  	s4 =	simm.s32 $0x0  }
0x434: {  	[tilespmem:s0], [sflag:$0x1] =	stream.indirect.gather [hbm4b:s6+s26], $0x40, s20, s26, $0xb8;
	[tilespmem:$0x16120] =	vst v63  }
0x435: {  	v0 =	vld [tilespmem:s4+$0x410]  }
0x436: {  	v1 =	vld [tilespmem:s4+$0x320]  }
0x437: {  	v2 =	vld [tilespmem:s4+$0x330]  }
0x438: {  	v3 =	vld [tilespmem:s4+$0x340]  }
0x439: {  	v4 =	vld [tilespmem:s4+$0x350]  }
0x43a: {  	v5 =	vld [tilespmem:s4+$0x360]  }
0x43b: {  	v6 =	vld [tilespmem:s4+$0x370]  }
0x43c: {  	v7 =	vld [tilespmem:s4+$0x380]  }
0x43d: {  	v8 =	vld [tilespmem:s4+$0x390]  }
0x43e: {  	v9 =	vld [tilespmem:s4+$0x3A0]  }
0x43f: {  	v10 =	vld [tilespmem:s4+$0x3B0]  }
0x440: {  	v11 =	vld [tilespmem:s4+$0x3C0]  }
0x441: {  	v12 =	vld [tilespmem:s4+$0x3D0]  }
0x442: {  	v13 =	vld [tilespmem:s4+$0x3E0]  }
0x443: {  	v14 =	vld [tilespmem:s4+$0x3F0]  }
0x444: {  	v15 =	vld [tilespmem:s4+$0x400]  }
0x445: {  	[tilespmem:s4+$0x13010] =	vst.add.f32.msk $0xffff, v0  }
0x446: {  	[tilespmem:s4+$0xFD20] =	vst.add.f32.msk $0xffff, v1  }
0x447: {  	[tilespmem:s4+$0x12F20] =	vst.add.f32.msk $0xffff, v1  }
0x448: {  	[tilespmem:s4+$0xFD30] =	vst.add.f32.msk $0xffff, v2  }
0x449: {  	[tilespmem:s4+$0x12F30] =	vst.add.f32.msk $0xffff, v2  }
0x44a: {  	[tilespmem:s4+$0xFD40] =	vst.add.f32.msk $0xffff, v3  }
0x44b: {  	[tilespmem:s4+$0x12F40] =	vst.add.f32.msk $0xffff, v3  }
0x44c: {  	[tilespmem:s4+$0xFD50] =	vst.add.f32.msk $0xffff, v4  }
0x44d: {  	[tilespmem:s4+$0x12F50] =	vst.add.f32.msk $0xffff, v4  }
0x44e: {  	[tilespmem:s4+$0xFD60] =	vst.add.f32.msk $0xffff, v5  }
0x44f: {  	[tilespmem:s4+$0x12F60] =	vst.add.f32.msk $0xffff, v5  }
0x450: {  	[tilespmem:s4+$0xFD70] =	vst.add.f32.msk $0xffff, v6  }
0x451: {  	[tilespmem:s4+$0x12F70] =	vst.add.f32.msk $0xffff, v6  }
0x452: {  	[tilespmem:s4+$0xFD80] =	vst.add.f32.msk $0xffff, v7  }
0x453: {  	[tilespmem:s4+$0x12F80] =	vst.add.f32.msk $0xffff, v7  }
0x454: {  	[tilespmem:s4+$0xFD90] =	vst.add.f32.msk $0xffff, v8  }
0x455: {  	[tilespmem:s4+$0x12F90] =	vst.add.f32.msk $0xffff, v8  }
0x456: {  	[tilespmem:s4+$0xFDA0] =	vst.add.f32.msk $0xffff, v9  }
0x457: {  	[tilespmem:s4+$0x12FA0] =	vst.add.f32.msk $0xffff, v9  }
0x458: {  	[tilespmem:s4+$0xFDB0] =	vst.add.f32.msk $0xffff, v10  }
0x459: {  	[tilespmem:s4+$0x12FB0] =	vst.add.f32.msk $0xffff, v10  }
0x45a: {  	[tilespmem:s4+$0xFDC0] =	vst.add.f32.msk $0xffff, v11  }
0x45b: {  	[tilespmem:s4+$0x12FC0] =	vst.add.f32.msk $0xffff, v11  }
0x45c: {  	[tilespmem:s4+$0xFDD0] =	vst.add.f32.msk $0xffff, v12  }
0x45d: {  	[tilespmem:s4+$0x12FD0] =	vst.add.f32.msk $0xffff, v12  }
0x45e: {  	[tilespmem:s4+$0xFDE0] =	vst.add.f32.msk $0xffff, v13  }
0x45f: {  	[tilespmem:s4+$0x12FE0] =	vst.add.f32.msk $0xffff, v13  }
0x460: {  	[tilespmem:s4+$0xFDF0] =	vst.add.f32.msk $0xffff, v14  }
0x461: {  	[tilespmem:s4+$0x12FF0] =	vst.add.f32.msk $0xffff, v14  }
0x462: {  	[tilespmem:s4+$0xFE00] =	vst.add.f32.msk $0xffff, v15  }
0x463: {  	s13 =	simm.s32 $0x0;
	s15 =	simm.s32 $0x400;
	[tilespmem:s4+$0x13000] =	vst.add.f32.msk $0xffff, v15  }
.LBB2_20:
0x464: {  	s13 =	sadd.s32 $0x4, s13;
	[tilespmem:s4+$0xFE10] =	vst.add.f32.msk $0xffff, v0;
	s4 =	sshra.s32 s15, $0x2  }
0x465: {  	v0 =	vld [tilespmem:s4+$0x410];
	p0 =	slt.u32 s13, $0xC4  }
0x466: {  	v1 =	vld [tilespmem:s4+$0x320]  }
0x467: {  	v2 =	vld [tilespmem:s4+$0x330]  }
0x468: {  	v3 =	vld [tilespmem:s4+$0x340]  }
0x469: {  	v4 =	vld [tilespmem:s4+$0x350]  }
0x46a: {  	[tilespmem:s4+$0x13010] =	vst.add.f32.msk $0xffff, v0  }
0x46b: {  	v5 =	vld [tilespmem:s4+$0x360]  }
0x46c: {  	v6 =	vld [tilespmem:s4+$0x370]  }
0x46d: {  	v7 =	vld [tilespmem:s4+$0x380]  }
0x46e: {  	v8 =	vld [tilespmem:s4+$0x390]  }
0x46f: {  	v9 =	vld [tilespmem:s4+$0x3A0]  }
0x470: {  	v10 =	vld [tilespmem:s4+$0x3B0]  }
0x471: {  	v11 =	vld [tilespmem:s4+$0x3C0]  }
0x472: {  	v12 =	vld [tilespmem:s4+$0x3D0]  }
0x473: {  	v13 =	vld [tilespmem:s4+$0x3E0]  }
0x474: {  	v14 =	vld [tilespmem:s4+$0x3F0]  }
0x475: {  	v15 =	vld [tilespmem:s4+$0x400]  }
0x476: {  	[tilespmem:s4+$0xFD20] =	vst.add.f32.msk $0xffff, v1  }
0x477: {  	[tilespmem:s4+$0x12F20] =	vst.add.f32.msk $0xffff, v1  }
0x478: {  	[tilespmem:s4+$0xFD30] =	vst.add.f32.msk $0xffff, v2  }
0x479: {  	[tilespmem:s4+$0x12F30] =	vst.add.f32.msk $0xffff, v2  }
0x47a: {  	[tilespmem:s4+$0xFD40] =	vst.add.f32.msk $0xffff, v3  }
0x47b: {  	[tilespmem:s4+$0x12F40] =	vst.add.f32.msk $0xffff, v3  }
0x47c: {  	[tilespmem:s4+$0xFD50] =	vst.add.f32.msk $0xffff, v4  }
0x47d: {  	[tilespmem:s4+$0x12F50] =	vst.add.f32.msk $0xffff, v4  }
0x47e: {  	[tilespmem:s4+$0xFD60] =	vst.add.f32.msk $0xffff, v5  }
0x47f: {  	[tilespmem:s4+$0x12F60] =	vst.add.f32.msk $0xffff, v5  }
0x480: {  	[tilespmem:s4+$0xFD70] =	vst.add.f32.msk $0xffff, v6  }
0x481: {  	[tilespmem:s4+$0x12F70] =	vst.add.f32.msk $0xffff, v6  }
0x482: {  	[tilespmem:s4+$0xFD80] =	vst.add.f32.msk $0xffff, v7  }
0x483: {  	[tilespmem:s4+$0x12F80] =	vst.add.f32.msk $0xffff, v7  }
0x484: {  	[tilespmem:s4+$0xFD90] =	vst.add.f32.msk $0xffff, v8  }
0x485: {  	[tilespmem:s4+$0x12F90] =	vst.add.f32.msk $0xffff, v8  }
0x486: {  	[tilespmem:s4+$0xFDA0] =	vst.add.f32.msk $0xffff, v9  }
0x487: {  	[tilespmem:s4+$0x12FA0] =	vst.add.f32.msk $0xffff, v9  }
0x488: {  	[tilespmem:s4+$0xFDB0] =	vst.add.f32.msk $0xffff, v10  }
0x489: {  	[tilespmem:s4+$0x12FB0] =	vst.add.f32.msk $0xffff, v10  }
0x48a: {  	[tilespmem:s4+$0xFDC0] =	vst.add.f32.msk $0xffff, v11  }
0x48b: {  	[tilespmem:s4+$0x12FC0] =	vst.add.f32.msk $0xffff, v11  }
0x48c: {  	[tilespmem:s4+$0xFDD0] =	vst.add.f32.msk $0xffff, v12  }
0x48d: {  	[tilespmem:s4+$0x12FD0] =	vst.add.f32.msk $0xffff, v12  }
0x48e: {  	[tilespmem:s4+$0xFDE0] =	vst.add.f32.msk $0xffff, v13  }
.Ltmp9:
0x48f: {  	[tilespmem:s4+$0x12FE0] =	vst.add.f32.msk $0xffff, v13;
	(pc) =	sbr.rel @p0 .LBB2_20-.Ltmp9, $4  }
0x490: {  	[tilespmem:s4+$0xFDF0] =	vst.add.f32.msk $0xffff, v14  }
0x491: {  	[tilespmem:s4+$0x12FF0] =	vst.add.f32.msk $0xffff, v14  }
0x492: {  	[tilespmem:s4+$0xFE00] =	vst.add.f32.msk $0xffff, v15  }
0x493: {  	s15 =	sadd.s32 $0x400, s15;
	[tilespmem:s4+$0x13000] =	vst.add.f32.msk $0xffff, v15  }
0x494: {  	[tilespmem:s4+$0xFE10] =	vst.add.f32.msk $0xffff, v0  }
0x495: {  	s4 =	rddreg [dreg:$0xf]  }
0x496: {  	[hbm4b:s4+s11] =	stream.strided.scatter [tilespmem:s9], [sflag:$0x3], $0x6400, s24, s11, $0x38;
	[tilespmem:$0x16120] =	vst v63  }
0x497: {  	_ =	swait.ge [sflag:s22], $0x2000  }
0x498: {  	[sflag:s22] =	ssyncset.done $0x0  }
0x499: {  	[sflag:s22] =	ssyncadd.s32 $0xFFFFE000  }
0x49a: {  	_ =	swait.ge [sflag:s22], $0x1200  }
0x49b: {  	[sflag:s22] =	ssyncset.done $0x0  }
0x49c: {  	[sflag:s22] =	ssyncadd.s32 $0xFFFFEE00  }
0x49d: {  	_ =	swait.ge [sflag:s22], $0x2000  }
0x49e: {  	[sflag:s22] =	ssyncset.done $0x0  }
0x49f: {  	[sflag:s22] =	ssyncadd.s32 $0xFFFFE000  }
0x4a0: {  	_ =	swait.ge [sflag:s22], $0x1200  }
0x4a1: {  	[sflag:s22] =	ssyncset.done $0x0  }
0x4a2: {  	[sflag:s22] =	ssyncadd.s32 $0xFFFFEE00  }
0x4a3: {  	_ =	swait.ge [sflag:s16], $0x6400  }
0x4a4: {  	[sflag:s16] =	ssyncset.done $0x0  }
0x4a5: {  	s4 =	simm.s32 $0x0;
	[sflag:s16] =	ssyncadd.s32 $0xFFFF9C00  }
0x4a6: {  	v0 =	vld [tilespmem:s4+$0x410]  }
0x4a7: {  	v1 =	vld [tilespmem:s4+$0x320]  }
0x4a8: {  	v2 =	vld [tilespmem:s4+$0x330]  }
0x4a9: {  	v3 =	vld [tilespmem:s4+$0x340]  }
0x4aa: {  	v4 =	vld [tilespmem:s4+$0x350]  }
0x4ab: {  	v5 =	vld [tilespmem:s4+$0x360]  }
0x4ac: {  	v6 =	vld [tilespmem:s4+$0x370]  }
0x4ad: {  	v7 =	vld [tilespmem:s4+$0x380]  }
0x4ae: {  	v8 =	vld [tilespmem:s4+$0x390]  }
0x4af: {  	v9 =	vld [tilespmem:s4+$0x3A0]  }
0x4b0: {  	v10 =	vld [tilespmem:s4+$0x3B0]  }
0x4b1: {  	v11 =	vld [tilespmem:s4+$0x3C0]  }
0x4b2: {  	v12 =	vld [tilespmem:s4+$0x3D0]  }
0x4b3: {  	v13 =	vld [tilespmem:s4+$0x3E0]  }
0x4b4: {  	v14 =	vld [tilespmem:s4+$0x3F0]  }
0x4b5: {  	v15 =	vld [tilespmem:s4+$0x400]  }
0x4b6: {  	[tilespmem:s4+$0x6810] =	vst.add.f32.msk $0xffff, v0  }
0x4b7: {  	[tilespmem:s4+$0x3520] =	vst.add.f32.msk $0xffff, v1  }
0x4b8: {  	[tilespmem:s4+$0x6720] =	vst.add.f32.msk $0xffff, v1  }
0x4b9: {  	[tilespmem:s4+$0x3530] =	vst.add.f32.msk $0xffff, v2  }
0x4ba: {  	[tilespmem:s4+$0x6730] =	vst.add.f32.msk $0xffff, v2  }
0x4bb: {  	[tilespmem:s4+$0x3540] =	vst.add.f32.msk $0xffff, v3  }
0x4bc: {  	[tilespmem:s4+$0x6740] =	vst.add.f32.msk $0xffff, v3  }
0x4bd: {  	[tilespmem:s4+$0x3550] =	vst.add.f32.msk $0xffff, v4  }
0x4be: {  	[tilespmem:s4+$0x6750] =	vst.add.f32.msk $0xffff, v4  }
0x4bf: {  	[tilespmem:s4+$0x3560] =	vst.add.f32.msk $0xffff, v5  }
0x4c0: {  	[tilespmem:s4+$0x6760] =	vst.add.f32.msk $0xffff, v5  }
0x4c1: {  	[tilespmem:s4+$0x3570] =	vst.add.f32.msk $0xffff, v6  }
0x4c2: {  	[tilespmem:s4+$0x6770] =	vst.add.f32.msk $0xffff, v6  }
0x4c3: {  	[tilespmem:s4+$0x3580] =	vst.add.f32.msk $0xffff, v7  }
0x4c4: {  	[tilespmem:s4+$0x6780] =	vst.add.f32.msk $0xffff, v7  }
0x4c5: {  	[tilespmem:s4+$0x3590] =	vst.add.f32.msk $0xffff, v8  }
0x4c6: {  	[tilespmem:s4+$0x6790] =	vst.add.f32.msk $0xffff, v8  }
0x4c7: {  	[tilespmem:s4+$0x35A0] =	vst.add.f32.msk $0xffff, v9  }
0x4c8: {  	[tilespmem:s4+$0x67A0] =	vst.add.f32.msk $0xffff, v9  }
0x4c9: {  	[tilespmem:s4+$0x35B0] =	vst.add.f32.msk $0xffff, v10  }
0x4ca: {  	[tilespmem:s4+$0x67B0] =	vst.add.f32.msk $0xffff, v10  }
0x4cb: {  	[tilespmem:s4+$0x35C0] =	vst.add.f32.msk $0xffff, v11  }
0x4cc: {  	[tilespmem:s4+$0x67C0] =	vst.add.f32.msk $0xffff, v11  }
0x4cd: {  	[tilespmem:s4+$0x35D0] =	vst.add.f32.msk $0xffff, v12  }
0x4ce: {  	[tilespmem:s4+$0x67D0] =	vst.add.f32.msk $0xffff, v12  }
0x4cf: {  	[tilespmem:s4+$0x35E0] =	vst.add.f32.msk $0xffff, v13  }
0x4d0: {  	[tilespmem:s4+$0x67E0] =	vst.add.f32.msk $0xffff, v13  }
0x4d1: {  	[tilespmem:s4+$0x35F0] =	vst.add.f32.msk $0xffff, v14  }
0x4d2: {  	[tilespmem:s4+$0x67F0] =	vst.add.f32.msk $0xffff, v14  }
0x4d3: {  	[tilespmem:s4+$0x3600] =	vst.add.f32.msk $0xffff, v15  }
0x4d4: {  	s13 =	simm.s32 $0x0;
	s15 =	simm.s32 $0x400;
	[tilespmem:s4+$0x6800] =	vst.add.f32.msk $0xffff, v15  }
.LBB2_22:
0x4d5: {  	s13 =	sadd.s32 $0x4, s13;
	[tilespmem:s4+$0x3610] =	vst.add.f32.msk $0xffff, v0;
	s4 =	sshra.s32 s15, $0x2  }
0x4d6: {  	v0 =	vld [tilespmem:s4+$0x410];
	p0 =	slt.u32 s13, $0xC4  }
0x4d7: {  	v1 =	vld [tilespmem:s4+$0x320]  }
0x4d8: {  	v2 =	vld [tilespmem:s4+$0x330]  }
0x4d9: {  	v3 =	vld [tilespmem:s4+$0x340]  }
0x4da: {  	v4 =	vld [tilespmem:s4+$0x350]  }
0x4db: {  	[tilespmem:s4+$0x6810] =	vst.add.f32.msk $0xffff, v0  }
0x4dc: {  	v5 =	vld [tilespmem:s4+$0x360]  }
0x4dd: {  	v6 =	vld [tilespmem:s4+$0x370]  }
0x4de: {  	v7 =	vld [tilespmem:s4+$0x380]  }
0x4df: {  	v8 =	vld [tilespmem:s4+$0x390]  }
0x4e0: {  	v9 =	vld [tilespmem:s4+$0x3A0]  }
0x4e1: {  	v10 =	vld [tilespmem:s4+$0x3B0]  }
0x4e2: {  	v11 =	vld [tilespmem:s4+$0x3C0]  }
0x4e3: {  	v12 =	vld [tilespmem:s4+$0x3D0]  }
0x4e4: {  	v13 =	vld [tilespmem:s4+$0x3E0]  }
0x4e5: {  	v14 =	vld [tilespmem:s4+$0x3F0]  }
0x4e6: {  	v15 =	vld [tilespmem:s4+$0x400]  }
0x4e7: {  	[tilespmem:s4+$0x3520] =	vst.add.f32.msk $0xffff, v1  }
0x4e8: {  	[tilespmem:s4+$0x6720] =	vst.add.f32.msk $0xffff, v1  }
0x4e9: {  	[tilespmem:s4+$0x3530] =	vst.add.f32.msk $0xffff, v2  }
0x4ea: {  	[tilespmem:s4+$0x6730] =	vst.add.f32.msk $0xffff, v2  }
0x4eb: {  	[tilespmem:s4+$0x3540] =	vst.add.f32.msk $0xffff, v3  }
0x4ec: {  	[tilespmem:s4+$0x6740] =	vst.add.f32.msk $0xffff, v3  }
0x4ed: {  	[tilespmem:s4+$0x3550] =	vst.add.f32.msk $0xffff, v4  }
0x4ee: {  	[tilespmem:s4+$0x6750] =	vst.add.f32.msk $0xffff, v4  }
0x4ef: {  	[tilespmem:s4+$0x3560] =	vst.add.f32.msk $0xffff, v5  }
0x4f0: {  	[tilespmem:s4+$0x6760] =	vst.add.f32.msk $0xffff, v5  }
0x4f1: {  	[tilespmem:s4+$0x3570] =	vst.add.f32.msk $0xffff, v6  }
0x4f2: {  	[tilespmem:s4+$0x6770] =	vst.add.f32.msk $0xffff, v6  }
0x4f3: {  	[tilespmem:s4+$0x3580] =	vst.add.f32.msk $0xffff, v7  }
0x4f4: {  	[tilespmem:s4+$0x6780] =	vst.add.f32.msk $0xffff, v7  }
0x4f5: {  	[tilespmem:s4+$0x3590] =	vst.add.f32.msk $0xffff, v8  }
0x4f6: {  	[tilespmem:s4+$0x6790] =	vst.add.f32.msk $0xffff, v8  }
0x4f7: {  	[tilespmem:s4+$0x35A0] =	vst.add.f32.msk $0xffff, v9  }
0x4f8: {  	[tilespmem:s4+$0x67A0] =	vst.add.f32.msk $0xffff, v9  }
0x4f9: {  	[tilespmem:s4+$0x35B0] =	vst.add.f32.msk $0xffff, v10  }
0x4fa: {  	[tilespmem:s4+$0x67B0] =	vst.add.f32.msk $0xffff, v10  }
0x4fb: {  	[tilespmem:s4+$0x35C0] =	vst.add.f32.msk $0xffff, v11  }
0x4fc: {  	[tilespmem:s4+$0x67C0] =	vst.add.f32.msk $0xffff, v11  }
0x4fd: {  	[tilespmem:s4+$0x35D0] =	vst.add.f32.msk $0xffff, v12  }
0x4fe: {  	[tilespmem:s4+$0x67D0] =	vst.add.f32.msk $0xffff, v12  }
0x4ff: {  	[tilespmem:s4+$0x35E0] =	vst.add.f32.msk $0xffff, v13  }
.Ltmp10:
0x500: {  	[tilespmem:s4+$0x67E0] =	vst.add.f32.msk $0xffff, v13;
	(pc) =	sbr.rel @p0 .LBB2_22-.Ltmp10, $4  }
0x501: {  	[tilespmem:s4+$0x35F0] =	vst.add.f32.msk $0xffff, v14  }
0x502: {  	[tilespmem:s4+$0x67F0] =	vst.add.f32.msk $0xffff, v14  }
0x503: {  	[tilespmem:s4+$0x3600] =	vst.add.f32.msk $0xffff, v15  }
0x504: {  	s15 =	sadd.s32 $0x400, s15;
	[tilespmem:s4+$0x6800] =	vst.add.f32.msk $0xffff, v15  }
0x505: {  	[tilespmem:s4+$0x3610] =	vst.add.f32.msk $0xffff, v0  }
0x506: {  	s4 =	rddreg [dreg:$0x10]  }
0x507: {  	[hbm4b:s4+s11] =	stream.strided.scatter [tilespmem:s25], [sflag:$0x3], $0x6400, s24, s11, $0x38;
	[tilespmem:$0x16120] =	vst v63  }
0x508: {  	_ =	swait.ge [sflag:s16], $0x6400  }
0x509: {  	[sflag:s16] =	ssyncset.done $0x0  }
0x50a: {  	[sflag:s16] =	ssyncadd.s32 $0xFFFF9C00  }
0x50b: {  	_ =	swait.ge [sflag:s16], $0x6400  }
0x50c: {  	s13 =	rddreg [dreg:$0x12]  }
0x50d: {  	s23 =	rddreg [dreg:$0x11];
	s13 =	sadd.s32 $0x1, s13  }
0x50e: {  	p0 =	sne.s32 s13, s23  }
.Ltmp11:
0x50f: {  	_ = 	snop;
	(pc) =	sbr.rel @p0 .LBB2_1-.Ltmp11, $3  }
0x510: {  	_ =	sdelay $0x1  }
0x511: {  	[sflag:s16] =	ssyncset.done $0x0  }
0x512: {  	[sflag:s16] =	ssyncadd.s32 $0xFFFF9C00  }
0x513: {  	_ =	sfence.sel $0x180000  }
0x514: {  	[bflag:$0x0] =	sbarrier.arrive $0xFFFF  }
0x515: {  	_ =	strace $0x90000047  }
0x516: {  	s0 =	stileid.u32;
	[bflag:$0x2] =	sbarrier.arrive $0xFFFF  }
0x517: {  	p0 =	sne.s32 s0, $0x0;
	s0 =	rddreg [dreg:$0x3]  }
0x518: {  	s0 =	sadd.s32 @!p0 $0x100000, s0  }
0x519: {  	[sflag:s0] =	ssyncadd.tile.s32 @!p0 $0x1;
	_ =	shalt  }
.Lfunc_end2:
_tile_overlayer_lowered:
.L_overlay_start_2:
0x51a: {  	(tag) =	ssettag $0x2  }
0x51b: {  	s0 =	rddreg [dreg:$0x0];
	s2 =	stileid.u32  }
0x51c: {  	s1 =	rddreg [dreg:$0x1];
	p0 =	sne.s32 s2, $0x0  }
0x51d: {  	s3 =	rddreg [dreg:$0x2];
	[bflag:$0x3] =	sbarrier.arrive $0xFFFF;
	s2 =	simm.s32 @!p0 $0x1C04  }
0x51e: {  	[timem:s3], [sflag:s2] =	dma.local @!p0 [hbm:s0], s1  }
0x51f: {  	s0 =	simm.s32 @!p0 $0x4  }
0x520: {  	_ =	swait.ge @!p0 [sflag:s0], s1  }
0x521: {  	s1 =	ssub.s32 @!p0 $0x0, s1;
	[sflag:s0] =	ssyncset.done @!p0 $0x0  }
0x522: {  	[sflag:s0] =	ssyncadd.s32 @!p0 s1  }
0x523: {  	[bflag:$0x3] =	sbarrier.arrive $0xFFFF  }
0x524: {  	_ =	shalt  }

</sc_bundles>
